<compile_context>
chip_gen: v7x
topology: tpu7x:2x2x1
jax: 0.10.2.dev20260603
libtpu: 0.0.44.dev20260713+nightly
codegen_flags: <defaults>
</compile_context>

<pallas_src>
import functools

import jax
import jax.numpy as jnp
from jax import lax
from jax.experimental import pallas as pl
from jax.experimental.pallas import tpu as pltpu
from jax.experimental.pallas import tpu_sc as plsc

NC = 2
NS = 16
LANES = 16
CHUNK = 128
KJ = 4
KI = 32

D = 48
HALF = 24
CPAD = 32


def _ceil_to(a, m):
    return (a + m - 1) // m * m


def _sc_mesh():
    return plsc.VectorSubcoreMesh(
        core_axis_name="c", subcore_axis_name="s",
        num_cores=NC, num_subcores=NS,
    )


def _make_deg_kernel(n_t, n_chunk_rows):
    kid = KI // 2
    rows_per_tile = n_t // NS
    rows_per_cr = n_chunk_rows // (NC * NS)
    n_outer = rows_per_cr // kid
    assert rows_per_cr % kid == 0
    nz_full = rows_per_tile // CHUNK

    @functools.partial(
        pl.kernel,
        out_type=jax.ShapeDtypeStruct((NC * n_t,), jnp.float32),
        mesh=_sc_mesh(),
        scratch_types=[
            pltpu.VMEM((kid, CHUNK), jnp.int32),
            pltpu.VMEM((CHUNK,), jnp.float32),
            pltpu.VMEM((CHUNK,), jnp.float32),
            pltpu.VMEM_SHARED((n_t,), jnp.float32),
        ],
        compiler_params=pltpu.CompilerParams(use_tc_tiling_on_sc=False),
    )
    def deg_kernel(dst_hbm, deg_out, idx_buf, ones_buf, zero_buf, deg_sp):
        c = lax.axis_index("c")
        s = lax.axis_index("s")
        one = jnp.full((LANES,), 1.0, jnp.float32)
        zero = jnp.zeros((LANES,), jnp.float32)
        for i in range(CHUNK // LANES):
            ones_buf[pl.ds(i * LANES, LANES)] = one
            zero_buf[pl.ds(i * LANES, LANES)] = zero
        base = s * rows_per_tile

        def zbody(o, carry):
            pltpu.sync_copy(zero_buf, deg_sp.at[pl.ds(base + o * CHUNK, CHUNK)])
            return carry

        lax.fori_loop(0, nz_full, zbody, 0)
        if rows_per_tile % CHUNK != 0:
            pltpu.sync_copy(
                zero_buf, deg_sp.at[pl.ds(base + rows_per_tile - CHUNK, CHUNK)]
            )
        plsc.subcore_barrier()

        wid = s * NC + c
        crow0 = wid * rows_per_cr

        def obody(o, carry):
            pltpu.sync_copy(dst_hbm.at[pl.ds(crow0 + o * kid, kid)], idx_buf)
            for j in range(kid):
                pltpu.sync_copy(ones_buf, deg_sp.at[idx_buf.at[j]], add=True)
            return carry

        lax.fori_loop(0, n_outer, obody, 0)
        plsc.subcore_barrier()
        pltpu.sync_copy(
            deg_sp.at[pl.ds(base, rows_per_tile)],
            deg_out.at[pl.ds(c * n_t + base, rows_per_tile)],
        )

    return deg_kernel


def _make_scatter_kernel(n_t, n_chunk_rows):
    rows_per_tile = n_t // NS
    rows_per_cr = n_chunk_rows // NS
    n_outer = rows_per_cr // KI
    assert rows_per_cr % KI == 0
    assert KI % KJ == 0
    nz_full = rows_per_tile // CHUNK

    @functools.partial(
        pl.kernel,
        out_type=jax.ShapeDtypeStruct((NC * n_t, CPAD), jnp.float32),
        mesh=_sc_mesh(),
        scratch_types=[
            pltpu.VMEM((KI, CHUNK), jnp.int32),
            pltpu.VMEM((KI, CHUNK), jnp.int32),
            pltpu.VMEM((KJ, CHUNK, CPAD), jnp.float32),
            pltpu.VMEM_SHARED((n_t, CPAD), jnp.float32),
            pltpu.SemaphoreType.DMA,
            pltpu.SemaphoreType.DMA,
        ],
        compiler_params=pltpu.CompilerParams(use_tc_tiling_on_sc=False),
    )
    def scatter_kernel(src2_hbm, dst2_hbm, y2_hbm, acc_out,
                       sidx, didx, rows, acc_sp, sem0, sem1):
        c = lax.axis_index("c")
        s = lax.axis_index("s")

        z = jnp.zeros((LANES,), jnp.float32)

        def zr(r, carry):
            for k in range(CPAD // LANES):
                rows[0, r, pl.ds(k * LANES, LANES)] = z
            return carry

        lax.fori_loop(0, CHUNK, zr, 0)
        base = s * rows_per_tile

        def zbody(o, carry):
            pltpu.sync_copy(rows.at[0], acc_sp.at[pl.ds(base + o * CHUNK, CHUNK)])
            return carry

        lax.fori_loop(0, nz_full, zbody, 0)
        if rows_per_tile % CHUNK != 0:
            pltpu.sync_copy(
                rows.at[0], acc_sp.at[pl.ds(base + rows_per_tile - CHUNK, CHUNK)]
            )
        plsc.subcore_barrier()

        crow0 = s * rows_per_cr

        kjh = KJ // 2

        def obody(o, carry):
            pltpu.sync_copy(src2_hbm.at[c, pl.ds(crow0 + o * KI, KI)], sidx)
            pltpu.sync_copy(dst2_hbm.at[pl.ds(crow0 + o * KI, KI)], didx)
            for t in range(KI // KJ):
                b = t * KJ
                g0 = [
                    pltpu.async_copy(y2_hbm.at[sidx.at[b + j]], rows.at[j], sem0)
                    for j in range(kjh)
                ]
                g1 = [
                    pltpu.async_copy(y2_hbm.at[sidx.at[b + j]], rows.at[j], sem1)
                    for j in range(kjh, KJ)
                ]
                for d in g0:
                    d.wait()
                for j in range(kjh):
                    pltpu.sync_copy(rows.at[j], acc_sp.at[didx.at[b + j]], add=True)
                for d in g1:
                    d.wait()
                for j in range(kjh, KJ):
                    pltpu.sync_copy(rows.at[j], acc_sp.at[didx.at[b + j]], add=True)
            return carry

        lax.fori_loop(0, n_outer, obody, 0)
        plsc.subcore_barrier()
        pltpu.sync_copy(
            acc_sp.at[pl.ds(base, rows_per_tile)],
            acc_out.at[pl.ds(c * n_t + base, rows_per_tile)],
        )

    return scatter_kernel


def _mm_body(x_ref, h_ref, q_ref, deg_ref, wt_ref, y2_ref):
    inp = jnp.concatenate([x_ref[...], h_ref[...], q_ref[...]], axis=1)
    xw = jnp.dot(inp, wt_ref[...], preferred_element_type=jnp.float32)
    deg = deg_ref[:, 0] + deg_ref[:, 1] + 1.0
    dis = lax.rsqrt(deg)
    y = xw * dis[:, None]
    if CPAD > HALF:
        zpad = jnp.zeros((y.shape[0], CPAD - HALF), jnp.float32)
        y2_ref[0] = jnp.concatenate([y[:, :HALF], zpad], axis=1)
        y2_ref[1] = jnp.concatenate([y[:, HALF:], zpad], axis=1)
    else:
        y2_ref[0] = y[:, :HALF]
        y2_ref[1] = y[:, HALF:]


def _fin_body(acc_ref, y2_ref, deg_ref, b_ref, out_ref):
    deg = deg_ref[:, 0] + deg_ref[:, 1] + 1.0
    dis = lax.rsqrt(deg)
    left = acc_ref[0, :, :HALF] + y2_ref[0, :, :HALF]
    right = acc_ref[1, :, :HALF] + y2_ref[1, :, :HALF]
    out_ref[...] = (
        jnp.concatenate([left, right], axis=1) * dis[:, None] + b_ref[0]
    )


def kernel(h, e, x, q, mask, Ws, bs):
    n = h.shape[0]
    n_edges = e.shape[1]
    n_t = _ceil_to(n + 1, NS * CHUNK)
    e_pad = _ceil_to(n_edges, NS * CHUNK * KI)
    n_chunk_rows = e_pad // CHUNK

    src = e[0].astype(jnp.int32)
    dst = e[1].astype(jnp.int32)
    pad = e_pad - n_edges
    padv = n + jnp.arange(pad, dtype=jnp.int32) % (n_t - n)
    srcp = jnp.concatenate([src, padv])
    dstp = jnp.concatenate([dst, padv])
    dst2 = dstp.reshape(n_chunk_rows, CHUNK)
    src2 = jnp.stack(
        [srcp.reshape(n_chunk_rows, CHUNK),
         (srcp + n_t).reshape(n_chunk_rows, CHUNK)]
    )

    rpad = n_t - n
    xp = jnp.pad(x, ((0, rpad), (0, 0)))
    hp = jnp.pad(h, ((0, rpad), (0, 0)))
    qp = jnp.pad(q, ((0, rpad), (0, 0)))
    wt = Ws[-1].T
    b2 = bs[-1].reshape(1, D)

    deg = _make_deg_kernel(n_t, n_chunk_rows)(dst2)
    deg = deg.reshape(NC, n_t).T

    bn = n_t // 16
    grid = n_t // bn
    y2 = pl.pallas_call(
        _mm_body,
        grid=(grid,),
        in_specs=[
            pl.BlockSpec((bn, 16), lambda i: (i, 0)),
            pl.BlockSpec((bn, 16), lambda i: (i, 0)),
            pl.BlockSpec((bn, 16), lambda i: (i, 0)),
            pl.BlockSpec((bn, NC), lambda i: (i, 0)),
            pl.BlockSpec((D, D), lambda i: (0, 0)),
        ],
        out_specs=pl.BlockSpec((NC, bn, CPAD), lambda i: (0, i, 0)),
        out_shape=jax.ShapeDtypeStruct((NC, n_t, CPAD), jnp.float32),
    )(xp, hp, qp, deg, wt)

    acc = _make_scatter_kernel(n_t, n_chunk_rows)(
        src2, dst2, y2.reshape(NC * n_t, CPAD)
    ).reshape(NC, n_t, CPAD)

    out = pl.pallas_call(
        _fin_body,
        grid=(grid,),
        in_specs=[
            pl.BlockSpec((NC, bn, CPAD), lambda i: (0, i, 0)),
            pl.BlockSpec((NC, bn, CPAD), lambda i: (0, i, 0)),
            pl.BlockSpec((bn, NC), lambda i: (i, 0)),
            pl.BlockSpec((1, D), lambda i: (0, 0)),
        ],
        out_specs=pl.BlockSpec((bn, D), lambda i: (i, 0)),
        out_shape=jax.ShapeDtypeStruct((n_t, D), jnp.float32),
    )(acc, y2, deg, b2)

    return out[:n]

# --- scband reference (transcript-rebuilt; emitter-appended) ---
"""Pipeline reference for scband-gnnmodel-39917426049337 (READ-ONLY COPY).

The authoritative reference and input builder live on the scoring server;
editing this copy changes nothing except your own understanding.
"""

import jax, jax.numpy as jnp
import numpy as np

N = 50000
E = 1600000
T = 3
D = 48


def setup_inputs(seed: int = 0):
    key = jax.random.key(seed)
    ks = jax.random.split(key, 7)
    h = jax.random.normal(ks[0], (N, 16), dtype=jnp.float32)
    x = jax.random.normal(ks[1], (N, 16), dtype=jnp.float32)
    q = jax.random.normal(ks[2], (N, 16), dtype=jnp.float32)
    e = jax.random.randint(ks[3], (2, E), 0, N, dtype=jnp.int32)
    mask = jnp.ones((N,), dtype=bool)
    Ws = jax.random.normal(ks[4], (T, D, D), dtype=jnp.float32) * 0.05
    bs = jnp.zeros((T, D), dtype=jnp.float32)
    return {"h": h, "e": e, "x": x, "q": q, "mask": mask, "Ws": Ws, "bs": bs}


def _gcn_forward(h, x, q, Ws, bs, e):
    n = h.shape[0]
    # inp_atom_i = concat([x, h, q], dim=-1) -> [N, 48]
    inp_atom_i = jnp.concatenate([x, h, q], axis=-1)
    ei = e.astype(jnp.int32)
    src0 = ei[0]
    dst0 = ei[1]
    # GCNConv adds self-loops by default
    loop = jnp.arange(n, dtype=jnp.int32)
    src = jnp.concatenate([src0, loop])
    dst = jnp.concatenate([dst0, loop])
    # gcn_norm: deg over dst with unit edge weights, norm = d^-1/2[src] * d^-1/2[dst]
    deg = jnp.zeros((n,), inp_atom_i.dtype).at[dst].add(1.0)
    dis = jnp.where(deg > 0, jax.lax.rsqrt(deg), 0.0)
    norm = dis[src] * dis[dst]
    out = inp_atom_i
    # Faithful to the original bug: every layer consumes inp_atom_i (not the
    # previous layer's output); the returned value is the LAST layer's output.
    for t in range(Ws.shape[0]):
        xw = inp_atom_i @ Ws[t].T
        msg = xw[src] * norm[:, None]
        out = jnp.zeros((n, xw.shape[1]), xw.dtype).at[dst].add(msg) + bs[t]
    return out


def reference(h, e, x, q, mask, Ws, bs):
    # mask is accepted but unused in the original forward.
    return _gcn_forward(h, x, q, Ws, bs, e)


if False:  # reference __main__ guard neutralized (emitter)
    inp = setup_inputs()
    out = reference(**inp)
    print(out.shape, out.dtype)

if __name__ == "__main__":
    import jax
    _d = setup_inputs()
    print(jax.jit(kernel)(*tuple(_d.values())))

</pallas_src>

<mosaic_0001>
#map = affine_map<(d0, d1) -> (0, 0)>
#map1 = affine_map<(d0, d1) -> (0)>
module attributes {stable_mosaic.version = 14 : i64} {
  func.func @deg_kernel(%arg0: i32, %arg1: i32, %arg2: memref<12800x128xi32, #tpu.memory_space<hbm>>, %arg3: memref<102400xf32, #tpu.memory_space<hbm>>, %arg4: memref<16x128xi32, #tpu.memory_space<vmem>>, %arg5: memref<128xf32, #tpu.memory_space<vmem>>, %arg6: memref<128xf32, #tpu.memory_space<vmem>>, %arg7: memref<51200xf32, #tpu.memory_space<vmem_shared>>) attributes {dimension_semantics = [#tpu.dimension_semantics<core_parallel>, #tpu.dimension_semantics<subcore_parallel>], iteration_bounds = array<i64: 2, 16>, scalar_prefetch = 0 : i64, scratch_operands = 4 : i64, tpu.core_type = #tpu.core_type<sc_vector_subcore>, window_params = [{transform_indices = #map}, {transform_indices = #map1}]} {
    %broadcast_in_dim3A = arith.constant 1.000000e+00 : f32
    %broadcast_in_dim3A_0 = vector.broadcast %broadcast_in_dim3A : f32 to vector<16xf32>
    %broadcast_in_dim3A_1 = arith.constant 0.000000e+00 : f32
    %broadcast_in_dim3A_2 = vector.broadcast %broadcast_in_dim3A_1 : f32 to vector<16xf32>
    %swap3A = arith.constant 0 : index
    %swap3A_3 = tpu.vector_load %arg5[%swap3A] {strides = array<i32>} : memref<128xf32, #tpu.memory_space<vmem>>, vector<16xf32>,
    %swap3A_4 = vector.shape_cast %swap3A_3 : vector<16xf32> to vector<16xf32>
    %swap3A_5 = vector.shape_cast %broadcast_in_dim3A_0 : vector<16xf32> to vector<16xf32>
    tpu.vector_store %arg5[%swap3A], %swap3A_5 {strides = array<i32>} : memref<128xf32, #tpu.memory_space<vmem>>, vector<16xf32>,
    %swap3A_6 = arith.constant 0 : index
    %swap3A_7 = tpu.vector_load %arg6[%swap3A_6] {strides = array<i32>} : memref<128xf32, #tpu.memory_space<vmem>>, vector<16xf32>,
    %swap3A_8 = vector.shape_cast %swap3A_7 : vector<16xf32> to vector<16xf32>
    %swap3A_9 = vector.shape_cast %broadcast_in_dim3A_2 : vector<16xf32> to vector<16xf32>
    tpu.vector_store %arg6[%swap3A_6], %swap3A_9 {strides = array<i32>} : memref<128xf32, #tpu.memory_space<vmem>>, vector<16xf32>,
    %swap3A_10 = arith.constant 16 : index
    %swap3A_11 = tpu.vector_load %arg5[%swap3A_10] {strides = array<i32>} : memref<128xf32, #tpu.memory_space<vmem>>, vector<16xf32>,
    %swap3A_12 = vector.shape_cast %swap3A_11 : vector<16xf32> to vector<16xf32>
    %swap3A_13 = vector.shape_cast %broadcast_in_dim3A_0 : vector<16xf32> to vector<16xf32>
    tpu.vector_store %arg5[%swap3A_10], %swap3A_13 {strides = array<i32>} : memref<128xf32, #tpu.memory_space<vmem>>, vector<16xf32>,
    %swap3A_14 = arith.constant 16 : index
    %swap3A_15 = tpu.vector_load %arg6[%swap3A_14] {strides = array<i32>} : memref<128xf32, #tpu.memory_space<vmem>>, vector<16xf32>,
    %swap3A_16 = vector.shape_cast %swap3A_15 : vector<16xf32> to vector<16xf32>
    %swap3A_17 = vector.shape_cast %broadcast_in_dim3A_2 : vector<16xf32> to vector<16xf32>
    tpu.vector_store %arg6[%swap3A_14], %swap3A_17 {strides = array<i32>} : memref<128xf32, #tpu.memory_space<vmem>>, vector<16xf32>,
    %swap3A_18 = arith.constant 32 : index
    %swap3A_19 = tpu.vector_load %arg5[%swap3A_18] {strides = array<i32>} : memref<128xf32, #tpu.memory_space<vmem>>, vector<16xf32>,
    %swap3A_20 = vector.shape_cast %swap3A_19 : vector<16xf32> to vector<16xf32>
    %swap3A_21 = vector.shape_cast %broadcast_in_dim3A_0 : vector<16xf32> to vector<16xf32>
    tpu.vector_store %arg5[%swap3A_18], %swap3A_21 {strides = array<i32>} : memref<128xf32, #tpu.memory_space<vmem>>, vector<16xf32>,
    %swap3A_22 = arith.constant 32 : index
    %swap3A_23 = tpu.vector_load %arg6[%swap3A_22] {strides = array<i32>} : memref<128xf32, #tpu.memory_space<vmem>>, vector<16xf32>,
    %swap3A_24 = vector.shape_cast %swap3A_23 : vector<16xf32> to vector<16xf32>
    %swap3A_25 = vector.shape_cast %broadcast_in_dim3A_2 : vector<16xf32> to vector<16xf32>
    tpu.vector_store %arg6[%swap3A_22], %swap3A_25 {strides = array<i32>} : memref<128xf32, #tpu.memory_space<vmem>>, vector<16xf32>,
    %swap3A_26 = arith.constant 48 : index
    %swap3A_27 = tpu.vector_load %arg5[%swap3A_26] {strides = array<i32>} : memref<128xf32, #tpu.memory_space<vmem>>, vector<16xf32>,
    %swap3A_28 = vector.shape_cast %swap3A_27 : vector<16xf32> to vector<16xf32>
    %swap3A_29 = vector.shape_cast %broadcast_in_dim3A_0 : vector<16xf32> to vector<16xf32>
    tpu.vector_store %arg5[%swap3A_26], %swap3A_29 {strides = array<i32>} : memref<128xf32, #tpu.memory_space<vmem>>, vector<16xf32>,
    %swap3A_30 = arith.constant 48 : index
    %swap3A_31 = tpu.vector_load %arg6[%swap3A_30] {strides = array<i32>} : memref<128xf32, #tpu.memory_space<vmem>>, vector<16xf32>,
    %swap3A_32 = vector.shape_cast %swap3A_31 : vector<16xf32> to vector<16xf32>
    %swap3A_33 = vector.shape_cast %broadcast_in_dim3A_2 : vector<16xf32> to vector<16xf32>
    tpu.vector_store %arg6[%swap3A_30], %swap3A_33 {strides = array<i32>} : memref<128xf32, #tpu.memory_space<vmem>>, vector<16xf32>,
    %swap3A_34 = arith.constant 64 : index
    %swap3A_35 = tpu.vector_load %arg5[%swap3A_34] {strides = array<i32>} : memref<128xf32, #tpu.memory_space<vmem>>, vector<16xf32>,
    %swap3A_36 = vector.shape_cast %swap3A_35 : vector<16xf32> to vector<16xf32>
    %swap3A_37 = vector.shape_cast %broadcast_in_dim3A_0 : vector<16xf32> to vector<16xf32>
    tpu.vector_store %arg5[%swap3A_34], %swap3A_37 {strides = array<i32>} : memref<128xf32, #tpu.memory_space<vmem>>, vector<16xf32>,
    %swap3A_38 = arith.constant 64 : index
    %swap3A_39 = tpu.vector_load %arg6[%swap3A_38] {strides = array<i32>} : memref<128xf32, #tpu.memory_space<vmem>>, vector<16xf32>,
    %swap3A_40 = vector.shape_cast %swap3A_39 : vector<16xf32> to vector<16xf32>
    %swap3A_41 = vector.shape_cast %broadcast_in_dim3A_2 : vector<16xf32> to vector<16xf32>
    tpu.vector_store %arg6[%swap3A_38], %swap3A_41 {strides = array<i32>} : memref<128xf32, #tpu.memory_space<vmem>>, vector<16xf32>,
    %swap3A_42 = arith.constant 80 : index
    %swap3A_43 = tpu.vector_load %arg5[%swap3A_42] {strides = array<i32>} : memref<128xf32, #tpu.memory_space<vmem>>, vector<16xf32>,
    %swap3A_44 = vector.shape_cast %swap3A_43 : vector<16xf32> to vector<16xf32>
    %swap3A_45 = vector.shape_cast %broadcast_in_dim3A_0 : vector<16xf32> to vector<16xf32>
    tpu.vector_store %arg5[%swap3A_42], %swap3A_45 {strides = array<i32>} : memref<128xf32, #tpu.memory_space<vmem>>, vector<16xf32>,
    %swap3A_46 = arith.constant 80 : index
    %swap3A_47 = tpu.vector_load %arg6[%swap3A_46] {strides = array<i32>} : memref<128xf32, #tpu.memory_space<vmem>>, vector<16xf32>,
    %swap3A_48 = vector.shape_cast %swap3A_47 : vector<16xf32> to vector<16xf32>
    %swap3A_49 = vector.shape_cast %broadcast_in_dim3A_2 : vector<16xf32> to vector<16xf32>
    tpu.vector_store %arg6[%swap3A_46], %swap3A_49 {strides = array<i32>} : memref<128xf32, #tpu.memory_space<vmem>>, vector<16xf32>,
    %swap3A_50 = arith.constant 96 : index
    %swap3A_51 = tpu.vector_load %arg5[%swap3A_50] {strides = array<i32>} : memref<128xf32, #tpu.memory_space<vmem>>, vector<16xf32>,
    %swap3A_52 = vector.shape_cast %swap3A_51 : vector<16xf32> to vector<16xf32>
    %swap3A_53 = vector.shape_cast %broadcast_in_dim3A_0 : vector<16xf32> to vector<16xf32>
    tpu.vector_store %arg5[%swap3A_50], %swap3A_53 {strides = array<i32>} : memref<128xf32, #tpu.memory_space<vmem>>, vector<16xf32>,
    %swap3A_54 = arith.constant 96 : index
    %swap3A_55 = tpu.vector_load %arg6[%swap3A_54] {strides = array<i32>} : memref<128xf32, #tpu.memory_space<vmem>>, vector<16xf32>,
    %swap3A_56 = vector.shape_cast %swap3A_55 : vector<16xf32> to vector<16xf32>
    %swap3A_57 = vector.shape_cast %broadcast_in_dim3A_2 : vector<16xf32> to vector<16xf32>
    tpu.vector_store %arg6[%swap3A_54], %swap3A_57 {strides = array<i32>} : memref<128xf32, #tpu.memory_space<vmem>>, vector<16xf32>,
    %swap3A_58 = arith.constant 112 : index
    %swap3A_59 = tpu.vector_load %arg5[%swap3A_58] {strides = array<i32>} : memref<128xf32, #tpu.memory_space<vmem>>, vector<16xf32>,
    %swap3A_60 = vector.shape_cast %swap3A_59 : vector<16xf32> to vector<16xf32>
    %swap3A_61 = vector.shape_cast %broadcast_in_dim3A_0 : vector<16xf32> to vector<16xf32>
    tpu.vector_store %arg5[%swap3A_58], %swap3A_61 {strides = array<i32>} : memref<128xf32, #tpu.memory_space<vmem>>, vector<16xf32>,
    %swap3A_62 = arith.constant 112 : index
    %swap3A_63 = tpu.vector_load %arg6[%swap3A_62] {strides = array<i32>} : memref<128xf32, #tpu.memory_space<vmem>>, vector<16xf32>,
    %swap3A_64 = vector.shape_cast %swap3A_63 : vector<16xf32> to vector<16xf32>
    %swap3A_65 = vector.shape_cast %broadcast_in_dim3A_2 : vector<16xf32> to vector<16xf32>
    tpu.vector_store %arg6[%swap3A_62], %swap3A_65 {strides = array<i32>} : memref<128xf32, #tpu.memory_space<vmem>>, vector<16xf32>,
    %mul3A = arith.constant 3200 : i32
    %mul3A_66 = arith.muli %arg1, %mul3A : i32
    %scan3A = arith.constant 0 : i32
    %scan3A_67 = arith.constant 0 : i32
    %scan3A_68 = arith.constant 25 : i32
    %scan3A_69 = arith.addi %scan3A_67, %scan3A_68 : i32
    %scan3A_70 = arith.constant 1 : i32
    scf.for %scan3A_86 = %scan3A_67 to %scan3A_69 step %scan3A_70  : i32 {
      %mul3A_87 = arith.constant 128 : i32
      %mul3A_88 = arith.muli %scan3A_86, %mul3A_87 : i32
      %add3A_89 = arith.addi %mul3A_66, %mul3A_88 : i32
      "tpu.region"() ({
        %run_scoped3A = tpu.sem_alloc : memref<!tpu.dma_semaphore, #tpu.memory_space<semaphore_mem>>
        %dma_start3A = tpu.memref_slice %arg7[%add3A_89] : memref<51200xf32, #tpu.memory_space<vmem_shared>> -> memref<128xf32, #tpu.memory_space<vmem_shared>>
        %dma_start3A_90 = tpu.memref_slice %arg7[%add3A_89] : memref<51200xf32, #tpu.memory_space<vmem_shared>> -> memref<128xf32, #tpu.memory_space<vmem_shared>>
        tpu.enqueue_dma source(%arg6 : memref<128xf32, #tpu.memory_space<vmem>>) target(%dma_start3A_90 : memref<128xf32, #tpu.memory_space<vmem_shared>>) target_semaphore(%run_scoped3A : memref<!tpu.dma_semaphore, #tpu.memory_space<semaphore_mem>>)
        %dma_wait3A = tpu.memref_slice %arg7[%add3A_89] : memref<51200xf32, #tpu.memory_space<vmem_shared>> -> memref<128xf32, #tpu.memory_space<vmem_shared>>
        %dma_wait3A_91 = tpu.memref_slice %arg7[%add3A_89] : memref<51200xf32, #tpu.memory_space<vmem_shared>> -> memref<128xf32, #tpu.memory_space<vmem_shared>>
        tpu.wait_dma2 semaphore(%run_scoped3A : memref<!tpu.dma_semaphore, #tpu.memory_space<semaphore_mem>>) src(%arg6 : memref<128xf32, #tpu.memory_space<vmem>>) dst(%dma_wait3A_91 : memref<128xf32, #tpu.memory_space<vmem_shared>>)
        tpu.yield
      }) : () -> ()
    }
    %scan3A_71 = arith.constant 25 : i32
    %barrier3A = arith.constant 0 : index
    tpu.barrier barrier_id(%barrier3A)
    %mul3A_72 = arith.constant 2 : i32
    %mul3A_73 = arith.muli %arg1, %mul3A_72 : i32
    %add3A = arith.addi %mul3A_73, %arg0 : i32
    %mul3A_74 = arith.constant 400 : i32
    %mul3A_75 = arith.muli %add3A, %mul3A_74 : i32
    %scan3A_76 = arith.constant 0 : i32
    %scan3A_77 = arith.constant 0 : i32
    %scan3A_78 = arith.constant 25 : i32
    %scan3A_79 = arith.addi %scan3A_77, %scan3A_78 : i32
    %scan3A_80 = arith.constant 1 : i32
    scf.for %scan3A_86 = %scan3A_77 to %scan3A_79 step %scan3A_80  : i32 {
      %mul3A_87 = arith.constant 16 : i32
      %mul3A_88 = arith.muli %scan3A_86, %mul3A_87 : i32
      %add3A_89 = arith.addi %mul3A_75, %mul3A_88 : i32
      "tpu.region"() ({
        %run_scoped3A_105 = tpu.sem_alloc : memref<!tpu.dma_semaphore, #tpu.memory_space<semaphore_mem>>
        %dma_start3A = arith.constant 0 : i32
        %dma_start3A_106 = tpu.memref_slice %arg2[%add3A_89, %dma_start3A] : memref<12800x128xi32, #tpu.memory_space<hbm>> -> memref<16x128xi32, #tpu.memory_space<hbm>>
        %dma_start3A_107 = arith.constant 0 : i32
        %dma_start3A_108 = tpu.memref_slice %arg2[%add3A_89, %dma_start3A_107] : memref<12800x128xi32, #tpu.memory_space<hbm>> -> memref<16x128xi32, #tpu.memory_space<hbm>>
        tpu.enqueue_dma source(%dma_start3A_108 : memref<16x128xi32, #tpu.memory_space<hbm>>) target(%arg4 : memref<16x128xi32, #tpu.memory_space<vmem>>) target_semaphore(%run_scoped3A_105 : memref<!tpu.dma_semaphore, #tpu.memory_space<semaphore_mem>>)
        %dma_wait3A = arith.constant 0 : i32
        %dma_wait3A_109 = tpu.memref_slice %arg2[%add3A_89, %dma_wait3A] : memref<12800x128xi32, #tpu.memory_space<hbm>> -> memref<16x128xi32, #tpu.memory_space<hbm>>
        %dma_wait3A_110 = arith.constant 0 : i32
        %dma_wait3A_111 = tpu.memref_slice %arg2[%add3A_89, %dma_wait3A_110] : memref<12800x128xi32, #tpu.memory_space<hbm>> -> memref<16x128xi32, #tpu.memory_space<hbm>>
        tpu.wait_dma2 semaphore(%run_scoped3A_105 : memref<!tpu.dma_semaphore, #tpu.memory_space<semaphore_mem>>) src(%dma_wait3A_111 : memref<16x128xi32, #tpu.memory_space<hbm>>) dst(%arg4 : memref<16x128xi32, #tpu.memory_space<vmem>>)
        tpu.yield
      }) : () -> ()
      %run_scoped3A = arith.constant 0 : i32
      "tpu.region"() ({
        %run_scoped3A_105 = tpu.sem_alloc : memref<!tpu.dma_semaphore, #tpu.memory_space<semaphore_mem>>
        %dma_start3A = arith.constant 0 : i32
        %dma_start3A_106 = tpu.memref_slice %arg4[%run_scoped3A, %dma_start3A] : memref<16x128xi32, #tpu.memory_space<vmem>> -> memref<1x128xi32, #tpu.memory_space<vmem>>
        %dma_start3A_107 = tpu.memref_squeeze %dma_start3A_106 : memref<1x128xi32, #tpu.memory_space<vmem>> -> memref<128xi32, #tpu.memory_space<vmem>>
        %dma_start3A_108 = arith.constant 0 : i32
        %dma_start3A_109 = tpu.memref_slice %arg7[%dma_start3A_108] : memref<51200xf32, #tpu.memory_space<vmem_shared>> -> memref<51200xf32, #tpu.memory_space<vmem_shared>>
        tpu.enqueue_indirect_dma source(%arg5 : memref<128xf32, #tpu.memory_space<vmem>>) target(%dma_start3A_109 : memref<51200xf32, #tpu.memory_space<vmem_shared>>) offsets(%dma_start3A_107 : memref<128xi32, #tpu.memory_space<vmem>>) semaphore(%run_scoped3A_105 : memref<!tpu.dma_semaphore, #tpu.memory_space<semaphore_mem>>) {add = true}
        %dma_wait3A = arith.constant 0 : i32
        %dma_wait3A_110 = tpu.memref_slice %arg4[%run_scoped3A, %dma_wait3A] : memref<16x128xi32, #tpu.memory_space<vmem>> -> memref<1x128xi32, #tpu.memory_space<vmem>>
        %dma_wait3A_111 = tpu.memref_squeeze %dma_wait3A_110 : memref<1x128xi32, #tpu.memory_space<vmem>> -> memref<128xi32, #tpu.memory_space<vmem>>
        %dma_wait3A_112 = arith.constant 0 : i32
        %dma_wait3A_113 = tpu.memref_slice %arg7[%dma_wait3A_112] : memref<51200xf32, #tpu.memory_space<vmem_shared>> -> memref<51200xf32, #tpu.memory_space<vmem_shared>>
        tpu.wait_indirect_dma semaphore(%run_scoped3A_105 : memref<!tpu.dma_semaphore, #tpu.memory_space<semaphore_mem>>) src(%arg5 : memref<128xf32, #tpu.memory_space<vmem>>) dst(%dma_wait3A_113 : memref<51200xf32, #tpu.memory_space<vmem_shared>>)
        tpu.yield
      }) : () -> ()
      %run_scoped3A_90 = arith.constant 1 : i32
      "tpu.region"() ({
        %run_scoped3A_105 = tpu.sem_alloc : memref<!tpu.dma_semaphore, #tpu.memory_space<semaphore_mem>>
        %dma_start3A = arith.constant 0 : i32
        %dma_start3A_106 = tpu.memref_slice %arg4[%run_scoped3A_90, %dma_start3A] : memref<16x128xi32, #tpu.memory_space<vmem>> -> memref<1x128xi32, #tpu.memory_space<vmem>>
        %dma_start3A_107 = tpu.memref_squeeze %dma_start3A_106 : memref<1x128xi32, #tpu.memory_space<vmem>> -> memref<128xi32, #tpu.memory_space<vmem>>
        %dma_start3A_108 = arith.constant 0 : i32
        %dma_start3A_109 = tpu.memref_slice %arg7[%dma_start3A_108] : memref<51200xf32, #tpu.memory_space<vmem_shared>> -> memref<51200xf32, #tpu.memory_space<vmem_shared>>
        tpu.enqueue_indirect_dma source(%arg5 : memref<128xf32, #tpu.memory_space<vmem>>) target(%dma_start3A_109 : memref<51200xf32, #tpu.memory_space<vmem_shared>>) offsets(%dma_start3A_107 : memref<128xi32, #tpu.memory_space<vmem>>) semaphore(%run_scoped3A_105 : memref<!tpu.dma_semaphore, #tpu.memory_space<semaphore_mem>>) {add = true}
        %dma_wait3A = arith.constant 0 : i32
        %dma_wait3A_110 = tpu.memref_slice %arg4[%run_scoped3A_90, %dma_wait3A] : memref<16x128xi32, #tpu.memory_space<vmem>> -> memref<1x128xi32, #tpu.memory_space<vmem>>
        %dma_wait3A_111 = tpu.memref_squeeze %dma_wait3A_110 : memref<1x128xi32, #tpu.memory_space<vmem>> -> memref<128xi32, #tpu.memory_space<vmem>>
        %dma_wait3A_112 = arith.constant 0 : i32
        %dma_wait3A_113 = tpu.memref_slice %arg7[%dma_wait3A_112] : memref<51200xf32, #tpu.memory_space<vmem_shared>> -> memref<51200xf32, #tpu.memory_space<vmem_shared>>
        tpu.wait_indirect_dma semaphore(%run_scoped3A_105 : memref<!tpu.dma_semaphore, #tpu.memory_space<semaphore_mem>>) src(%arg5 : memref<128xf32, #tpu.memory_space<vmem>>) dst(%dma_wait3A_113 : memref<51200xf32, #tpu.memory_space<vmem_shared>>)
        tpu.yield
      }) : () -> ()
      %run_scoped3A_91 = arith.constant 2 : i32
      "tpu.region"() ({
        %run_scoped3A_105 = tpu.sem_alloc : memref<!tpu.dma_semaphore, #tpu.memory_space<semaphore_mem>>
        %dma_start3A = arith.constant 0 : i32
        %dma_start3A_106 = tpu.memref_slice %arg4[%run_scoped3A_91, %dma_start3A] : memref<16x128xi32, #tpu.memory_space<vmem>> -> memref<1x128xi32, #tpu.memory_space<vmem>>
        %dma_start3A_107 = tpu.memref_squeeze %dma_start3A_106 : memref<1x128xi32, #tpu.memory_space<vmem>> -> memref<128xi32, #tpu.memory_space<vmem>>
        %dma_start3A_108 = arith.constant 0 : i32
        %dma_start3A_109 = tpu.memref_slice %arg7[%dma_start3A_108] : memref<51200xf32, #tpu.memory_space<vmem_shared>> -> memref<51200xf32, #tpu.memory_space<vmem_shared>>
        tpu.enqueue_indirect_dma source(%arg5 : memref<128xf32, #tpu.memory_space<vmem>>) target(%dma_start3A_109 : memref<51200xf32, #tpu.memory_space<vmem_shared>>) offsets(%dma_start3A_107 : memref<128xi32, #tpu.memory_space<vmem>>) semaphore(%run_scoped3A_105 : memref<!tpu.dma_semaphore, #tpu.memory_space<semaphore_mem>>) {add = true}
        %dma_wait3A = arith.constant 0 : i32
        %dma_wait3A_110 = tpu.memref_slice %arg4[%run_scoped3A_91, %dma_wait3A] : memref<16x128xi32, #tpu.memory_space<vmem>> -> memref<1x128xi32, #tpu.memory_space<vmem>>
        %dma_wait3A_111 = tpu.memref_squeeze %dma_wait3A_110 : memref<1x128xi32, #tpu.memory_space<vmem>> -> memref<128xi32, #tpu.memory_space<vmem>>
        %dma_wait3A_112 = arith.constant 0 : i32
        %dma_wait3A_113 = tpu.memref_slice %arg7[%dma_wait3A_112] : memref<51200xf32, #tpu.memory_space<vmem_shared>> -> memref<51200xf32, #tpu.memory_space<vmem_shared>>
        tpu.wait_indirect_dma semaphore(%run_scoped3A_105 : memref<!tpu.dma_semaphore, #tpu.memory_space<semaphore_mem>>) src(%arg5 : memref<128xf32, #tpu.memory_space<vmem>>) dst(%dma_wait3A_113 : memref<51200xf32, #tpu.memory_space<vmem_shared>>)
        tpu.yield
      }) : () -> ()
      %run_scoped3A_92 = arith.constant 3 : i32
      "tpu.region"() ({
        %run_scoped3A_105 = tpu.sem_alloc : memref<!tpu.dma_semaphore, #tpu.memory_space<semaphore_mem>>
        %dma_start3A = arith.constant 0 : i32
        %dma_start3A_106 = tpu.memref_slice %arg4[%run_scoped3A_92, %dma_start3A] : memref<16x128xi32, #tpu.memory_space<vmem>> -> memref<1x128xi32, #tpu.memory_space<vmem>>
        %dma_start3A_107 = tpu.memref_squeeze %dma_start3A_106 : memref<1x128xi32, #tpu.memory_space<vmem>> -> memref<128xi32, #tpu.memory_space<vmem>>
        %dma_start3A_108 = arith.constant 0 : i32
        %dma_start3A_109 = tpu.memref_slice %arg7[%dma_start3A_108] : memref<51200xf32, #tpu.memory_space<vmem_shared>> -> memref<51200xf32, #tpu.memory_space<vmem_shared>>
        tpu.enqueue_indirect_dma source(%arg5 : memref<128xf32, #tpu.memory_space<vmem>>) target(%dma_start3A_109 : memref<51200xf32, #tpu.memory_space<vmem_shared>>) offsets(%dma_start3A_107 : memref<128xi32, #tpu.memory_space<vmem>>) semaphore(%run_scoped3A_105 : memref<!tpu.dma_semaphore, #tpu.memory_space<semaphore_mem>>) {add = true}
        %dma_wait3A = arith.constant 0 : i32
        %dma_wait3A_110 = tpu.memref_slice %arg4[%run_scoped3A_92, %dma_wait3A] : memref<16x128xi32, #tpu.memory_space<vmem>> -> memref<1x128xi32, #tpu.memory_space<vmem>>
        %dma_wait3A_111 = tpu.memref_squeeze %dma_wait3A_110 : memref<1x128xi32, #tpu.memory_space<vmem>> -> memref<128xi32, #tpu.memory_space<vmem>>
        %dma_wait3A_112 = arith.constant 0 : i32
        %dma_wait3A_113 = tpu.memref_slice %arg7[%dma_wait3A_112] : memref<51200xf32, #tpu.memory_space<vmem_shared>> -> memref<51200xf32, #tpu.memory_space<vmem_shared>>
        tpu.wait_indirect_dma semaphore(%run_scoped3A_105 : memref<!tpu.dma_semaphore, #tpu.memory_space<semaphore_mem>>) src(%arg5 : memref<128xf32, #tpu.memory_space<vmem>>) dst(%dma_wait3A_113 : memref<51200xf32, #tpu.memory_space<vmem_shared>>)
        tpu.yield
      }) : () -> ()
      %run_scoped3A_93 = arith.constant 4 : i32
      "tpu.region"() ({
        %run_scoped3A_105 = tpu.sem_alloc : memref<!tpu.dma_semaphore, #tpu.memory_space<semaphore_mem>>
        %dma_start3A = arith.constant 0 : i32
        %dma_start3A_106 = tpu.memref_slice %arg4[%run_scoped3A_93, %dma_start3A] : memref<16x128xi32, #tpu.memory_space<vmem>> -> memref<1x128xi32, #tpu.memory_space<vmem>>
        %dma_start3A_107 = tpu.memref_squeeze %dma_start3A_106 : memref<1x128xi32, #tpu.memory_space<vmem>> -> memref<128xi32, #tpu.memory_space<vmem>>
        %dma_start3A_108 = arith.constant 0 : i32
        %dma_start3A_109 = tpu.memref_slice %arg7[%dma_start3A_108] : memref<51200xf32, #tpu.memory_space<vmem_shared>> -> memref<51200xf32, #tpu.memory_space<vmem_shared>>
        tpu.enqueue_indirect_dma source(%arg5 : memref<128xf32, #tpu.memory_space<vmem>>) target(%dma_start3A_109 : memref<51200xf32, #tpu.memory_space<vmem_shared>>) offsets(%dma_start3A_107 : memref<128xi32, #tpu.memory_space<vmem>>) semaphore(%run_scoped3A_105 : memref<!tpu.dma_semaphore, #tpu.memory_space<semaphore_mem>>) {add = true}
        %dma_wait3A = arith.constant 0 : i32
        %dma_wait3A_110 = tpu.memref_slice %arg4[%run_scoped3A_93, %dma_wait3A] : memref<16x128xi32, #tpu.memory_space<vmem>> -> memref<1x128xi32, #tpu.memory_space<vmem>>
        %dma_wait3A_111 = tpu.memref_squeeze %dma_wait3A_110 : memref<1x128xi32, #tpu.memory_space<vmem>> -> memref<128xi32, #tpu.memory_space<vmem>>
        %dma_wait3A_112 = arith.constant 0 : i32
        %dma_wait3A_113 = tpu.memref_slice %arg7[%dma_wait3A_112] : memref<51200xf32, #tpu.memory_space<vmem_shared>> -> memref<51200xf32, #tpu.memory_space<vmem_shared>>
        tpu.wait_indirect_dma semaphore(%run_scoped3A_105 : memref<!tpu.dma_semaphore, #tpu.memory_space<semaphore_mem>>) src(%arg5 : memref<128xf32, #tpu.memory_space<vmem>>) dst(%dma_wait3A_113 : memref<51200xf32, #tpu.memory_space<vmem_shared>>)
        tpu.yield
      }) : () -> ()
      %run_scoped3A_94 = arith.constant 5 : i32
      "tpu.region"() ({
        %run_scoped3A_105 = tpu.sem_alloc : memref<!tpu.dma_semaphore, #tpu.memory_space<semaphore_mem>>
        %dma_start3A = arith.constant 0 : i32
        %dma_start3A_106 = tpu.memref_slice %arg4[%run_scoped3A_94, %dma_start3A] : memref<16x128xi32, #tpu.memory_space<vmem>> -> memref<1x128xi32, #tpu.memory_space<vmem>>
        %dma_start3A_107 = tpu.memref_squeeze %dma_start3A_106 : memref<1x128xi32, #tpu.memory_space<vmem>> -> memref<128xi32, #tpu.memory_space<vmem>>
        %dma_start3A_108 = arith.constant 0 : i32
        %dma_start3A_109 = tpu.memref_slice %arg7[%dma_start3A_108] : memref<51200xf32, #tpu.memory_space<vmem_shared>> -> memref<51200xf32, #tpu.memory_space<vmem_shared>>
        tpu.enqueue_indirect_dma source(%arg5 : memref<128xf32, #tpu.memory_space<vmem>>) target(%dma_start3A_109 : memref<51200xf32, #tpu.memory_space<vmem_shared>>) offsets(%dma_start3A_107 : memref<128xi32, #tpu.memory_space<vmem>>) semaphore(%run_scoped3A_105 : memref<!tpu.dma_semaphore, #tpu.memory_space<semaphore_mem>>) {add = true}
        %dma_wait3A = arith.constant 0 : i32
        %dma_wait3A_110 = tpu.memref_slice %arg4[%run_scoped3A_94, %dma_wait3A] : memref<16x128xi32, #tpu.memory_space<vmem>> -> memref<1x128xi32, #tpu.memory_space<vmem>>
        %dma_wait3A_111 = tpu.memref_squeeze %dma_wait3A_110 : memref<1x128xi32, #tpu.memory_space<vmem>> -> memref<128xi32, #tpu.memory_space<vmem>>
        %dma_wait3A_112 = arith.constant 0 : i32
        %dma_wait3A_113 = tpu.memref_slice %arg7[%dma_wait3A_112] : memref<51200xf32, #tpu.memory_space<vmem_shared>> -> memref<51200xf32, #tpu.memory_space<vmem_shared>>
        tpu.wait_indirect_dma semaphore(%run_scoped3A_105 : memref<!tpu.dma_semaphore, #tpu.memory_space<semaphore_mem>>) src(%arg5 : memref<128xf32, #tpu.memory_space<vmem>>) dst(%dma_wait3A_113 : memref<51200xf32, #tpu.memory_space<vmem_shared>>)
        tpu.yield
      }) : () -> ()
      %run_scoped3A_95 = arith.constant 6 : i32
      "tpu.region"() ({
        %run_scoped3A_105 = tpu.sem_alloc : memref<!tpu.dma_semaphore, #tpu.memory_space<semaphore_mem>>
        %dma_start3A = arith.constant 0 : i32
        %dma_start3A_106 = tpu.memref_slice %arg4[%run_scoped3A_95, %dma_start3A] : memref<16x128xi32, #tpu.memory_space<vmem>> -> memref<1x128xi32, #tpu.memory_space<vmem>>
        %dma_start3A_107 = tpu.memref_squeeze %dma_start3A_106 : memref<1x128xi32, #tpu.memory_space<vmem>> -> memref<128xi32, #tpu.memory_space<vmem>>
        %dma_start3A_108 = arith.constant 0 : i32
        %dma_start3A_109 = tpu.memref_slice %arg7[%dma_start3A_108] : memref<51200xf32, #tpu.memory_space<vmem_shared>> -> memref<51200xf32, #tpu.memory_space<vmem_shared>>
        tpu.enqueue_indirect_dma source(%arg5 : memref<128xf32, #tpu.memory_space<vmem>>) target(%dma_start3A_109 : memref<51200xf32, #tpu.memory_space<vmem_shared>>) offsets(%dma_start3A_107 : memref<128xi32, #tpu.memory_space<vmem>>) semaphore(%run_scoped3A_105 : memref<!tpu.dma_semaphore, #tpu.memory_space<semaphore_mem>>) {add = true}
        %dma_wait3A = arith.constant 0 : i32
        %dma_wait3A_110 = tpu.memref_slice %arg4[%run_scoped3A_95, %dma_wait3A] : memref<16x128xi32, #tpu.memory_space<vmem>> -> memref<1x128xi32, #tpu.memory_space<vmem>>
        %dma_wait3A_111 = tpu.memref_squeeze %dma_wait3A_110 : memref<1x128xi32, #tpu.memory_space<vmem>> -> memref<128xi32, #tpu.memory_space<vmem>>
        %dma_wait3A_112 = arith.constant 0 : i32
        %dma_wait3A_113 = tpu.memref_slice %arg7[%dma_wait3A_112] : memref<51200xf32, #tpu.memory_space<vmem_shared>> -> memref<51200xf32, #tpu.memory_space<vmem_shared>>
        tpu.wait_indirect_dma semaphore(%run_scoped3A_105 : memref<!tpu.dma_semaphore, #tpu.memory_space<semaphore_mem>>) src(%arg5 : memref<128xf32, #tpu.memory_space<vmem>>) dst(%dma_wait3A_113 : memref<51200xf32, #tpu.memory_space<vmem_shared>>)
        tpu.yield
      }) : () -> ()
      %run_scoped3A_96 = arith.constant 7 : i32
      "tpu.region"() ({
        %run_scoped3A_105 = tpu.sem_alloc : memref<!tpu.dma_semaphore, #tpu.memory_space<semaphore_mem>>
        %dma_start3A = arith.constant 0 : i32
        %dma_start3A_106 = tpu.memref_slice %arg4[%run_scoped3A_96, %dma_start3A] : memref<16x128xi32, #tpu.memory_space<vmem>> -> memref<1x128xi32, #tpu.memory_space<vmem>>
        %dma_start3A_107 = tpu.memref_squeeze %dma_start3A_106 : memref<1x128xi32, #tpu.memory_space<vmem>> -> memref<128xi32, #tpu.memory_space<vmem>>
        %dma_start3A_108 = arith.constant 0 : i32
        %dma_start3A_109 = tpu.memref_slice %arg7[%dma_start3A_108] : memref<51200xf32, #tpu.memory_space<vmem_shared>> -> memref<51200xf32, #tpu.memory_space<vmem_shared>>
        tpu.enqueue_indirect_dma source(%arg5 : memref<128xf32, #tpu.memory_space<vmem>>) target(%dma_start3A_109 : memref<51200xf32, #tpu.memory_space<vmem_shared>>) offsets(%dma_start3A_107 : memref<128xi32, #tpu.memory_space<vmem>>) semaphore(%run_scoped3A_105 : memref<!tpu.dma_semaphore, #tpu.memory_space<semaphore_mem>>) {add = true}
        %dma_wait3A = arith.constant 0 : i32
        %dma_wait3A_110 = tpu.memref_slice %arg4[%run_scoped3A_96, %dma_wait3A] : memref<16x128xi32, #tpu.memory_space<vmem>> -> memref<1x128xi32, #tpu.memory_space<vmem>>
        %dma_wait3A_111 = tpu.memref_squeeze %dma_wait3A_110 : memref<1x128xi32, #tpu.memory_space<vmem>> -> memref<128xi32, #tpu.memory_space<vmem>>
        %dma_wait3A_112 = arith.constant 0 : i32
        %dma_wait3A_113 = tpu.memref_slice %arg7[%dma_wait3A_112] : memref<51200xf32, #tpu.memory_space<vmem_shared>> -> memref<51200xf32, #tpu.memory_space<vmem_shared>>
        tpu.wait_indirect_dma semaphore(%run_scoped3A_105 : memref<!tpu.dma_semaphore, #tpu.memory_space<semaphore_mem>>) src(%arg5 : memref<128xf32, #tpu.memory_space<vmem>>) dst(%dma_wait3A_113 : memref<51200xf32, #tpu.memory_space<vmem_shared>>)
        tpu.yield
      }) : () -> ()
      %run_scoped3A_97 = arith.constant 8 : i32
      "tpu.region"() ({
        %run_scoped3A_105 = tpu.sem_alloc : memref<!tpu.dma_semaphore, #tpu.memory_space<semaphore_mem>>
        %dma_start3A = arith.constant 0 : i32
        %dma_start3A_106 = tpu.memref_slice %arg4[%run_scoped3A_97, %dma_start3A] : memref<16x128xi32, #tpu.memory_space<vmem>> -> memref<1x128xi32, #tpu.memory_space<vmem>>
        %dma_start3A_107 = tpu.memref_squeeze %dma_start3A_106 : memref<1x128xi32, #tpu.memory_space<vmem>> -> memref<128xi32, #tpu.memory_space<vmem>>
        %dma_start3A_108 = arith.constant 0 : i32
        %dma_start3A_109 = tpu.memref_slice %arg7[%dma_start3A_108] : memref<51200xf32, #tpu.memory_space<vmem_shared>> -> memref<51200xf32, #tpu.memory_space<vmem_shared>>
        tpu.enqueue_indirect_dma source(%arg5 : memref<128xf32, #tpu.memory_space<vmem>>) target(%dma_start3A_109 : memref<51200xf32, #tpu.memory_space<vmem_shared>>) offsets(%dma_start3A_107 : memref<128xi32, #tpu.memory_space<vmem>>) semaphore(%run_scoped3A_105 : memref<!tpu.dma_semaphore, #tpu.memory_space<semaphore_mem>>) {add = true}
        %dma_wait3A = arith.constant 0 : i32
        %dma_wait3A_110 = tpu.memref_slice %arg4[%run_scoped3A_97, %dma_wait3A] : memref<16x128xi32, #tpu.memory_space<vmem>> -> memref<1x128xi32, #tpu.memory_space<vmem>>
        %dma_wait3A_111 = tpu.memref_squeeze %dma_wait3A_110 : memref<1x128xi32, #tpu.memory_space<vmem>> -> memref<128xi32, #tpu.memory_space<vmem>>
        %dma_wait3A_112 = arith.constant 0 : i32
        %dma_wait3A_113 = tpu.memref_slice %arg7[%dma_wait3A_112] : memref<51200xf32, #tpu.memory_space<vmem_shared>> -> memref<51200xf32, #tpu.memory_space<vmem_shared>>
        tpu.wait_indirect_dma semaphore(%run_scoped3A_105 : memref<!tpu.dma_semaphore, #tpu.memory_space<semaphore_mem>>) src(%arg5 : memref<128xf32, #tpu.memory_space<vmem>>) dst(%dma_wait3A_113 : memref<51200xf32, #tpu.memory_space<vmem_shared>>)
        tpu.yield
      }) : () -> ()
      %run_scoped3A_98 = arith.constant 9 : i32
      "tpu.region"() ({
        %run_scoped3A_105 = tpu.sem_alloc : memref<!tpu.dma_semaphore, #tpu.memory_space<semaphore_mem>>
        %dma_start3A = arith.constant 0 : i32
        %dma_start3A_106 = tpu.memref_slice %arg4[%run_scoped3A_98, %dma_start3A] : memref<16x128xi32, #tpu.memory_space<vmem>> -> memref<1x128xi32, #tpu.memory_space<vmem>>
        %dma_start3A_107 = tpu.memref_squeeze %dma_start3A_106 : memref<1x128xi32, #tpu.memory_space<vmem>> -> memref<128xi32, #tpu.memory_space<vmem>>
        %dma_start3A_108 = arith.constant 0 : i32
        %dma_start3A_109 = tpu.memref_slice %arg7[%dma_start3A_108] : memref<51200xf32, #tpu.memory_space<vmem_shared>> -> memref<51200xf32, #tpu.memory_space<vmem_shared>>
        tpu.enqueue_indirect_dma source(%arg5 : memref<128xf32, #tpu.memory_space<vmem>>) target(%dma_start3A_109 : memref<51200xf32, #tpu.memory_space<vmem_shared>>) offsets(%dma_start3A_107 : memref<128xi32, #tpu.memory_space<vmem>>) semaphore(%run_scoped3A_105 : memref<!tpu.dma_semaphore, #tpu.memory_space<semaphore_mem>>) {add = true}
        %dma_wait3A = arith.constant 0 : i32
        %dma_wait3A_110 = tpu.memref_slice %arg4[%run_scoped3A_98, %dma_wait3A] : memref<16x128xi32, #tpu.memory_space<vmem>> -> memref<1x128xi32, #tpu.memory_space<vmem>>
        %dma_wait3A_111 = tpu.memref_squeeze %dma_wait3A_110 : memref<1x128xi32, #tpu.memory_space<vmem>> -> memref<128xi32, #tpu.memory_space<vmem>>
        %dma_wait3A_112 = arith.constant 0 : i32
        %dma_wait3A_113 = tpu.memref_slice %arg7[%dma_wait3A_112] : memref<51200xf32, #tpu.memory_space<vmem_shared>> -> memref<51200xf32, #tpu.memory_space<vmem_shared>>
        tpu.wait_indirect_dma semaphore(%run_scoped3A_105 : memref<!tpu.dma_semaphore, #tpu.memory_space<semaphore_mem>>) src(%arg5 : memref<128xf32, #tpu.memory_space<vmem>>) dst(%dma_wait3A_113 : memref<51200xf32, #tpu.memory_space<vmem_shared>>)
        tpu.yield
      }) : () -> ()
      %run_scoped3A_99 = arith.constant 10 : i32
      "tpu.region"() ({
        %run_scoped3A_105 = tpu.sem_alloc : memref<!tpu.dma_semaphore, #tpu.memory_space<semaphore_mem>>
        %dma_start3A = arith.constant 0 : i32
        %dma_start3A_106 = tpu.memref_slice %arg4[%run_scoped3A_99, %dma_start3A] : memref<16x128xi32, #tpu.memory_space<vmem>> -> memref<1x128xi32, #tpu.memory_space<vmem>>
        %dma_start3A_107 = tpu.memref_squeeze %dma_start3A_106 : memref<1x128xi32, #tpu.memory_space<vmem>> -> memref<128xi32, #tpu.memory_space<vmem>>
        %dma_start3A_108 = arith.constant 0 : i32
        %dma_start3A_109 = tpu.memref_slice %arg7[%dma_start3A_108] : memref<51200xf32, #tpu.memory_space<vmem_shared>> -> memref<51200xf32, #tpu.memory_space<vmem_shared>>
        tpu.enqueue_indirect_dma source(%arg5 : memref<128xf32, #tpu.memory_space<vmem>>) target(%dma_start3A_109 : memref<51200xf32, #tpu.memory_space<vmem_shared>>) offsets(%dma_start3A_107 : memref<128xi32, #tpu.memory_space<vmem>>) semaphore(%run_scoped3A_105 : memref<!tpu.dma_semaphore, #tpu.memory_space<semaphore_mem>>) {add = true}
        %dma_wait3A = arith.constant 0 : i32
        %dma_wait3A_110 = tpu.memref_slice %arg4[%run_scoped3A_99, %dma_wait3A] : memref<16x128xi32, #tpu.memory_space<vmem>> -> memref<1x128xi32, #tpu.memory_space<vmem>>
        %dma_wait3A_111 = tpu.memref_squeeze %dma_wait3A_110 : memref<1x128xi32, #tpu.memory_space<vmem>> -> memref<128xi32, #tpu.memory_space<vmem>>
        %dma_wait3A_112 = arith.constant 0 : i32
        %dma_wait3A_113 = tpu.memref_slice %arg7[%dma_wait3A_112] : memref<51200xf32, #tpu.memory_space<vmem_shared>> -> memref<51200xf32, #tpu.memory_space<vmem_shared>>
        tpu.wait_indirect_dma semaphore(%run_scoped3A_105 : memref<!tpu.dma_semaphore, #tpu.memory_space<semaphore_mem>>) src(%arg5 : memref<128xf32, #tpu.memory_space<vmem>>) dst(%dma_wait3A_113 : memref<51200xf32, #tpu.memory_space<vmem_shared>>)
        tpu.yield
      }) : () -> ()
      %run_scoped3A_100 = arith.constant 11 : i32
      "tpu.region"() ({
        %run_scoped3A_105 = tpu.sem_alloc : memref<!tpu.dma_semaphore, #tpu.memory_space<semaphore_mem>>
        %dma_start3A = arith.constant 0 : i32
        %dma_start3A_106 = tpu.memref_slice %arg4[%run_scoped3A_100, %dma_start3A] : memref<16x128xi32, #tpu.memory_space<vmem>> -> memref<1x128xi32, #tpu.memory_space<vmem>>
        %dma_start3A_107 = tpu.memref_squeeze %dma_start3A_106 : memref<1x128xi32, #tpu.memory_space<vmem>> -> memref<128xi32, #tpu.memory_space<vmem>>
        %dma_start3A_108 = arith.constant 0 : i32
        %dma_start3A_109 = tpu.memref_slice %arg7[%dma_start3A_108] : memref<51200xf32, #tpu.memory_space<vmem_shared>> -> memref<51200xf32, #tpu.memory_space<vmem_shared>>
        tpu.enqueue_indirect_dma source(%arg5 : memref<128xf32, #tpu.memory_space<vmem>>) target(%dma_start3A_109 : memref<51200xf32, #tpu.memory_space<vmem_shared>>) offsets(%dma_start3A_107 : memref<128xi32, #tpu.memory_space<vmem>>) semaphore(%run_scoped3A_105 : memref<!tpu.dma_semaphore, #tpu.memory_space<semaphore_mem>>) {add = true}
        %dma_wait3A = arith.constant 0 : i32
        %dma_wait3A_110 = tpu.memref_slice %arg4[%run_scoped3A_100, %dma_wait3A] : memref<16x128xi32, #tpu.memory_space<vmem>> -> memref<1x128xi32, #tpu.memory_space<vmem>>
        %dma_wait3A_111 = tpu.memref_squeeze %dma_wait3A_110 : memref<1x128xi32, #tpu.memory_space<vmem>> -> memref<128xi32, #tpu.memory_space<vmem>>
        %dma_wait3A_112 = arith.constant 0 : i32
        %dma_wait3A_113 = tpu.memref_slice %arg7[%dma_wait3A_112] : memref<51200xf32, #tpu.memory_space<vmem_shared>> -> memref<51200xf32, #tpu.memory_space<vmem_shared>>
        tpu.wait_indirect_dma semaphore(%run_scoped3A_105 : memref<!tpu.dma_semaphore, #tpu.memory_space<semaphore_mem>>) src(%arg5 : memref<128xf32, #tpu.memory_space<vmem>>) dst(%dma_wait3A_113 : memref<51200xf32, #tpu.memory_space<vmem_shared>>)
        tpu.yield
      }) : () -> ()
      %run_scoped3A_101 = arith.constant 12 : i32
      "tpu.region"() ({
        %run_scoped3A_105 = tpu.sem_alloc : memref<!tpu.dma_semaphore, #tpu.memory_space<semaphore_mem>>
        %dma_start3A = arith.constant 0 : i32
        %dma_start3A_106 = tpu.memref_slice %arg4[%run_scoped3A_101, %dma_start3A] : memref<16x128xi32, #tpu.memory_space<vmem>> -> memref<1x128xi32, #tpu.memory_space<vmem>>
        %dma_start3A_107 = tpu.memref_squeeze %dma_start3A_106 : memref<1x128xi32, #tpu.memory_space<vmem>> -> memref<128xi32, #tpu.memory_space<vmem>>
        %dma_start3A_108 = arith.constant 0 : i32
        %dma_start3A_109 = tpu.memref_slice %arg7[%dma_start3A_108] : memref<51200xf32, #tpu.memory_space<vmem_shared>> -> memref<51200xf32, #tpu.memory_space<vmem_shared>>
        tpu.enqueue_indirect_dma source(%arg5 : memref<128xf32, #tpu.memory_space<vmem>>) target(%dma_start3A_109 : memref<51200xf32, #tpu.memory_space<vmem_shared>>) offsets(%dma_start3A_107 : memref<128xi32, #tpu.memory_space<vmem>>) semaphore(%run_scoped3A_105 : memref<!tpu.dma_semaphore, #tpu.memory_space<semaphore_mem>>) {add = true}
        %dma_wait3A = arith.constant 0 : i32
        %dma_wait3A_110 = tpu.memref_slice %arg4[%run_scoped3A_101, %dma_wait3A] : memref<16x128xi32, #tpu.memory_space<vmem>> -> memref<1x128xi32, #tpu.memory_space<vmem>>
        %dma_wait3A_111 = tpu.memref_squeeze %dma_wait3A_110 : memref<1x128xi32, #tpu.memory_space<vmem>> -> memref<128xi32, #tpu.memory_space<vmem>>
        %dma_wait3A_112 = arith.constant 0 : i32
        %dma_wait3A_113 = tpu.memref_slice %arg7[%dma_wait3A_112] : memref<51200xf32, #tpu.memory_space<vmem_shared>> -> memref<51200xf32, #tpu.memory_space<vmem_shared>>
        tpu.wait_indirect_dma semaphore(%run_scoped3A_105 : memref<!tpu.dma_semaphore, #tpu.memory_space<semaphore_mem>>) src(%arg5 : memref<128xf32, #tpu.memory_space<vmem>>) dst(%dma_wait3A_113 : memref<51200xf32, #tpu.memory_space<vmem_shared>>)
        tpu.yield
      }) : () -> ()
      %run_scoped3A_102 = arith.constant 13 : i32
      "tpu.region"() ({
        %run_scoped3A_105 = tpu.sem_alloc : memref<!tpu.dma_semaphore, #tpu.memory_space<semaphore_mem>>
        %dma_start3A = arith.constant 0 : i32
        %dma_start3A_106 = tpu.memref_slice %arg4[%run_scoped3A_102, %dma_start3A] : memref<16x128xi32, #tpu.memory_space<vmem>> -> memref<1x128xi32, #tpu.memory_space<vmem>>
        %dma_start3A_107 = tpu.memref_squeeze %dma_start3A_106 : memref<1x128xi32, #tpu.memory_space<vmem>> -> memref<128xi32, #tpu.memory_space<vmem>>
        %dma_start3A_108 = arith.constant 0 : i32
        %dma_start3A_109 = tpu.memref_slice %arg7[%dma_start3A_108] : memref<51200xf32, #tpu.memory_space<vmem_shared>> -> memref<51200xf32, #tpu.memory_space<vmem_shared>>
        tpu.enqueue_indirect_dma source(%arg5 : memref<128xf32, #tpu.memory_space<vmem>>) target(%dma_start3A_109 : memref<51200xf32, #tpu.memory_space<vmem_shared>>) offsets(%dma_start3A_107 : memref<128xi32, #tpu.memory_space<vmem>>) semaphore(%run_scoped3A_105 : memref<!tpu.dma_semaphore, #tpu.memory_space<semaphore_mem>>) {add = true}
        %dma_wait3A = arith.constant 0 : i32
        %dma_wait3A_110 = tpu.memref_slice %arg4[%run_scoped3A_102, %dma_wait3A] : memref<16x128xi32, #tpu.memory_space<vmem>> -> memref<1x128xi32, #tpu.memory_space<vmem>>
        %dma_wait3A_111 = tpu.memref_squeeze %dma_wait3A_110 : memref<1x128xi32, #tpu.memory_space<vmem>> -> memref<128xi32, #tpu.memory_space<vmem>>
        %dma_wait3A_112 = arith.constant 0 : i32
        %dma_wait3A_113 = tpu.memref_slice %arg7[%dma_wait3A_112] : memref<51200xf32, #tpu.memory_space<vmem_shared>> -> memref<51200xf32, #tpu.memory_space<vmem_shared>>
        tpu.wait_indirect_dma semaphore(%run_scoped3A_105 : memref<!tpu.dma_semaphore, #tpu.memory_space<semaphore_mem>>) src(%arg5 : memref<128xf32, #tpu.memory_space<vmem>>) dst(%dma_wait3A_113 : memref<51200xf32, #tpu.memory_space<vmem_shared>>)
        tpu.yield
      }) : () -> ()
      %run_scoped3A_103 = arith.constant 14 : i32
      "tpu.region"() ({
        %run_scoped3A_105 = tpu.sem_alloc : memref<!tpu.dma_semaphore, #tpu.memory_space<semaphore_mem>>
        %dma_start3A = arith.constant 0 : i32
        %dma_start3A_106 = tpu.memref_slice %arg4[%run_scoped3A_103, %dma_start3A] : memref<16x128xi32, #tpu.memory_space<vmem>> -> memref<1x128xi32, #tpu.memory_space<vmem>>
        %dma_start3A_107 = tpu.memref_squeeze %dma_start3A_106 : memref<1x128xi32, #tpu.memory_space<vmem>> -> memref<128xi32, #tpu.memory_space<vmem>>
        %dma_start3A_108 = arith.constant 0 : i32
        %dma_start3A_109 = tpu.memref_slice %arg7[%dma_start3A_108] : memref<51200xf32, #tpu.memory_space<vmem_shared>> -> memref<51200xf32, #tpu.memory_space<vmem_shared>>
        tpu.enqueue_indirect_dma source(%arg5 : memref<128xf32, #tpu.memory_space<vmem>>) target(%dma_start3A_109 : memref<51200xf32, #tpu.memory_space<vmem_shared>>) offsets(%dma_start3A_107 : memref<128xi32, #tpu.memory_space<vmem>>) semaphore(%run_scoped3A_105 : memref<!tpu.dma_semaphore, #tpu.memory_space<semaphore_mem>>) {add = true}
        %dma_wait3A = arith.constant 0 : i32
        %dma_wait3A_110 = tpu.memref_slice %arg4[%run_scoped3A_103, %dma_wait3A] : memref<16x128xi32, #tpu.memory_space<vmem>> -> memref<1x128xi32, #tpu.memory_space<vmem>>
        %dma_wait3A_111 = tpu.memref_squeeze %dma_wait3A_110 : memref<1x128xi32, #tpu.memory_space<vmem>> -> memref<128xi32, #tpu.memory_space<vmem>>
        %dma_wait3A_112 = arith.constant 0 : i32
        %dma_wait3A_113 = tpu.memref_slice %arg7[%dma_wait3A_112] : memref<51200xf32, #tpu.memory_space<vmem_shared>> -> memref<51200xf32, #tpu.memory_space<vmem_shared>>
        tpu.wait_indirect_dma semaphore(%run_scoped3A_105 : memref<!tpu.dma_semaphore, #tpu.memory_space<semaphore_mem>>) src(%arg5 : memref<128xf32, #tpu.memory_space<vmem>>) dst(%dma_wait3A_113 : memref<51200xf32, #tpu.memory_space<vmem_shared>>)
        tpu.yield
      }) : () -> ()
      %run_scoped3A_104 = arith.constant 15 : i32
      "tpu.region"() ({
        %run_scoped3A_105 = tpu.sem_alloc : memref<!tpu.dma_semaphore, #tpu.memory_space<semaphore_mem>>
        %dma_start3A = arith.constant 0 : i32
        %dma_start3A_106 = tpu.memref_slice %arg4[%run_scoped3A_104, %dma_start3A] : memref<16x128xi32, #tpu.memory_space<vmem>> -> memref<1x128xi32, #tpu.memory_space<vmem>>
        %dma_start3A_107 = tpu.memref_squeeze %dma_start3A_106 : memref<1x128xi32, #tpu.memory_space<vmem>> -> memref<128xi32, #tpu.memory_space<vmem>>
        %dma_start3A_108 = arith.constant 0 : i32
        %dma_start3A_109 = tpu.memref_slice %arg7[%dma_start3A_108] : memref<51200xf32, #tpu.memory_space<vmem_shared>> -> memref<51200xf32, #tpu.memory_space<vmem_shared>>
        tpu.enqueue_indirect_dma source(%arg5 : memref<128xf32, #tpu.memory_space<vmem>>) target(%dma_start3A_109 : memref<51200xf32, #tpu.memory_space<vmem_shared>>) offsets(%dma_start3A_107 : memref<128xi32, #tpu.memory_space<vmem>>) semaphore(%run_scoped3A_105 : memref<!tpu.dma_semaphore, #tpu.memory_space<semaphore_mem>>) {add = true}
        %dma_wait3A = arith.constant 0 : i32
        %dma_wait3A_110 = tpu.memref_slice %arg4[%run_scoped3A_104, %dma_wait3A] : memref<16x128xi32, #tpu.memory_space<vmem>> -> memref<1x128xi32, #tpu.memory_space<vmem>>
        %dma_wait3A_111 = tpu.memref_squeeze %dma_wait3A_110 : memref<1x128xi32, #tpu.memory_space<vmem>> -> memref<128xi32, #tpu.memory_space<vmem>>
        %dma_wait3A_112 = arith.constant 0 : i32
        %dma_wait3A_113 = tpu.memref_slice %arg7[%dma_wait3A_112] : memref<51200xf32, #tpu.memory_space<vmem_shared>> -> memref<51200xf32, #tpu.memory_space<vmem_shared>>
        tpu.wait_indirect_dma semaphore(%run_scoped3A_105 : memref<!tpu.dma_semaphore, #tpu.memory_space<semaphore_mem>>) src(%arg5 : memref<128xf32, #tpu.memory_space<vmem>>) dst(%dma_wait3A_113 : memref<51200xf32, #tpu.memory_space<vmem_shared>>)
        tpu.yield
      }) : () -> ()
    }
    %scan3A_81 = arith.constant 25 : i32
    %barrier3A_82 = arith.constant 0 : index
    tpu.barrier barrier_id(%barrier3A_82)
    %mul3A_83 = arith.constant 51200 : i32
    %mul3A_84 = arith.muli %arg0, %mul3A_83 : i32
    %add3A_85 = arith.addi %mul3A_84, %mul3A_66 : i32
    "tpu.region"() ({
      %run_scoped3A = tpu.sem_alloc : memref<!tpu.dma_semaphore, #tpu.memory_space<semaphore_mem>>
      %dma_start3A = tpu.memref_slice %arg3[%add3A_85] : memref<102400xf32, #tpu.memory_space<hbm>> -> memref<3200xf32, #tpu.memory_space<hbm>>
      %dma_start3A_86 = tpu.memref_slice %arg7[%mul3A_66] : memref<51200xf32, #tpu.memory_space<vmem_shared>> -> memref<3200xf32, #tpu.memory_space<vmem_shared>>
      tpu.enqueue_dma source(%dma_start3A_86 : memref<3200xf32, #tpu.memory_space<vmem_shared>>) target(%dma_start3A : memref<3200xf32, #tpu.memory_space<hbm>>) target_semaphore(%run_scoped3A : memref<!tpu.dma_semaphore, #tpu.memory_space<semaphore_mem>>)
      %dma_wait3A = tpu.memref_slice %arg3[%add3A_85] : memref<102400xf32, #tpu.memory_space<hbm>> -> memref<3200xf32, #tpu.memory_space<hbm>>
      %dma_wait3A_87 = tpu.memref_slice %arg7[%mul3A_66] : memref<51200xf32, #tpu.memory_space<vmem_shared>> -> memref<3200xf32, #tpu.memory_space<vmem_shared>>
      tpu.wait_dma2 semaphore(%run_scoped3A : memref<!tpu.dma_semaphore, #tpu.memory_space<semaphore_mem>>) src(%dma_wait3A_87 : memref<3200xf32, #tpu.memory_space<vmem_shared>>) dst(%dma_wait3A : memref<3200xf32, #tpu.memory_space<hbm>>)
      tpu.yield
    }) : () -> ()
    return
  }
}

#map = affine_map<(d0, d1) -> (0, 0, 0)>
#map1 = affine_map<(d0, d1) -> (0, 0)>
module attributes {stable_mosaic.version = 14 : i64} {
  func.func @scatter_kernel(%arg0: i32, %arg1: i32, %arg2: memref<2x12800x128xi32, #tpu.memory_space<hbm>>, %arg3: memref<12800x128xi32, #tpu.memory_space<hbm>>, %arg4: memref<102400x32xf32, #tpu.memory_space<hbm>>, %arg5: memref<102400x32xf32, #tpu.memory_space<hbm>>, %arg6: memref<32x128xi32, #tpu.memory_space<vmem>>, %arg7: memref<32x128xi32, #tpu.memory_space<vmem>>, %arg8: memref<4x128x32xf32, #tpu.memory_space<vmem>>, %arg9: memref<51200x32xf32, #tpu.memory_space<vmem_shared>>, %arg10: memref<!tpu.dma_semaphore, #tpu.memory_space<semaphore_mem>>, %arg11: memref<!tpu.dma_semaphore, #tpu.memory_space<semaphore_mem>>) attributes {dimension_semantics = [#tpu.dimension_semantics<core_parallel>, #tpu.dimension_semantics<subcore_parallel>], iteration_bounds = array<i64: 2, 16>, scalar_prefetch = 0 : i64, scratch_operands = 6 : i64, tpu.core_type = #tpu.core_type<sc_vector_subcore>, window_params = [{transform_indices = #map}, {transform_indices = #map1}, {transform_indices = #map1}, {transform_indices = #map1}]} {
    %broadcast_in_dim3A = arith.constant 0.000000e+00 : f32
    %broadcast_in_dim3A_0 = vector.broadcast %broadcast_in_dim3A : f32 to vector<16xf32>
    %scan3A = arith.constant 0 : i32
    %scan3A_1 = arith.constant 0 : i32
    %scan3A_2 = arith.constant 128 : i32
    %scan3A_3 = arith.addi %scan3A_1, %scan3A_2 : i32
    %scan3A_4 = arith.constant 1 : i32
    scf.for %scan3A_24 = %scan3A_1 to %scan3A_3 step %scan3A_4  : i32 {
      %swap3A = arith.constant 0 : i32
      %swap3A_25 = arith.index_cast %swap3A : i32 to index
      %swap3A_26 = arith.index_cast %scan3A_24 : i32 to index
      %swap3A_27 = arith.constant 0 : index
      %swap3A_28 = tpu.vector_load %arg8[%swap3A_25, %swap3A_26, %swap3A_27] {strides = array<i32>} : memref<4x128x32xf32, #tpu.memory_space<vmem>>, vector<1x1x16xf32>,
      %swap3A_29 = vector.shape_cast %swap3A_28 : vector<1x1x16xf32> to vector<16xf32>
      %swap3A_30 = vector.shape_cast %broadcast_in_dim3A_0 : vector<16xf32> to vector<1x1x16xf32>
      tpu.vector_store %arg8[%swap3A_25, %swap3A_26, %swap3A_27], %swap3A_30 {strides = array<i32>} : memref<4x128x32xf32, #tpu.memory_space<vmem>>, vector<1x1x16xf32>,
      %swap3A_31 = arith.constant 0 : i32
      %swap3A_32 = arith.index_cast %swap3A_31 : i32 to index
      %swap3A_33 = arith.index_cast %scan3A_24 : i32 to index
      %swap3A_34 = arith.constant 16 : index
      %swap3A_35 = tpu.vector_load %arg8[%swap3A_32, %swap3A_33, %swap3A_34] {strides = array<i32>} : memref<4x128x32xf32, #tpu.memory_space<vmem>>, vector<1x1x16xf32>,
      %swap3A_36 = vector.shape_cast %swap3A_35 : vector<1x1x16xf32> to vector<16xf32>
      %swap3A_37 = vector.shape_cast %broadcast_in_dim3A_0 : vector<16xf32> to vector<1x1x16xf32>
      tpu.vector_store %arg8[%swap3A_32, %swap3A_33, %swap3A_34], %swap3A_37 {strides = array<i32>} : memref<4x128x32xf32, #tpu.memory_space<vmem>>, vector<1x1x16xf32>,
    }
    %scan3A_5 = arith.constant 128 : i32
    %mul3A = arith.constant 3200 : i32
    %mul3A_6 = arith.muli %arg1, %mul3A : i32
    %scan3A_7 = arith.constant 0 : i32
    %scan3A_8 = arith.constant 0 : i32
    %scan3A_9 = arith.constant 25 : i32
    %scan3A_10 = arith.addi %scan3A_8, %scan3A_9 : i32
    %scan3A_11 = arith.constant 1 : i32
    scf.for %scan3A_24 = %scan3A_8 to %scan3A_10 step %scan3A_11  : i32 {
      %mul3A_25 = arith.constant 128 : i32
      %mul3A_26 = arith.muli %scan3A_24, %mul3A_25 : i32
      %add3A_27 = arith.addi %mul3A_6, %mul3A_26 : i32
      %run_scoped3A = arith.constant 0 : i32
      "tpu.region"() ({
        %run_scoped3A_28 = tpu.sem_alloc : memref<!tpu.dma_semaphore, #tpu.memory_space<semaphore_mem>>
        %dma_start3A = arith.constant 0 : i32
        %dma_start3A_29 = arith.constant 0 : i32
        %dma_start3A_30 = tpu.memref_slice %arg8[%run_scoped3A, %dma_start3A, %dma_start3A_29] : memref<4x128x32xf32, #tpu.memory_space<vmem>> -> memref<1x128x32xf32, #tpu.memory_space<vmem>>
        %dma_start3A_31 = tpu.memref_squeeze %dma_start3A_30 : memref<1x128x32xf32, #tpu.memory_space<vmem>> -> memref<128x32xf32, #tpu.memory_space<vmem>>
        %dma_start3A_32 = arith.constant 0 : i32
        %dma_start3A_33 = tpu.memref_slice %arg9[%add3A_27, %dma_start3A_32] : memref<51200x32xf32, #tpu.memory_space<vmem_shared>> -> memref<128x32xf32, #tpu.memory_space<vmem_shared>>
        %dma_start3A_34 = arith.constant 0 : i32
        %dma_start3A_35 = tpu.memref_slice %arg9[%add3A_27, %dma_start3A_34] : memref<51200x32xf32, #tpu.memory_space<vmem_shared>> -> memref<128x32xf32, #tpu.memory_space<vmem_shared>>
        %dma_start3A_36 = arith.constant 0 : i32
        %dma_start3A_37 = arith.constant 0 : i32
        %dma_start3A_38 = tpu.memref_slice %arg8[%run_scoped3A, %dma_start3A_36, %dma_start3A_37] : memref<4x128x32xf32, #tpu.memory_space<vmem>> -> memref<1x128x32xf32, #tpu.memory_space<vmem>>
        %dma_start3A_39 = tpu.memref_squeeze %dma_start3A_38 : memref<1x128x32xf32, #tpu.memory_space<vmem>> -> memref<128x32xf32, #tpu.memory_space<vmem>>
        tpu.enqueue_dma source(%dma_start3A_39 : memref<128x32xf32, #tpu.memory_space<vmem>>) target(%dma_start3A_35 : memref<128x32xf32, #tpu.memory_space<vmem_shared>>) target_semaphore(%run_scoped3A_28 : memref<!tpu.dma_semaphore, #tpu.memory_space<semaphore_mem>>)
        %dma_wait3A = arith.constant 0 : i32
        %dma_wait3A_40 = arith.constant 0 : i32
        %dma_wait3A_41 = tpu.memref_slice %arg8[%run_scoped3A, %dma_wait3A, %dma_wait3A_40] : memref<4x128x32xf32, #tpu.memory_space<vmem>> -> memref<1x128x32xf32, #tpu.memory_space<vmem>>
        %dma_wait3A_42 = tpu.memref_squeeze %dma_wait3A_41 : memref<1x128x32xf32, #tpu.memory_space<vmem>> -> memref<128x32xf32, #tpu.memory_space<vmem>>
        %dma_wait3A_43 = arith.constant 0 : i32
        %dma_wait3A_44 = tpu.memref_slice %arg9[%add3A_27, %dma_wait3A_43] : memref<51200x32xf32, #tpu.memory_space<vmem_shared>> -> memref<128x32xf32, #tpu.memory_space<vmem_shared>>
        %dma_wait3A_45 = arith.constant 0 : i32
        %dma_wait3A_46 = tpu.memref_slice %arg9[%add3A_27, %dma_wait3A_45] : memref<51200x32xf32, #tpu.memory_space<vmem_shared>> -> memref<128x32xf32, #tpu.memory_space<vmem_shared>>
        %dma_wait3A_47 = arith.constant 0 : i32
        %dma_wait3A_48 = arith.constant 0 : i32
        %dma_wait3A_49 = tpu.memref_slice %arg8[%run_scoped3A, %dma_wait3A_47, %dma_wait3A_48] : memref<4x128x32xf32, #tpu.memory_space<vmem>> -> memref<1x128x32xf32, #tpu.memory_space<vmem>>
        %dma_wait3A_50 = tpu.memref_squeeze %dma_wait3A_49 : memref<1x128x32xf32, #tpu.memory_space<vmem>> -> memref<128x32xf32, #tpu.memory_space<vmem>>
        tpu.wait_dma2 semaphore(%run_scoped3A_28 : memref<!tpu.dma_semaphore, #tpu.memory_space<semaphore_mem>>) src(%dma_wait3A_50 : memref<128x32xf32, #tpu.memory_space<vmem>>) dst(%dma_wait3A_46 : memref<128x32xf32, #tpu.memory_space<vmem_shared>>)
        tpu.yield
      }) : () -> ()
    }
    %scan3A_12 = arith.constant 25 : i32
    %barrier3A = arith.constant 0 : index
    tpu.barrier barrier_id(%barrier3A)
    %mul3A_13 = arith.constant 800 : i32
    %mul3A_14 = arith.muli %arg1, %mul3A_13 : i32
    %scan3A_15 = arith.constant 0 : i32
    %scan3A_16 = arith.constant 0 : i32
    %scan3A_17 = arith.constant 25 : i32
    %scan3A_18 = arith.addi %scan3A_16, %scan3A_17 : i32
    %scan3A_19 = arith.constant 1 : i32
    scf.for %scan3A_24 = %scan3A_16 to %scan3A_18 step %scan3A_19  : i32 {
      %mul3A_25 = arith.constant 32 : i32
      %mul3A_26 = arith.muli %scan3A_24, %mul3A_25 : i32
      %add3A_27 = arith.addi %mul3A_14, %mul3A_26 : i32
      "tpu.region"() ({
        %run_scoped3A_860 = tpu.sem_alloc : memref<!tpu.dma_semaphore, #tpu.memory_space<semaphore_mem>>
        %dma_start3A_861 = arith.constant 0 : i32
        %dma_start3A_862 = tpu.memref_slice %arg2[%arg0, %add3A_27, %dma_start3A_861] : memref<2x12800x128xi32, #tpu.memory_space<hbm>> -> memref<1x32x128xi32, #tpu.memory_space<hbm>>
        %dma_start3A_863 = tpu.memref_squeeze %dma_start3A_862 : memref<1x32x128xi32, #tpu.memory_space<hbm>> -> memref<32x128xi32, #tpu.memory_space<hbm>>
        %dma_start3A_864 = arith.constant 0 : i32
        %dma_start3A_865 = tpu.memref_slice %arg2[%arg0, %add3A_27, %dma_start3A_864] : memref<2x12800x128xi32, #tpu.memory_space<hbm>> -> memref<1x32x128xi32, #tpu.memory_space<hbm>>
        %dma_start3A_866 = tpu.memref_squeeze %dma_start3A_865 : memref<1x32x128xi32, #tpu.memory_space<hbm>> -> memref<32x128xi32, #tpu.memory_space<hbm>>
        tpu.enqueue_dma source(%dma_start3A_866 : memref<32x128xi32, #tpu.memory_space<hbm>>) target(%arg6 : memref<32x128xi32, #tpu.memory_space<vmem>>) target_semaphore(%run_scoped3A_860 : memref<!tpu.dma_semaphore, #tpu.memory_space<semaphore_mem>>)
        %dma_wait3A_867 = arith.constant 0 : i32
        %dma_wait3A_868 = tpu.memref_slice %arg2[%arg0, %add3A_27, %dma_wait3A_867] : memref<2x12800x128xi32, #tpu.memory_space<hbm>> -> memref<1x32x128xi32, #tpu.memory_space<hbm>>
        %dma_wait3A_869 = tpu.memref_squeeze %dma_wait3A_868 : memref<1x32x128xi32, #tpu.memory_space<hbm>> -> memref<32x128xi32, #tpu.memory_space<hbm>>
        %dma_wait3A_870 = arith.constant 0 : i32
        %dma_wait3A_871 = tpu.memref_slice %arg2[%arg0, %add3A_27, %dma_wait3A_870] : memref<2x12800x128xi32, #tpu.memory_space<hbm>> -> memref<1x32x128xi32, #tpu.memory_space<hbm>>
        %dma_wait3A_872 = tpu.memref_squeeze %dma_wait3A_871 : memref<1x32x128xi32, #tpu.memory_space<hbm>> -> memref<32x128xi32, #tpu.memory_space<hbm>>
        tpu.wait_dma2 semaphore(%run_scoped3A_860 : memref<!tpu.dma_semaphore, #tpu.memory_space<semaphore_mem>>) src(%dma_wait3A_872 : memref<32x128xi32, #tpu.memory_space<hbm>>) dst(%arg6 : memref<32x128xi32, #tpu.memory_space<vmem>>)
        tpu.yield
      }) : () -> ()
      %mul3A_28 = arith.constant 32 : i32
      %mul3A_29 = arith.muli %scan3A_24, %mul3A_28 : i32
      %add3A_30 = arith.addi %mul3A_14, %mul3A_29 : i32
      "tpu.region"() ({
        %run_scoped3A_860 = tpu.sem_alloc : memref<!tpu.dma_semaphore, #tpu.memory_space<semaphore_mem>>
        %dma_start3A_861 = arith.constant 0 : i32
        %dma_start3A_862 = tpu.memref_slice %arg3[%add3A_30, %dma_start3A_861] : memref<12800x128xi32, #tpu.memory_space<hbm>> -> memref<32x128xi32, #tpu.memory_space<hbm>>
        %dma_start3A_863 = arith.constant 0 : i32
        %dma_start3A_864 = tpu.memref_slice %arg3[%add3A_30, %dma_start3A_863] : memref<12800x128xi32, #tpu.memory_space<hbm>> -> memref<32x128xi32, #tpu.memory_space<hbm>>
        tpu.enqueue_dma source(%dma_start3A_864 : memref<32x128xi32, #tpu.memory_space<hbm>>) target(%arg7 : memref<32x128xi32, #tpu.memory_space<vmem>>) target_semaphore(%run_scoped3A_860 : memref<!tpu.dma_semaphore, #tpu.memory_space<semaphore_mem>>)
        %dma_wait3A_865 = arith.constant 0 : i32
        %dma_wait3A_866 = tpu.memref_slice %arg3[%add3A_30, %dma_wait3A_865] : memref<12800x128xi32, #tpu.memory_space<hbm>> -> memref<32x128xi32, #tpu.memory_space<hbm>>
        %dma_wait3A_867 = arith.constant 0 : i32
        %dma_wait3A_868 = tpu.memref_slice %arg3[%add3A_30, %dma_wait3A_867] : memref<12800x128xi32, #tpu.memory_space<hbm>> -> memref<32x128xi32, #tpu.memory_space<hbm>>
        tpu.wait_dma2 semaphore(%run_scoped3A_860 : memref<!tpu.dma_semaphore, #tpu.memory_space<semaphore_mem>>) src(%dma_wait3A_868 : memref<32x128xi32, #tpu.memory_space<hbm>>) dst(%arg7 : memref<32x128xi32, #tpu.memory_space<vmem>>)
        tpu.yield
      }) : () -> ()
      %dma_start3A = arith.constant 0 : i32
      %dma_start3A_31 = arith.constant 0 : i32
      %dma_start3A_32 = arith.constant 0 : i32
      %dma_start3A_33 = arith.constant 0 : i32
      %dma_start3A_34 = tpu.memref_slice %arg8[%dma_start3A_31, %dma_start3A_32, %dma_start3A_33] : memref<4x128x32xf32, #tpu.memory_space<vmem>> -> memref<1x128x32xf32, #tpu.memory_space<vmem>>
      %dma_start3A_35 = tpu.memref_squeeze %dma_start3A_34 : memref<1x128x32xf32, #tpu.memory_space<vmem>> -> memref<128x32xf32, #tpu.memory_space<vmem>>
      %dma_start3A_36 = arith.constant 0 : i32
      %dma_start3A_37 = tpu.memref_slice %arg6[%dma_start3A, %dma_start3A_36] : memref<32x128xi32, #tpu.memory_space<vmem>> -> memref<1x128xi32, #tpu.memory_space<vmem>>
      %dma_start3A_38 = tpu.memref_squeeze %dma_start3A_37 : memref<1x128xi32, #tpu.memory_space<vmem>> -> memref<128xi32, #tpu.memory_space<vmem>>
      %dma_start3A_39 = arith.constant 0 : i32
      %dma_start3A_40 = arith.constant 0 : i32
      %dma_start3A_41 = tpu.memref_slice %arg4[%dma_start3A_39, %dma_start3A_40] : memref<102400x32xf32, #tpu.memory_space<hbm>> -> memref<102400x32xf32, #tpu.memory_space<hbm>>
      tpu.enqueue_indirect_dma source(%dma_start3A_41 : memref<102400x32xf32, #tpu.memory_space<hbm>>) target(%dma_start3A_35 : memref<128x32xf32, #tpu.memory_space<vmem>>) offsets(%dma_start3A_38 : memref<128xi32, #tpu.memory_space<vmem>>) semaphore(%arg10 : memref<!tpu.dma_semaphore, #tpu.memory_space<semaphore_mem>>)
      %dma_start3A_42 = arith.constant 1 : i32
      %dma_start3A_43 = arith.constant 1 : i32
      %dma_start3A_44 = arith.constant 0 : i32
      %dma_start3A_45 = arith.constant 0 : i32
      %dma_start3A_46 = tpu.memref_slice %arg8[%dma_start3A_43, %dma_start3A_44, %dma_start3A_45] : memref<4x128x32xf32, #tpu.memory_space<vmem>> -> memref<1x128x32xf32, #tpu.memory_space<vmem>>
      %dma_start3A_47 = tpu.memref_squeeze %dma_start3A_46 : memref<1x128x32xf32, #tpu.memory_space<vmem>> -> memref<128x32xf32, #tpu.memory_space<vmem>>
      %dma_start3A_48 = arith.constant 0 : i32
      %dma_start3A_49 = tpu.memref_slice %arg6[%dma_start3A_42, %dma_start3A_48] : memref<32x128xi32, #tpu.memory_space<vmem>> -> memref<1x128xi32, #tpu.memory_space<vmem>>
      %dma_start3A_50 = tpu.memref_squeeze %dma_start3A_49 : memref<1x128xi32, #tpu.memory_space<vmem>> -> memref<128xi32, #tpu.memory_space<vmem>>
      %dma_start3A_51 = arith.constant 0 : i32
      %dma_start3A_52 = arith.constant 0 : i32
      %dma_start3A_53 = tpu.memref_slice %arg4[%dma_start3A_51, %dma_start3A_52] : memref<102400x32xf32, #tpu.memory_space<hbm>> -> memref<102400x32xf32, #tpu.memory_space<hbm>>
      tpu.enqueue_indirect_dma source(%dma_start3A_53 : memref<102400x32xf32, #tpu.memory_space<hbm>>) target(%dma_start3A_47 : memref<128x32xf32, #tpu.memory_space<vmem>>) offsets(%dma_start3A_50 : memref<128xi32, #tpu.memory_space<vmem>>) semaphore(%arg10 : memref<!tpu.dma_semaphore, #tpu.memory_space<semaphore_mem>>)
      %dma_start3A_54 = arith.constant 2 : i32
      %dma_start3A_55 = arith.constant 2 : i32
      %dma_start3A_56 = arith.constant 0 : i32
      %dma_start3A_57 = arith.constant 0 : i32
      %dma_start3A_58 = tpu.memref_slice %arg8[%dma_start3A_55, %dma_start3A_56, %dma_start3A_57] : memref<4x128x32xf32, #tpu.memory_space<vmem>> -> memref<1x128x32xf32, #tpu.memory_space<vmem>>
      %dma_start3A_59 = tpu.memref_squeeze %dma_start3A_58 : memref<1x128x32xf32, #tpu.memory_space<vmem>> -> memref<128x32xf32, #tpu.memory_space<vmem>>
      %dma_start3A_60 = arith.constant 0 : i32
      %dma_start3A_61 = tpu.memref_slice %arg6[%dma_start3A_54, %dma_start3A_60] : memref<32x128xi32, #tpu.memory_space<vmem>> -> memref<1x128xi32, #tpu.memory_space<vmem>>
      %dma_start3A_62 = tpu.memref_squeeze %dma_start3A_61 : memref<1x128xi32, #tpu.memory_space<vmem>> -> memref<128xi32, #tpu.memory_space<vmem>>
      %dma_start3A_63 = arith.constant 0 : i32
      %dma_start3A_64 = arith.constant 0 : i32
      %dma_start3A_65 = tpu.memref_slice %arg4[%dma_start3A_63, %dma_start3A_64] : memref<102400x32xf32, #tpu.memory_space<hbm>> -> memref<102400x32xf32, #tpu.memory_space<hbm>>
      tpu.enqueue_indirect_dma source(%dma_start3A_65 : memref<102400x32xf32, #tpu.memory_space<hbm>>) target(%dma_start3A_59 : memref<128x32xf32, #tpu.memory_space<vmem>>) offsets(%dma_start3A_62 : memref<128xi32, #tpu.memory_space<vmem>>) semaphore(%arg11 : memref<!tpu.dma_semaphore, #tpu.memory_space<semaphore_mem>>)
      %dma_start3A_66 = arith.constant 3 : i32
      %dma_start3A_67 = arith.constant 3 : i32
      %dma_start3A_68 = arith.constant 0 : i32
      %dma_start3A_69 = arith.constant 0 : i32
      %dma_start3A_70 = tpu.memref_slice %arg8[%dma_start3A_67, %dma_start3A_68, %dma_start3A_69] : memref<4x128x32xf32, #tpu.memory_space<vmem>> -> memref<1x128x32xf32, #tpu.memory_space<vmem>>
      %dma_start3A_71 = tpu.memref_squeeze %dma_start3A_70 : memref<1x128x32xf32, #tpu.memory_space<vmem>> -> memref<128x32xf32, #tpu.memory_space<vmem>>
      %dma_start3A_72 = arith.constant 0 : i32
      %dma_start3A_73 = tpu.memref_slice %arg6[%dma_start3A_66, %dma_start3A_72] : memref<32x128xi32, #tpu.memory_space<vmem>> -> memref<1x128xi32, #tpu.memory_space<vmem>>
      %dma_start3A_74 = tpu.memref_squeeze %dma_start3A_73 : memref<1x128xi32, #tpu.memory_space<vmem>> -> memref<128xi32, #tpu.memory_space<vmem>>
      %dma_start3A_75 = arith.constant 0 : i32
      %dma_start3A_76 = arith.constant 0 : i32
      %dma_start3A_77 = tpu.memref_slice %arg4[%dma_start3A_75, %dma_start3A_76] : memref<102400x32xf32, #tpu.memory_space<hbm>> -> memref<102400x32xf32, #tpu.memory_space<hbm>>
      tpu.enqueue_indirect_dma source(%dma_start3A_77 : memref<102400x32xf32, #tpu.memory_space<hbm>>) target(%dma_start3A_71 : memref<128x32xf32, #tpu.memory_space<vmem>>) offsets(%dma_start3A_74 : memref<128xi32, #tpu.memory_space<vmem>>) semaphore(%arg11 : memref<!tpu.dma_semaphore, #tpu.memory_space<semaphore_mem>>)
      %dma_wait3A = arith.constant 0 : i32
      %dma_wait3A_78 = arith.constant 0 : i32
      %dma_wait3A_79 = arith.constant 0 : i32
      %dma_wait3A_80 = arith.constant 0 : i32
      %dma_wait3A_81 = tpu.memref_slice %arg8[%dma_wait3A_78, %dma_wait3A_79, %dma_wait3A_80] : memref<4x128x32xf32, #tpu.memory_space<vmem>> -> memref<1x128x32xf32, #tpu.memory_space<vmem>>
      %dma_wait3A_82 = tpu.memref_squeeze %dma_wait3A_81 : memref<1x128x32xf32, #tpu.memory_space<vmem>> -> memref<128x32xf32, #tpu.memory_space<vmem>>
      %dma_wait3A_83 = arith.constant 0 : i32
      %dma_wait3A_84 = tpu.memref_slice %arg6[%dma_wait3A, %dma_wait3A_83] : memref<32x128xi32, #tpu.memory_space<vmem>> -> memref<1x128xi32, #tpu.memory_space<vmem>>
      %dma_wait3A_85 = tpu.memref_squeeze %dma_wait3A_84 : memref<1x128xi32, #tpu.memory_space<vmem>> -> memref<128xi32, #tpu.memory_space<vmem>>
      %dma_wait3A_86 = arith.constant 0 : i32
      %dma_wait3A_87 = arith.constant 0 : i32
      %dma_wait3A_88 = tpu.memref_slice %arg4[%dma_wait3A_86, %dma_wait3A_87] : memref<102400x32xf32, #tpu.memory_space<hbm>> -> memref<102400x32xf32, #tpu.memory_space<hbm>>
      tpu.wait_indirect_dma semaphore(%arg10 : memref<!tpu.dma_semaphore, #tpu.memory_space<semaphore_mem>>) src(%dma_wait3A_88 : memref<102400x32xf32, #tpu.memory_space<hbm>>) dst(%dma_wait3A_82 : memref<128x32xf32, #tpu.memory_space<vmem>>)
      %dma_wait3A_89 = arith.constant 1 : i32
      %dma_wait3A_90 = arith.constant 1 : i32
      %dma_wait3A_91 = arith.constant 0 : i32
      %dma_wait3A_92 = arith.constant 0 : i32
      %dma_wait3A_93 = tpu.memref_slice %arg8[%dma_wait3A_90, %dma_wait3A_91, %dma_wait3A_92] : memref<4x128x32xf32, #tpu.memory_space<vmem>> -> memref<1x128x32xf32, #tpu.memory_space<vmem>>
      %dma_wait3A_94 = tpu.memref_squeeze %dma_wait3A_93 : memref<1x128x32xf32, #tpu.memory_space<vmem>> -> memref<128x32xf32, #tpu.memory_space<vmem>>
      %dma_wait3A_95 = arith.constant 0 : i32
      %dma_wait3A_96 = tpu.memref_slice %arg6[%dma_wait3A_89, %dma_wait3A_95] : memref<32x128xi32, #tpu.memory_space<vmem>> -> memref<1x128xi32, #tpu.memory_space<vmem>>
      %dma_wait3A_97 = tpu.memref_squeeze %dma_wait3A_96 : memref<1x128xi32, #tpu.memory_space<vmem>> -> memref<128xi32, #tpu.memory_space<vmem>>
      %dma_wait3A_98 = arith.constant 0 : i32
      %dma_wait3A_99 = arith.constant 0 : i32
      %dma_wait3A_100 = tpu.memref_slice %arg4[%dma_wait3A_98, %dma_wait3A_99] : memref<102400x32xf32, #tpu.memory_space<hbm>> -> memref<102400x32xf32, #tpu.memory_space<hbm>>
      tpu.wait_indirect_dma semaphore(%arg10 : memref<!tpu.dma_semaphore, #tpu.memory_space<semaphore_mem>>) src(%dma_wait3A_100 : memref<102400x32xf32, #tpu.memory_space<hbm>>) dst(%dma_wait3A_94 : memref<128x32xf32, #tpu.memory_space<vmem>>)
      %run_scoped3A = arith.constant 0 : i32
      %run_scoped3A_101 = arith.constant 0 : i32
      "tpu.region"() ({
        %run_scoped3A_860 = tpu.sem_alloc : memref<!tpu.dma_semaphore, #tpu.memory_space<semaphore_mem>>
        %dma_start3A_861 = arith.constant 0 : i32
        %dma_start3A_862 = arith.constant 0 : i32
        %dma_start3A_863 = tpu.memref_slice %arg8[%run_scoped3A, %dma_start3A_861, %dma_start3A_862] : memref<4x128x32xf32, #tpu.memory_space<vmem>> -> memref<1x128x32xf32, #tpu.memory_space<vmem>>
        %dma_start3A_864 = tpu.memref_squeeze %dma_start3A_863 : memref<1x128x32xf32, #tpu.memory_space<vmem>> -> memref<128x32xf32, #tpu.memory_space<vmem>>
        %dma_start3A_865 = arith.constant 0 : i32
        %dma_start3A_866 = tpu.memref_slice %arg7[%run_scoped3A_101, %dma_start3A_865] : memref<32x128xi32, #tpu.memory_space<vmem>> -> memref<1x128xi32, #tpu.memory_space<vmem>>
        %dma_start3A_867 = tpu.memref_squeeze %dma_start3A_866 : memref<1x128xi32, #tpu.memory_space<vmem>> -> memref<128xi32, #tpu.memory_space<vmem>>
        %dma_start3A_868 = arith.constant 0 : i32
        %dma_start3A_869 = arith.constant 0 : i32
        %dma_start3A_870 = tpu.memref_slice %arg9[%dma_start3A_868, %dma_start3A_869] : memref<51200x32xf32, #tpu.memory_space<vmem_shared>> -> memref<51200x32xf32, #tpu.memory_space<vmem_shared>>
        tpu.enqueue_indirect_dma source(%dma_start3A_864 : memref<128x32xf32, #tpu.memory_space<vmem>>) target(%dma_start3A_870 : memref<51200x32xf32, #tpu.memory_space<vmem_shared>>) offsets(%dma_start3A_867 : memref<128xi32, #tpu.memory_space<vmem>>) semaphore(%run_scoped3A_860 : memref<!tpu.dma_semaphore, #tpu.memory_space<semaphore_mem>>) {add = true}
        %dma_wait3A_871 = arith.constant 0 : i32
        %dma_wait3A_872 = arith.constant 0 : i32
        %dma_wait3A_873 = tpu.memref_slice %arg8[%run_scoped3A, %dma_wait3A_871, %dma_wait3A_872] : memref<4x128x32xf32, #tpu.memory_space<vmem>> -> memref<1x128x32xf32, #tpu.memory_space<vmem>>
        %dma_wait3A_874 = tpu.memref_squeeze %dma_wait3A_873 : memref<1x128x32xf32, #tpu.memory_space<vmem>> -> memref<128x32xf32, #tpu.memory_space<vmem>>
        %dma_wait3A_875 = arith.constant 0 : i32
        %dma_wait3A_876 = tpu.memref_slice %arg7[%run_scoped3A_101, %dma_wait3A_875] : memref<32x128xi32, #tpu.memory_space<vmem>> -> memref<1x128xi32, #tpu.memory_space<vmem>>
        %dma_wait3A_877 = tpu.memref_squeeze %dma_wait3A_876 : memref<1x128xi32, #tpu.memory_space<vmem>> -> memref<128xi32, #tpu.memory_space<vmem>>
        %dma_wait3A_878 = arith.constant 0 : i32
        %dma_wait3A_879 = arith.constant 0 : i32
        %dma_wait3A_880 = tpu.memref_slice %arg9[%dma_wait3A_878, %dma_wait3A_879] : memref<51200x32xf32, #tpu.memory_space<vmem_shared>> -> memref<51200x32xf32, #tpu.memory_space<vmem_shared>>
        tpu.wait_indirect_dma semaphore(%run_scoped3A_860 : memref<!tpu.dma_semaphore, #tpu.memory_space<semaphore_mem>>) src(%dma_wait3A_874 : memref<128x32xf32, #tpu.memory_space<vmem>>) dst(%dma_wait3A_880 : memref<51200x32xf32, #tpu.memory_space<vmem_shared>>)
        tpu.yield
      }) : () -> ()
      %run_scoped3A_102 = arith.constant 1 : i32
      %run_scoped3A_103 = arith.constant 1 : i32
      "tpu.region"() ({
        %run_scoped3A_860 = tpu.sem_alloc : memref<!tpu.dma_semaphore, #tpu.memory_space<semaphore_mem>>
        %dma_start3A_861 = arith.constant 0 : i32
        %dma_start3A_862 = arith.constant 0 : i32
        %dma_start3A_863 = tpu.memref_slice %arg8[%run_scoped3A_102, %dma_start3A_861, %dma_start3A_862] : memref<4x128x32xf32, #tpu.memory_space<vmem>> -> memref<1x128x32xf32, #tpu.memory_space<vmem>>
        %dma_start3A_864 = tpu.memref_squeeze %dma_start3A_863 : memref<1x128x32xf32, #tpu.memory_space<vmem>> -> memref<128x32xf32, #tpu.memory_space<vmem>>
        %dma_start3A_865 = arith.constant 0 : i32
        %dma_start3A_866 = tpu.memref_slice %arg7[%run_scoped3A_103, %dma_start3A_865] : memref<32x128xi32, #tpu.memory_space<vmem>> -> memref<1x128xi32, #tpu.memory_space<vmem>>
        %dma_start3A_867 = tpu.memref_squeeze %dma_start3A_866 : memref<1x128xi32, #tpu.memory_space<vmem>> -> memref<128xi32, #tpu.memory_space<vmem>>
        %dma_start3A_868 = arith.constant 0 : i32
        %dma_start3A_869 = arith.constant 0 : i32
        %dma_start3A_870 = tpu.memref_slice %arg9[%dma_start3A_868, %dma_start3A_869] : memref<51200x32xf32, #tpu.memory_space<vmem_shared>> -> memref<51200x32xf32, #tpu.memory_space<vmem_shared>>
        tpu.enqueue_indirect_dma source(%dma_start3A_864 : memref<128x32xf32, #tpu.memory_space<vmem>>) target(%dma_start3A_870 : memref<51200x32xf32, #tpu.memory_space<vmem_shared>>) offsets(%dma_start3A_867 : memref<128xi32, #tpu.memory_space<vmem>>) semaphore(%run_scoped3A_860 : memref<!tpu.dma_semaphore, #tpu.memory_space<semaphore_mem>>) {add = true}
        %dma_wait3A_871 = arith.constant 0 : i32
        %dma_wait3A_872 = arith.constant 0 : i32
        %dma_wait3A_873 = tpu.memref_slice %arg8[%run_scoped3A_102, %dma_wait3A_871, %dma_wait3A_872] : memref<4x128x32xf32, #tpu.memory_space<vmem>> -> memref<1x128x32xf32, #tpu.memory_space<vmem>>
        %dma_wait3A_874 = tpu.memref_squeeze %dma_wait3A_873 : memref<1x128x32xf32, #tpu.memory_space<vmem>> -> memref<128x32xf32, #tpu.memory_space<vmem>>
        %dma_wait3A_875 = arith.constant 0 : i32
        %dma_wait3A_876 = tpu.memref_slice %arg7[%run_scoped3A_103, %dma_wait3A_875] : memref<32x128xi32, #tpu.memory_space<vmem>> -> memref<1x128xi32, #tpu.memory_space<vmem>>
        %dma_wait3A_877 = tpu.memref_squeeze %dma_wait3A_876 : memref<1x128xi32, #tpu.memory_space<vmem>> -> memref<128xi32, #tpu.memory_space<vmem>>
        %dma_wait3A_878 = arith.constant 0 : i32
        %dma_wait3A_879 = arith.constant 0 : i32
        %dma_wait3A_880 = tpu.memref_slice %arg9[%dma_wait3A_878, %dma_wait3A_879] : memref<51200x32xf32, #tpu.memory_space<vmem_shared>> -> memref<51200x32xf32, #tpu.memory_space<vmem_shared>>
        tpu.wait_indirect_dma semaphore(%run_scoped3A_860 : memref<!tpu.dma_semaphore, #tpu.memory_space<semaphore_mem>>) src(%dma_wait3A_874 : memref<128x32xf32, #tpu.memory_space<vmem>>) dst(%dma_wait3A_880 : memref<51200x32xf32, #tpu.memory_space<vmem_shared>>)
        tpu.yield
      }) : () -> ()
      %dma_wait3A_104 = arith.constant 2 : i32
      %dma_wait3A_105 = arith.constant 2 : i32
      %dma_wait3A_106 = arith.constant 0 : i32
      %dma_wait3A_107 = arith.constant 0 : i32
      %dma_wait3A_108 = tpu.memref_slice %arg8[%dma_wait3A_105, %dma_wait3A_106, %dma_wait3A_107] : memref<4x128x32xf32, #tpu.memory_space<vmem>> -> memref<1x128x32xf32, #tpu.memory_space<vmem>>
      %dma_wait3A_109 = tpu.memref_squeeze %dma_wait3A_108 : memref<1x128x32xf32, #tpu.memory_space<vmem>> -> memref<128x32xf32, #tpu.memory_space<vmem>>
      %dma_wait3A_110 = arith.constant 0 : i32
      %dma_wait3A_111 = tpu.memref_slice %arg6[%dma_wait3A_104, %dma_wait3A_110] : memref<32x128xi32, #tpu.memory_space<vmem>> -> memref<1x128xi32, #tpu.memory_space<vmem>>
      %dma_wait3A_112 = tpu.memref_squeeze %dma_wait3A_111 : memref<1x128xi32, #tpu.memory_space<vmem>> -> memref<128xi32, #tpu.memory_space<vmem>>
      %dma_wait3A_113 = arith.constant 0 : i32
      %dma_wait3A_114 = arith.constant 0 : i32
      %dma_wait3A_115 = tpu.memref_slice %arg4[%dma_wait3A_113, %dma_wait3A_114] : memref<102400x32xf32, #tpu.memory_space<hbm>> -> memref<102400x32xf32, #tpu.memory_space<hbm>>
      tpu.wait_indirect_dma semaphore(%arg11 : memref<!tpu.dma_semaphore, #tpu.memory_space<semaphore_mem>>) src(%dma_wait3A_115 : memref<102400x32xf32, #tpu.memory_space<hbm>>) dst(%dma_wait3A_109 : memref<128x32xf32, #tpu.memory_space<vmem>>)
      %dma_wait3A_116 = arith.constant 3 : i32
      %dma_wait3A_117 = arith.constant 3 : i32
      %dma_wait3A_118 = arith.constant 0 : i32
      %dma_wait3A_119 = arith.constant 0 : i32
      %dma_wait3A_120 = tpu.memref_slice %arg8[%dma_wait3A_117, %dma_wait3A_118, %dma_wait3A_119] : memref<4x128x32xf32, #tpu.memory_space<vmem>> -> memref<1x128x32xf32, #tpu.memory_space<vmem>>
      %dma_wait3A_121 = tpu.memref_squeeze %dma_wait3A_120 : memref<1x128x32xf32, #tpu.memory_space<vmem>> -> memref<128x32xf32, #tpu.memory_space<vmem>>
      %dma_wait3A_122 = arith.constant 0 : i32
      %dma_wait3A_123 = tpu.memref_slice %arg6[%dma_wait3A_116, %dma_wait3A_122] : memref<32x128xi32, #tpu.memory_space<vmem>> -> memref<1x128xi32, #tpu.memory_space<vmem>>
      %dma_wait3A_124 = tpu.memref_squeeze %dma_wait3A_123 : memref<1x128xi32, #tpu.memory_space<vmem>> -> memref<128xi32, #tpu.memory_space<vmem>>
      %dma_wait3A_125 = arith.constant 0 : i32
      %dma_wait3A_126 = arith.constant 0 : i32
      %dma_wait3A_127 = tpu.memref_slice %arg4[%dma_wait3A_125, %dma_wait3A_126] : memref<102400x32xf32, #tpu.memory_space<hbm>> -> memref<102400x32xf32, #tpu.memory_space<hbm>>
      tpu.wait_indirect_dma semaphore(%arg11 : memref<!tpu.dma_semaphore, #tpu.memory_space<semaphore_mem>>) src(%dma_wait3A_127 : memref<102400x32xf32, #tpu.memory_space<hbm>>) dst(%dma_wait3A_121 : memref<128x32xf32, #tpu.memory_space<vmem>>)
      %run_scoped3A_128 = arith.constant 2 : i32
      %run_scoped3A_129 = arith.constant 2 : i32
      "tpu.region"() ({
        %run_scoped3A_860 = tpu.sem_alloc : memref<!tpu.dma_semaphore, #tpu.memory_space<semaphore_mem>>
        %dma_start3A_861 = arith.constant 0 : i32
        %dma_start3A_862 = arith.constant 0 : i32
        %dma_start3A_863 = tpu.memref_slice %arg8[%run_scoped3A_128, %dma_start3A_861, %dma_start3A_862] : memref<4x128x32xf32, #tpu.memory_space<vmem>> -> memref<1x128x32xf32, #tpu.memory_space<vmem>>
        %dma_start3A_864 = tpu.memref_squeeze %dma_start3A_863 : memref<1x128x32xf32, #tpu.memory_space<vmem>> -> memref<128x32xf32, #tpu.memory_space<vmem>>
        %dma_start3A_865 = arith.constant 0 : i32
        %dma_start3A_866 = tpu.memref_slice %arg7[%run_scoped3A_129, %dma_start3A_865] : memref<32x128xi32, #tpu.memory_space<vmem>> -> memref<1x128xi32, #tpu.memory_space<vmem>>
        %dma_start3A_867 = tpu.memref_squeeze %dma_start3A_866 : memref<1x128xi32, #tpu.memory_space<vmem>> -> memref<128xi32, #tpu.memory_space<vmem>>
        %dma_start3A_868 = arith.constant 0 : i32
        %dma_start3A_869 = arith.constant 0 : i32
        %dma_start3A_870 = tpu.memref_slice %arg9[%dma_start3A_868, %dma_start3A_869] : memref<51200x32xf32, #tpu.memory_space<vmem_shared>> -> memref<51200x32xf32, #tpu.memory_space<vmem_shared>>
        tpu.enqueue_indirect_dma source(%dma_start3A_864 : memref<128x32xf32, #tpu.memory_space<vmem>>) target(%dma_start3A_870 : memref<51200x32xf32, #tpu.memory_space<vmem_shared>>) offsets(%dma_start3A_867 : memref<128xi32, #tpu.memory_space<vmem>>) semaphore(%run_scoped3A_860 : memref<!tpu.dma_semaphore, #tpu.memory_space<semaphore_mem>>) {add = true}
        %dma_wait3A_871 = arith.constant 0 : i32
        %dma_wait3A_872 = arith.constant 0 : i32
        %dma_wait3A_873 = tpu.memref_slice %arg8[%run_scoped3A_128, %dma_wait3A_871, %dma_wait3A_872] : memref<4x128x32xf32, #tpu.memory_space<vmem>> -> memref<1x128x32xf32, #tpu.memory_space<vmem>>
        %dma_wait3A_874 = tpu.memref_squeeze %dma_wait3A_873 : memref<1x128x32xf32, #tpu.memory_space<vmem>> -> memref<128x32xf32, #tpu.memory_space<vmem>>
        %dma_wait3A_875 = arith.constant 0 : i32
        %dma_wait3A_876 = tpu.memref_slice %arg7[%run_scoped3A_129, %dma_wait3A_875] : memref<32x128xi32, #tpu.memory_space<vmem>> -> memref<1x128xi32, #tpu.memory_space<vmem>>
        %dma_wait3A_877 = tpu.memref_squeeze %dma_wait3A_876 : memref<1x128xi32, #tpu.memory_space<vmem>> -> memref<128xi32, #tpu.memory_space<vmem>>
        %dma_wait3A_878 = arith.constant 0 : i32
        %dma_wait3A_879 = arith.constant 0 : i32
        %dma_wait3A_880 = tpu.memref_slice %arg9[%dma_wait3A_878, %dma_wait3A_879] : memref<51200x32xf32, #tpu.memory_space<vmem_shared>> -> memref<51200x32xf32, #tpu.memory_space<vmem_shared>>
        tpu.wait_indirect_dma semaphore(%run_scoped3A_860 : memref<!tpu.dma_semaphore, #tpu.memory_space<semaphore_mem>>) src(%dma_wait3A_874 : memref<128x32xf32, #tpu.memory_space<vmem>>) dst(%dma_wait3A_880 : memref<51200x32xf32, #tpu.memory_space<vmem_shared>>)
        tpu.yield
      }) : () -> ()
      %run_scoped3A_130 = arith.constant 3 : i32
      %run_scoped3A_131 = arith.constant 3 : i32
      "tpu.region"() ({
        %run_scoped3A_860 = tpu.sem_alloc : memref<!tpu.dma_semaphore, #tpu.memory_space<semaphore_mem>>
        %dma_start3A_861 = arith.constant 0 : i32
        %dma_start3A_862 = arith.constant 0 : i32
        %dma_start3A_863 = tpu.memref_slice %arg8[%run_scoped3A_130, %dma_start3A_861, %dma_start3A_862] : memref<4x128x32xf32, #tpu.memory_space<vmem>> -> memref<1x128x32xf32, #tpu.memory_space<vmem>>
        %dma_start3A_864 = tpu.memref_squeeze %dma_start3A_863 : memref<1x128x32xf32, #tpu.memory_space<vmem>> -> memref<128x32xf32, #tpu.memory_space<vmem>>
        %dma_start3A_865 = arith.constant 0 : i32
        %dma_start3A_866 = tpu.memref_slice %arg7[%run_scoped3A_131, %dma_start3A_865] : memref<32x128xi32, #tpu.memory_space<vmem>> -> memref<1x128xi32, #tpu.memory_space<vmem>>
        %dma_start3A_867 = tpu.memref_squeeze %dma_start3A_866 : memref<1x128xi32, #tpu.memory_space<vmem>> -> memref<128xi32, #tpu.memory_space<vmem>>
        %dma_start3A_868 = arith.constant 0 : i32
        %dma_start3A_869 = arith.constant 0 : i32
        %dma_start3A_870 = tpu.memref_slice %arg9[%dma_start3A_868, %dma_start3A_869] : memref<51200x32xf32, #tpu.memory_space<vmem_shared>> -> memref<51200x32xf32, #tpu.memory_space<vmem_shared>>
        tpu.enqueue_indirect_dma source(%dma_start3A_864 : memref<128x32xf32, #tpu.memory_space<vmem>>) target(%dma_start3A_870 : memref<51200x32xf32, #tpu.memory_space<vmem_shared>>) offsets(%dma_start3A_867 : memref<128xi32, #tpu.memory_space<vmem>>) semaphore(%run_scoped3A_860 : memref<!tpu.dma_semaphore, #tpu.memory_space<semaphore_mem>>) {add = true}
        %dma_wait3A_871 = arith.constant 0 : i32
        %dma_wait3A_872 = arith.constant 0 : i32
        %dma_wait3A_873 = tpu.memref_slice %arg8[%run_scoped3A_130, %dma_wait3A_871, %dma_wait3A_872] : memref<4x128x32xf32, #tpu.memory_space<vmem>> -> memref<1x128x32xf32, #tpu.memory_space<vmem>>
        %dma_wait3A_874 = tpu.memref_squeeze %dma_wait3A_873 : memref<1x128x32xf32, #tpu.memory_space<vmem>> -> memref<128x32xf32, #tpu.memory_space<vmem>>
        %dma_wait3A_875 = arith.constant 0 : i32
        %dma_wait3A_876 = tpu.memref_slice %arg7[%run_scoped3A_131, %dma_wait3A_875] : memref<32x128xi32, #tpu.memory_space<vmem>> -> memref<1x128xi32, #tpu.memory_space<vmem>>
        %dma_wait3A_877 = tpu.memref_squeeze %dma_wait3A_876 : memref<1x128xi32, #tpu.memory_space<vmem>> -> memref<128xi32, #tpu.memory_space<vmem>>
        %dma_wait3A_878 = arith.constant 0 : i32
        %dma_wait3A_879 = arith.constant 0 : i32
        %dma_wait3A_880 = tpu.memref_slice %arg9[%dma_wait3A_878, %dma_wait3A_879] : memref<51200x32xf32, #tpu.memory_space<vmem_shared>> -> memref<51200x32xf32, #tpu.memory_space<vmem_shared>>
        tpu.wait_indirect_dma semaphore(%run_scoped3A_860 : memref<!tpu.dma_semaphore, #tpu.memory_space<semaphore_mem>>) src(%dma_wait3A_874 : memref<128x32xf32, #tpu.memory_space<vmem>>) dst(%dma_wait3A_880 : memref<51200x32xf32, #tpu.memory_space<vmem_shared>>)
        tpu.yield
      }) : () -> ()
      %dma_start3A_132 = arith.constant 4 : i32
      %dma_start3A_133 = arith.constant 0 : i32
      %dma_start3A_134 = arith.constant 0 : i32
      %dma_start3A_135 = arith.constant 0 : i32
      %dma_start3A_136 = tpu.memref_slice %arg8[%dma_start3A_133, %dma_start3A_134, %dma_start3A_135] : memref<4x128x32xf32, #tpu.memory_space<vmem>> -> memref<1x128x32xf32, #tpu.memory_space<vmem>>
      %dma_start3A_137 = tpu.memref_squeeze %dma_start3A_136 : memref<1x128x32xf32, #tpu.memory_space<vmem>> -> memref<128x32xf32, #tpu.memory_space<vmem>>
      %dma_start3A_138 = arith.constant 0 : i32
      %dma_start3A_139 = tpu.memref_slice %arg6[%dma_start3A_132, %dma_start3A_138] : memref<32x128xi32, #tpu.memory_space<vmem>> -> memref<1x128xi32, #tpu.memory_space<vmem>>
      %dma_start3A_140 = tpu.memref_squeeze %dma_start3A_139 : memref<1x128xi32, #tpu.memory_space<vmem>> -> memref<128xi32, #tpu.memory_space<vmem>>
      %dma_start3A_141 = arith.constant 0 : i32
      %dma_start3A_142 = arith.constant 0 : i32
      %dma_start3A_143 = tpu.memref_slice %arg4[%dma_start3A_141, %dma_start3A_142] : memref<102400x32xf32, #tpu.memory_space<hbm>> -> memref<102400x32xf32, #tpu.memory_space<hbm>>
      tpu.enqueue_indirect_dma source(%dma_start3A_143 : memref<102400x32xf32, #tpu.memory_space<hbm>>) target(%dma_start3A_137 : memref<128x32xf32, #tpu.memory_space<vmem>>) offsets(%dma_start3A_140 : memref<128xi32, #tpu.memory_space<vmem>>) semaphore(%arg10 : memref<!tpu.dma_semaphore, #tpu.memory_space<semaphore_mem>>)
      %dma_start3A_144 = arith.constant 5 : i32
      %dma_start3A_145 = arith.constant 1 : i32
      %dma_start3A_146 = arith.constant 0 : i32
      %dma_start3A_147 = arith.constant 0 : i32
      %dma_start3A_148 = tpu.memref_slice %arg8[%dma_start3A_145, %dma_start3A_146, %dma_start3A_147] : memref<4x128x32xf32, #tpu.memory_space<vmem>> -> memref<1x128x32xf32, #tpu.memory_space<vmem>>
      %dma_start3A_149 = tpu.memref_squeeze %dma_start3A_148 : memref<1x128x32xf32, #tpu.memory_space<vmem>> -> memref<128x32xf32, #tpu.memory_space<vmem>>
      %dma_start3A_150 = arith.constant 0 : i32
      %dma_start3A_151 = tpu.memref_slice %arg6[%dma_start3A_144, %dma_start3A_150] : memref<32x128xi32, #tpu.memory_space<vmem>> -> memref<1x128xi32, #tpu.memory_space<vmem>>
      %dma_start3A_152 = tpu.memref_squeeze %dma_start3A_151 : memref<1x128xi32, #tpu.memory_space<vmem>> -> memref<128xi32, #tpu.memory_space<vmem>>
      %dma_start3A_153 = arith.constant 0 : i32
      %dma_start3A_154 = arith.constant 0 : i32
      %dma_start3A_155 = tpu.memref_slice %arg4[%dma_start3A_153, %dma_start3A_154] : memref<102400x32xf32, #tpu.memory_space<hbm>> -> memref<102400x32xf32, #tpu.memory_space<hbm>>
      tpu.enqueue_indirect_dma source(%dma_start3A_155 : memref<102400x32xf32, #tpu.memory_space<hbm>>) target(%dma_start3A_149 : memref<128x32xf32, #tpu.memory_space<vmem>>) offsets(%dma_start3A_152 : memref<128xi32, #tpu.memory_space<vmem>>) semaphore(%arg10 : memref<!tpu.dma_semaphore, #tpu.memory_space<semaphore_mem>>)
      %dma_start3A_156 = arith.constant 6 : i32
      %dma_start3A_157 = arith.constant 2 : i32
      %dma_start3A_158 = arith.constant 0 : i32
      %dma_start3A_159 = arith.constant 0 : i32
      %dma_start3A_160 = tpu.memref_slice %arg8[%dma_start3A_157, %dma_start3A_158, %dma_start3A_159] : memref<4x128x32xf32, #tpu.memory_space<vmem>> -> memref<1x128x32xf32, #tpu.memory_space<vmem>>
      %dma_start3A_161 = tpu.memref_squeeze %dma_start3A_160 : memref<1x128x32xf32, #tpu.memory_space<vmem>> -> memref<128x32xf32, #tpu.memory_space<vmem>>
      %dma_start3A_162 = arith.constant 0 : i32
      %dma_start3A_163 = tpu.memref_slice %arg6[%dma_start3A_156, %dma_start3A_162] : memref<32x128xi32, #tpu.memory_space<vmem>> -> memref<1x128xi32, #tpu.memory_space<vmem>>
      %dma_start3A_164 = tpu.memref_squeeze %dma_start3A_163 : memref<1x128xi32, #tpu.memory_space<vmem>> -> memref<128xi32, #tpu.memory_space<vmem>>
      %dma_start3A_165 = arith.constant 0 : i32
      %dma_start3A_166 = arith.constant 0 : i32
      %dma_start3A_167 = tpu.memref_slice %arg4[%dma_start3A_165, %dma_start3A_166] : memref<102400x32xf32, #tpu.memory_space<hbm>> -> memref<102400x32xf32, #tpu.memory_space<hbm>>
      tpu.enqueue_indirect_dma source(%dma_start3A_167 : memref<102400x32xf32, #tpu.memory_space<hbm>>) target(%dma_start3A_161 : memref<128x32xf32, #tpu.memory_space<vmem>>) offsets(%dma_start3A_164 : memref<128xi32, #tpu.memory_space<vmem>>) semaphore(%arg11 : memref<!tpu.dma_semaphore, #tpu.memory_space<semaphore_mem>>)
      %dma_start3A_168 = arith.constant 7 : i32
      %dma_start3A_169 = arith.constant 3 : i32
      %dma_start3A_170 = arith.constant 0 : i32
      %dma_start3A_171 = arith.constant 0 : i32
      %dma_start3A_172 = tpu.memref_slice %arg8[%dma_start3A_169, %dma_start3A_170, %dma_start3A_171] : memref<4x128x32xf32, #tpu.memory_space<vmem>> -> memref<1x128x32xf32, #tpu.memory_space<vmem>>
      %dma_start3A_173 = tpu.memref_squeeze %dma_start3A_172 : memref<1x128x32xf32, #tpu.memory_space<vmem>> -> memref<128x32xf32, #tpu.memory_space<vmem>>
      %dma_start3A_174 = arith.constant 0 : i32
      %dma_start3A_175 = tpu.memref_slice %arg6[%dma_start3A_168, %dma_start3A_174] : memref<32x128xi32, #tpu.memory_space<vmem>> -> memref<1x128xi32, #tpu.memory_space<vmem>>
      %dma_start3A_176 = tpu.memref_squeeze %dma_start3A_175 : memref<1x128xi32, #tpu.memory_space<vmem>> -> memref<128xi32, #tpu.memory_space<vmem>>
      %dma_start3A_177 = arith.constant 0 : i32
      %dma_start3A_178 = arith.constant 0 : i32
      %dma_start3A_179 = tpu.memref_slice %arg4[%dma_start3A_177, %dma_start3A_178] : memref<102400x32xf32, #tpu.memory_space<hbm>> -> memref<102400x32xf32, #tpu.memory_space<hbm>>
      tpu.enqueue_indirect_dma source(%dma_start3A_179 : memref<102400x32xf32, #tpu.memory_space<hbm>>) target(%dma_start3A_173 : memref<128x32xf32, #tpu.memory_space<vmem>>) offsets(%dma_start3A_176 : memref<128xi32, #tpu.memory_space<vmem>>) semaphore(%arg11 : memref<!tpu.dma_semaphore, #tpu.memory_space<semaphore_mem>>)
      %dma_wait3A_180 = arith.constant 4 : i32
      %dma_wait3A_181 = arith.constant 0 : i32
      %dma_wait3A_182 = arith.constant 0 : i32
      %dma_wait3A_183 = arith.constant 0 : i32
      %dma_wait3A_184 = tpu.memref_slice %arg8[%dma_wait3A_181, %dma_wait3A_182, %dma_wait3A_183] : memref<4x128x32xf32, #tpu.memory_space<vmem>> -> memref<1x128x32xf32, #tpu.memory_space<vmem>>
      %dma_wait3A_185 = tpu.memref_squeeze %dma_wait3A_184 : memref<1x128x32xf32, #tpu.memory_space<vmem>> -> memref<128x32xf32, #tpu.memory_space<vmem>>
      %dma_wait3A_186 = arith.constant 0 : i32
      %dma_wait3A_187 = tpu.memref_slice %arg6[%dma_wait3A_180, %dma_wait3A_186] : memref<32x128xi32, #tpu.memory_space<vmem>> -> memref<1x128xi32, #tpu.memory_space<vmem>>
      %dma_wait3A_188 = tpu.memref_squeeze %dma_wait3A_187 : memref<1x128xi32, #tpu.memory_space<vmem>> -> memref<128xi32, #tpu.memory_space<vmem>>
      %dma_wait3A_189 = arith.constant 0 : i32
      %dma_wait3A_190 = arith.constant 0 : i32
      %dma_wait3A_191 = tpu.memref_slice %arg4[%dma_wait3A_189, %dma_wait3A_190] : memref<102400x32xf32, #tpu.memory_space<hbm>> -> memref<102400x32xf32, #tpu.memory_space<hbm>>
      tpu.wait_indirect_dma semaphore(%arg10 : memref<!tpu.dma_semaphore, #tpu.memory_space<semaphore_mem>>) src(%dma_wait3A_191 : memref<102400x32xf32, #tpu.memory_space<hbm>>) dst(%dma_wait3A_185 : memref<128x32xf32, #tpu.memory_space<vmem>>)
      %dma_wait3A_192 = arith.constant 5 : i32
      %dma_wait3A_193 = arith.constant 1 : i32
      %dma_wait3A_194 = arith.constant 0 : i32
      %dma_wait3A_195 = arith.constant 0 : i32
      %dma_wait3A_196 = tpu.memref_slice %arg8[%dma_wait3A_193, %dma_wait3A_194, %dma_wait3A_195] : memref<4x128x32xf32, #tpu.memory_space<vmem>> -> memref<1x128x32xf32, #tpu.memory_space<vmem>>
      %dma_wait3A_197 = tpu.memref_squeeze %dma_wait3A_196 : memref<1x128x32xf32, #tpu.memory_space<vmem>> -> memref<128x32xf32, #tpu.memory_space<vmem>>
      %dma_wait3A_198 = arith.constant 0 : i32
      %dma_wait3A_199 = tpu.memref_slice %arg6[%dma_wait3A_192, %dma_wait3A_198] : memref<32x128xi32, #tpu.memory_space<vmem>> -> memref<1x128xi32, #tpu.memory_space<vmem>>
      %dma_wait3A_200 = tpu.memref_squeeze %dma_wait3A_199 : memref<1x128xi32, #tpu.memory_space<vmem>> -> memref<128xi32, #tpu.memory_space<vmem>>
      %dma_wait3A_201 = arith.constant 0 : i32
      %dma_wait3A_202 = arith.constant 0 : i32
      %dma_wait3A_203 = tpu.memref_slice %arg4[%dma_wait3A_201, %dma_wait3A_202] : memref<102400x32xf32, #tpu.memory_space<hbm>> -> memref<102400x32xf32, #tpu.memory_space<hbm>>
      tpu.wait_indirect_dma semaphore(%arg10 : memref<!tpu.dma_semaphore, #tpu.memory_space<semaphore_mem>>) src(%dma_wait3A_203 : memref<102400x32xf32, #tpu.memory_space<hbm>>) dst(%dma_wait3A_197 : memref<128x32xf32, #tpu.memory_space<vmem>>)
      %run_scoped3A_204 = arith.constant 0 : i32
      %run_scoped3A_205 = arith.constant 4 : i32
      "tpu.region"() ({
        %run_scoped3A_860 = tpu.sem_alloc : memref<!tpu.dma_semaphore, #tpu.memory_space<semaphore_mem>>
        %dma_start3A_861 = arith.constant 0 : i32
        %dma_start3A_862 = arith.constant 0 : i32
        %dma_start3A_863 = tpu.memref_slice %arg8[%run_scoped3A_204, %dma_start3A_861, %dma_start3A_862] : memref<4x128x32xf32, #tpu.memory_space<vmem>> -> memref<1x128x32xf32, #tpu.memory_space<vmem>>
        %dma_start3A_864 = tpu.memref_squeeze %dma_start3A_863 : memref<1x128x32xf32, #tpu.memory_space<vmem>> -> memref<128x32xf32, #tpu.memory_space<vmem>>
        %dma_start3A_865 = arith.constant 0 : i32
        %dma_start3A_866 = tpu.memref_slice %arg7[%run_scoped3A_205, %dma_start3A_865] : memref<32x128xi32, #tpu.memory_space<vmem>> -> memref<1x128xi32, #tpu.memory_space<vmem>>
        %dma_start3A_867 = tpu.memref_squeeze %dma_start3A_866 : memref<1x128xi32, #tpu.memory_space<vmem>> -> memref<128xi32, #tpu.memory_space<vmem>>
        %dma_start3A_868 = arith.constant 0 : i32
        %dma_start3A_869 = arith.constant 0 : i32
        %dma_start3A_870 = tpu.memref_slice %arg9[%dma_start3A_868, %dma_start3A_869] : memref<51200x32xf32, #tpu.memory_space<vmem_shared>> -> memref<51200x32xf32, #tpu.memory_space<vmem_shared>>
        tpu.enqueue_indirect_dma source(%dma_start3A_864 : memref<128x32xf32, #tpu.memory_space<vmem>>) target(%dma_start3A_870 : memref<51200x32xf32, #tpu.memory_space<vmem_shared>>) offsets(%dma_start3A_867 : memref<128xi32, #tpu.memory_space<vmem>>) semaphore(%run_scoped3A_860 : memref<!tpu.dma_semaphore, #tpu.memory_space<semaphore_mem>>) {add = true}
        %dma_wait3A_871 = arith.constant 0 : i32
        %dma_wait3A_872 = arith.constant 0 : i32
        %dma_wait3A_873 = tpu.memref_slice %arg8[%run_scoped3A_204, %dma_wait3A_871, %dma_wait3A_872] : memref<4x128x32xf32, #tpu.memory_space<vmem>> -> memref<1x128x32xf32, #tpu.memory_space<vmem>>
        %dma_wait3A_874 = tpu.memref_squeeze %dma_wait3A_873 : memref<1x128x32xf32, #tpu.memory_space<vmem>> -> memref<128x32xf32, #tpu.memory_space<vmem>>
        %dma_wait3A_875 = arith.constant 0 : i32
        %dma_wait3A_876 = tpu.memref_slice %arg7[%run_scoped3A_205, %dma_wait3A_875] : memref<32x128xi32, #tpu.memory_space<vmem>> -> memref<1x128xi32, #tpu.memory_space<vmem>>
        %dma_wait3A_877 = tpu.memref_squeeze %dma_wait3A_876 : memref<1x128xi32, #tpu.memory_space<vmem>> -> memref<128xi32, #tpu.memory_space<vmem>>
        %dma_wait3A_878 = arith.constant 0 : i32
        %dma_wait3A_879 = arith.constant 0 : i32
        %dma_wait3A_880 = tpu.memref_slice %arg9[%dma_wait3A_878, %dma_wait3A_879] : memref<51200x32xf32, #tpu.memory_space<vmem_shared>> -> memref<51200x32xf32, #tpu.memory_space<vmem_shared>>
        tpu.wait_indirect_dma semaphore(%run_scoped3A_860 : memref<!tpu.dma_semaphore, #tpu.memory_space<semaphore_mem>>) src(%dma_wait3A_874 : memref<128x32xf32, #tpu.memory_space<vmem>>) dst(%dma_wait3A_880 : memref<51200x32xf32, #tpu.memory_space<vmem_shared>>)
        tpu.yield
      }) : () -> ()
      %run_scoped3A_206 = arith.constant 1 : i32
      %run_scoped3A_207 = arith.constant 5 : i32
      "tpu.region"() ({
        %run_scoped3A_860 = tpu.sem_alloc : memref<!tpu.dma_semaphore, #tpu.memory_space<semaphore_mem>>
        %dma_start3A_861 = arith.constant 0 : i32
        %dma_start3A_862 = arith.constant 0 : i32
        %dma_start3A_863 = tpu.memref_slice %arg8[%run_scoped3A_206, %dma_start3A_861, %dma_start3A_862] : memref<4x128x32xf32, #tpu.memory_space<vmem>> -> memref<1x128x32xf32, #tpu.memory_space<vmem>>
        %dma_start3A_864 = tpu.memref_squeeze %dma_start3A_863 : memref<1x128x32xf32, #tpu.memory_space<vmem>> -> memref<128x32xf32, #tpu.memory_space<vmem>>
        %dma_start3A_865 = arith.constant 0 : i32
        %dma_start3A_866 = tpu.memref_slice %arg7[%run_scoped3A_207, %dma_start3A_865] : memref<32x128xi32, #tpu.memory_space<vmem>> -> memref<1x128xi32, #tpu.memory_space<vmem>>
        %dma_start3A_867 = tpu.memref_squeeze %dma_start3A_866 : memref<1x128xi32, #tpu.memory_space<vmem>> -> memref<128xi32, #tpu.memory_space<vmem>>
        %dma_start3A_868 = arith.constant 0 : i32
        %dma_start3A_869 = arith.constant 0 : i32
        %dma_start3A_870 = tpu.memref_slice %arg9[%dma_start3A_868, %dma_start3A_869] : memref<51200x32xf32, #tpu.memory_space<vmem_shared>> -> memref<51200x32xf32, #tpu.memory_space<vmem_shared>>
        tpu.enqueue_indirect_dma source(%dma_start3A_864 : memref<128x32xf32, #tpu.memory_space<vmem>>) target(%dma_start3A_870 : memref<51200x32xf32, #tpu.memory_space<vmem_shared>>) offsets(%dma_start3A_867 : memref<128xi32, #tpu.memory_space<vmem>>) semaphore(%run_scoped3A_860 : memref<!tpu.dma_semaphore, #tpu.memory_space<semaphore_mem>>) {add = true}
        %dma_wait3A_871 = arith.constant 0 : i32
        %dma_wait3A_872 = arith.constant 0 : i32
        %dma_wait3A_873 = tpu.memref_slice %arg8[%run_scoped3A_206, %dma_wait3A_871, %dma_wait3A_872] : memref<4x128x32xf32, #tpu.memory_space<vmem>> -> memref<1x128x32xf32, #tpu.memory_space<vmem>>
        %dma_wait3A_874 = tpu.memref_squeeze %dma_wait3A_873 : memref<1x128x32xf32, #tpu.memory_space<vmem>> -> memref<128x32xf32, #tpu.memory_space<vmem>>
        %dma_wait3A_875 = arith.constant 0 : i32
        %dma_wait3A_876 = tpu.memref_slice %arg7[%run_scoped3A_207, %dma_wait3A_875] : memref<32x128xi32, #tpu.memory_space<vmem>> -> memref<1x128xi32, #tpu.memory_space<vmem>>
        %dma_wait3A_877 = tpu.memref_squeeze %dma_wait3A_876 : memref<1x128xi32, #tpu.memory_space<vmem>> -> memref<128xi32, #tpu.memory_space<vmem>>
        %dma_wait3A_878 = arith.constant 0 : i32
        %dma_wait3A_879 = arith.constant 0 : i32
        %dma_wait3A_880 = tpu.memref_slice %arg9[%dma_wait3A_878, %dma_wait3A_879] : memref<51200x32xf32, #tpu.memory_space<vmem_shared>> -> memref<51200x32xf32, #tpu.memory_space<vmem_shared>>
        tpu.wait_indirect_dma semaphore(%run_scoped3A_860 : memref<!tpu.dma_semaphore, #tpu.memory_space<semaphore_mem>>) src(%dma_wait3A_874 : memref<128x32xf32, #tpu.memory_space<vmem>>) dst(%dma_wait3A_880 : memref<51200x32xf32, #tpu.memory_space<vmem_shared>>)
        tpu.yield
      }) : () -> ()
      %dma_wait3A_208 = arith.constant 6 : i32
      %dma_wait3A_209 = arith.constant 2 : i32
      %dma_wait3A_210 = arith.constant 0 : i32
      %dma_wait3A_211 = arith.constant 0 : i32
      %dma_wait3A_212 = tpu.memref_slice %arg8[%dma_wait3A_209, %dma_wait3A_210, %dma_wait3A_211] : memref<4x128x32xf32, #tpu.memory_space<vmem>> -> memref<1x128x32xf32, #tpu.memory_space<vmem>>
      %dma_wait3A_213 = tpu.memref_squeeze %dma_wait3A_212 : memref<1x128x32xf32, #tpu.memory_space<vmem>> -> memref<128x32xf32, #tpu.memory_space<vmem>>
      %dma_wait3A_214 = arith.constant 0 : i32
      %dma_wait3A_215 = tpu.memref_slice %arg6[%dma_wait3A_208, %dma_wait3A_214] : memref<32x128xi32, #tpu.memory_space<vmem>> -> memref<1x128xi32, #tpu.memory_space<vmem>>
      %dma_wait3A_216 = tpu.memref_squeeze %dma_wait3A_215 : memref<1x128xi32, #tpu.memory_space<vmem>> -> memref<128xi32, #tpu.memory_space<vmem>>
      %dma_wait3A_217 = arith.constant 0 : i32
      %dma_wait3A_218 = arith.constant 0 : i32
      %dma_wait3A_219 = tpu.memref_slice %arg4[%dma_wait3A_217, %dma_wait3A_218] : memref<102400x32xf32, #tpu.memory_space<hbm>> -> memref<102400x32xf32, #tpu.memory_space<hbm>>
      tpu.wait_indirect_dma semaphore(%arg11 : memref<!tpu.dma_semaphore, #tpu.memory_space<semaphore_mem>>) src(%dma_wait3A_219 : memref<102400x32xf32, #tpu.memory_space<hbm>>) dst(%dma_wait3A_213 : memref<128x32xf32, #tpu.memory_space<vmem>>)
      %dma_wait3A_220 = arith.constant 7 : i32
      %dma_wait3A_221 = arith.constant 3 : i32
      %dma_wait3A_222 = arith.constant 0 : i32
      %dma_wait3A_223 = arith.constant 0 : i32
      %dma_wait3A_224 = tpu.memref_slice %arg8[%dma_wait3A_221, %dma_wait3A_222, %dma_wait3A_223] : memref<4x128x32xf32, #tpu.memory_space<vmem>> -> memref<1x128x32xf32, #tpu.memory_space<vmem>>
      %dma_wait3A_225 = tpu.memref_squeeze %dma_wait3A_224 : memref<1x128x32xf32, #tpu.memory_space<vmem>> -> memref<128x32xf32, #tpu.memory_space<vmem>>
      %dma_wait3A_226 = arith.constant 0 : i32
      %dma_wait3A_227 = tpu.memref_slice %arg6[%dma_wait3A_220, %dma_wait3A_226] : memref<32x128xi32, #tpu.memory_space<vmem>> -> memref<1x128xi32, #tpu.memory_space<vmem>>
      %dma_wait3A_228 = tpu.memref_squeeze %dma_wait3A_227 : memref<1x128xi32, #tpu.memory_space<vmem>> -> memref<128xi32, #tpu.memory_space<vmem>>
      %dma_wait3A_229 = arith.constant 0 : i32
      %dma_wait3A_230 = arith.constant 0 : i32
      %dma_wait3A_231 = tpu.memref_slice %arg4[%dma_wait3A_229, %dma_wait3A_230] : memref<102400x32xf32, #tpu.memory_space<hbm>> -> memref<102400x32xf32, #tpu.memory_space<hbm>>
      tpu.wait_indirect_dma semaphore(%arg11 : memref<!tpu.dma_semaphore, #tpu.memory_space<semaphore_mem>>) src(%dma_wait3A_231 : memref<102400x32xf32, #tpu.memory_space<hbm>>) dst(%dma_wait3A_225 : memref<128x32xf32, #tpu.memory_space<vmem>>)
      %run_scoped3A_232 = arith.constant 2 : i32
      %run_scoped3A_233 = arith.constant 6 : i32
      "tpu.region"() ({
        %run_scoped3A_860 = tpu.sem_alloc : memref<!tpu.dma_semaphore, #tpu.memory_space<semaphore_mem>>
        %dma_start3A_861 = arith.constant 0 : i32
        %dma_start3A_862 = arith.constant 0 : i32
        %dma_start3A_863 = tpu.memref_slice %arg8[%run_scoped3A_232, %dma_start3A_861, %dma_start3A_862] : memref<4x128x32xf32, #tpu.memory_space<vmem>> -> memref<1x128x32xf32, #tpu.memory_space<vmem>>
        %dma_start3A_864 = tpu.memref_squeeze %dma_start3A_863 : memref<1x128x32xf32, #tpu.memory_space<vmem>> -> memref<128x32xf32, #tpu.memory_space<vmem>>
        %dma_start3A_865 = arith.constant 0 : i32
        %dma_start3A_866 = tpu.memref_slice %arg7[%run_scoped3A_233, %dma_start3A_865] : memref<32x128xi32, #tpu.memory_space<vmem>> -> memref<1x128xi32, #tpu.memory_space<vmem>>
        %dma_start3A_867 = tpu.memref_squeeze %dma_start3A_866 : memref<1x128xi32, #tpu.memory_space<vmem>> -> memref<128xi32, #tpu.memory_space<vmem>>
        %dma_start3A_868 = arith.constant 0 : i32
        %dma_start3A_869 = arith.constant 0 : i32
        %dma_start3A_870 = tpu.memref_slice %arg9[%dma_start3A_868, %dma_start3A_869] : memref<51200x32xf32, #tpu.memory_space<vmem_shared>> -> memref<51200x32xf32, #tpu.memory_space<vmem_shared>>
        tpu.enqueue_indirect_dma source(%dma_start3A_864 : memref<128x32xf32, #tpu.memory_space<vmem>>) target(%dma_start3A_870 : memref<51200x32xf32, #tpu.memory_space<vmem_shared>>) offsets(%dma_start3A_867 : memref<128xi32, #tpu.memory_space<vmem>>) semaphore(%run_scoped3A_860 : memref<!tpu.dma_semaphore, #tpu.memory_space<semaphore_mem>>) {add = true}
        %dma_wait3A_871 = arith.constant 0 : i32
        %dma_wait3A_872 = arith.constant 0 : i32
        %dma_wait3A_873 = tpu.memref_slice %arg8[%run_scoped3A_232, %dma_wait3A_871, %dma_wait3A_872] : memref<4x128x32xf32, #tpu.memory_space<vmem>> -> memref<1x128x32xf32, #tpu.memory_space<vmem>>
        %dma_wait3A_874 = tpu.memref_squeeze %dma_wait3A_873 : memref<1x128x32xf32, #tpu.memory_space<vmem>> -> memref<128x32xf32, #tpu.memory_space<vmem>>
        %dma_wait3A_875 = arith.constant 0 : i32
        %dma_wait3A_876 = tpu.memref_slice %arg7[%run_scoped3A_233, %dma_wait3A_875] : memref<32x128xi32, #tpu.memory_space<vmem>> -> memref<1x128xi32, #tpu.memory_space<vmem>>
        %dma_wait3A_877 = tpu.memref_squeeze %dma_wait3A_876 : memref<1x128xi32, #tpu.memory_space<vmem>> -> memref<128xi32, #tpu.memory_space<vmem>>
        %dma_wait3A_878 = arith.constant 0 : i32
        %dma_wait3A_879 = arith.constant 0 : i32
        %dma_wait3A_880 = tpu.memref_slice %arg9[%dma_wait3A_878, %dma_wait3A_879] : memref<51200x32xf32, #tpu.memory_space<vmem_shared>> -> memref<51200x32xf32, #tpu.memory_space<vmem_shared>>
        tpu.wait_indirect_dma semaphore(%run_scoped3A_860 : memref<!tpu.dma_semaphore, #tpu.memory_space<semaphore_mem>>) src(%dma_wait3A_874 : memref<128x32xf32, #tpu.memory_space<vmem>>) dst(%dma_wait3A_880 : memref<51200x32xf32, #tpu.memory_space<vmem_shared>>)
        tpu.yield
      }) : () -> ()
      %run_scoped3A_234 = arith.constant 3 : i32
      %run_scoped3A_235 = arith.constant 7 : i32
      "tpu.region"() ({
        %run_scoped3A_860 = tpu.sem_alloc : memref<!tpu.dma_semaphore, #tpu.memory_space<semaphore_mem>>
        %dma_start3A_861 = arith.constant 0 : i32
        %dma_start3A_862 = arith.constant 0 : i32
        %dma_start3A_863 = tpu.memref_slice %arg8[%run_scoped3A_234, %dma_start3A_861, %dma_start3A_862] : memref<4x128x32xf32, #tpu.memory_space<vmem>> -> memref<1x128x32xf32, #tpu.memory_space<vmem>>
        %dma_start3A_864 = tpu.memref_squeeze %dma_start3A_863 : memref<1x128x32xf32, #tpu.memory_space<vmem>> -> memref<128x32xf32, #tpu.memory_space<vmem>>
        %dma_start3A_865 = arith.constant 0 : i32
        %dma_start3A_866 = tpu.memref_slice %arg7[%run_scoped3A_235, %dma_start3A_865] : memref<32x128xi32, #tpu.memory_space<vmem>> -> memref<1x128xi32, #tpu.memory_space<vmem>>
        %dma_start3A_867 = tpu.memref_squeeze %dma_start3A_866 : memref<1x128xi32, #tpu.memory_space<vmem>> -> memref<128xi32, #tpu.memory_space<vmem>>
        %dma_start3A_868 = arith.constant 0 : i32
        %dma_start3A_869 = arith.constant 0 : i32
        %dma_start3A_870 = tpu.memref_slice %arg9[%dma_start3A_868, %dma_start3A_869] : memref<51200x32xf32, #tpu.memory_space<vmem_shared>> -> memref<51200x32xf32, #tpu.memory_space<vmem_shared>>
        tpu.enqueue_indirect_dma source(%dma_start3A_864 : memref<128x32xf32, #tpu.memory_space<vmem>>) target(%dma_start3A_870 : memref<51200x32xf32, #tpu.memory_space<vmem_shared>>) offsets(%dma_start3A_867 : memref<128xi32, #tpu.memory_space<vmem>>) semaphore(%run_scoped3A_860 : memref<!tpu.dma_semaphore, #tpu.memory_space<semaphore_mem>>) {add = true}
        %dma_wait3A_871 = arith.constant 0 : i32
        %dma_wait3A_872 = arith.constant 0 : i32
        %dma_wait3A_873 = tpu.memref_slice %arg8[%run_scoped3A_234, %dma_wait3A_871, %dma_wait3A_872] : memref<4x128x32xf32, #tpu.memory_space<vmem>> -> memref<1x128x32xf32, #tpu.memory_space<vmem>>
        %dma_wait3A_874 = tpu.memref_squeeze %dma_wait3A_873 : memref<1x128x32xf32, #tpu.memory_space<vmem>> -> memref<128x32xf32, #tpu.memory_space<vmem>>
        %dma_wait3A_875 = arith.constant 0 : i32
        %dma_wait3A_876 = tpu.memref_slice %arg7[%run_scoped3A_235, %dma_wait3A_875] : memref<32x128xi32, #tpu.memory_space<vmem>> -> memref<1x128xi32, #tpu.memory_space<vmem>>
        %dma_wait3A_877 = tpu.memref_squeeze %dma_wait3A_876 : memref<1x128xi32, #tpu.memory_space<vmem>> -> memref<128xi32, #tpu.memory_space<vmem>>
        %dma_wait3A_878 = arith.constant 0 : i32
        %dma_wait3A_879 = arith.constant 0 : i32
        %dma_wait3A_880 = tpu.memref_slice %arg9[%dma_wait3A_878, %dma_wait3A_879] : memref<51200x32xf32, #tpu.memory_space<vmem_shared>> -> memref<51200x32xf32, #tpu.memory_space<vmem_shared>>
        tpu.wait_indirect_dma semaphore(%run_scoped3A_860 : memref<!tpu.dma_semaphore, #tpu.memory_space<semaphore_mem>>) src(%dma_wait3A_874 : memref<128x32xf32, #tpu.memory_space<vmem>>) dst(%dma_wait3A_880 : memref<51200x32xf32, #tpu.memory_space<vmem_shared>>)
        tpu.yield
      }) : () -> ()
      %dma_start3A_236 = arith.constant 8 : i32
      %dma_start3A_237 = arith.constant 0 : i32
      %dma_start3A_238 = arith.constant 0 : i32
      %dma_start3A_239 = arith.constant 0 : i32
      %dma_start3A_240 = tpu.memref_slice %arg8[%dma_start3A_237, %dma_start3A_238, %dma_start3A_239] : memref<4x128x32xf32, #tpu.memory_space<vmem>> -> memref<1x128x32xf32, #tpu.memory_space<vmem>>
      %dma_start3A_241 = tpu.memref_squeeze %dma_start3A_240 : memref<1x128x32xf32, #tpu.memory_space<vmem>> -> memref<128x32xf32, #tpu.memory_space<vmem>>
      %dma_start3A_242 = arith.constant 0 : i32
      %dma_start3A_243 = tpu.memref_slice %arg6[%dma_start3A_236, %dma_start3A_242] : memref<32x128xi32, #tpu.memory_space<vmem>> -> memref<1x128xi32, #tpu.memory_space<vmem>>
      %dma_start3A_244 = tpu.memref_squeeze %dma_start3A_243 : memref<1x128xi32, #tpu.memory_space<vmem>> -> memref<128xi32, #tpu.memory_space<vmem>>
      %dma_start3A_245 = arith.constant 0 : i32
      %dma_start3A_246 = arith.constant 0 : i32
      %dma_start3A_247 = tpu.memref_slice %arg4[%dma_start3A_245, %dma_start3A_246] : memref<102400x32xf32, #tpu.memory_space<hbm>> -> memref<102400x32xf32, #tpu.memory_space<hbm>>
      tpu.enqueue_indirect_dma source(%dma_start3A_247 : memref<102400x32xf32, #tpu.memory_space<hbm>>) target(%dma_start3A_241 : memref<128x32xf32, #tpu.memory_space<vmem>>) offsets(%dma_start3A_244 : memref<128xi32, #tpu.memory_space<vmem>>) semaphore(%arg10 : memref<!tpu.dma_semaphore, #tpu.memory_space<semaphore_mem>>)
      %dma_start3A_248 = arith.constant 9 : i32
      %dma_start3A_249 = arith.constant 1 : i32
      %dma_start3A_250 = arith.constant 0 : i32
      %dma_start3A_251 = arith.constant 0 : i32
      %dma_start3A_252 = tpu.memref_slice %arg8[%dma_start3A_249, %dma_start3A_250, %dma_start3A_251] : memref<4x128x32xf32, #tpu.memory_space<vmem>> -> memref<1x128x32xf32, #tpu.memory_space<vmem>>
      %dma_start3A_253 = tpu.memref_squeeze %dma_start3A_252 : memref<1x128x32xf32, #tpu.memory_space<vmem>> -> memref<128x32xf32, #tpu.memory_space<vmem>>
      %dma_start3A_254 = arith.constant 0 : i32
      %dma_start3A_255 = tpu.memref_slice %arg6[%dma_start3A_248, %dma_start3A_254] : memref<32x128xi32, #tpu.memory_space<vmem>> -> memref<1x128xi32, #tpu.memory_space<vmem>>
      %dma_start3A_256 = tpu.memref_squeeze %dma_start3A_255 : memref<1x128xi32, #tpu.memory_space<vmem>> -> memref<128xi32, #tpu.memory_space<vmem>>
      %dma_start3A_257 = arith.constant 0 : i32
      %dma_start3A_258 = arith.constant 0 : i32
      %dma_start3A_259 = tpu.memref_slice %arg4[%dma_start3A_257, %dma_start3A_258] : memref<102400x32xf32, #tpu.memory_space<hbm>> -> memref<102400x32xf32, #tpu.memory_space<hbm>>
      tpu.enqueue_indirect_dma source(%dma_start3A_259 : memref<102400x32xf32, #tpu.memory_space<hbm>>) target(%dma_start3A_253 : memref<128x32xf32, #tpu.memory_space<vmem>>) offsets(%dma_start3A_256 : memref<128xi32, #tpu.memory_space<vmem>>) semaphore(%arg10 : memref<!tpu.dma_semaphore, #tpu.memory_space<semaphore_mem>>)
      %dma_start3A_260 = arith.constant 10 : i32
      %dma_start3A_261 = arith.constant 2 : i32
      %dma_start3A_262 = arith.constant 0 : i32
      %dma_start3A_263 = arith.constant 0 : i32
      %dma_start3A_264 = tpu.memref_slice %arg8[%dma_start3A_261, %dma_start3A_262, %dma_start3A_263] : memref<4x128x32xf32, #tpu.memory_space<vmem>> -> memref<1x128x32xf32, #tpu.memory_space<vmem>>
      %dma_start3A_265 = tpu.memref_squeeze %dma_start3A_264 : memref<1x128x32xf32, #tpu.memory_space<vmem>> -> memref<128x32xf32, #tpu.memory_space<vmem>>
      %dma_start3A_266 = arith.constant 0 : i32
      %dma_start3A_267 = tpu.memref_slice %arg6[%dma_start3A_260, %dma_start3A_266] : memref<32x128xi32, #tpu.memory_space<vmem>> -> memref<1x128xi32, #tpu.memory_space<vmem>>
      %dma_start3A_268 = tpu.memref_squeeze %dma_start3A_267 : memref<1x128xi32, #tpu.memory_space<vmem>> -> memref<128xi32, #tpu.memory_space<vmem>>
      %dma_start3A_269 = arith.constant 0 : i32
      %dma_start3A_270 = arith.constant 0 : i32
      %dma_start3A_271 = tpu.memref_slice %arg4[%dma_start3A_269, %dma_start3A_270] : memref<102400x32xf32, #tpu.memory_space<hbm>> -> memref<102400x32xf32, #tpu.memory_space<hbm>>
      tpu.enqueue_indirect_dma source(%dma_start3A_271 : memref<102400x32xf32, #tpu.memory_space<hbm>>) target(%dma_start3A_265 : memref<128x32xf32, #tpu.memory_space<vmem>>) offsets(%dma_start3A_268 : memref<128xi32, #tpu.memory_space<vmem>>) semaphore(%arg11 : memref<!tpu.dma_semaphore, #tpu.memory_space<semaphore_mem>>)
      %dma_start3A_272 = arith.constant 11 : i32
      %dma_start3A_273 = arith.constant 3 : i32
      %dma_start3A_274 = arith.constant 0 : i32
      %dma_start3A_275 = arith.constant 0 : i32
      %dma_start3A_276 = tpu.memref_slice %arg8[%dma_start3A_273, %dma_start3A_274, %dma_start3A_275] : memref<4x128x32xf32, #tpu.memory_space<vmem>> -> memref<1x128x32xf32, #tpu.memory_space<vmem>>
      %dma_start3A_277 = tpu.memref_squeeze %dma_start3A_276 : memref<1x128x32xf32, #tpu.memory_space<vmem>> -> memref<128x32xf32, #tpu.memory_space<vmem>>
      %dma_start3A_278 = arith.constant 0 : i32
      %dma_start3A_279 = tpu.memref_slice %arg6[%dma_start3A_272, %dma_start3A_278] : memref<32x128xi32, #tpu.memory_space<vmem>> -> memref<1x128xi32, #tpu.memory_space<vmem>>
      %dma_start3A_280 = tpu.memref_squeeze %dma_start3A_279 : memref<1x128xi32, #tpu.memory_space<vmem>> -> memref<128xi32, #tpu.memory_space<vmem>>
      %dma_start3A_281 = arith.constant 0 : i32
      %dma_start3A_282 = arith.constant 0 : i32
      %dma_start3A_283 = tpu.memref_slice %arg4[%dma_start3A_281, %dma_start3A_282] : memref<102400x32xf32, #tpu.memory_space<hbm>> -> memref<102400x32xf32, #tpu.memory_space<hbm>>
      tpu.enqueue_indirect_dma source(%dma_start3A_283 : memref<102400x32xf32, #tpu.memory_space<hbm>>) target(%dma_start3A_277 : memref<128x32xf32, #tpu.memory_space<vmem>>) offsets(%dma_start3A_280 : memref<128xi32, #tpu.memory_space<vmem>>) semaphore(%arg11 : memref<!tpu.dma_semaphore, #tpu.memory_space<semaphore_mem>>)
      %dma_wait3A_284 = arith.constant 8 : i32
      %dma_wait3A_285 = arith.constant 0 : i32
      %dma_wait3A_286 = arith.constant 0 : i32
      %dma_wait3A_287 = arith.constant 0 : i32
      %dma_wait3A_288 = tpu.memref_slice %arg8[%dma_wait3A_285, %dma_wait3A_286, %dma_wait3A_287] : memref<4x128x32xf32, #tpu.memory_space<vmem>> -> memref<1x128x32xf32, #tpu.memory_space<vmem>>
      %dma_wait3A_289 = tpu.memref_squeeze %dma_wait3A_288 : memref<1x128x32xf32, #tpu.memory_space<vmem>> -> memref<128x32xf32, #tpu.memory_space<vmem>>
      %dma_wait3A_290 = arith.constant 0 : i32
      %dma_wait3A_291 = tpu.memref_slice %arg6[%dma_wait3A_284, %dma_wait3A_290] : memref<32x128xi32, #tpu.memory_space<vmem>> -> memref<1x128xi32, #tpu.memory_space<vmem>>
      %dma_wait3A_292 = tpu.memref_squeeze %dma_wait3A_291 : memref<1x128xi32, #tpu.memory_space<vmem>> -> memref<128xi32, #tpu.memory_space<vmem>>
      %dma_wait3A_293 = arith.constant 0 : i32
      %dma_wait3A_294 = arith.constant 0 : i32
      %dma_wait3A_295 = tpu.memref_slice %arg4[%dma_wait3A_293, %dma_wait3A_294] : memref<102400x32xf32, #tpu.memory_space<hbm>> -> memref<102400x32xf32, #tpu.memory_space<hbm>>
      tpu.wait_indirect_dma semaphore(%arg10 : memref<!tpu.dma_semaphore, #tpu.memory_space<semaphore_mem>>) src(%dma_wait3A_295 : memref<102400x32xf32, #tpu.memory_space<hbm>>) dst(%dma_wait3A_289 : memref<128x32xf32, #tpu.memory_space<vmem>>)
      %dma_wait3A_296 = arith.constant 9 : i32
      %dma_wait3A_297 = arith.constant 1 : i32
      %dma_wait3A_298 = arith.constant 0 : i32
      %dma_wait3A_299 = arith.constant 0 : i32
      %dma_wait3A_300 = tpu.memref_slice %arg8[%dma_wait3A_297, %dma_wait3A_298, %dma_wait3A_299] : memref<4x128x32xf32, #tpu.memory_space<vmem>> -> memref<1x128x32xf32, #tpu.memory_space<vmem>>
      %dma_wait3A_301 = tpu.memref_squeeze %dma_wait3A_300 : memref<1x128x32xf32, #tpu.memory_space<vmem>> -> memref<128x32xf32, #tpu.memory_space<vmem>>
      %dma_wait3A_302 = arith.constant 0 : i32
      %dma_wait3A_303 = tpu.memref_slice %arg6[%dma_wait3A_296, %dma_wait3A_302] : memref<32x128xi32, #tpu.memory_space<vmem>> -> memref<1x128xi32, #tpu.memory_space<vmem>>
      %dma_wait3A_304 = tpu.memref_squeeze %dma_wait3A_303 : memref<1x128xi32, #tpu.memory_space<vmem>> -> memref<128xi32, #tpu.memory_space<vmem>>
      %dma_wait3A_305 = arith.constant 0 : i32
      %dma_wait3A_306 = arith.constant 0 : i32
      %dma_wait3A_307 = tpu.memref_slice %arg4[%dma_wait3A_305, %dma_wait3A_306] : memref<102400x32xf32, #tpu.memory_space<hbm>> -> memref<102400x32xf32, #tpu.memory_space<hbm>>
      tpu.wait_indirect_dma semaphore(%arg10 : memref<!tpu.dma_semaphore, #tpu.memory_space<semaphore_mem>>) src(%dma_wait3A_307 : memref<102400x32xf32, #tpu.memory_space<hbm>>) dst(%dma_wait3A_301 : memref<128x32xf32, #tpu.memory_space<vmem>>)
      %run_scoped3A_308 = arith.constant 0 : i32
      %run_scoped3A_309 = arith.constant 8 : i32
      "tpu.region"() ({
        %run_scoped3A_860 = tpu.sem_alloc : memref<!tpu.dma_semaphore, #tpu.memory_space<semaphore_mem>>
        %dma_start3A_861 = arith.constant 0 : i32
        %dma_start3A_862 = arith.constant 0 : i32
        %dma_start3A_863 = tpu.memref_slice %arg8[%run_scoped3A_308, %dma_start3A_861, %dma_start3A_862] : memref<4x128x32xf32, #tpu.memory_space<vmem>> -> memref<1x128x32xf32, #tpu.memory_space<vmem>>
        %dma_start3A_864 = tpu.memref_squeeze %dma_start3A_863 : memref<1x128x32xf32, #tpu.memory_space<vmem>> -> memref<128x32xf32, #tpu.memory_space<vmem>>
        %dma_start3A_865 = arith.constant 0 : i32
        %dma_start3A_866 = tpu.memref_slice %arg7[%run_scoped3A_309, %dma_start3A_865] : memref<32x128xi32, #tpu.memory_space<vmem>> -> memref<1x128xi32, #tpu.memory_space<vmem>>
        %dma_start3A_867 = tpu.memref_squeeze %dma_start3A_866 : memref<1x128xi32, #tpu.memory_space<vmem>> -> memref<128xi32, #tpu.memory_space<vmem>>
        %dma_start3A_868 = arith.constant 0 : i32
        %dma_start3A_869 = arith.constant 0 : i32
        %dma_start3A_870 = tpu.memref_slice %arg9[%dma_start3A_868, %dma_start3A_869] : memref<51200x32xf32, #tpu.memory_space<vmem_shared>> -> memref<51200x32xf32, #tpu.memory_space<vmem_shared>>
        tpu.enqueue_indirect_dma source(%dma_start3A_864 : memref<128x32xf32, #tpu.memory_space<vmem>>) target(%dma_start3A_870 : memref<51200x32xf32, #tpu.memory_space<vmem_shared>>) offsets(%dma_start3A_867 : memref<128xi32, #tpu.memory_space<vmem>>) semaphore(%run_scoped3A_860 : memref<!tpu.dma_semaphore, #tpu.memory_space<semaphore_mem>>) {add = true}
        %dma_wait3A_871 = arith.constant 0 : i32
        %dma_wait3A_872 = arith.constant 0 : i32
        %dma_wait3A_873 = tpu.memref_slice %arg8[%run_scoped3A_308, %dma_wait3A_871, %dma_wait3A_872] : memref<4x128x32xf32, #tpu.memory_space<vmem>> -> memref<1x128x32xf32, #tpu.memory_space<vmem>>
        %dma_wait3A_874 = tpu.memref_squeeze %dma_wait3A_873 : memref<1x128x32xf32, #tpu.memory_space<vmem>> -> memref<128x32xf32, #tpu.memory_space<vmem>>
        %dma_wait3A_875 = arith.constant 0 : i32
        %dma_wait3A_876 = tpu.memref_slice %arg7[%run_scoped3A_309, %dma_wait3A_875] : memref<32x128xi32, #tpu.memory_space<vmem>> -> memref<1x128xi32, #tpu.memory_space<vmem>>
        %dma_wait3A_877 = tpu.memref_squeeze %dma_wait3A_876 : memref<1x128xi32, #tpu.memory_space<vmem>> -> memref<128xi32, #tpu.memory_space<vmem>>
        %dma_wait3A_878 = arith.constant 0 : i32
        %dma_wait3A_879 = arith.constant 0 : i32
        %dma_wait3A_880 = tpu.memref_slice %arg9[%dma_wait3A_878, %dma_wait3A_879] : memref<51200x32xf32, #tpu.memory_space<vmem_shared>> -> memref<51200x32xf32, #tpu.memory_space<vmem_shared>>
        tpu.wait_indirect_dma semaphore(%run_scoped3A_860 : memref<!tpu.dma_semaphore, #tpu.memory_space<semaphore_mem>>) src(%dma_wait3A_874 : memref<128x32xf32, #tpu.memory_space<vmem>>) dst(%dma_wait3A_880 : memref<51200x32xf32, #tpu.memory_space<vmem_shared>>)
        tpu.yield
      }) : () -> ()
      %run_scoped3A_310 = arith.constant 1 : i32
      %run_scoped3A_311 = arith.constant 9 : i32
      "tpu.region"() ({
        %run_scoped3A_860 = tpu.sem_alloc : memref<!tpu.dma_semaphore, #tpu.memory_space<semaphore_mem>>
        %dma_start3A_861 = arith.constant 0 : i32
        %dma_start3A_862 = arith.constant 0 : i32
        %dma_start3A_863 = tpu.memref_slice %arg8[%run_scoped3A_310, %dma_start3A_861, %dma_start3A_862] : memref<4x128x32xf32, #tpu.memory_space<vmem>> -> memref<1x128x32xf32, #tpu.memory_space<vmem>>
        %dma_start3A_864 = tpu.memref_squeeze %dma_start3A_863 : memref<1x128x32xf32, #tpu.memory_space<vmem>> -> memref<128x32xf32, #tpu.memory_space<vmem>>
        %dma_start3A_865 = arith.constant 0 : i32
        %dma_start3A_866 = tpu.memref_slice %arg7[%run_scoped3A_311, %dma_start3A_865] : memref<32x128xi32, #tpu.memory_space<vmem>> -> memref<1x128xi32, #tpu.memory_space<vmem>>
        %dma_start3A_867 = tpu.memref_squeeze %dma_start3A_866 : memref<1x128xi32, #tpu.memory_space<vmem>> -> memref<128xi32, #tpu.memory_space<vmem>>
        %dma_start3A_868 = arith.constant 0 : i32
        %dma_start3A_869 = arith.constant 0 : i32
        %dma_start3A_870 = tpu.memref_slice %arg9[%dma_start3A_868, %dma_start3A_869] : memref<51200x32xf32, #tpu.memory_space<vmem_shared>> -> memref<51200x32xf32, #tpu.memory_space<vmem_shared>>
        tpu.enqueue_indirect_dma source(%dma_start3A_864 : memref<128x32xf32, #tpu.memory_space<vmem>>) target(%dma_start3A_870 : memref<51200x32xf32, #tpu.memory_space<vmem_shared>>) offsets(%dma_start3A_867 : memref<128xi32, #tpu.memory_space<vmem>>) semaphore(%run_scoped3A_860 : memref<!tpu.dma_semaphore, #tpu.memory_space<semaphore_mem>>) {add = true}
        %dma_wait3A_871 = arith.constant 0 : i32
        %dma_wait3A_872 = arith.constant 0 : i32
        %dma_wait3A_873 = tpu.memref_slice %arg8[%run_scoped3A_310, %dma_wait3A_871, %dma_wait3A_872] : memref<4x128x32xf32, #tpu.memory_space<vmem>> -> memref<1x128x32xf32, #tpu.memory_space<vmem>>
        %dma_wait3A_874 = tpu.memref_squeeze %dma_wait3A_873 : memref<1x128x32xf32, #tpu.memory_space<vmem>> -> memref<128x32xf32, #tpu.memory_space<vmem>>
        %dma_wait3A_875 = arith.constant 0 : i32
        %dma_wait3A_876 = tpu.memref_slice %arg7[%run_scoped3A_311, %dma_wait3A_875] : memref<32x128xi32, #tpu.memory_space<vmem>> -> memref<1x128xi32, #tpu.memory_space<vmem>>
        %dma_wait3A_877 = tpu.memref_squeeze %dma_wait3A_876 : memref<1x128xi32, #tpu.memory_space<vmem>> -> memref<128xi32, #tpu.memory_space<vmem>>
        %dma_wait3A_878 = arith.constant 0 : i32
        %dma_wait3A_879 = arith.constant 0 : i32
        %dma_wait3A_880 = tpu.memref_slice %arg9[%dma_wait3A_878, %dma_wait3A_879] : memref<51200x32xf32, #tpu.memory_space<vmem_shared>> -> memref<51200x32xf32, #tpu.memory_space<vmem_shared>>
        tpu.wait_indirect_dma semaphore(%run_scoped3A_860 : memref<!tpu.dma_semaphore, #tpu.memory_space<semaphore_mem>>) src(%dma_wait3A_874 : memref<128x32xf32, #tpu.memory_space<vmem>>) dst(%dma_wait3A_880 : memref<51200x32xf32, #tpu.memory_space<vmem_shared>>)
        tpu.yield
      }) : () -> ()
      %dma_wait3A_312 = arith.constant 10 : i32
      %dma_wait3A_313 = arith.constant 2 : i32
      %dma_wait3A_314 = arith.constant 0 : i32
      %dma_wait3A_315 = arith.constant 0 : i32
      %dma_wait3A_316 = tpu.memref_slice %arg8[%dma_wait3A_313, %dma_wait3A_314, %dma_wait3A_315] : memref<4x128x32xf32, #tpu.memory_space<vmem>> -> memref<1x128x32xf32, #tpu.memory_space<vmem>>
      %dma_wait3A_317 = tpu.memref_squeeze %dma_wait3A_316 : memref<1x128x32xf32, #tpu.memory_space<vmem>> -> memref<128x32xf32, #tpu.memory_space<vmem>>
      %dma_wait3A_318 = arith.constant 0 : i32
      %dma_wait3A_319 = tpu.memref_slice %arg6[%dma_wait3A_312, %dma_wait3A_318] : memref<32x128xi32, #tpu.memory_space<vmem>> -> memref<1x128xi32, #tpu.memory_space<vmem>>
      %dma_wait3A_320 = tpu.memref_squeeze %dma_wait3A_319 : memref<1x128xi32, #tpu.memory_space<vmem>> -> memref<128xi32, #tpu.memory_space<vmem>>
      %dma_wait3A_321 = arith.constant 0 : i32
      %dma_wait3A_322 = arith.constant 0 : i32
      %dma_wait3A_323 = tpu.memref_slice %arg4[%dma_wait3A_321, %dma_wait3A_322] : memref<102400x32xf32, #tpu.memory_space<hbm>> -> memref<102400x32xf32, #tpu.memory_space<hbm>>
      tpu.wait_indirect_dma semaphore(%arg11 : memref<!tpu.dma_semaphore, #tpu.memory_space<semaphore_mem>>) src(%dma_wait3A_323 : memref<102400x32xf32, #tpu.memory_space<hbm>>) dst(%dma_wait3A_317 : memref<128x32xf32, #tpu.memory_space<vmem>>)
      %dma_wait3A_324 = arith.constant 11 : i32
      %dma_wait3A_325 = arith.constant 3 : i32
      %dma_wait3A_326 = arith.constant 0 : i32
      %dma_wait3A_327 = arith.constant 0 : i32
      %dma_wait3A_328 = tpu.memref_slice %arg8[%dma_wait3A_325, %dma_wait3A_326, %dma_wait3A_327] : memref<4x128x32xf32, #tpu.memory_space<vmem>> -> memref<1x128x32xf32, #tpu.memory_space<vmem>>
      %dma_wait3A_329 = tpu.memref_squeeze %dma_wait3A_328 : memref<1x128x32xf32, #tpu.memory_space<vmem>> -> memref<128x32xf32, #tpu.memory_space<vmem>>
      %dma_wait3A_330 = arith.constant 0 : i32
      %dma_wait3A_331 = tpu.memref_slice %arg6[%dma_wait3A_324, %dma_wait3A_330] : memref<32x128xi32, #tpu.memory_space<vmem>> -> memref<1x128xi32, #tpu.memory_space<vmem>>
      %dma_wait3A_332 = tpu.memref_squeeze %dma_wait3A_331 : memref<1x128xi32, #tpu.memory_space<vmem>> -> memref<128xi32, #tpu.memory_space<vmem>>
      %dma_wait3A_333 = arith.constant 0 : i32
      %dma_wait3A_334 = arith.constant 0 : i32
      %dma_wait3A_335 = tpu.memref_slice %arg4[%dma_wait3A_333, %dma_wait3A_334] : memref<102400x32xf32, #tpu.memory_space<hbm>> -> memref<102400x32xf32, #tpu.memory_space<hbm>>
      tpu.wait_indirect_dma semaphore(%arg11 : memref<!tpu.dma_semaphore, #tpu.memory_space<semaphore_mem>>) src(%dma_wait3A_335 : memref<102400x32xf32, #tpu.memory_space<hbm>>) dst(%dma_wait3A_329 : memref<128x32xf32, #tpu.memory_space<vmem>>)
      %run_scoped3A_336 = arith.constant 2 : i32
      %run_scoped3A_337 = arith.constant 10 : i32
      "tpu.region"() ({
        %run_scoped3A_860 = tpu.sem_alloc : memref<!tpu.dma_semaphore, #tpu.memory_space<semaphore_mem>>
        %dma_start3A_861 = arith.constant 0 : i32
        %dma_start3A_862 = arith.constant 0 : i32
        %dma_start3A_863 = tpu.memref_slice %arg8[%run_scoped3A_336, %dma_start3A_861, %dma_start3A_862] : memref<4x128x32xf32, #tpu.memory_space<vmem>> -> memref<1x128x32xf32, #tpu.memory_space<vmem>>
        %dma_start3A_864 = tpu.memref_squeeze %dma_start3A_863 : memref<1x128x32xf32, #tpu.memory_space<vmem>> -> memref<128x32xf32, #tpu.memory_space<vmem>>
        %dma_start3A_865 = arith.constant 0 : i32
        %dma_start3A_866 = tpu.memref_slice %arg7[%run_scoped3A_337, %dma_start3A_865] : memref<32x128xi32, #tpu.memory_space<vmem>> -> memref<1x128xi32, #tpu.memory_space<vmem>>
        %dma_start3A_867 = tpu.memref_squeeze %dma_start3A_866 : memref<1x128xi32, #tpu.memory_space<vmem>> -> memref<128xi32, #tpu.memory_space<vmem>>
        %dma_start3A_868 = arith.constant 0 : i32
        %dma_start3A_869 = arith.constant 0 : i32
        %dma_start3A_870 = tpu.memref_slice %arg9[%dma_start3A_868, %dma_start3A_869] : memref<51200x32xf32, #tpu.memory_space<vmem_shared>> -> memref<51200x32xf32, #tpu.memory_space<vmem_shared>>
        tpu.enqueue_indirect_dma source(%dma_start3A_864 : memref<128x32xf32, #tpu.memory_space<vmem>>) target(%dma_start3A_870 : memref<51200x32xf32, #tpu.memory_space<vmem_shared>>) offsets(%dma_start3A_867 : memref<128xi32, #tpu.memory_space<vmem>>) semaphore(%run_scoped3A_860 : memref<!tpu.dma_semaphore, #tpu.memory_space<semaphore_mem>>) {add = true}
        %dma_wait3A_871 = arith.constant 0 : i32
        %dma_wait3A_872 = arith.constant 0 : i32
        %dma_wait3A_873 = tpu.memref_slice %arg8[%run_scoped3A_336, %dma_wait3A_871, %dma_wait3A_872] : memref<4x128x32xf32, #tpu.memory_space<vmem>> -> memref<1x128x32xf32, #tpu.memory_space<vmem>>
        %dma_wait3A_874 = tpu.memref_squeeze %dma_wait3A_873 : memref<1x128x32xf32, #tpu.memory_space<vmem>> -> memref<128x32xf32, #tpu.memory_space<vmem>>
        %dma_wait3A_875 = arith.constant 0 : i32
        %dma_wait3A_876 = tpu.memref_slice %arg7[%run_scoped3A_337, %dma_wait3A_875] : memref<32x128xi32, #tpu.memory_space<vmem>> -> memref<1x128xi32, #tpu.memory_space<vmem>>
        %dma_wait3A_877 = tpu.memref_squeeze %dma_wait3A_876 : memref<1x128xi32, #tpu.memory_space<vmem>> -> memref<128xi32, #tpu.memory_space<vmem>>
        %dma_wait3A_878 = arith.constant 0 : i32
        %dma_wait3A_879 = arith.constant 0 : i32
        %dma_wait3A_880 = tpu.memref_slice %arg9[%dma_wait3A_878, %dma_wait3A_879] : memref<51200x32xf32, #tpu.memory_space<vmem_shared>> -> memref<51200x32xf32, #tpu.memory_space<vmem_shared>>
        tpu.wait_indirect_dma semaphore(%run_scoped3A_860 : memref<!tpu.dma_semaphore, #tpu.memory_space<semaphore_mem>>) src(%dma_wait3A_874 : memref<128x32xf32, #tpu.memory_space<vmem>>) dst(%dma_wait3A_880 : memref<51200x32xf32, #tpu.memory_space<vmem_shared>>)
        tpu.yield
      }) : () -> ()
      %run_scoped3A_338 = arith.constant 3 : i32
      %run_scoped3A_339 = arith.constant 11 : i32
      "tpu.region"() ({
        %run_scoped3A_860 = tpu.sem_alloc : memref<!tpu.dma_semaphore, #tpu.memory_space<semaphore_mem>>
        %dma_start3A_861 = arith.constant 0 : i32
        %dma_start3A_862 = arith.constant 0 : i32
        %dma_start3A_863 = tpu.memref_slice %arg8[%run_scoped3A_338, %dma_start3A_861, %dma_start3A_862] : memref<4x128x32xf32, #tpu.memory_space<vmem>> -> memref<1x128x32xf32, #tpu.memory_space<vmem>>
        %dma_start3A_864 = tpu.memref_squeeze %dma_start3A_863 : memref<1x128x32xf32, #tpu.memory_space<vmem>> -> memref<128x32xf32, #tpu.memory_space<vmem>>
        %dma_start3A_865 = arith.constant 0 : i32
        %dma_start3A_866 = tpu.memref_slice %arg7[%run_scoped3A_339, %dma_start3A_865] : memref<32x128xi32, #tpu.memory_space<vmem>> -> memref<1x128xi32, #tpu.memory_space<vmem>>
        %dma_start3A_867 = tpu.memref_squeeze %dma_start3A_866 : memref<1x128xi32, #tpu.memory_space<vmem>> -> memref<128xi32, #tpu.memory_space<vmem>>
        %dma_start3A_868 = arith.constant 0 : i32
        %dma_start3A_869 = arith.constant 0 : i32
        %dma_start3A_870 = tpu.memref_slice %arg9[%dma_start3A_868, %dma_start3A_869] : memref<51200x32xf32, #tpu.memory_space<vmem_shared>> -> memref<51200x32xf32, #tpu.memory_space<vmem_shared>>
        tpu.enqueue_indirect_dma source(%dma_start3A_864 : memref<128x32xf32, #tpu.memory_space<vmem>>) target(%dma_start3A_870 : memref<51200x32xf32, #tpu.memory_space<vmem_shared>>) offsets(%dma_start3A_867 : memref<128xi32, #tpu.memory_space<vmem>>) semaphore(%run_scoped3A_860 : memref<!tpu.dma_semaphore, #tpu.memory_space<semaphore_mem>>) {add = true}
        %dma_wait3A_871 = arith.constant 0 : i32
        %dma_wait3A_872 = arith.constant 0 : i32
        %dma_wait3A_873 = tpu.memref_slice %arg8[%run_scoped3A_338, %dma_wait3A_871, %dma_wait3A_872] : memref<4x128x32xf32, #tpu.memory_space<vmem>> -> memref<1x128x32xf32, #tpu.memory_space<vmem>>
        %dma_wait3A_874 = tpu.memref_squeeze %dma_wait3A_873 : memref<1x128x32xf32, #tpu.memory_space<vmem>> -> memref<128x32xf32, #tpu.memory_space<vmem>>
        %dma_wait3A_875 = arith.constant 0 : i32
        %dma_wait3A_876 = tpu.memref_slice %arg7[%run_scoped3A_339, %dma_wait3A_875] : memref<32x128xi32, #tpu.memory_space<vmem>> -> memref<1x128xi32, #tpu.memory_space<vmem>>
        %dma_wait3A_877 = tpu.memref_squeeze %dma_wait3A_876 : memref<1x128xi32, #tpu.memory_space<vmem>> -> memref<128xi32, #tpu.memory_space<vmem>>
        %dma_wait3A_878 = arith.constant 0 : i32
        %dma_wait3A_879 = arith.constant 0 : i32
        %dma_wait3A_880 = tpu.memref_slice %arg9[%dma_wait3A_878, %dma_wait3A_879] : memref<51200x32xf32, #tpu.memory_space<vmem_shared>> -> memref<51200x32xf32, #tpu.memory_space<vmem_shared>>
        tpu.wait_indirect_dma semaphore(%run_scoped3A_860 : memref<!tpu.dma_semaphore, #tpu.memory_space<semaphore_mem>>) src(%dma_wait3A_874 : memref<128x32xf32, #tpu.memory_space<vmem>>) dst(%dma_wait3A_880 : memref<51200x32xf32, #tpu.memory_space<vmem_shared>>)
        tpu.yield
      }) : () -> ()
      %dma_start3A_340 = arith.constant 12 : i32
      %dma_start3A_341 = arith.constant 0 : i32
      %dma_start3A_342 = arith.constant 0 : i32
      %dma_start3A_343 = arith.constant 0 : i32
      %dma_start3A_344 = tpu.memref_slice %arg8[%dma_start3A_341, %dma_start3A_342, %dma_start3A_343] : memref<4x128x32xf32, #tpu.memory_space<vmem>> -> memref<1x128x32xf32, #tpu.memory_space<vmem>>
      %dma_start3A_345 = tpu.memref_squeeze %dma_start3A_344 : memref<1x128x32xf32, #tpu.memory_space<vmem>> -> memref<128x32xf32, #tpu.memory_space<vmem>>
      %dma_start3A_346 = arith.constant 0 : i32
      %dma_start3A_347 = tpu.memref_slice %arg6[%dma_start3A_340, %dma_start3A_346] : memref<32x128xi32, #tpu.memory_space<vmem>> -> memref<1x128xi32, #tpu.memory_space<vmem>>
      %dma_start3A_348 = tpu.memref_squeeze %dma_start3A_347 : memref<1x128xi32, #tpu.memory_space<vmem>> -> memref<128xi32, #tpu.memory_space<vmem>>
      %dma_start3A_349 = arith.constant 0 : i32
      %dma_start3A_350 = arith.constant 0 : i32
      %dma_start3A_351 = tpu.memref_slice %arg4[%dma_start3A_349, %dma_start3A_350] : memref<102400x32xf32, #tpu.memory_space<hbm>> -> memref<102400x32xf32, #tpu.memory_space<hbm>>
      tpu.enqueue_indirect_dma source(%dma_start3A_351 : memref<102400x32xf32, #tpu.memory_space<hbm>>) target(%dma_start3A_345 : memref<128x32xf32, #tpu.memory_space<vmem>>) offsets(%dma_start3A_348 : memref<128xi32, #tpu.memory_space<vmem>>) semaphore(%arg10 : memref<!tpu.dma_semaphore, #tpu.memory_space<semaphore_mem>>)
      %dma_start3A_352 = arith.constant 13 : i32
      %dma_start3A_353 = arith.constant 1 : i32
      %dma_start3A_354 = arith.constant 0 : i32
      %dma_start3A_355 = arith.constant 0 : i32
      %dma_start3A_356 = tpu.memref_slice %arg8[%dma_start3A_353, %dma_start3A_354, %dma_start3A_355] : memref<4x128x32xf32, #tpu.memory_space<vmem>> -> memref<1x128x32xf32, #tpu.memory_space<vmem>>
      %dma_start3A_357 = tpu.memref_squeeze %dma_start3A_356 : memref<1x128x32xf32, #tpu.memory_space<vmem>> -> memref<128x32xf32, #tpu.memory_space<vmem>>
      %dma_start3A_358 = arith.constant 0 : i32
      %dma_start3A_359 = tpu.memref_slice %arg6[%dma_start3A_352, %dma_start3A_358] : memref<32x128xi32, #tpu.memory_space<vmem>> -> memref<1x128xi32, #tpu.memory_space<vmem>>
      %dma_start3A_360 = tpu.memref_squeeze %dma_start3A_359 : memref<1x128xi32, #tpu.memory_space<vmem>> -> memref<128xi32, #tpu.memory_space<vmem>>
      %dma_start3A_361 = arith.constant 0 : i32
      %dma_start3A_362 = arith.constant 0 : i32
      %dma_start3A_363 = tpu.memref_slice %arg4[%dma_start3A_361, %dma_start3A_362] : memref<102400x32xf32, #tpu.memory_space<hbm>> -> memref<102400x32xf32, #tpu.memory_space<hbm>>
      tpu.enqueue_indirect_dma source(%dma_start3A_363 : memref<102400x32xf32, #tpu.memory_space<hbm>>) target(%dma_start3A_357 : memref<128x32xf32, #tpu.memory_space<vmem>>) offsets(%dma_start3A_360 : memref<128xi32, #tpu.memory_space<vmem>>) semaphore(%arg10 : memref<!tpu.dma_semaphore, #tpu.memory_space<semaphore_mem>>)
      %dma_start3A_364 = arith.constant 14 : i32
      %dma_start3A_365 = arith.constant 2 : i32
      %dma_start3A_366 = arith.constant 0 : i32
      %dma_start3A_367 = arith.constant 0 : i32
      %dma_start3A_368 = tpu.memref_slice %arg8[%dma_start3A_365, %dma_start3A_366, %dma_start3A_367] : memref<4x128x32xf32, #tpu.memory_space<vmem>> -> memref<1x128x32xf32, #tpu.memory_space<vmem>>
      %dma_start3A_369 = tpu.memref_squeeze %dma_start3A_368 : memref<1x128x32xf32, #tpu.memory_space<vmem>> -> memref<128x32xf32, #tpu.memory_space<vmem>>
      %dma_start3A_370 = arith.constant 0 : i32
      %dma_start3A_371 = tpu.memref_slice %arg6[%dma_start3A_364, %dma_start3A_370] : memref<32x128xi32, #tpu.memory_space<vmem>> -> memref<1x128xi32, #tpu.memory_space<vmem>>
      %dma_start3A_372 = tpu.memref_squeeze %dma_start3A_371 : memref<1x128xi32, #tpu.memory_space<vmem>> -> memref<128xi32, #tpu.memory_space<vmem>>
      %dma_start3A_373 = arith.constant 0 : i32
      %dma_start3A_374 = arith.constant 0 : i32
      %dma_start3A_375 = tpu.memref_slice %arg4[%dma_start3A_373, %dma_start3A_374] : memref<102400x32xf32, #tpu.memory_space<hbm>> -> memref<102400x32xf32, #tpu.memory_space<hbm>>
      tpu.enqueue_indirect_dma source(%dma_start3A_375 : memref<102400x32xf32, #tpu.memory_space<hbm>>) target(%dma_start3A_369 : memref<128x32xf32, #tpu.memory_space<vmem>>) offsets(%dma_start3A_372 : memref<128xi32, #tpu.memory_space<vmem>>) semaphore(%arg11 : memref<!tpu.dma_semaphore, #tpu.memory_space<semaphore_mem>>)
      %dma_start3A_376 = arith.constant 15 : i32
      %dma_start3A_377 = arith.constant 3 : i32
      %dma_start3A_378 = arith.constant 0 : i32
      %dma_start3A_379 = arith.constant 0 : i32
      %dma_start3A_380 = tpu.memref_slice %arg8[%dma_start3A_377, %dma_start3A_378, %dma_start3A_379] : memref<4x128x32xf32, #tpu.memory_space<vmem>> -> memref<1x128x32xf32, #tpu.memory_space<vmem>>
      %dma_start3A_381 = tpu.memref_squeeze %dma_start3A_380 : memref<1x128x32xf32, #tpu.memory_space<vmem>> -> memref<128x32xf32, #tpu.memory_space<vmem>>
      %dma_start3A_382 = arith.constant 0 : i32
      %dma_start3A_383 = tpu.memref_slice %arg6[%dma_start3A_376, %dma_start3A_382] : memref<32x128xi32, #tpu.memory_space<vmem>> -> memref<1x128xi32, #tpu.memory_space<vmem>>
      %dma_start3A_384 = tpu.memref_squeeze %dma_start3A_383 : memref<1x128xi32, #tpu.memory_space<vmem>> -> memref<128xi32, #tpu.memory_space<vmem>>
      %dma_start3A_385 = arith.constant 0 : i32
      %dma_start3A_386 = arith.constant 0 : i32
      %dma_start3A_387 = tpu.memref_slice %arg4[%dma_start3A_385, %dma_start3A_386] : memref<102400x32xf32, #tpu.memory_space<hbm>> -> memref<102400x32xf32, #tpu.memory_space<hbm>>
      tpu.enqueue_indirect_dma source(%dma_start3A_387 : memref<102400x32xf32, #tpu.memory_space<hbm>>) target(%dma_start3A_381 : memref<128x32xf32, #tpu.memory_space<vmem>>) offsets(%dma_start3A_384 : memref<128xi32, #tpu.memory_space<vmem>>) semaphore(%arg11 : memref<!tpu.dma_semaphore, #tpu.memory_space<semaphore_mem>>)
      %dma_wait3A_388 = arith.constant 12 : i32
      %dma_wait3A_389 = arith.constant 0 : i32
      %dma_wait3A_390 = arith.constant 0 : i32
      %dma_wait3A_391 = arith.constant 0 : i32
      %dma_wait3A_392 = tpu.memref_slice %arg8[%dma_wait3A_389, %dma_wait3A_390, %dma_wait3A_391] : memref<4x128x32xf32, #tpu.memory_space<vmem>> -> memref<1x128x32xf32, #tpu.memory_space<vmem>>
      %dma_wait3A_393 = tpu.memref_squeeze %dma_wait3A_392 : memref<1x128x32xf32, #tpu.memory_space<vmem>> -> memref<128x32xf32, #tpu.memory_space<vmem>>
      %dma_wait3A_394 = arith.constant 0 : i32
      %dma_wait3A_395 = tpu.memref_slice %arg6[%dma_wait3A_388, %dma_wait3A_394] : memref<32x128xi32, #tpu.memory_space<vmem>> -> memref<1x128xi32, #tpu.memory_space<vmem>>
      %dma_wait3A_396 = tpu.memref_squeeze %dma_wait3A_395 : memref<1x128xi32, #tpu.memory_space<vmem>> -> memref<128xi32, #tpu.memory_space<vmem>>
      %dma_wait3A_397 = arith.constant 0 : i32
      %dma_wait3A_398 = arith.constant 0 : i32
      %dma_wait3A_399 = tpu.memref_slice %arg4[%dma_wait3A_397, %dma_wait3A_398] : memref<102400x32xf32, #tpu.memory_space<hbm>> -> memref<102400x32xf32, #tpu.memory_space<hbm>>
      tpu.wait_indirect_dma semaphore(%arg10 : memref<!tpu.dma_semaphore, #tpu.memory_space<semaphore_mem>>) src(%dma_wait3A_399 : memref<102400x32xf32, #tpu.memory_space<hbm>>) dst(%dma_wait3A_393 : memref<128x32xf32, #tpu.memory_space<vmem>>)
      %dma_wait3A_400 = arith.constant 13 : i32
      %dma_wait3A_401 = arith.constant 1 : i32
      %dma_wait3A_402 = arith.constant 0 : i32
      %dma_wait3A_403 = arith.constant 0 : i32
      %dma_wait3A_404 = tpu.memref_slice %arg8[%dma_wait3A_401, %dma_wait3A_402, %dma_wait3A_403] : memref<4x128x32xf32, #tpu.memory_space<vmem>> -> memref<1x128x32xf32, #tpu.memory_space<vmem>>
      %dma_wait3A_405 = tpu.memref_squeeze %dma_wait3A_404 : memref<1x128x32xf32, #tpu.memory_space<vmem>> -> memref<128x32xf32, #tpu.memory_space<vmem>>
      %dma_wait3A_406 = arith.constant 0 : i32
      %dma_wait3A_407 = tpu.memref_slice %arg6[%dma_wait3A_400, %dma_wait3A_406] : memref<32x128xi32, #tpu.memory_space<vmem>> -> memref<1x128xi32, #tpu.memory_space<vmem>>
      %dma_wait3A_408 = tpu.memref_squeeze %dma_wait3A_407 : memref<1x128xi32, #tpu.memory_space<vmem>> -> memref<128xi32, #tpu.memory_space<vmem>>
      %dma_wait3A_409 = arith.constant 0 : i32
      %dma_wait3A_410 = arith.constant 0 : i32
      %dma_wait3A_411 = tpu.memref_slice %arg4[%dma_wait3A_409, %dma_wait3A_410] : memref<102400x32xf32, #tpu.memory_space<hbm>> -> memref<102400x32xf32, #tpu.memory_space<hbm>>
      tpu.wait_indirect_dma semaphore(%arg10 : memref<!tpu.dma_semaphore, #tpu.memory_space<semaphore_mem>>) src(%dma_wait3A_411 : memref<102400x32xf32, #tpu.memory_space<hbm>>) dst(%dma_wait3A_405 : memref<128x32xf32, #tpu.memory_space<vmem>>)
      %run_scoped3A_412 = arith.constant 0 : i32
      %run_scoped3A_413 = arith.constant 12 : i32
      "tpu.region"() ({
        %run_scoped3A_860 = tpu.sem_alloc : memref<!tpu.dma_semaphore, #tpu.memory_space<semaphore_mem>>
        %dma_start3A_861 = arith.constant 0 : i32
        %dma_start3A_862 = arith.constant 0 : i32
        %dma_start3A_863 = tpu.memref_slice %arg8[%run_scoped3A_412, %dma_start3A_861, %dma_start3A_862] : memref<4x128x32xf32, #tpu.memory_space<vmem>> -> memref<1x128x32xf32, #tpu.memory_space<vmem>>
        %dma_start3A_864 = tpu.memref_squeeze %dma_start3A_863 : memref<1x128x32xf32, #tpu.memory_space<vmem>> -> memref<128x32xf32, #tpu.memory_space<vmem>>
        %dma_start3A_865 = arith.constant 0 : i32
        %dma_start3A_866 = tpu.memref_slice %arg7[%run_scoped3A_413, %dma_start3A_865] : memref<32x128xi32, #tpu.memory_space<vmem>> -> memref<1x128xi32, #tpu.memory_space<vmem>>
        %dma_start3A_867 = tpu.memref_squeeze %dma_start3A_866 : memref<1x128xi32, #tpu.memory_space<vmem>> -> memref<128xi32, #tpu.memory_space<vmem>>
        %dma_start3A_868 = arith.constant 0 : i32
        %dma_start3A_869 = arith.constant 0 : i32
        %dma_start3A_870 = tpu.memref_slice %arg9[%dma_start3A_868, %dma_start3A_869] : memref<51200x32xf32, #tpu.memory_space<vmem_shared>> -> memref<51200x32xf32, #tpu.memory_space<vmem_shared>>
        tpu.enqueue_indirect_dma source(%dma_start3A_864 : memref<128x32xf32, #tpu.memory_space<vmem>>) target(%dma_start3A_870 : memref<51200x32xf32, #tpu.memory_space<vmem_shared>>) offsets(%dma_start3A_867 : memref<128xi32, #tpu.memory_space<vmem>>) semaphore(%run_scoped3A_860 : memref<!tpu.dma_semaphore, #tpu.memory_space<semaphore_mem>>) {add = true}
        %dma_wait3A_871 = arith.constant 0 : i32
        %dma_wait3A_872 = arith.constant 0 : i32
        %dma_wait3A_873 = tpu.memref_slice %arg8[%run_scoped3A_412, %dma_wait3A_871, %dma_wait3A_872] : memref<4x128x32xf32, #tpu.memory_space<vmem>> -> memref<1x128x32xf32, #tpu.memory_space<vmem>>
        %dma_wait3A_874 = tpu.memref_squeeze %dma_wait3A_873 : memref<1x128x32xf32, #tpu.memory_space<vmem>> -> memref<128x32xf32, #tpu.memory_space<vmem>>
        %dma_wait3A_875 = arith.constant 0 : i32
        %dma_wait3A_876 = tpu.memref_slice %arg7[%run_scoped3A_413, %dma_wait3A_875] : memref<32x128xi32, #tpu.memory_space<vmem>> -> memref<1x128xi32, #tpu.memory_space<vmem>>
        %dma_wait3A_877 = tpu.memref_squeeze %dma_wait3A_876 : memref<1x128xi32, #tpu.memory_space<vmem>> -> memref<128xi32, #tpu.memory_space<vmem>>
        %dma_wait3A_878 = arith.constant 0 : i32
        %dma_wait3A_879 = arith.constant 0 : i32
        %dma_wait3A_880 = tpu.memref_slice %arg9[%dma_wait3A_878, %dma_wait3A_879] : memref<51200x32xf32, #tpu.memory_space<vmem_shared>> -> memref<51200x32xf32, #tpu.memory_space<vmem_shared>>
        tpu.wait_indirect_dma semaphore(%run_scoped3A_860 : memref<!tpu.dma_semaphore, #tpu.memory_space<semaphore_mem>>) src(%dma_wait3A_874 : memref<128x32xf32, #tpu.memory_space<vmem>>) dst(%dma_wait3A_880 : memref<51200x32xf32, #tpu.memory_space<vmem_shared>>)
        tpu.yield
      }) : () -> ()
      %run_scoped3A_414 = arith.constant 1 : i32
      %run_scoped3A_415 = arith.constant 13 : i32
      "tpu.region"() ({
        %run_scoped3A_860 = tpu.sem_alloc : memref<!tpu.dma_semaphore, #tpu.memory_space<semaphore_mem>>
        %dma_start3A_861 = arith.constant 0 : i32
        %dma_start3A_862 = arith.constant 0 : i32
        %dma_start3A_863 = tpu.memref_slice %arg8[%run_scoped3A_414, %dma_start3A_861, %dma_start3A_862] : memref<4x128x32xf32, #tpu.memory_space<vmem>> -> memref<1x128x32xf32, #tpu.memory_space<vmem>>
        %dma_start3A_864 = tpu.memref_squeeze %dma_start3A_863 : memref<1x128x32xf32, #tpu.memory_space<vmem>> -> memref<128x32xf32, #tpu.memory_space<vmem>>
        %dma_start3A_865 = arith.constant 0 : i32
        %dma_start3A_866 = tpu.memref_slice %arg7[%run_scoped3A_415, %dma_start3A_865] : memref<32x128xi32, #tpu.memory_space<vmem>> -> memref<1x128xi32, #tpu.memory_space<vmem>>
        %dma_start3A_867 = tpu.memref_squeeze %dma_start3A_866 : memref<1x128xi32, #tpu.memory_space<vmem>> -> memref<128xi32, #tpu.memory_space<vmem>>
        %dma_start3A_868 = arith.constant 0 : i32
        %dma_start3A_869 = arith.constant 0 : i32
        %dma_start3A_870 = tpu.memref_slice %arg9[%dma_start3A_868, %dma_start3A_869] : memref<51200x32xf32, #tpu.memory_space<vmem_shared>> -> memref<51200x32xf32, #tpu.memory_space<vmem_shared>>
        tpu.enqueue_indirect_dma source(%dma_start3A_864 : memref<128x32xf32, #tpu.memory_space<vmem>>) target(%dma_start3A_870 : memref<51200x32xf32, #tpu.memory_space<vmem_shared>>) offsets(%dma_start3A_867 : memref<128xi32, #tpu.memory_space<vmem>>) semaphore(%run_scoped3A_860 : memref<!tpu.dma_semaphore, #tpu.memory_space<semaphore_mem>>) {add = true}
        %dma_wait3A_871 = arith.constant 0 : i32
        %dma_wait3A_872 = arith.constant 0 : i32
        %dma_wait3A_873 = tpu.memref_slice %arg8[%run_scoped3A_414, %dma_wait3A_871, %dma_wait3A_872] : memref<4x128x32xf32, #tpu.memory_space<vmem>> -> memref<1x128x32xf32, #tpu.memory_space<vmem>>
        %dma_wait3A_874 = tpu.memref_squeeze %dma_wait3A_873 : memref<1x128x32xf32, #tpu.memory_space<vmem>> -> memref<128x32xf32, #tpu.memory_space<vmem>>
        %dma_wait3A_875 = arith.constant 0 : i32
        %dma_wait3A_876 = tpu.memref_slice %arg7[%run_scoped3A_415, %dma_wait3A_875] : memref<32x128xi32, #tpu.memory_space<vmem>> -> memref<1x128xi32, #tpu.memory_space<vmem>>
        %dma_wait3A_877 = tpu.memref_squeeze %dma_wait3A_876 : memref<1x128xi32, #tpu.memory_space<vmem>> -> memref<128xi32, #tpu.memory_space<vmem>>
        %dma_wait3A_878 = arith.constant 0 : i32
        %dma_wait3A_879 = arith.constant 0 : i32
        %dma_wait3A_880 = tpu.memref_slice %arg9[%dma_wait3A_878, %dma_wait3A_879] : memref<51200x32xf32, #tpu.memory_space<vmem_shared>> -> memref<51200x32xf32, #tpu.memory_space<vmem_shared>>
        tpu.wait_indirect_dma semaphore(%run_scoped3A_860 : memref<!tpu.dma_semaphore, #tpu.memory_space<semaphore_mem>>) src(%dma_wait3A_874 : memref<128x32xf32, #tpu.memory_space<vmem>>) dst(%dma_wait3A_880 : memref<51200x32xf32, #tpu.memory_space<vmem_shared>>)
        tpu.yield
      }) : () -> ()
      %dma_wait3A_416 = arith.constant 14 : i32
      %dma_wait3A_417 = arith.constant 2 : i32
      %dma_wait3A_418 = arith.constant 0 : i32
      %dma_wait3A_419 = arith.constant 0 : i32
      %dma_wait3A_420 = tpu.memref_slice %arg8[%dma_wait3A_417, %dma_wait3A_418, %dma_wait3A_419] : memref<4x128x32xf32, #tpu.memory_space<vmem>> -> memref<1x128x32xf32, #tpu.memory_space<vmem>>
      %dma_wait3A_421 = tpu.memref_squeeze %dma_wait3A_420 : memref<1x128x32xf32, #tpu.memory_space<vmem>> -> memref<128x32xf32, #tpu.memory_space<vmem>>
      %dma_wait3A_422 = arith.constant 0 : i32
      %dma_wait3A_423 = tpu.memref_slice %arg6[%dma_wait3A_416, %dma_wait3A_422] : memref<32x128xi32, #tpu.memory_space<vmem>> -> memref<1x128xi32, #tpu.memory_space<vmem>>
      %dma_wait3A_424 = tpu.memref_squeeze %dma_wait3A_423 : memref<1x128xi32, #tpu.memory_space<vmem>> -> memref<128xi32, #tpu.memory_space<vmem>>
      %dma_wait3A_425 = arith.constant 0 : i32
      %dma_wait3A_426 = arith.constant 0 : i32
      %dma_wait3A_427 = tpu.memref_slice %arg4[%dma_wait3A_425, %dma_wait3A_426] : memref<102400x32xf32, #tpu.memory_space<hbm>> -> memref<102400x32xf32, #tpu.memory_space<hbm>>
      tpu.wait_indirect_dma semaphore(%arg11 : memref<!tpu.dma_semaphore, #tpu.memory_space<semaphore_mem>>) src(%dma_wait3A_427 : memref<102400x32xf32, #tpu.memory_space<hbm>>) dst(%dma_wait3A_421 : memref<128x32xf32, #tpu.memory_space<vmem>>)
      %dma_wait3A_428 = arith.constant 15 : i32
      %dma_wait3A_429 = arith.constant 3 : i32
      %dma_wait3A_430 = arith.constant 0 : i32
      %dma_wait3A_431 = arith.constant 0 : i32
      %dma_wait3A_432 = tpu.memref_slice %arg8[%dma_wait3A_429, %dma_wait3A_430, %dma_wait3A_431] : memref<4x128x32xf32, #tpu.memory_space<vmem>> -> memref<1x128x32xf32, #tpu.memory_space<vmem>>
      %dma_wait3A_433 = tpu.memref_squeeze %dma_wait3A_432 : memref<1x128x32xf32, #tpu.memory_space<vmem>> -> memref<128x32xf32, #tpu.memory_space<vmem>>
      %dma_wait3A_434 = arith.constant 0 : i32
      %dma_wait3A_435 = tpu.memref_slice %arg6[%dma_wait3A_428, %dma_wait3A_434] : memref<32x128xi32, #tpu.memory_space<vmem>> -> memref<1x128xi32, #tpu.memory_space<vmem>>
      %dma_wait3A_436 = tpu.memref_squeeze %dma_wait3A_435 : memref<1x128xi32, #tpu.memory_space<vmem>> -> memref<128xi32, #tpu.memory_space<vmem>>
      %dma_wait3A_437 = arith.constant 0 : i32
      %dma_wait3A_438 = arith.constant 0 : i32
      %dma_wait3A_439 = tpu.memref_slice %arg4[%dma_wait3A_437, %dma_wait3A_438] : memref<102400x32xf32, #tpu.memory_space<hbm>> -> memref<102400x32xf32, #tpu.memory_space<hbm>>
      tpu.wait_indirect_dma semaphore(%arg11 : memref<!tpu.dma_semaphore, #tpu.memory_space<semaphore_mem>>) src(%dma_wait3A_439 : memref<102400x32xf32, #tpu.memory_space<hbm>>) dst(%dma_wait3A_433 : memref<128x32xf32, #tpu.memory_space<vmem>>)
      %run_scoped3A_440 = arith.constant 2 : i32
      %run_scoped3A_441 = arith.constant 14 : i32
      "tpu.region"() ({
        %run_scoped3A_860 = tpu.sem_alloc : memref<!tpu.dma_semaphore, #tpu.memory_space<semaphore_mem>>
        %dma_start3A_861 = arith.constant 0 : i32
        %dma_start3A_862 = arith.constant 0 : i32
        %dma_start3A_863 = tpu.memref_slice %arg8[%run_scoped3A_440, %dma_start3A_861, %dma_start3A_862] : memref<4x128x32xf32, #tpu.memory_space<vmem>> -> memref<1x128x32xf32, #tpu.memory_space<vmem>>
        %dma_start3A_864 = tpu.memref_squeeze %dma_start3A_863 : memref<1x128x32xf32, #tpu.memory_space<vmem>> -> memref<128x32xf32, #tpu.memory_space<vmem>>
        %dma_start3A_865 = arith.constant 0 : i32
        %dma_start3A_866 = tpu.memref_slice %arg7[%run_scoped3A_441, %dma_start3A_865] : memref<32x128xi32, #tpu.memory_space<vmem>> -> memref<1x128xi32, #tpu.memory_space<vmem>>
        %dma_start3A_867 = tpu.memref_squeeze %dma_start3A_866 : memref<1x128xi32, #tpu.memory_space<vmem>> -> memref<128xi32, #tpu.memory_space<vmem>>
        %dma_start3A_868 = arith.constant 0 : i32
        %dma_start3A_869 = arith.constant 0 : i32
        %dma_start3A_870 = tpu.memref_slice %arg9[%dma_start3A_868, %dma_start3A_869] : memref<51200x32xf32, #tpu.memory_space<vmem_shared>> -> memref<51200x32xf32, #tpu.memory_space<vmem_shared>>
        tpu.enqueue_indirect_dma source(%dma_start3A_864 : memref<128x32xf32, #tpu.memory_space<vmem>>) target(%dma_start3A_870 : memref<51200x32xf32, #tpu.memory_space<vmem_shared>>) offsets(%dma_start3A_867 : memref<128xi32, #tpu.memory_space<vmem>>) semaphore(%run_scoped3A_860 : memref<!tpu.dma_semaphore, #tpu.memory_space<semaphore_mem>>) {add = true}
        %dma_wait3A_871 = arith.constant 0 : i32
        %dma_wait3A_872 = arith.constant 0 : i32
        %dma_wait3A_873 = tpu.memref_slice %arg8[%run_scoped3A_440, %dma_wait3A_871, %dma_wait3A_872] : memref<4x128x32xf32, #tpu.memory_space<vmem>> -> memref<1x128x32xf32, #tpu.memory_space<vmem>>
        %dma_wait3A_874 = tpu.memref_squeeze %dma_wait3A_873 : memref<1x128x32xf32, #tpu.memory_space<vmem>> -> memref<128x32xf32, #tpu.memory_space<vmem>>
        %dma_wait3A_875 = arith.constant 0 : i32
        %dma_wait3A_876 = tpu.memref_slice %arg7[%run_scoped3A_441, %dma_wait3A_875] : memref<32x128xi32, #tpu.memory_space<vmem>> -> memref<1x128xi32, #tpu.memory_space<vmem>>
        %dma_wait3A_877 = tpu.memref_squeeze %dma_wait3A_876 : memref<1x128xi32, #tpu.memory_space<vmem>> -> memref<128xi32, #tpu.memory_space<vmem>>
        %dma_wait3A_878 = arith.constant 0 : i32
        %dma_wait3A_879 = arith.constant 0 : i32
        %dma_wait3A_880 = tpu.memref_slice %arg9[%dma_wait3A_878, %dma_wait3A_879] : memref<51200x32xf32, #tpu.memory_space<vmem_shared>> -> memref<51200x32xf32, #tpu.memory_space<vmem_shared>>
        tpu.wait_indirect_dma semaphore(%run_scoped3A_860 : memref<!tpu.dma_semaphore, #tpu.memory_space<semaphore_mem>>) src(%dma_wait3A_874 : memref<128x32xf32, #tpu.memory_space<vmem>>) dst(%dma_wait3A_880 : memref<51200x32xf32, #tpu.memory_space<vmem_shared>>)
        tpu.yield
      }) : () -> ()
      %run_scoped3A_442 = arith.constant 3 : i32
      %run_scoped3A_443 = arith.constant 15 : i32
      "tpu.region"() ({
        %run_scoped3A_860 = tpu.sem_alloc : memref<!tpu.dma_semaphore, #tpu.memory_space<semaphore_mem>>
        %dma_start3A_861 = arith.constant 0 : i32
        %dma_start3A_862 = arith.constant 0 : i32
        %dma_start3A_863 = tpu.memref_slice %arg8[%run_scoped3A_442, %dma_start3A_861, %dma_start3A_862] : memref<4x128x32xf32, #tpu.memory_space<vmem>> -> memref<1x128x32xf32, #tpu.memory_space<vmem>>
        %dma_start3A_864 = tpu.memref_squeeze %dma_start3A_863 : memref<1x128x32xf32, #tpu.memory_space<vmem>> -> memref<128x32xf32, #tpu.memory_space<vmem>>
        %dma_start3A_865 = arith.constant 0 : i32
        %dma_start3A_866 = tpu.memref_slice %arg7[%run_scoped3A_443, %dma_start3A_865] : memref<32x128xi32, #tpu.memory_space<vmem>> -> memref<1x128xi32, #tpu.memory_space<vmem>>
        %dma_start3A_867 = tpu.memref_squeeze %dma_start3A_866 : memref<1x128xi32, #tpu.memory_space<vmem>> -> memref<128xi32, #tpu.memory_space<vmem>>
        %dma_start3A_868 = arith.constant 0 : i32
        %dma_start3A_869 = arith.constant 0 : i32
        %dma_start3A_870 = tpu.memref_slice %arg9[%dma_start3A_868, %dma_start3A_869] : memref<51200x32xf32, #tpu.memory_space<vmem_shared>> -> memref<51200x32xf32, #tpu.memory_space<vmem_shared>>
        tpu.enqueue_indirect_dma source(%dma_start3A_864 : memref<128x32xf32, #tpu.memory_space<vmem>>) target(%dma_start3A_870 : memref<51200x32xf32, #tpu.memory_space<vmem_shared>>) offsets(%dma_start3A_867 : memref<128xi32, #tpu.memory_space<vmem>>) semaphore(%run_scoped3A_860 : memref<!tpu.dma_semaphore, #tpu.memory_space<semaphore_mem>>) {add = true}
        %dma_wait3A_871 = arith.constant 0 : i32
        %dma_wait3A_872 = arith.constant 0 : i32
        %dma_wait3A_873 = tpu.memref_slice %arg8[%run_scoped3A_442, %dma_wait3A_871, %dma_wait3A_872] : memref<4x128x32xf32, #tpu.memory_space<vmem>> -> memref<1x128x32xf32, #tpu.memory_space<vmem>>
        %dma_wait3A_874 = tpu.memref_squeeze %dma_wait3A_873 : memref<1x128x32xf32, #tpu.memory_space<vmem>> -> memref<128x32xf32, #tpu.memory_space<vmem>>
        %dma_wait3A_875 = arith.constant 0 : i32
        %dma_wait3A_876 = tpu.memref_slice %arg7[%run_scoped3A_443, %dma_wait3A_875] : memref<32x128xi32, #tpu.memory_space<vmem>> -> memref<1x128xi32, #tpu.memory_space<vmem>>
        %dma_wait3A_877 = tpu.memref_squeeze %dma_wait3A_876 : memref<1x128xi32, #tpu.memory_space<vmem>> -> memref<128xi32, #tpu.memory_space<vmem>>
        %dma_wait3A_878 = arith.constant 0 : i32
        %dma_wait3A_879 = arith.constant 0 : i32
        %dma_wait3A_880 = tpu.memref_slice %arg9[%dma_wait3A_878, %dma_wait3A_879] : memref<51200x32xf32, #tpu.memory_space<vmem_shared>> -> memref<51200x32xf32, #tpu.memory_space<vmem_shared>>
        tpu.wait_indirect_dma semaphore(%run_scoped3A_860 : memref<!tpu.dma_semaphore, #tpu.memory_space<semaphore_mem>>) src(%dma_wait3A_874 : memref<128x32xf32, #tpu.memory_space<vmem>>) dst(%dma_wait3A_880 : memref<51200x32xf32, #tpu.memory_space<vmem_shared>>)
        tpu.yield
      }) : () -> ()
      %dma_start3A_444 = arith.constant 16 : i32
      %dma_start3A_445 = arith.constant 0 : i32
      %dma_start3A_446 = arith.constant 0 : i32
      %dma_start3A_447 = arith.constant 0 : i32
      %dma_start3A_448 = tpu.memref_slice %arg8[%dma_start3A_445, %dma_start3A_446, %dma_start3A_447] : memref<4x128x32xf32, #tpu.memory_space<vmem>> -> memref<1x128x32xf32, #tpu.memory_space<vmem>>
      %dma_start3A_449 = tpu.memref_squeeze %dma_start3A_448 : memref<1x128x32xf32, #tpu.memory_space<vmem>> -> memref<128x32xf32, #tpu.memory_space<vmem>>
      %dma_start3A_450 = arith.constant 0 : i32
      %dma_start3A_451 = tpu.memref_slice %arg6[%dma_start3A_444, %dma_start3A_450] : memref<32x128xi32, #tpu.memory_space<vmem>> -> memref<1x128xi32, #tpu.memory_space<vmem>>
      %dma_start3A_452 = tpu.memref_squeeze %dma_start3A_451 : memref<1x128xi32, #tpu.memory_space<vmem>> -> memref<128xi32, #tpu.memory_space<vmem>>
      %dma_start3A_453 = arith.constant 0 : i32
      %dma_start3A_454 = arith.constant 0 : i32
      %dma_start3A_455 = tpu.memref_slice %arg4[%dma_start3A_453, %dma_start3A_454] : memref<102400x32xf32, #tpu.memory_space<hbm>> -> memref<102400x32xf32, #tpu.memory_space<hbm>>
      tpu.enqueue_indirect_dma source(%dma_start3A_455 : memref<102400x32xf32, #tpu.memory_space<hbm>>) target(%dma_start3A_449 : memref<128x32xf32, #tpu.memory_space<vmem>>) offsets(%dma_start3A_452 : memref<128xi32, #tpu.memory_space<vmem>>) semaphore(%arg10 : memref<!tpu.dma_semaphore, #tpu.memory_space<semaphore_mem>>)
      %dma_start3A_456 = arith.constant 17 : i32
      %dma_start3A_457 = arith.constant 1 : i32
      %dma_start3A_458 = arith.constant 0 : i32
      %dma_start3A_459 = arith.constant 0 : i32
      %dma_start3A_460 = tpu.memref_slice %arg8[%dma_start3A_457, %dma_start3A_458, %dma_start3A_459] : memref<4x128x32xf32, #tpu.memory_space<vmem>> -> memref<1x128x32xf32, #tpu.memory_space<vmem>>
      %dma_start3A_461 = tpu.memref_squeeze %dma_start3A_460 : memref<1x128x32xf32, #tpu.memory_space<vmem>> -> memref<128x32xf32, #tpu.memory_space<vmem>>
      %dma_start3A_462 = arith.constant 0 : i32
      %dma_start3A_463 = tpu.memref_slice %arg6[%dma_start3A_456, %dma_start3A_462] : memref<32x128xi32, #tpu.memory_space<vmem>> -> memref<1x128xi32, #tpu.memory_space<vmem>>
      %dma_start3A_464 = tpu.memref_squeeze %dma_start3A_463 : memref<1x128xi32, #tpu.memory_space<vmem>> -> memref<128xi32, #tpu.memory_space<vmem>>
      %dma_start3A_465 = arith.constant 0 : i32
      %dma_start3A_466 = arith.constant 0 : i32
      %dma_start3A_467 = tpu.memref_slice %arg4[%dma_start3A_465, %dma_start3A_466] : memref<102400x32xf32, #tpu.memory_space<hbm>> -> memref<102400x32xf32, #tpu.memory_space<hbm>>
      tpu.enqueue_indirect_dma source(%dma_start3A_467 : memref<102400x32xf32, #tpu.memory_space<hbm>>) target(%dma_start3A_461 : memref<128x32xf32, #tpu.memory_space<vmem>>) offsets(%dma_start3A_464 : memref<128xi32, #tpu.memory_space<vmem>>) semaphore(%arg10 : memref<!tpu.dma_semaphore, #tpu.memory_space<semaphore_mem>>)
      %dma_start3A_468 = arith.constant 18 : i32
      %dma_start3A_469 = arith.constant 2 : i32
      %dma_start3A_470 = arith.constant 0 : i32
      %dma_start3A_471 = arith.constant 0 : i32
      %dma_start3A_472 = tpu.memref_slice %arg8[%dma_start3A_469, %dma_start3A_470, %dma_start3A_471] : memref<4x128x32xf32, #tpu.memory_space<vmem>> -> memref<1x128x32xf32, #tpu.memory_space<vmem>>
      %dma_start3A_473 = tpu.memref_squeeze %dma_start3A_472 : memref<1x128x32xf32, #tpu.memory_space<vmem>> -> memref<128x32xf32, #tpu.memory_space<vmem>>
      %dma_start3A_474 = arith.constant 0 : i32
      %dma_start3A_475 = tpu.memref_slice %arg6[%dma_start3A_468, %dma_start3A_474] : memref<32x128xi32, #tpu.memory_space<vmem>> -> memref<1x128xi32, #tpu.memory_space<vmem>>
      %dma_start3A_476 = tpu.memref_squeeze %dma_start3A_475 : memref<1x128xi32, #tpu.memory_space<vmem>> -> memref<128xi32, #tpu.memory_space<vmem>>
      %dma_start3A_477 = arith.constant 0 : i32
      %dma_start3A_478 = arith.constant 0 : i32
      %dma_start3A_479 = tpu.memref_slice %arg4[%dma_start3A_477, %dma_start3A_478] : memref<102400x32xf32, #tpu.memory_space<hbm>> -> memref<102400x32xf32, #tpu.memory_space<hbm>>
      tpu.enqueue_indirect_dma source(%dma_start3A_479 : memref<102400x32xf32, #tpu.memory_space<hbm>>) target(%dma_start3A_473 : memref<128x32xf32, #tpu.memory_space<vmem>>) offsets(%dma_start3A_476 : memref<128xi32, #tpu.memory_space<vmem>>) semaphore(%arg11 : memref<!tpu.dma_semaphore, #tpu.memory_space<semaphore_mem>>)
      %dma_start3A_480 = arith.constant 19 : i32
      %dma_start3A_481 = arith.constant 3 : i32
      %dma_start3A_482 = arith.constant 0 : i32
      %dma_start3A_483 = arith.constant 0 : i32
      %dma_start3A_484 = tpu.memref_slice %arg8[%dma_start3A_481, %dma_start3A_482, %dma_start3A_483] : memref<4x128x32xf32, #tpu.memory_space<vmem>> -> memref<1x128x32xf32, #tpu.memory_space<vmem>>
      %dma_start3A_485 = tpu.memref_squeeze %dma_start3A_484 : memref<1x128x32xf32, #tpu.memory_space<vmem>> -> memref<128x32xf32, #tpu.memory_space<vmem>>
      %dma_start3A_486 = arith.constant 0 : i32
      %dma_start3A_487 = tpu.memref_slice %arg6[%dma_start3A_480, %dma_start3A_486] : memref<32x128xi32, #tpu.memory_space<vmem>> -> memref<1x128xi32, #tpu.memory_space<vmem>>
      %dma_start3A_488 = tpu.memref_squeeze %dma_start3A_487 : memref<1x128xi32, #tpu.memory_space<vmem>> -> memref<128xi32, #tpu.memory_space<vmem>>
      %dma_start3A_489 = arith.constant 0 : i32
      %dma_start3A_490 = arith.constant 0 : i32
      %dma_start3A_491 = tpu.memref_slice %arg4[%dma_start3A_489, %dma_start3A_490] : memref<102400x32xf32, #tpu.memory_space<hbm>> -> memref<102400x32xf32, #tpu.memory_space<hbm>>
      tpu.enqueue_indirect_dma source(%dma_start3A_491 : memref<102400x32xf32, #tpu.memory_space<hbm>>) target(%dma_start3A_485 : memref<128x32xf32, #tpu.memory_space<vmem>>) offsets(%dma_start3A_488 : memref<128xi32, #tpu.memory_space<vmem>>) semaphore(%arg11 : memref<!tpu.dma_semaphore, #tpu.memory_space<semaphore_mem>>)
      %dma_wait3A_492 = arith.constant 16 : i32
      %dma_wait3A_493 = arith.constant 0 : i32
      %dma_wait3A_494 = arith.constant 0 : i32
      %dma_wait3A_495 = arith.constant 0 : i32
      %dma_wait3A_496 = tpu.memref_slice %arg8[%dma_wait3A_493, %dma_wait3A_494, %dma_wait3A_495] : memref<4x128x32xf32, #tpu.memory_space<vmem>> -> memref<1x128x32xf32, #tpu.memory_space<vmem>>
      %dma_wait3A_497 = tpu.memref_squeeze %dma_wait3A_496 : memref<1x128x32xf32, #tpu.memory_space<vmem>> -> memref<128x32xf32, #tpu.memory_space<vmem>>
      %dma_wait3A_498 = arith.constant 0 : i32
      %dma_wait3A_499 = tpu.memref_slice %arg6[%dma_wait3A_492, %dma_wait3A_498] : memref<32x128xi32, #tpu.memory_space<vmem>> -> memref<1x128xi32, #tpu.memory_space<vmem>>
      %dma_wait3A_500 = tpu.memref_squeeze %dma_wait3A_499 : memref<1x128xi32, #tpu.memory_space<vmem>> -> memref<128xi32, #tpu.memory_space<vmem>>
      %dma_wait3A_501 = arith.constant 0 : i32
      %dma_wait3A_502 = arith.constant 0 : i32
      %dma_wait3A_503 = tpu.memref_slice %arg4[%dma_wait3A_501, %dma_wait3A_502] : memref<102400x32xf32, #tpu.memory_space<hbm>> -> memref<102400x32xf32, #tpu.memory_space<hbm>>
      tpu.wait_indirect_dma semaphore(%arg10 : memref<!tpu.dma_semaphore, #tpu.memory_space<semaphore_mem>>) src(%dma_wait3A_503 : memref<102400x32xf32, #tpu.memory_space<hbm>>) dst(%dma_wait3A_497 : memref<128x32xf32, #tpu.memory_space<vmem>>)
      %dma_wait3A_504 = arith.constant 17 : i32
      %dma_wait3A_505 = arith.constant 1 : i32
      %dma_wait3A_506 = arith.constant 0 : i32
      %dma_wait3A_507 = arith.constant 0 : i32
      %dma_wait3A_508 = tpu.memref_slice %arg8[%dma_wait3A_505, %dma_wait3A_506, %dma_wait3A_507] : memref<4x128x32xf32, #tpu.memory_space<vmem>> -> memref<1x128x32xf32, #tpu.memory_space<vmem>>
      %dma_wait3A_509 = tpu.memref_squeeze %dma_wait3A_508 : memref<1x128x32xf32, #tpu.memory_space<vmem>> -> memref<128x32xf32, #tpu.memory_space<vmem>>
      %dma_wait3A_510 = arith.constant 0 : i32
      %dma_wait3A_511 = tpu.memref_slice %arg6[%dma_wait3A_504, %dma_wait3A_510] : memref<32x128xi32, #tpu.memory_space<vmem>> -> memref<1x128xi32, #tpu.memory_space<vmem>>
      %dma_wait3A_512 = tpu.memref_squeeze %dma_wait3A_511 : memref<1x128xi32, #tpu.memory_space<vmem>> -> memref<128xi32, #tpu.memory_space<vmem>>
      %dma_wait3A_513 = arith.constant 0 : i32
      %dma_wait3A_514 = arith.constant 0 : i32
      %dma_wait3A_515 = tpu.memref_slice %arg4[%dma_wait3A_513, %dma_wait3A_514] : memref<102400x32xf32, #tpu.memory_space<hbm>> -> memref<102400x32xf32, #tpu.memory_space<hbm>>
      tpu.wait_indirect_dma semaphore(%arg10 : memref<!tpu.dma_semaphore, #tpu.memory_space<semaphore_mem>>) src(%dma_wait3A_515 : memref<102400x32xf32, #tpu.memory_space<hbm>>) dst(%dma_wait3A_509 : memref<128x32xf32, #tpu.memory_space<vmem>>)
      %run_scoped3A_516 = arith.constant 0 : i32
      %run_scoped3A_517 = arith.constant 16 : i32
      "tpu.region"() ({
        %run_scoped3A_860 = tpu.sem_alloc : memref<!tpu.dma_semaphore, #tpu.memory_space<semaphore_mem>>
        %dma_start3A_861 = arith.constant 0 : i32
        %dma_start3A_862 = arith.constant 0 : i32
        %dma_start3A_863 = tpu.memref_slice %arg8[%run_scoped3A_516, %dma_start3A_861, %dma_start3A_862] : memref<4x128x32xf32, #tpu.memory_space<vmem>> -> memref<1x128x32xf32, #tpu.memory_space<vmem>>
        %dma_start3A_864 = tpu.memref_squeeze %dma_start3A_863 : memref<1x128x32xf32, #tpu.memory_space<vmem>> -> memref<128x32xf32, #tpu.memory_space<vmem>>
        %dma_start3A_865 = arith.constant 0 : i32
        %dma_start3A_866 = tpu.memref_slice %arg7[%run_scoped3A_517, %dma_start3A_865] : memref<32x128xi32, #tpu.memory_space<vmem>> -> memref<1x128xi32, #tpu.memory_space<vmem>>
        %dma_start3A_867 = tpu.memref_squeeze %dma_start3A_866 : memref<1x128xi32, #tpu.memory_space<vmem>> -> memref<128xi32, #tpu.memory_space<vmem>>
        %dma_start3A_868 = arith.constant 0 : i32
        %dma_start3A_869 = arith.constant 0 : i32
        %dma_start3A_870 = tpu.memref_slice %arg9[%dma_start3A_868, %dma_start3A_869] : memref<51200x32xf32, #tpu.memory_space<vmem_shared>> -> memref<51200x32xf32, #tpu.memory_space<vmem_shared>>
        tpu.enqueue_indirect_dma source(%dma_start3A_864 : memref<128x32xf32, #tpu.memory_space<vmem>>) target(%dma_start3A_870 : memref<51200x32xf32, #tpu.memory_space<vmem_shared>>) offsets(%dma_start3A_867 : memref<128xi32, #tpu.memory_space<vmem>>) semaphore(%run_scoped3A_860 : memref<!tpu.dma_semaphore, #tpu.memory_space<semaphore_mem>>) {add = true}
        %dma_wait3A_871 = arith.constant 0 : i32
        %dma_wait3A_872 = arith.constant 0 : i32
        %dma_wait3A_873 = tpu.memref_slice %arg8[%run_scoped3A_516, %dma_wait3A_871, %dma_wait3A_872] : memref<4x128x32xf32, #tpu.memory_space<vmem>> -> memref<1x128x32xf32, #tpu.memory_space<vmem>>
        %dma_wait3A_874 = tpu.memref_squeeze %dma_wait3A_873 : memref<1x128x32xf32, #tpu.memory_space<vmem>> -> memref<128x32xf32, #tpu.memory_space<vmem>>
        %dma_wait3A_875 = arith.constant 0 : i32
        %dma_wait3A_876 = tpu.memref_slice %arg7[%run_scoped3A_517, %dma_wait3A_875] : memref<32x128xi32, #tpu.memory_space<vmem>> -> memref<1x128xi32, #tpu.memory_space<vmem>>
        %dma_wait3A_877 = tpu.memref_squeeze %dma_wait3A_876 : memref<1x128xi32, #tpu.memory_space<vmem>> -> memref<128xi32, #tpu.memory_space<vmem>>
        %dma_wait3A_878 = arith.constant 0 : i32
        %dma_wait3A_879 = arith.constant 0 : i32
        %dma_wait3A_880 = tpu.memref_slice %arg9[%dma_wait3A_878, %dma_wait3A_879] : memref<51200x32xf32, #tpu.memory_space<vmem_shared>> -> memref<51200x32xf32, #tpu.memory_space<vmem_shared>>
        tpu.wait_indirect_dma semaphore(%run_scoped3A_860 : memref<!tpu.dma_semaphore, #tpu.memory_space<semaphore_mem>>) src(%dma_wait3A_874 : memref<128x32xf32, #tpu.memory_space<vmem>>) dst(%dma_wait3A_880 : memref<51200x32xf32, #tpu.memory_space<vmem_shared>>)
        tpu.yield
      }) : () -> ()
      %run_scoped3A_518 = arith.constant 1 : i32
      %run_scoped3A_519 = arith.constant 17 : i32
      "tpu.region"() ({
        %run_scoped3A_860 = tpu.sem_alloc : memref<!tpu.dma_semaphore, #tpu.memory_space<semaphore_mem>>
        %dma_start3A_861 = arith.constant 0 : i32
        %dma_start3A_862 = arith.constant 0 : i32
        %dma_start3A_863 = tpu.memref_slice %arg8[%run_scoped3A_518, %dma_start3A_861, %dma_start3A_862] : memref<4x128x32xf32, #tpu.memory_space<vmem>> -> memref<1x128x32xf32, #tpu.memory_space<vmem>>
        %dma_start3A_864 = tpu.memref_squeeze %dma_start3A_863 : memref<1x128x32xf32, #tpu.memory_space<vmem>> -> memref<128x32xf32, #tpu.memory_space<vmem>>
        %dma_start3A_865 = arith.constant 0 : i32
        %dma_start3A_866 = tpu.memref_slice %arg7[%run_scoped3A_519, %dma_start3A_865] : memref<32x128xi32, #tpu.memory_space<vmem>> -> memref<1x128xi32, #tpu.memory_space<vmem>>
        %dma_start3A_867 = tpu.memref_squeeze %dma_start3A_866 : memref<1x128xi32, #tpu.memory_space<vmem>> -> memref<128xi32, #tpu.memory_space<vmem>>
        %dma_start3A_868 = arith.constant 0 : i32
        %dma_start3A_869 = arith.constant 0 : i32
        %dma_start3A_870 = tpu.memref_slice %arg9[%dma_start3A_868, %dma_start3A_869] : memref<51200x32xf32, #tpu.memory_space<vmem_shared>> -> memref<51200x32xf32, #tpu.memory_space<vmem_shared>>
        tpu.enqueue_indirect_dma source(%dma_start3A_864 : memref<128x32xf32, #tpu.memory_space<vmem>>) target(%dma_start3A_870 : memref<51200x32xf32, #tpu.memory_space<vmem_shared>>) offsets(%dma_start3A_867 : memref<128xi32, #tpu.memory_space<vmem>>) semaphore(%run_scoped3A_860 : memref<!tpu.dma_semaphore, #tpu.memory_space<semaphore_mem>>) {add = true}
        %dma_wait3A_871 = arith.constant 0 : i32
        %dma_wait3A_872 = arith.constant 0 : i32
        %dma_wait3A_873 = tpu.memref_slice %arg8[%run_scoped3A_518, %dma_wait3A_871, %dma_wait3A_872] : memref<4x128x32xf32, #tpu.memory_space<vmem>> -> memref<1x128x32xf32, #tpu.memory_space<vmem>>
        %dma_wait3A_874 = tpu.memref_squeeze %dma_wait3A_873 : memref<1x128x32xf32, #tpu.memory_space<vmem>> -> memref<128x32xf32, #tpu.memory_space<vmem>>
        %dma_wait3A_875 = arith.constant 0 : i32
        %dma_wait3A_876 = tpu.memref_slice %arg7[%run_scoped3A_519, %dma_wait3A_875] : memref<32x128xi32, #tpu.memory_space<vmem>> -> memref<1x128xi32, #tpu.memory_space<vmem>>
        %dma_wait3A_877 = tpu.memref_squeeze %dma_wait3A_876 : memref<1x128xi32, #tpu.memory_space<vmem>> -> memref<128xi32, #tpu.memory_space<vmem>>
        %dma_wait3A_878 = arith.constant 0 : i32
        %dma_wait3A_879 = arith.constant 0 : i32
        %dma_wait3A_880 = tpu.memref_slice %arg9[%dma_wait3A_878, %dma_wait3A_879] : memref<51200x32xf32, #tpu.memory_space<vmem_shared>> -> memref<51200x32xf32, #tpu.memory_space<vmem_shared>>
        tpu.wait_indirect_dma semaphore(%run_scoped3A_860 : memref<!tpu.dma_semaphore, #tpu.memory_space<semaphore_mem>>) src(%dma_wait3A_874 : memref<128x32xf32, #tpu.memory_space<vmem>>) dst(%dma_wait3A_880 : memref<51200x32xf32, #tpu.memory_space<vmem_shared>>)
        tpu.yield
      }) : () -> ()
      %dma_wait3A_520 = arith.constant 18 : i32
      %dma_wait3A_521 = arith.constant 2 : i32
      %dma_wait3A_522 = arith.constant 0 : i32
      %dma_wait3A_523 = arith.constant 0 : i32
      %dma_wait3A_524 = tpu.memref_slice %arg8[%dma_wait3A_521, %dma_wait3A_522, %dma_wait3A_523] : memref<4x128x32xf32, #tpu.memory_space<vmem>> -> memref<1x128x32xf32, #tpu.memory_space<vmem>>
      %dma_wait3A_525 = tpu.memref_squeeze %dma_wait3A_524 : memref<1x128x32xf32, #tpu.memory_space<vmem>> -> memref<128x32xf32, #tpu.memory_space<vmem>>
      %dma_wait3A_526 = arith.constant 0 : i32
      %dma_wait3A_527 = tpu.memref_slice %arg6[%dma_wait3A_520, %dma_wait3A_526] : memref<32x128xi32, #tpu.memory_space<vmem>> -> memref<1x128xi32, #tpu.memory_space<vmem>>
      %dma_wait3A_528 = tpu.memref_squeeze %dma_wait3A_527 : memref<1x128xi32, #tpu.memory_space<vmem>> -> memref<128xi32, #tpu.memory_space<vmem>>
      %dma_wait3A_529 = arith.constant 0 : i32
      %dma_wait3A_530 = arith.constant 0 : i32
      %dma_wait3A_531 = tpu.memref_slice %arg4[%dma_wait3A_529, %dma_wait3A_530] : memref<102400x32xf32, #tpu.memory_space<hbm>> -> memref<102400x32xf32, #tpu.memory_space<hbm>>
      tpu.wait_indirect_dma semaphore(%arg11 : memref<!tpu.dma_semaphore, #tpu.memory_space<semaphore_mem>>) src(%dma_wait3A_531 : memref<102400x32xf32, #tpu.memory_space<hbm>>) dst(%dma_wait3A_525 : memref<128x32xf32, #tpu.memory_space<vmem>>)
      %dma_wait3A_532 = arith.constant 19 : i32
      %dma_wait3A_533 = arith.constant 3 : i32
      %dma_wait3A_534 = arith.constant 0 : i32
      %dma_wait3A_535 = arith.constant 0 : i32
      %dma_wait3A_536 = tpu.memref_slice %arg8[%dma_wait3A_533, %dma_wait3A_534, %dma_wait3A_535] : memref<4x128x32xf32, #tpu.memory_space<vmem>> -> memref<1x128x32xf32, #tpu.memory_space<vmem>>
      %dma_wait3A_537 = tpu.memref_squeeze %dma_wait3A_536 : memref<1x128x32xf32, #tpu.memory_space<vmem>> -> memref<128x32xf32, #tpu.memory_space<vmem>>
      %dma_wait3A_538 = arith.constant 0 : i32
      %dma_wait3A_539 = tpu.memref_slice %arg6[%dma_wait3A_532, %dma_wait3A_538] : memref<32x128xi32, #tpu.memory_space<vmem>> -> memref<1x128xi32, #tpu.memory_space<vmem>>
      %dma_wait3A_540 = tpu.memref_squeeze %dma_wait3A_539 : memref<1x128xi32, #tpu.memory_space<vmem>> -> memref<128xi32, #tpu.memory_space<vmem>>
      %dma_wait3A_541 = arith.constant 0 : i32
      %dma_wait3A_542 = arith.constant 0 : i32
      %dma_wait3A_543 = tpu.memref_slice %arg4[%dma_wait3A_541, %dma_wait3A_542] : memref<102400x32xf32, #tpu.memory_space<hbm>> -> memref<102400x32xf32, #tpu.memory_space<hbm>>
      tpu.wait_indirect_dma semaphore(%arg11 : memref<!tpu.dma_semaphore, #tpu.memory_space<semaphore_mem>>) src(%dma_wait3A_543 : memref<102400x32xf32, #tpu.memory_space<hbm>>) dst(%dma_wait3A_537 : memref<128x32xf32, #tpu.memory_space<vmem>>)
      %run_scoped3A_544 = arith.constant 2 : i32
      %run_scoped3A_545 = arith.constant 18 : i32
      "tpu.region"() ({
        %run_scoped3A_860 = tpu.sem_alloc : memref<!tpu.dma_semaphore, #tpu.memory_space<semaphore_mem>>
        %dma_start3A_861 = arith.constant 0 : i32
        %dma_start3A_862 = arith.constant 0 : i32
        %dma_start3A_863 = tpu.memref_slice %arg8[%run_scoped3A_544, %dma_start3A_861, %dma_start3A_862] : memref<4x128x32xf32, #tpu.memory_space<vmem>> -> memref<1x128x32xf32, #tpu.memory_space<vmem>>
        %dma_start3A_864 = tpu.memref_squeeze %dma_start3A_863 : memref<1x128x32xf32, #tpu.memory_space<vmem>> -> memref<128x32xf32, #tpu.memory_space<vmem>>
        %dma_start3A_865 = arith.constant 0 : i32
        %dma_start3A_866 = tpu.memref_slice %arg7[%run_scoped3A_545, %dma_start3A_865] : memref<32x128xi32, #tpu.memory_space<vmem>> -> memref<1x128xi32, #tpu.memory_space<vmem>>
        %dma_start3A_867 = tpu.memref_squeeze %dma_start3A_866 : memref<1x128xi32, #tpu.memory_space<vmem>> -> memref<128xi32, #tpu.memory_space<vmem>>
        %dma_start3A_868 = arith.constant 0 : i32
        %dma_start3A_869 = arith.constant 0 : i32
        %dma_start3A_870 = tpu.memref_slice %arg9[%dma_start3A_868, %dma_start3A_869] : memref<51200x32xf32, #tpu.memory_space<vmem_shared>> -> memref<51200x32xf32, #tpu.memory_space<vmem_shared>>
        tpu.enqueue_indirect_dma source(%dma_start3A_864 : memref<128x32xf32, #tpu.memory_space<vmem>>) target(%dma_start3A_870 : memref<51200x32xf32, #tpu.memory_space<vmem_shared>>) offsets(%dma_start3A_867 : memref<128xi32, #tpu.memory_space<vmem>>) semaphore(%run_scoped3A_860 : memref<!tpu.dma_semaphore, #tpu.memory_space<semaphore_mem>>) {add = true}
        %dma_wait3A_871 = arith.constant 0 : i32
        %dma_wait3A_872 = arith.constant 0 : i32
        %dma_wait3A_873 = tpu.memref_slice %arg8[%run_scoped3A_544, %dma_wait3A_871, %dma_wait3A_872] : memref<4x128x32xf32, #tpu.memory_space<vmem>> -> memref<1x128x32xf32, #tpu.memory_space<vmem>>
        %dma_wait3A_874 = tpu.memref_squeeze %dma_wait3A_873 : memref<1x128x32xf32, #tpu.memory_space<vmem>> -> memref<128x32xf32, #tpu.memory_space<vmem>>
        %dma_wait3A_875 = arith.constant 0 : i32
        %dma_wait3A_876 = tpu.memref_slice %arg7[%run_scoped3A_545, %dma_wait3A_875] : memref<32x128xi32, #tpu.memory_space<vmem>> -> memref<1x128xi32, #tpu.memory_space<vmem>>
        %dma_wait3A_877 = tpu.memref_squeeze %dma_wait3A_876 : memref<1x128xi32, #tpu.memory_space<vmem>> -> memref<128xi32, #tpu.memory_space<vmem>>
        %dma_wait3A_878 = arith.constant 0 : i32
        %dma_wait3A_879 = arith.constant 0 : i32
        %dma_wait3A_880 = tpu.memref_slice %arg9[%dma_wait3A_878, %dma_wait3A_879] : memref<51200x32xf32, #tpu.memory_space<vmem_shared>> -> memref<51200x32xf32, #tpu.memory_space<vmem_shared>>
        tpu.wait_indirect_dma semaphore(%run_scoped3A_860 : memref<!tpu.dma_semaphore, #tpu.memory_space<semaphore_mem>>) src(%dma_wait3A_874 : memref<128x32xf32, #tpu.memory_space<vmem>>) dst(%dma_wait3A_880 : memref<51200x32xf32, #tpu.memory_space<vmem_shared>>)
        tpu.yield
      }) : () -> ()
      %run_scoped3A_546 = arith.constant 3 : i32
      %run_scoped3A_547 = arith.constant 19 : i32
      "tpu.region"() ({
        %run_scoped3A_860 = tpu.sem_alloc : memref<!tpu.dma_semaphore, #tpu.memory_space<semaphore_mem>>
        %dma_start3A_861 = arith.constant 0 : i32
        %dma_start3A_862 = arith.constant 0 : i32
        %dma_start3A_863 = tpu.memref_slice %arg8[%run_scoped3A_546, %dma_start3A_861, %dma_start3A_862] : memref<4x128x32xf32, #tpu.memory_space<vmem>> -> memref<1x128x32xf32, #tpu.memory_space<vmem>>
        %dma_start3A_864 = tpu.memref_squeeze %dma_start3A_863 : memref<1x128x32xf32, #tpu.memory_space<vmem>> -> memref<128x32xf32, #tpu.memory_space<vmem>>
        %dma_start3A_865 = arith.constant 0 : i32
        %dma_start3A_866 = tpu.memref_slice %arg7[%run_scoped3A_547, %dma_start3A_865] : memref<32x128xi32, #tpu.memory_space<vmem>> -> memref<1x128xi32, #tpu.memory_space<vmem>>
        %dma_start3A_867 = tpu.memref_squeeze %dma_start3A_866 : memref<1x128xi32, #tpu.memory_space<vmem>> -> memref<128xi32, #tpu.memory_space<vmem>>
        %dma_start3A_868 = arith.constant 0 : i32
        %dma_start3A_869 = arith.constant 0 : i32
        %dma_start3A_870 = tpu.memref_slice %arg9[%dma_start3A_868, %dma_start3A_869] : memref<51200x32xf32, #tpu.memory_space<vmem_shared>> -> memref<51200x32xf32, #tpu.memory_space<vmem_shared>>
        tpu.enqueue_indirect_dma source(%dma_start3A_864 : memref<128x32xf32, #tpu.memory_space<vmem>>) target(%dma_start3A_870 : memref<51200x32xf32, #tpu.memory_space<vmem_shared>>) offsets(%dma_start3A_867 : memref<128xi32, #tpu.memory_space<vmem>>) semaphore(%run_scoped3A_860 : memref<!tpu.dma_semaphore, #tpu.memory_space<semaphore_mem>>) {add = true}
        %dma_wait3A_871 = arith.constant 0 : i32
        %dma_wait3A_872 = arith.constant 0 : i32
        %dma_wait3A_873 = tpu.memref_slice %arg8[%run_scoped3A_546, %dma_wait3A_871, %dma_wait3A_872] : memref<4x128x32xf32, #tpu.memory_space<vmem>> -> memref<1x128x32xf32, #tpu.memory_space<vmem>>
        %dma_wait3A_874 = tpu.memref_squeeze %dma_wait3A_873 : memref<1x128x32xf32, #tpu.memory_space<vmem>> -> memref<128x32xf32, #tpu.memory_space<vmem>>
        %dma_wait3A_875 = arith.constant 0 : i32
        %dma_wait3A_876 = tpu.memref_slice %arg7[%run_scoped3A_547, %dma_wait3A_875] : memref<32x128xi32, #tpu.memory_space<vmem>> -> memref<1x128xi32, #tpu.memory_space<vmem>>
        %dma_wait3A_877 = tpu.memref_squeeze %dma_wait3A_876 : memref<1x128xi32, #tpu.memory_space<vmem>> -> memref<128xi32, #tpu.memory_space<vmem>>
        %dma_wait3A_878 = arith.constant 0 : i32
        %dma_wait3A_879 = arith.constant 0 : i32
        %dma_wait3A_880 = tpu.memref_slice %arg9[%dma_wait3A_878, %dma_wait3A_879] : memref<51200x32xf32, #tpu.memory_space<vmem_shared>> -> memref<51200x32xf32, #tpu.memory_space<vmem_shared>>
        tpu.wait_indirect_dma semaphore(%run_scoped3A_860 : memref<!tpu.dma_semaphore, #tpu.memory_space<semaphore_mem>>) src(%dma_wait3A_874 : memref<128x32xf32, #tpu.memory_space<vmem>>) dst(%dma_wait3A_880 : memref<51200x32xf32, #tpu.memory_space<vmem_shared>>)
        tpu.yield
      }) : () -> ()
      %dma_start3A_548 = arith.constant 20 : i32
      %dma_start3A_549 = arith.constant 0 : i32
      %dma_start3A_550 = arith.constant 0 : i32
      %dma_start3A_551 = arith.constant 0 : i32
      %dma_start3A_552 = tpu.memref_slice %arg8[%dma_start3A_549, %dma_start3A_550, %dma_start3A_551] : memref<4x128x32xf32, #tpu.memory_space<vmem>> -> memref<1x128x32xf32, #tpu.memory_space<vmem>>
      %dma_start3A_553 = tpu.memref_squeeze %dma_start3A_552 : memref<1x128x32xf32, #tpu.memory_space<vmem>> -> memref<128x32xf32, #tpu.memory_space<vmem>>
      %dma_start3A_554 = arith.constant 0 : i32
      %dma_start3A_555 = tpu.memref_slice %arg6[%dma_start3A_548, %dma_start3A_554] : memref<32x128xi32, #tpu.memory_space<vmem>> -> memref<1x128xi32, #tpu.memory_space<vmem>>
      %dma_start3A_556 = tpu.memref_squeeze %dma_start3A_555 : memref<1x128xi32, #tpu.memory_space<vmem>> -> memref<128xi32, #tpu.memory_space<vmem>>
      %dma_start3A_557 = arith.constant 0 : i32
      %dma_start3A_558 = arith.constant 0 : i32
      %dma_start3A_559 = tpu.memref_slice %arg4[%dma_start3A_557, %dma_start3A_558] : memref<102400x32xf32, #tpu.memory_space<hbm>> -> memref<102400x32xf32, #tpu.memory_space<hbm>>
      tpu.enqueue_indirect_dma source(%dma_start3A_559 : memref<102400x32xf32, #tpu.memory_space<hbm>>) target(%dma_start3A_553 : memref<128x32xf32, #tpu.memory_space<vmem>>) offsets(%dma_start3A_556 : memref<128xi32, #tpu.memory_space<vmem>>) semaphore(%arg10 : memref<!tpu.dma_semaphore, #tpu.memory_space<semaphore_mem>>)
      %dma_start3A_560 = arith.constant 21 : i32
      %dma_start3A_561 = arith.constant 1 : i32
      %dma_start3A_562 = arith.constant 0 : i32
      %dma_start3A_563 = arith.constant 0 : i32
      %dma_start3A_564 = tpu.memref_slice %arg8[%dma_start3A_561, %dma_start3A_562, %dma_start3A_563] : memref<4x128x32xf32, #tpu.memory_space<vmem>> -> memref<1x128x32xf32, #tpu.memory_space<vmem>>
      %dma_start3A_565 = tpu.memref_squeeze %dma_start3A_564 : memref<1x128x32xf32, #tpu.memory_space<vmem>> -> memref<128x32xf32, #tpu.memory_space<vmem>>
      %dma_start3A_566 = arith.constant 0 : i32
      %dma_start3A_567 = tpu.memref_slice %arg6[%dma_start3A_560, %dma_start3A_566] : memref<32x128xi32, #tpu.memory_space<vmem>> -> memref<1x128xi32, #tpu.memory_space<vmem>>
      %dma_start3A_568 = tpu.memref_squeeze %dma_start3A_567 : memref<1x128xi32, #tpu.memory_space<vmem>> -> memref<128xi32, #tpu.memory_space<vmem>>
      %dma_start3A_569 = arith.constant 0 : i32
      %dma_start3A_570 = arith.constant 0 : i32
      %dma_start3A_571 = tpu.memref_slice %arg4[%dma_start3A_569, %dma_start3A_570] : memref<102400x32xf32, #tpu.memory_space<hbm>> -> memref<102400x32xf32, #tpu.memory_space<hbm>>
      tpu.enqueue_indirect_dma source(%dma_start3A_571 : memref<102400x32xf32, #tpu.memory_space<hbm>>) target(%dma_start3A_565 : memref<128x32xf32, #tpu.memory_space<vmem>>) offsets(%dma_start3A_568 : memref<128xi32, #tpu.memory_space<vmem>>) semaphore(%arg10 : memref<!tpu.dma_semaphore, #tpu.memory_space<semaphore_mem>>)
      %dma_start3A_572 = arith.constant 22 : i32
      %dma_start3A_573 = arith.constant 2 : i32
      %dma_start3A_574 = arith.constant 0 : i32
      %dma_start3A_575 = arith.constant 0 : i32
      %dma_start3A_576 = tpu.memref_slice %arg8[%dma_start3A_573, %dma_start3A_574, %dma_start3A_575] : memref<4x128x32xf32, #tpu.memory_space<vmem>> -> memref<1x128x32xf32, #tpu.memory_space<vmem>>
      %dma_start3A_577 = tpu.memref_squeeze %dma_start3A_576 : memref<1x128x32xf32, #tpu.memory_space<vmem>> -> memref<128x32xf32, #tpu.memory_space<vmem>>
      %dma_start3A_578 = arith.constant 0 : i32
      %dma_start3A_579 = tpu.memref_slice %arg6[%dma_start3A_572, %dma_start3A_578] : memref<32x128xi32, #tpu.memory_space<vmem>> -> memref<1x128xi32, #tpu.memory_space<vmem>>
      %dma_start3A_580 = tpu.memref_squeeze %dma_start3A_579 : memref<1x128xi32, #tpu.memory_space<vmem>> -> memref<128xi32, #tpu.memory_space<vmem>>
      %dma_start3A_581 = arith.constant 0 : i32
      %dma_start3A_582 = arith.constant 0 : i32
      %dma_start3A_583 = tpu.memref_slice %arg4[%dma_start3A_581, %dma_start3A_582] : memref<102400x32xf32, #tpu.memory_space<hbm>> -> memref<102400x32xf32, #tpu.memory_space<hbm>>
      tpu.enqueue_indirect_dma source(%dma_start3A_583 : memref<102400x32xf32, #tpu.memory_space<hbm>>) target(%dma_start3A_577 : memref<128x32xf32, #tpu.memory_space<vmem>>) offsets(%dma_start3A_580 : memref<128xi32, #tpu.memory_space<vmem>>) semaphore(%arg11 : memref<!tpu.dma_semaphore, #tpu.memory_space<semaphore_mem>>)
      %dma_start3A_584 = arith.constant 23 : i32
      %dma_start3A_585 = arith.constant 3 : i32
      %dma_start3A_586 = arith.constant 0 : i32
      %dma_start3A_587 = arith.constant 0 : i32
      %dma_start3A_588 = tpu.memref_slice %arg8[%dma_start3A_585, %dma_start3A_586, %dma_start3A_587] : memref<4x128x32xf32, #tpu.memory_space<vmem>> -> memref<1x128x32xf32, #tpu.memory_space<vmem>>
      %dma_start3A_589 = tpu.memref_squeeze %dma_start3A_588 : memref<1x128x32xf32, #tpu.memory_space<vmem>> -> memref<128x32xf32, #tpu.memory_space<vmem>>
      %dma_start3A_590 = arith.constant 0 : i32
      %dma_start3A_591 = tpu.memref_slice %arg6[%dma_start3A_584, %dma_start3A_590] : memref<32x128xi32, #tpu.memory_space<vmem>> -> memref<1x128xi32, #tpu.memory_space<vmem>>
      %dma_start3A_592 = tpu.memref_squeeze %dma_start3A_591 : memref<1x128xi32, #tpu.memory_space<vmem>> -> memref<128xi32, #tpu.memory_space<vmem>>
      %dma_start3A_593 = arith.constant 0 : i32
      %dma_start3A_594 = arith.constant 0 : i32
      %dma_start3A_595 = tpu.memref_slice %arg4[%dma_start3A_593, %dma_start3A_594] : memref<102400x32xf32, #tpu.memory_space<hbm>> -> memref<102400x32xf32, #tpu.memory_space<hbm>>
      tpu.enqueue_indirect_dma source(%dma_start3A_595 : memref<102400x32xf32, #tpu.memory_space<hbm>>) target(%dma_start3A_589 : memref<128x32xf32, #tpu.memory_space<vmem>>) offsets(%dma_start3A_592 : memref<128xi32, #tpu.memory_space<vmem>>) semaphore(%arg11 : memref<!tpu.dma_semaphore, #tpu.memory_space<semaphore_mem>>)
      %dma_wait3A_596 = arith.constant 20 : i32
      %dma_wait3A_597 = arith.constant 0 : i32
      %dma_wait3A_598 = arith.constant 0 : i32
      %dma_wait3A_599 = arith.constant 0 : i32
      %dma_wait3A_600 = tpu.memref_slice %arg8[%dma_wait3A_597, %dma_wait3A_598, %dma_wait3A_599] : memref<4x128x32xf32, #tpu.memory_space<vmem>> -> memref<1x128x32xf32, #tpu.memory_space<vmem>>
      %dma_wait3A_601 = tpu.memref_squeeze %dma_wait3A_600 : memref<1x128x32xf32, #tpu.memory_space<vmem>> -> memref<128x32xf32, #tpu.memory_space<vmem>>
      %dma_wait3A_602 = arith.constant 0 : i32
      %dma_wait3A_603 = tpu.memref_slice %arg6[%dma_wait3A_596, %dma_wait3A_602] : memref<32x128xi32, #tpu.memory_space<vmem>> -> memref<1x128xi32, #tpu.memory_space<vmem>>
      %dma_wait3A_604 = tpu.memref_squeeze %dma_wait3A_603 : memref<1x128xi32, #tpu.memory_space<vmem>> -> memref<128xi32, #tpu.memory_space<vmem>>
      %dma_wait3A_605 = arith.constant 0 : i32
      %dma_wait3A_606 = arith.constant 0 : i32
      %dma_wait3A_607 = tpu.memref_slice %arg4[%dma_wait3A_605, %dma_wait3A_606] : memref<102400x32xf32, #tpu.memory_space<hbm>> -> memref<102400x32xf32, #tpu.memory_space<hbm>>
      tpu.wait_indirect_dma semaphore(%arg10 : memref<!tpu.dma_semaphore, #tpu.memory_space<semaphore_mem>>) src(%dma_wait3A_607 : memref<102400x32xf32, #tpu.memory_space<hbm>>) dst(%dma_wait3A_601 : memref<128x32xf32, #tpu.memory_space<vmem>>)
      %dma_wait3A_608 = arith.constant 21 : i32
      %dma_wait3A_609 = arith.constant 1 : i32
      %dma_wait3A_610 = arith.constant 0 : i32
      %dma_wait3A_611 = arith.constant 0 : i32
      %dma_wait3A_612 = tpu.memref_slice %arg8[%dma_wait3A_609, %dma_wait3A_610, %dma_wait3A_611] : memref<4x128x32xf32, #tpu.memory_space<vmem>> -> memref<1x128x32xf32, #tpu.memory_space<vmem>>
      %dma_wait3A_613 = tpu.memref_squeeze %dma_wait3A_612 : memref<1x128x32xf32, #tpu.memory_space<vmem>> -> memref<128x32xf32, #tpu.memory_space<vmem>>
      %dma_wait3A_614 = arith.constant 0 : i32
      %dma_wait3A_615 = tpu.memref_slice %arg6[%dma_wait3A_608, %dma_wait3A_614] : memref<32x128xi32, #tpu.memory_space<vmem>> -> memref<1x128xi32, #tpu.memory_space<vmem>>
      %dma_wait3A_616 = tpu.memref_squeeze %dma_wait3A_615 : memref<1x128xi32, #tpu.memory_space<vmem>> -> memref<128xi32, #tpu.memory_space<vmem>>
      %dma_wait3A_617 = arith.constant 0 : i32
      %dma_wait3A_618 = arith.constant 0 : i32
      %dma_wait3A_619 = tpu.memref_slice %arg4[%dma_wait3A_617, %dma_wait3A_618] : memref<102400x32xf32, #tpu.memory_space<hbm>> -> memref<102400x32xf32, #tpu.memory_space<hbm>>
      tpu.wait_indirect_dma semaphore(%arg10 : memref<!tpu.dma_semaphore, #tpu.memory_space<semaphore_mem>>) src(%dma_wait3A_619 : memref<102400x32xf32, #tpu.memory_space<hbm>>) dst(%dma_wait3A_613 : memref<128x32xf32, #tpu.memory_space<vmem>>)
      %run_scoped3A_620 = arith.constant 0 : i32
      %run_scoped3A_621 = arith.constant 20 : i32
      "tpu.region"() ({
        %run_scoped3A_860 = tpu.sem_alloc : memref<!tpu.dma_semaphore, #tpu.memory_space<semaphore_mem>>
        %dma_start3A_861 = arith.constant 0 : i32
        %dma_start3A_862 = arith.constant 0 : i32
        %dma_start3A_863 = tpu.memref_slice %arg8[%run_scoped3A_620, %dma_start3A_861, %dma_start3A_862] : memref<4x128x32xf32, #tpu.memory_space<vmem>> -> memref<1x128x32xf32, #tpu.memory_space<vmem>>
        %dma_start3A_864 = tpu.memref_squeeze %dma_start3A_863 : memref<1x128x32xf32, #tpu.memory_space<vmem>> -> memref<128x32xf32, #tpu.memory_space<vmem>>
        %dma_start3A_865 = arith.constant 0 : i32
        %dma_start3A_866 = tpu.memref_slice %arg7[%run_scoped3A_621, %dma_start3A_865] : memref<32x128xi32, #tpu.memory_space<vmem>> -> memref<1x128xi32, #tpu.memory_space<vmem>>
        %dma_start3A_867 = tpu.memref_squeeze %dma_start3A_866 : memref<1x128xi32, #tpu.memory_space<vmem>> -> memref<128xi32, #tpu.memory_space<vmem>>
        %dma_start3A_868 = arith.constant 0 : i32
        %dma_start3A_869 = arith.constant 0 : i32
        %dma_start3A_870 = tpu.memref_slice %arg9[%dma_start3A_868, %dma_start3A_869] : memref<51200x32xf32, #tpu.memory_space<vmem_shared>> -> memref<51200x32xf32, #tpu.memory_space<vmem_shared>>
        tpu.enqueue_indirect_dma source(%dma_start3A_864 : memref<128x32xf32, #tpu.memory_space<vmem>>) target(%dma_start3A_870 : memref<51200x32xf32, #tpu.memory_space<vmem_shared>>) offsets(%dma_start3A_867 : memref<128xi32, #tpu.memory_space<vmem>>) semaphore(%run_scoped3A_860 : memref<!tpu.dma_semaphore, #tpu.memory_space<semaphore_mem>>) {add = true}
        %dma_wait3A_871 = arith.constant 0 : i32
        %dma_wait3A_872 = arith.constant 0 : i32
        %dma_wait3A_873 = tpu.memref_slice %arg8[%run_scoped3A_620, %dma_wait3A_871, %dma_wait3A_872] : memref<4x128x32xf32, #tpu.memory_space<vmem>> -> memref<1x128x32xf32, #tpu.memory_space<vmem>>
        %dma_wait3A_874 = tpu.memref_squeeze %dma_wait3A_873 : memref<1x128x32xf32, #tpu.memory_space<vmem>> -> memref<128x32xf32, #tpu.memory_space<vmem>>
        %dma_wait3A_875 = arith.constant 0 : i32
        %dma_wait3A_876 = tpu.memref_slice %arg7[%run_scoped3A_621, %dma_wait3A_875] : memref<32x128xi32, #tpu.memory_space<vmem>> -> memref<1x128xi32, #tpu.memory_space<vmem>>
        %dma_wait3A_877 = tpu.memref_squeeze %dma_wait3A_876 : memref<1x128xi32, #tpu.memory_space<vmem>> -> memref<128xi32, #tpu.memory_space<vmem>>
        %dma_wait3A_878 = arith.constant 0 : i32
        %dma_wait3A_879 = arith.constant 0 : i32
        %dma_wait3A_880 = tpu.memref_slice %arg9[%dma_wait3A_878, %dma_wait3A_879] : memref<51200x32xf32, #tpu.memory_space<vmem_shared>> -> memref<51200x32xf32, #tpu.memory_space<vmem_shared>>
        tpu.wait_indirect_dma semaphore(%run_scoped3A_860 : memref<!tpu.dma_semaphore, #tpu.memory_space<semaphore_mem>>) src(%dma_wait3A_874 : memref<128x32xf32, #tpu.memory_space<vmem>>) dst(%dma_wait3A_880 : memref<51200x32xf32, #tpu.memory_space<vmem_shared>>)
        tpu.yield
      }) : () -> ()
      %run_scoped3A_622 = arith.constant 1 : i32
      %run_scoped3A_623 = arith.constant 21 : i32
      "tpu.region"() ({
        %run_scoped3A_860 = tpu.sem_alloc : memref<!tpu.dma_semaphore, #tpu.memory_space<semaphore_mem>>
        %dma_start3A_861 = arith.constant 0 : i32
        %dma_start3A_862 = arith.constant 0 : i32
        %dma_start3A_863 = tpu.memref_slice %arg8[%run_scoped3A_622, %dma_start3A_861, %dma_start3A_862] : memref<4x128x32xf32, #tpu.memory_space<vmem>> -> memref<1x128x32xf32, #tpu.memory_space<vmem>>
        %dma_start3A_864 = tpu.memref_squeeze %dma_start3A_863 : memref<1x128x32xf32, #tpu.memory_space<vmem>> -> memref<128x32xf32, #tpu.memory_space<vmem>>
        %dma_start3A_865 = arith.constant 0 : i32
        %dma_start3A_866 = tpu.memref_slice %arg7[%run_scoped3A_623, %dma_start3A_865] : memref<32x128xi32, #tpu.memory_space<vmem>> -> memref<1x128xi32, #tpu.memory_space<vmem>>
        %dma_start3A_867 = tpu.memref_squeeze %dma_start3A_866 : memref<1x128xi32, #tpu.memory_space<vmem>> -> memref<128xi32, #tpu.memory_space<vmem>>
        %dma_start3A_868 = arith.constant 0 : i32
        %dma_start3A_869 = arith.constant 0 : i32
        %dma_start3A_870 = tpu.memref_slice %arg9[%dma_start3A_868, %dma_start3A_869] : memref<51200x32xf32, #tpu.memory_space<vmem_shared>> -> memref<51200x32xf32, #tpu.memory_space<vmem_shared>>
        tpu.enqueue_indirect_dma source(%dma_start3A_864 : memref<128x32xf32, #tpu.memory_space<vmem>>) target(%dma_start3A_870 : memref<51200x32xf32, #tpu.memory_space<vmem_shared>>) offsets(%dma_start3A_867 : memref<128xi32, #tpu.memory_space<vmem>>) semaphore(%run_scoped3A_860 : memref<!tpu.dma_semaphore, #tpu.memory_space<semaphore_mem>>) {add = true}
        %dma_wait3A_871 = arith.constant 0 : i32
        %dma_wait3A_872 = arith.constant 0 : i32
        %dma_wait3A_873 = tpu.memref_slice %arg8[%run_scoped3A_622, %dma_wait3A_871, %dma_wait3A_872] : memref<4x128x32xf32, #tpu.memory_space<vmem>> -> memref<1x128x32xf32, #tpu.memory_space<vmem>>
        %dma_wait3A_874 = tpu.memref_squeeze %dma_wait3A_873 : memref<1x128x32xf32, #tpu.memory_space<vmem>> -> memref<128x32xf32, #tpu.memory_space<vmem>>
        %dma_wait3A_875 = arith.constant 0 : i32
        %dma_wait3A_876 = tpu.memref_slice %arg7[%run_scoped3A_623, %dma_wait3A_875] : memref<32x128xi32, #tpu.memory_space<vmem>> -> memref<1x128xi32, #tpu.memory_space<vmem>>
        %dma_wait3A_877 = tpu.memref_squeeze %dma_wait3A_876 : memref<1x128xi32, #tpu.memory_space<vmem>> -> memref<128xi32, #tpu.memory_space<vmem>>
        %dma_wait3A_878 = arith.constant 0 : i32
        %dma_wait3A_879 = arith.constant 0 : i32
        %dma_wait3A_880 = tpu.memref_slice %arg9[%dma_wait3A_878, %dma_wait3A_879] : memref<51200x32xf32, #tpu.memory_space<vmem_shared>> -> memref<51200x32xf32, #tpu.memory_space<vmem_shared>>
        tpu.wait_indirect_dma semaphore(%run_scoped3A_860 : memref<!tpu.dma_semaphore, #tpu.memory_space<semaphore_mem>>) src(%dma_wait3A_874 : memref<128x32xf32, #tpu.memory_space<vmem>>) dst(%dma_wait3A_880 : memref<51200x32xf32, #tpu.memory_space<vmem_shared>>)
        tpu.yield
      }) : () -> ()
      %dma_wait3A_624 = arith.constant 22 : i32
      %dma_wait3A_625 = arith.constant 2 : i32
      %dma_wait3A_626 = arith.constant 0 : i32
      %dma_wait3A_627 = arith.constant 0 : i32
      %dma_wait3A_628 = tpu.memref_slice %arg8[%dma_wait3A_625, %dma_wait3A_626, %dma_wait3A_627] : memref<4x128x32xf32, #tpu.memory_space<vmem>> -> memref<1x128x32xf32, #tpu.memory_space<vmem>>
      %dma_wait3A_629 = tpu.memref_squeeze %dma_wait3A_628 : memref<1x128x32xf32, #tpu.memory_space<vmem>> -> memref<128x32xf32, #tpu.memory_space<vmem>>
      %dma_wait3A_630 = arith.constant 0 : i32
      %dma_wait3A_631 = tpu.memref_slice %arg6[%dma_wait3A_624, %dma_wait3A_630] : memref<32x128xi32, #tpu.memory_space<vmem>> -> memref<1x128xi32, #tpu.memory_space<vmem>>
      %dma_wait3A_632 = tpu.memref_squeeze %dma_wait3A_631 : memref<1x128xi32, #tpu.memory_space<vmem>> -> memref<128xi32, #tpu.memory_space<vmem>>
      %dma_wait3A_633 = arith.constant 0 : i32
      %dma_wait3A_634 = arith.constant 0 : i32
      %dma_wait3A_635 = tpu.memref_slice %arg4[%dma_wait3A_633, %dma_wait3A_634] : memref<102400x32xf32, #tpu.memory_space<hbm>> -> memref<102400x32xf32, #tpu.memory_space<hbm>>
      tpu.wait_indirect_dma semaphore(%arg11 : memref<!tpu.dma_semaphore, #tpu.memory_space<semaphore_mem>>) src(%dma_wait3A_635 : memref<102400x32xf32, #tpu.memory_space<hbm>>) dst(%dma_wait3A_629 : memref<128x32xf32, #tpu.memory_space<vmem>>)
      %dma_wait3A_636 = arith.constant 23 : i32
      %dma_wait3A_637 = arith.constant 3 : i32
      %dma_wait3A_638 = arith.constant 0 : i32
      %dma_wait3A_639 = arith.constant 0 : i32
      %dma_wait3A_640 = tpu.memref_slice %arg8[%dma_wait3A_637, %dma_wait3A_638, %dma_wait3A_639] : memref<4x128x32xf32, #tpu.memory_space<vmem>> -> memref<1x128x32xf32, #tpu.memory_space<vmem>>
      %dma_wait3A_641 = tpu.memref_squeeze %dma_wait3A_640 : memref<1x128x32xf32, #tpu.memory_space<vmem>> -> memref<128x32xf32, #tpu.memory_space<vmem>>
      %dma_wait3A_642 = arith.constant 0 : i32
      %dma_wait3A_643 = tpu.memref_slice %arg6[%dma_wait3A_636, %dma_wait3A_642] : memref<32x128xi32, #tpu.memory_space<vmem>> -> memref<1x128xi32, #tpu.memory_space<vmem>>
      %dma_wait3A_644 = tpu.memref_squeeze %dma_wait3A_643 : memref<1x128xi32, #tpu.memory_space<vmem>> -> memref<128xi32, #tpu.memory_space<vmem>>
      %dma_wait3A_645 = arith.constant 0 : i32
      %dma_wait3A_646 = arith.constant 0 : i32
      %dma_wait3A_647 = tpu.memref_slice %arg4[%dma_wait3A_645, %dma_wait3A_646] : memref<102400x32xf32, #tpu.memory_space<hbm>> -> memref<102400x32xf32, #tpu.memory_space<hbm>>
      tpu.wait_indirect_dma semaphore(%arg11 : memref<!tpu.dma_semaphore, #tpu.memory_space<semaphore_mem>>) src(%dma_wait3A_647 : memref<102400x32xf32, #tpu.memory_space<hbm>>) dst(%dma_wait3A_641 : memref<128x32xf32, #tpu.memory_space<vmem>>)
      %run_scoped3A_648 = arith.constant 2 : i32
      %run_scoped3A_649 = arith.constant 22 : i32
      "tpu.region"() ({
        %run_scoped3A_860 = tpu.sem_alloc : memref<!tpu.dma_semaphore, #tpu.memory_space<semaphore_mem>>
        %dma_start3A_861 = arith.constant 0 : i32
        %dma_start3A_862 = arith.constant 0 : i32
        %dma_start3A_863 = tpu.memref_slice %arg8[%run_scoped3A_648, %dma_start3A_861, %dma_start3A_862] : memref<4x128x32xf32, #tpu.memory_space<vmem>> -> memref<1x128x32xf32, #tpu.memory_space<vmem>>
        %dma_start3A_864 = tpu.memref_squeeze %dma_start3A_863 : memref<1x128x32xf32, #tpu.memory_space<vmem>> -> memref<128x32xf32, #tpu.memory_space<vmem>>
        %dma_start3A_865 = arith.constant 0 : i32
        %dma_start3A_866 = tpu.memref_slice %arg7[%run_scoped3A_649, %dma_start3A_865] : memref<32x128xi32, #tpu.memory_space<vmem>> -> memref<1x128xi32, #tpu.memory_space<vmem>>
        %dma_start3A_867 = tpu.memref_squeeze %dma_start3A_866 : memref<1x128xi32, #tpu.memory_space<vmem>> -> memref<128xi32, #tpu.memory_space<vmem>>
        %dma_start3A_868 = arith.constant 0 : i32
        %dma_start3A_869 = arith.constant 0 : i32
        %dma_start3A_870 = tpu.memref_slice %arg9[%dma_start3A_868, %dma_start3A_869] : memref<51200x32xf32, #tpu.memory_space<vmem_shared>> -> memref<51200x32xf32, #tpu.memory_space<vmem_shared>>
        tpu.enqueue_indirect_dma source(%dma_start3A_864 : memref<128x32xf32, #tpu.memory_space<vmem>>) target(%dma_start3A_870 : memref<51200x32xf32, #tpu.memory_space<vmem_shared>>) offsets(%dma_start3A_867 : memref<128xi32, #tpu.memory_space<vmem>>) semaphore(%run_scoped3A_860 : memref<!tpu.dma_semaphore, #tpu.memory_space<semaphore_mem>>) {add = true}
        %dma_wait3A_871 = arith.constant 0 : i32
        %dma_wait3A_872 = arith.constant 0 : i32
        %dma_wait3A_873 = tpu.memref_slice %arg8[%run_scoped3A_648, %dma_wait3A_871, %dma_wait3A_872] : memref<4x128x32xf32, #tpu.memory_space<vmem>> -> memref<1x128x32xf32, #tpu.memory_space<vmem>>
        %dma_wait3A_874 = tpu.memref_squeeze %dma_wait3A_873 : memref<1x128x32xf32, #tpu.memory_space<vmem>> -> memref<128x32xf32, #tpu.memory_space<vmem>>
        %dma_wait3A_875 = arith.constant 0 : i32
        %dma_wait3A_876 = tpu.memref_slice %arg7[%run_scoped3A_649, %dma_wait3A_875] : memref<32x128xi32, #tpu.memory_space<vmem>> -> memref<1x128xi32, #tpu.memory_space<vmem>>
        %dma_wait3A_877 = tpu.memref_squeeze %dma_wait3A_876 : memref<1x128xi32, #tpu.memory_space<vmem>> -> memref<128xi32, #tpu.memory_space<vmem>>
        %dma_wait3A_878 = arith.constant 0 : i32
        %dma_wait3A_879 = arith.constant 0 : i32
        %dma_wait3A_880 = tpu.memref_slice %arg9[%dma_wait3A_878, %dma_wait3A_879] : memref<51200x32xf32, #tpu.memory_space<vmem_shared>> -> memref<51200x32xf32, #tpu.memory_space<vmem_shared>>
        tpu.wait_indirect_dma semaphore(%run_scoped3A_860 : memref<!tpu.dma_semaphore, #tpu.memory_space<semaphore_mem>>) src(%dma_wait3A_874 : memref<128x32xf32, #tpu.memory_space<vmem>>) dst(%dma_wait3A_880 : memref<51200x32xf32, #tpu.memory_space<vmem_shared>>)
        tpu.yield
      }) : () -> ()
      %run_scoped3A_650 = arith.constant 3 : i32
      %run_scoped3A_651 = arith.constant 23 : i32
      "tpu.region"() ({
        %run_scoped3A_860 = tpu.sem_alloc : memref<!tpu.dma_semaphore, #tpu.memory_space<semaphore_mem>>
        %dma_start3A_861 = arith.constant 0 : i32
        %dma_start3A_862 = arith.constant 0 : i32
        %dma_start3A_863 = tpu.memref_slice %arg8[%run_scoped3A_650, %dma_start3A_861, %dma_start3A_862] : memref<4x128x32xf32, #tpu.memory_space<vmem>> -> memref<1x128x32xf32, #tpu.memory_space<vmem>>
        %dma_start3A_864 = tpu.memref_squeeze %dma_start3A_863 : memref<1x128x32xf32, #tpu.memory_space<vmem>> -> memref<128x32xf32, #tpu.memory_space<vmem>>
        %dma_start3A_865 = arith.constant 0 : i32
        %dma_start3A_866 = tpu.memref_slice %arg7[%run_scoped3A_651, %dma_start3A_865] : memref<32x128xi32, #tpu.memory_space<vmem>> -> memref<1x128xi32, #tpu.memory_space<vmem>>
        %dma_start3A_867 = tpu.memref_squeeze %dma_start3A_866 : memref<1x128xi32, #tpu.memory_space<vmem>> -> memref<128xi32, #tpu.memory_space<vmem>>
        %dma_start3A_868 = arith.constant 0 : i32
        %dma_start3A_869 = arith.constant 0 : i32
        %dma_start3A_870 = tpu.memref_slice %arg9[%dma_start3A_868, %dma_start3A_869] : memref<51200x32xf32, #tpu.memory_space<vmem_shared>> -> memref<51200x32xf32, #tpu.memory_space<vmem_shared>>
        tpu.enqueue_indirect_dma source(%dma_start3A_864 : memref<128x32xf32, #tpu.memory_space<vmem>>) target(%dma_start3A_870 : memref<51200x32xf32, #tpu.memory_space<vmem_shared>>) offsets(%dma_start3A_867 : memref<128xi32, #tpu.memory_space<vmem>>) semaphore(%run_scoped3A_860 : memref<!tpu.dma_semaphore, #tpu.memory_space<semaphore_mem>>) {add = true}
        %dma_wait3A_871 = arith.constant 0 : i32
        %dma_wait3A_872 = arith.constant 0 : i32
        %dma_wait3A_873 = tpu.memref_slice %arg8[%run_scoped3A_650, %dma_wait3A_871, %dma_wait3A_872] : memref<4x128x32xf32, #tpu.memory_space<vmem>> -> memref<1x128x32xf32, #tpu.memory_space<vmem>>
        %dma_wait3A_874 = tpu.memref_squeeze %dma_wait3A_873 : memref<1x128x32xf32, #tpu.memory_space<vmem>> -> memref<128x32xf32, #tpu.memory_space<vmem>>
        %dma_wait3A_875 = arith.constant 0 : i32
        %dma_wait3A_876 = tpu.memref_slice %arg7[%run_scoped3A_651, %dma_wait3A_875] : memref<32x128xi32, #tpu.memory_space<vmem>> -> memref<1x128xi32, #tpu.memory_space<vmem>>
        %dma_wait3A_877 = tpu.memref_squeeze %dma_wait3A_876 : memref<1x128xi32, #tpu.memory_space<vmem>> -> memref<128xi32, #tpu.memory_space<vmem>>
        %dma_wait3A_878 = arith.constant 0 : i32
        %dma_wait3A_879 = arith.constant 0 : i32
        %dma_wait3A_880 = tpu.memref_slice %arg9[%dma_wait3A_878, %dma_wait3A_879] : memref<51200x32xf32, #tpu.memory_space<vmem_shared>> -> memref<51200x32xf32, #tpu.memory_space<vmem_shared>>
        tpu.wait_indirect_dma semaphore(%run_scoped3A_860 : memref<!tpu.dma_semaphore, #tpu.memory_space<semaphore_mem>>) src(%dma_wait3A_874 : memref<128x32xf32, #tpu.memory_space<vmem>>) dst(%dma_wait3A_880 : memref<51200x32xf32, #tpu.memory_space<vmem_shared>>)
        tpu.yield
      }) : () -> ()
      %dma_start3A_652 = arith.constant 24 : i32
      %dma_start3A_653 = arith.constant 0 : i32
      %dma_start3A_654 = arith.constant 0 : i32
      %dma_start3A_655 = arith.constant 0 : i32
      %dma_start3A_656 = tpu.memref_slice %arg8[%dma_start3A_653, %dma_start3A_654, %dma_start3A_655] : memref<4x128x32xf32, #tpu.memory_space<vmem>> -> memref<1x128x32xf32, #tpu.memory_space<vmem>>
      %dma_start3A_657 = tpu.memref_squeeze %dma_start3A_656 : memref<1x128x32xf32, #tpu.memory_space<vmem>> -> memref<128x32xf32, #tpu.memory_space<vmem>>
      %dma_start3A_658 = arith.constant 0 : i32
      %dma_start3A_659 = tpu.memref_slice %arg6[%dma_start3A_652, %dma_start3A_658] : memref<32x128xi32, #tpu.memory_space<vmem>> -> memref<1x128xi32, #tpu.memory_space<vmem>>
      %dma_start3A_660 = tpu.memref_squeeze %dma_start3A_659 : memref<1x128xi32, #tpu.memory_space<vmem>> -> memref<128xi32, #tpu.memory_space<vmem>>
      %dma_start3A_661 = arith.constant 0 : i32
      %dma_start3A_662 = arith.constant 0 : i32
      %dma_start3A_663 = tpu.memref_slice %arg4[%dma_start3A_661, %dma_start3A_662] : memref<102400x32xf32, #tpu.memory_space<hbm>> -> memref<102400x32xf32, #tpu.memory_space<hbm>>
      tpu.enqueue_indirect_dma source(%dma_start3A_663 : memref<102400x32xf32, #tpu.memory_space<hbm>>) target(%dma_start3A_657 : memref<128x32xf32, #tpu.memory_space<vmem>>) offsets(%dma_start3A_660 : memref<128xi32, #tpu.memory_space<vmem>>) semaphore(%arg10 : memref<!tpu.dma_semaphore, #tpu.memory_space<semaphore_mem>>)
      %dma_start3A_664 = arith.constant 25 : i32
      %dma_start3A_665 = arith.constant 1 : i32
      %dma_start3A_666 = arith.constant 0 : i32
      %dma_start3A_667 = arith.constant 0 : i32
      %dma_start3A_668 = tpu.memref_slice %arg8[%dma_start3A_665, %dma_start3A_666, %dma_start3A_667] : memref<4x128x32xf32, #tpu.memory_space<vmem>> -> memref<1x128x32xf32, #tpu.memory_space<vmem>>
      %dma_start3A_669 = tpu.memref_squeeze %dma_start3A_668 : memref<1x128x32xf32, #tpu.memory_space<vmem>> -> memref<128x32xf32, #tpu.memory_space<vmem>>
      %dma_start3A_670 = arith.constant 0 : i32
      %dma_start3A_671 = tpu.memref_slice %arg6[%dma_start3A_664, %dma_start3A_670] : memref<32x128xi32, #tpu.memory_space<vmem>> -> memref<1x128xi32, #tpu.memory_space<vmem>>
      %dma_start3A_672 = tpu.memref_squeeze %dma_start3A_671 : memref<1x128xi32, #tpu.memory_space<vmem>> -> memref<128xi32, #tpu.memory_space<vmem>>
      %dma_start3A_673 = arith.constant 0 : i32
      %dma_start3A_674 = arith.constant 0 : i32
      %dma_start3A_675 = tpu.memref_slice %arg4[%dma_start3A_673, %dma_start3A_674] : memref<102400x32xf32, #tpu.memory_space<hbm>> -> memref<102400x32xf32, #tpu.memory_space<hbm>>
      tpu.enqueue_indirect_dma source(%dma_start3A_675 : memref<102400x32xf32, #tpu.memory_space<hbm>>) target(%dma_start3A_669 : memref<128x32xf32, #tpu.memory_space<vmem>>) offsets(%dma_start3A_672 : memref<128xi32, #tpu.memory_space<vmem>>) semaphore(%arg10 : memref<!tpu.dma_semaphore, #tpu.memory_space<semaphore_mem>>)
      %dma_start3A_676 = arith.constant 26 : i32
      %dma_start3A_677 = arith.constant 2 : i32
      %dma_start3A_678 = arith.constant 0 : i32
      %dma_start3A_679 = arith.constant 0 : i32
      %dma_start3A_680 = tpu.memref_slice %arg8[%dma_start3A_677, %dma_start3A_678, %dma_start3A_679] : memref<4x128x32xf32, #tpu.memory_space<vmem>> -> memref<1x128x32xf32, #tpu.memory_space<vmem>>
      %dma_start3A_681 = tpu.memref_squeeze %dma_start3A_680 : memref<1x128x32xf32, #tpu.memory_space<vmem>> -> memref<128x32xf32, #tpu.memory_space<vmem>>
      %dma_start3A_682 = arith.constant 0 : i32
      %dma_start3A_683 = tpu.memref_slice %arg6[%dma_start3A_676, %dma_start3A_682] : memref<32x128xi32, #tpu.memory_space<vmem>> -> memref<1x128xi32, #tpu.memory_space<vmem>>
      %dma_start3A_684 = tpu.memref_squeeze %dma_start3A_683 : memref<1x128xi32, #tpu.memory_space<vmem>> -> memref<128xi32, #tpu.memory_space<vmem>>
      %dma_start3A_685 = arith.constant 0 : i32
      %dma_start3A_686 = arith.constant 0 : i32
      %dma_start3A_687 = tpu.memref_slice %arg4[%dma_start3A_685, %dma_start3A_686] : memref<102400x32xf32, #tpu.memory_space<hbm>> -> memref<102400x32xf32, #tpu.memory_space<hbm>>
      tpu.enqueue_indirect_dma source(%dma_start3A_687 : memref<102400x32xf32, #tpu.memory_space<hbm>>) target(%dma_start3A_681 : memref<128x32xf32, #tpu.memory_space<vmem>>) offsets(%dma_start3A_684 : memref<128xi32, #tpu.memory_space<vmem>>) semaphore(%arg11 : memref<!tpu.dma_semaphore, #tpu.memory_space<semaphore_mem>>)
      %dma_start3A_688 = arith.constant 27 : i32
      %dma_start3A_689 = arith.constant 3 : i32
      %dma_start3A_690 = arith.constant 0 : i32
      %dma_start3A_691 = arith.constant 0 : i32
      %dma_start3A_692 = tpu.memref_slice %arg8[%dma_start3A_689, %dma_start3A_690, %dma_start3A_691] : memref<4x128x32xf32, #tpu.memory_space<vmem>> -> memref<1x128x32xf32, #tpu.memory_space<vmem>>
      %dma_start3A_693 = tpu.memref_squeeze %dma_start3A_692 : memref<1x128x32xf32, #tpu.memory_space<vmem>> -> memref<128x32xf32, #tpu.memory_space<vmem>>
      %dma_start3A_694 = arith.constant 0 : i32
      %dma_start3A_695 = tpu.memref_slice %arg6[%dma_start3A_688, %dma_start3A_694] : memref<32x128xi32, #tpu.memory_space<vmem>> -> memref<1x128xi32, #tpu.memory_space<vmem>>
      %dma_start3A_696 = tpu.memref_squeeze %dma_start3A_695 : memref<1x128xi32, #tpu.memory_space<vmem>> -> memref<128xi32, #tpu.memory_space<vmem>>
      %dma_start3A_697 = arith.constant 0 : i32
      %dma_start3A_698 = arith.constant 0 : i32
      %dma_start3A_699 = tpu.memref_slice %arg4[%dma_start3A_697, %dma_start3A_698] : memref<102400x32xf32, #tpu.memory_space<hbm>> -> memref<102400x32xf32, #tpu.memory_space<hbm>>
      tpu.enqueue_indirect_dma source(%dma_start3A_699 : memref<102400x32xf32, #tpu.memory_space<hbm>>) target(%dma_start3A_693 : memref<128x32xf32, #tpu.memory_space<vmem>>) offsets(%dma_start3A_696 : memref<128xi32, #tpu.memory_space<vmem>>) semaphore(%arg11 : memref<!tpu.dma_semaphore, #tpu.memory_space<semaphore_mem>>)
      %dma_wait3A_700 = arith.constant 24 : i32
      %dma_wait3A_701 = arith.constant 0 : i32
      %dma_wait3A_702 = arith.constant 0 : i32
      %dma_wait3A_703 = arith.constant 0 : i32
      %dma_wait3A_704 = tpu.memref_slice %arg8[%dma_wait3A_701, %dma_wait3A_702, %dma_wait3A_703] : memref<4x128x32xf32, #tpu.memory_space<vmem>> -> memref<1x128x32xf32, #tpu.memory_space<vmem>>
      %dma_wait3A_705 = tpu.memref_squeeze %dma_wait3A_704 : memref<1x128x32xf32, #tpu.memory_space<vmem>> -> memref<128x32xf32, #tpu.memory_space<vmem>>
      %dma_wait3A_706 = arith.constant 0 : i32
      %dma_wait3A_707 = tpu.memref_slice %arg6[%dma_wait3A_700, %dma_wait3A_706] : memref<32x128xi32, #tpu.memory_space<vmem>> -> memref<1x128xi32, #tpu.memory_space<vmem>>
      %dma_wait3A_708 = tpu.memref_squeeze %dma_wait3A_707 : memref<1x128xi32, #tpu.memory_space<vmem>> -> memref<128xi32, #tpu.memory_space<vmem>>
      %dma_wait3A_709 = arith.constant 0 : i32
      %dma_wait3A_710 = arith.constant 0 : i32
      %dma_wait3A_711 = tpu.memref_slice %arg4[%dma_wait3A_709, %dma_wait3A_710] : memref<102400x32xf32, #tpu.memory_space<hbm>> -> memref<102400x32xf32, #tpu.memory_space<hbm>>
      tpu.wait_indirect_dma semaphore(%arg10 : memref<!tpu.dma_semaphore, #tpu.memory_space<semaphore_mem>>) src(%dma_wait3A_711 : memref<102400x32xf32, #tpu.memory_space<hbm>>) dst(%dma_wait3A_705 : memref<128x32xf32, #tpu.memory_space<vmem>>)
      %dma_wait3A_712 = arith.constant 25 : i32
      %dma_wait3A_713 = arith.constant 1 : i32
      %dma_wait3A_714 = arith.constant 0 : i32
      %dma_wait3A_715 = arith.constant 0 : i32
      %dma_wait3A_716 = tpu.memref_slice %arg8[%dma_wait3A_713, %dma_wait3A_714, %dma_wait3A_715] : memref<4x128x32xf32, #tpu.memory_space<vmem>> -> memref<1x128x32xf32, #tpu.memory_space<vmem>>
      %dma_wait3A_717 = tpu.memref_squeeze %dma_wait3A_716 : memref<1x128x32xf32, #tpu.memory_space<vmem>> -> memref<128x32xf32, #tpu.memory_space<vmem>>
      %dma_wait3A_718 = arith.constant 0 : i32
      %dma_wait3A_719 = tpu.memref_slice %arg6[%dma_wait3A_712, %dma_wait3A_718] : memref<32x128xi32, #tpu.memory_space<vmem>> -> memref<1x128xi32, #tpu.memory_space<vmem>>
      %dma_wait3A_720 = tpu.memref_squeeze %dma_wait3A_719 : memref<1x128xi32, #tpu.memory_space<vmem>> -> memref<128xi32, #tpu.memory_space<vmem>>
      %dma_wait3A_721 = arith.constant 0 : i32
      %dma_wait3A_722 = arith.constant 0 : i32
      %dma_wait3A_723 = tpu.memref_slice %arg4[%dma_wait3A_721, %dma_wait3A_722] : memref<102400x32xf32, #tpu.memory_space<hbm>> -> memref<102400x32xf32, #tpu.memory_space<hbm>>
      tpu.wait_indirect_dma semaphore(%arg10 : memref<!tpu.dma_semaphore, #tpu.memory_space<semaphore_mem>>) src(%dma_wait3A_723 : memref<102400x32xf32, #tpu.memory_space<hbm>>) dst(%dma_wait3A_717 : memref<128x32xf32, #tpu.memory_space<vmem>>)
      %run_scoped3A_724 = arith.constant 0 : i32
      %run_scoped3A_725 = arith.constant 24 : i32
      "tpu.region"() ({
        %run_scoped3A_860 = tpu.sem_alloc : memref<!tpu.dma_semaphore, #tpu.memory_space<semaphore_mem>>
        %dma_start3A_861 = arith.constant 0 : i32
        %dma_start3A_862 = arith.constant 0 : i32
        %dma_start3A_863 = tpu.memref_slice %arg8[%run_scoped3A_724, %dma_start3A_861, %dma_start3A_862] : memref<4x128x32xf32, #tpu.memory_space<vmem>> -> memref<1x128x32xf32, #tpu.memory_space<vmem>>
        %dma_start3A_864 = tpu.memref_squeeze %dma_start3A_863 : memref<1x128x32xf32, #tpu.memory_space<vmem>> -> memref<128x32xf32, #tpu.memory_space<vmem>>
        %dma_start3A_865 = arith.constant 0 : i32
        %dma_start3A_866 = tpu.memref_slice %arg7[%run_scoped3A_725, %dma_start3A_865] : memref<32x128xi32, #tpu.memory_space<vmem>> -> memref<1x128xi32, #tpu.memory_space<vmem>>
        %dma_start3A_867 = tpu.memref_squeeze %dma_start3A_866 : memref<1x128xi32, #tpu.memory_space<vmem>> -> memref<128xi32, #tpu.memory_space<vmem>>
        %dma_start3A_868 = arith.constant 0 : i32
        %dma_start3A_869 = arith.constant 0 : i32
        %dma_start3A_870 = tpu.memref_slice %arg9[%dma_start3A_868, %dma_start3A_869] : memref<51200x32xf32, #tpu.memory_space<vmem_shared>> -> memref<51200x32xf32, #tpu.memory_space<vmem_shared>>
        tpu.enqueue_indirect_dma source(%dma_start3A_864 : memref<128x32xf32, #tpu.memory_space<vmem>>) target(%dma_start3A_870 : memref<51200x32xf32, #tpu.memory_space<vmem_shared>>) offsets(%dma_start3A_867 : memref<128xi32, #tpu.memory_space<vmem>>) semaphore(%run_scoped3A_860 : memref<!tpu.dma_semaphore, #tpu.memory_space<semaphore_mem>>) {add = true}
        %dma_wait3A_871 = arith.constant 0 : i32
        %dma_wait3A_872 = arith.constant 0 : i32
        %dma_wait3A_873 = tpu.memref_slice %arg8[%run_scoped3A_724, %dma_wait3A_871, %dma_wait3A_872] : memref<4x128x32xf32, #tpu.memory_space<vmem>> -> memref<1x128x32xf32, #tpu.memory_space<vmem>>
        %dma_wait3A_874 = tpu.memref_squeeze %dma_wait3A_873 : memref<1x128x32xf32, #tpu.memory_space<vmem>> -> memref<128x32xf32, #tpu.memory_space<vmem>>
        %dma_wait3A_875 = arith.constant 0 : i32
        %dma_wait3A_876 = tpu.memref_slice %arg7[%run_scoped3A_725, %dma_wait3A_875] : memref<32x128xi32, #tpu.memory_space<vmem>> -> memref<1x128xi32, #tpu.memory_space<vmem>>
        %dma_wait3A_877 = tpu.memref_squeeze %dma_wait3A_876 : memref<1x128xi32, #tpu.memory_space<vmem>> -> memref<128xi32, #tpu.memory_space<vmem>>
        %dma_wait3A_878 = arith.constant 0 : i32
        %dma_wait3A_879 = arith.constant 0 : i32
        %dma_wait3A_880 = tpu.memref_slice %arg9[%dma_wait3A_878, %dma_wait3A_879] : memref<51200x32xf32, #tpu.memory_space<vmem_shared>> -> memref<51200x32xf32, #tpu.memory_space<vmem_shared>>
        tpu.wait_indirect_dma semaphore(%run_scoped3A_860 : memref<!tpu.dma_semaphore, #tpu.memory_space<semaphore_mem>>) src(%dma_wait3A_874 : memref<128x32xf32, #tpu.memory_space<vmem>>) dst(%dma_wait3A_880 : memref<51200x32xf32, #tpu.memory_space<vmem_shared>>)
        tpu.yield
      }) : () -> ()
      %run_scoped3A_726 = arith.constant 1 : i32
      %run_scoped3A_727 = arith.constant 25 : i32
      "tpu.region"() ({
        %run_scoped3A_860 = tpu.sem_alloc : memref<!tpu.dma_semaphore, #tpu.memory_space<semaphore_mem>>
        %dma_start3A_861 = arith.constant 0 : i32
        %dma_start3A_862 = arith.constant 0 : i32
        %dma_start3A_863 = tpu.memref_slice %arg8[%run_scoped3A_726, %dma_start3A_861, %dma_start3A_862] : memref<4x128x32xf32, #tpu.memory_space<vmem>> -> memref<1x128x32xf32, #tpu.memory_space<vmem>>
        %dma_start3A_864 = tpu.memref_squeeze %dma_start3A_863 : memref<1x128x32xf32, #tpu.memory_space<vmem>> -> memref<128x32xf32, #tpu.memory_space<vmem>>
        %dma_start3A_865 = arith.constant 0 : i32
        %dma_start3A_866 = tpu.memref_slice %arg7[%run_scoped3A_727, %dma_start3A_865] : memref<32x128xi32, #tpu.memory_space<vmem>> -> memref<1x128xi32, #tpu.memory_space<vmem>>
        %dma_start3A_867 = tpu.memref_squeeze %dma_start3A_866 : memref<1x128xi32, #tpu.memory_space<vmem>> -> memref<128xi32, #tpu.memory_space<vmem>>
        %dma_start3A_868 = arith.constant 0 : i32
        %dma_start3A_869 = arith.constant 0 : i32
        %dma_start3A_870 = tpu.memref_slice %arg9[%dma_start3A_868, %dma_start3A_869] : memref<51200x32xf32, #tpu.memory_space<vmem_shared>> -> memref<51200x32xf32, #tpu.memory_space<vmem_shared>>
        tpu.enqueue_indirect_dma source(%dma_start3A_864 : memref<128x32xf32, #tpu.memory_space<vmem>>) target(%dma_start3A_870 : memref<51200x32xf32, #tpu.memory_space<vmem_shared>>) offsets(%dma_start3A_867 : memref<128xi32, #tpu.memory_space<vmem>>) semaphore(%run_scoped3A_860 : memref<!tpu.dma_semaphore, #tpu.memory_space<semaphore_mem>>) {add = true}
        %dma_wait3A_871 = arith.constant 0 : i32
        %dma_wait3A_872 = arith.constant 0 : i32
        %dma_wait3A_873 = tpu.memref_slice %arg8[%run_scoped3A_726, %dma_wait3A_871, %dma_wait3A_872] : memref<4x128x32xf32, #tpu.memory_space<vmem>> -> memref<1x128x32xf32, #tpu.memory_space<vmem>>
        %dma_wait3A_874 = tpu.memref_squeeze %dma_wait3A_873 : memref<1x128x32xf32, #tpu.memory_space<vmem>> -> memref<128x32xf32, #tpu.memory_space<vmem>>
        %dma_wait3A_875 = arith.constant 0 : i32
        %dma_wait3A_876 = tpu.memref_slice %arg7[%run_scoped3A_727, %dma_wait3A_875] : memref<32x128xi32, #tpu.memory_space<vmem>> -> memref<1x128xi32, #tpu.memory_space<vmem>>
        %dma_wait3A_877 = tpu.memref_squeeze %dma_wait3A_876 : memref<1x128xi32, #tpu.memory_space<vmem>> -> memref<128xi32, #tpu.memory_space<vmem>>
        %dma_wait3A_878 = arith.constant 0 : i32
        %dma_wait3A_879 = arith.constant 0 : i32
        %dma_wait3A_880 = tpu.memref_slice %arg9[%dma_wait3A_878, %dma_wait3A_879] : memref<51200x32xf32, #tpu.memory_space<vmem_shared>> -> memref<51200x32xf32, #tpu.memory_space<vmem_shared>>
        tpu.wait_indirect_dma semaphore(%run_scoped3A_860 : memref<!tpu.dma_semaphore, #tpu.memory_space<semaphore_mem>>) src(%dma_wait3A_874 : memref<128x32xf32, #tpu.memory_space<vmem>>) dst(%dma_wait3A_880 : memref<51200x32xf32, #tpu.memory_space<vmem_shared>>)
        tpu.yield
      }) : () -> ()
      %dma_wait3A_728 = arith.constant 26 : i32
      %dma_wait3A_729 = arith.constant 2 : i32
      %dma_wait3A_730 = arith.constant 0 : i32
      %dma_wait3A_731 = arith.constant 0 : i32
      %dma_wait3A_732 = tpu.memref_slice %arg8[%dma_wait3A_729, %dma_wait3A_730, %dma_wait3A_731] : memref<4x128x32xf32, #tpu.memory_space<vmem>> -> memref<1x128x32xf32, #tpu.memory_space<vmem>>
      %dma_wait3A_733 = tpu.memref_squeeze %dma_wait3A_732 : memref<1x128x32xf32, #tpu.memory_space<vmem>> -> memref<128x32xf32, #tpu.memory_space<vmem>>
      %dma_wait3A_734 = arith.constant 0 : i32
      %dma_wait3A_735 = tpu.memref_slice %arg6[%dma_wait3A_728, %dma_wait3A_734] : memref<32x128xi32, #tpu.memory_space<vmem>> -> memref<1x128xi32, #tpu.memory_space<vmem>>
      %dma_wait3A_736 = tpu.memref_squeeze %dma_wait3A_735 : memref<1x128xi32, #tpu.memory_space<vmem>> -> memref<128xi32, #tpu.memory_space<vmem>>
      %dma_wait3A_737 = arith.constant 0 : i32
      %dma_wait3A_738 = arith.constant 0 : i32
      %dma_wait3A_739 = tpu.memref_slice %arg4[%dma_wait3A_737, %dma_wait3A_738] : memref<102400x32xf32, #tpu.memory_space<hbm>> -> memref<102400x32xf32, #tpu.memory_space<hbm>>
      tpu.wait_indirect_dma semaphore(%arg11 : memref<!tpu.dma_semaphore, #tpu.memory_space<semaphore_mem>>) src(%dma_wait3A_739 : memref<102400x32xf32, #tpu.memory_space<hbm>>) dst(%dma_wait3A_733 : memref<128x32xf32, #tpu.memory_space<vmem>>)
      %dma_wait3A_740 = arith.constant 27 : i32
      %dma_wait3A_741 = arith.constant 3 : i32
      %dma_wait3A_742 = arith.constant 0 : i32
      %dma_wait3A_743 = arith.constant 0 : i32
      %dma_wait3A_744 = tpu.memref_slice %arg8[%dma_wait3A_741, %dma_wait3A_742, %dma_wait3A_743] : memref<4x128x32xf32, #tpu.memory_space<vmem>> -> memref<1x128x32xf32, #tpu.memory_space<vmem>>
      %dma_wait3A_745 = tpu.memref_squeeze %dma_wait3A_744 : memref<1x128x32xf32, #tpu.memory_space<vmem>> -> memref<128x32xf32, #tpu.memory_space<vmem>>
      %dma_wait3A_746 = arith.constant 0 : i32
      %dma_wait3A_747 = tpu.memref_slice %arg6[%dma_wait3A_740, %dma_wait3A_746] : memref<32x128xi32, #tpu.memory_space<vmem>> -> memref<1x128xi32, #tpu.memory_space<vmem>>
      %dma_wait3A_748 = tpu.memref_squeeze %dma_wait3A_747 : memref<1x128xi32, #tpu.memory_space<vmem>> -> memref<128xi32, #tpu.memory_space<vmem>>
      %dma_wait3A_749 = arith.constant 0 : i32
      %dma_wait3A_750 = arith.constant 0 : i32
      %dma_wait3A_751 = tpu.memref_slice %arg4[%dma_wait3A_749, %dma_wait3A_750] : memref<102400x32xf32, #tpu.memory_space<hbm>> -> memref<102400x32xf32, #tpu.memory_space<hbm>>
      tpu.wait_indirect_dma semaphore(%arg11 : memref<!tpu.dma_semaphore, #tpu.memory_space<semaphore_mem>>) src(%dma_wait3A_751 : memref<102400x32xf32, #tpu.memory_space<hbm>>) dst(%dma_wait3A_745 : memref<128x32xf32, #tpu.memory_space<vmem>>)
      %run_scoped3A_752 = arith.constant 2 : i32
      %run_scoped3A_753 = arith.constant 26 : i32
      "tpu.region"() ({
        %run_scoped3A_860 = tpu.sem_alloc : memref<!tpu.dma_semaphore, #tpu.memory_space<semaphore_mem>>
        %dma_start3A_861 = arith.constant 0 : i32
        %dma_start3A_862 = arith.constant 0 : i32
        %dma_start3A_863 = tpu.memref_slice %arg8[%run_scoped3A_752, %dma_start3A_861, %dma_start3A_862] : memref<4x128x32xf32, #tpu.memory_space<vmem>> -> memref<1x128x32xf32, #tpu.memory_space<vmem>>
        %dma_start3A_864 = tpu.memref_squeeze %dma_start3A_863 : memref<1x128x32xf32, #tpu.memory_space<vmem>> -> memref<128x32xf32, #tpu.memory_space<vmem>>
        %dma_start3A_865 = arith.constant 0 : i32
        %dma_start3A_866 = tpu.memref_slice %arg7[%run_scoped3A_753, %dma_start3A_865] : memref<32x128xi32, #tpu.memory_space<vmem>> -> memref<1x128xi32, #tpu.memory_space<vmem>>
        %dma_start3A_867 = tpu.memref_squeeze %dma_start3A_866 : memref<1x128xi32, #tpu.memory_space<vmem>> -> memref<128xi32, #tpu.memory_space<vmem>>
        %dma_start3A_868 = arith.constant 0 : i32
        %dma_start3A_869 = arith.constant 0 : i32
        %dma_start3A_870 = tpu.memref_slice %arg9[%dma_start3A_868, %dma_start3A_869] : memref<51200x32xf32, #tpu.memory_space<vmem_shared>> -> memref<51200x32xf32, #tpu.memory_space<vmem_shared>>
        tpu.enqueue_indirect_dma source(%dma_start3A_864 : memref<128x32xf32, #tpu.memory_space<vmem>>) target(%dma_start3A_870 : memref<51200x32xf32, #tpu.memory_space<vmem_shared>>) offsets(%dma_start3A_867 : memref<128xi32, #tpu.memory_space<vmem>>) semaphore(%run_scoped3A_860 : memref<!tpu.dma_semaphore, #tpu.memory_space<semaphore_mem>>) {add = true}
        %dma_wait3A_871 = arith.constant 0 : i32
        %dma_wait3A_872 = arith.constant 0 : i32
        %dma_wait3A_873 = tpu.memref_slice %arg8[%run_scoped3A_752, %dma_wait3A_871, %dma_wait3A_872] : memref<4x128x32xf32, #tpu.memory_space<vmem>> -> memref<1x128x32xf32, #tpu.memory_space<vmem>>
        %dma_wait3A_874 = tpu.memref_squeeze %dma_wait3A_873 : memref<1x128x32xf32, #tpu.memory_space<vmem>> -> memref<128x32xf32, #tpu.memory_space<vmem>>
        %dma_wait3A_875 = arith.constant 0 : i32
        %dma_wait3A_876 = tpu.memref_slice %arg7[%run_scoped3A_753, %dma_wait3A_875] : memref<32x128xi32, #tpu.memory_space<vmem>> -> memref<1x128xi32, #tpu.memory_space<vmem>>
        %dma_wait3A_877 = tpu.memref_squeeze %dma_wait3A_876 : memref<1x128xi32, #tpu.memory_space<vmem>> -> memref<128xi32, #tpu.memory_space<vmem>>
        %dma_wait3A_878 = arith.constant 0 : i32
        %dma_wait3A_879 = arith.constant 0 : i32
        %dma_wait3A_880 = tpu.memref_slice %arg9[%dma_wait3A_878, %dma_wait3A_879] : memref<51200x32xf32, #tpu.memory_space<vmem_shared>> -> memref<51200x32xf32, #tpu.memory_space<vmem_shared>>
        tpu.wait_indirect_dma semaphore(%run_scoped3A_860 : memref<!tpu.dma_semaphore, #tpu.memory_space<semaphore_mem>>) src(%dma_wait3A_874 : memref<128x32xf32, #tpu.memory_space<vmem>>) dst(%dma_wait3A_880 : memref<51200x32xf32, #tpu.memory_space<vmem_shared>>)
        tpu.yield
      }) : () -> ()
      %run_scoped3A_754 = arith.constant 3 : i32
      %run_scoped3A_755 = arith.constant 27 : i32
      "tpu.region"() ({
        %run_scoped3A_860 = tpu.sem_alloc : memref<!tpu.dma_semaphore, #tpu.memory_space<semaphore_mem>>
        %dma_start3A_861 = arith.constant 0 : i32
        %dma_start3A_862 = arith.constant 0 : i32
        %dma_start3A_863 = tpu.memref_slice %arg8[%run_scoped3A_754, %dma_start3A_861, %dma_start3A_862] : memref<4x128x32xf32, #tpu.memory_space<vmem>> -> memref<1x128x32xf32, #tpu.memory_space<vmem>>
        %dma_start3A_864 = tpu.memref_squeeze %dma_start3A_863 : memref<1x128x32xf32, #tpu.memory_space<vmem>> -> memref<128x32xf32, #tpu.memory_space<vmem>>
        %dma_start3A_865 = arith.constant 0 : i32
        %dma_start3A_866 = tpu.memref_slice %arg7[%run_scoped3A_755, %dma_start3A_865] : memref<32x128xi32, #tpu.memory_space<vmem>> -> memref<1x128xi32, #tpu.memory_space<vmem>>
        %dma_start3A_867 = tpu.memref_squeeze %dma_start3A_866 : memref<1x128xi32, #tpu.memory_space<vmem>> -> memref<128xi32, #tpu.memory_space<vmem>>
        %dma_start3A_868 = arith.constant 0 : i32
        %dma_start3A_869 = arith.constant 0 : i32
        %dma_start3A_870 = tpu.memref_slice %arg9[%dma_start3A_868, %dma_start3A_869] : memref<51200x32xf32, #tpu.memory_space<vmem_shared>> -> memref<51200x32xf32, #tpu.memory_space<vmem_shared>>
        tpu.enqueue_indirect_dma source(%dma_start3A_864 : memref<128x32xf32, #tpu.memory_space<vmem>>) target(%dma_start3A_870 : memref<51200x32xf32, #tpu.memory_space<vmem_shared>>) offsets(%dma_start3A_867 : memref<128xi32, #tpu.memory_space<vmem>>) semaphore(%run_scoped3A_860 : memref<!tpu.dma_semaphore, #tpu.memory_space<semaphore_mem>>) {add = true}
        %dma_wait3A_871 = arith.constant 0 : i32
        %dma_wait3A_872 = arith.constant 0 : i32
        %dma_wait3A_873 = tpu.memref_slice %arg8[%run_scoped3A_754, %dma_wait3A_871, %dma_wait3A_872] : memref<4x128x32xf32, #tpu.memory_space<vmem>> -> memref<1x128x32xf32, #tpu.memory_space<vmem>>
        %dma_wait3A_874 = tpu.memref_squeeze %dma_wait3A_873 : memref<1x128x32xf32, #tpu.memory_space<vmem>> -> memref<128x32xf32, #tpu.memory_space<vmem>>
        %dma_wait3A_875 = arith.constant 0 : i32
        %dma_wait3A_876 = tpu.memref_slice %arg7[%run_scoped3A_755, %dma_wait3A_875] : memref<32x128xi32, #tpu.memory_space<vmem>> -> memref<1x128xi32, #tpu.memory_space<vmem>>
        %dma_wait3A_877 = tpu.memref_squeeze %dma_wait3A_876 : memref<1x128xi32, #tpu.memory_space<vmem>> -> memref<128xi32, #tpu.memory_space<vmem>>
        %dma_wait3A_878 = arith.constant 0 : i32
        %dma_wait3A_879 = arith.constant 0 : i32
        %dma_wait3A_880 = tpu.memref_slice %arg9[%dma_wait3A_878, %dma_wait3A_879] : memref<51200x32xf32, #tpu.memory_space<vmem_shared>> -> memref<51200x32xf32, #tpu.memory_space<vmem_shared>>
        tpu.wait_indirect_dma semaphore(%run_scoped3A_860 : memref<!tpu.dma_semaphore, #tpu.memory_space<semaphore_mem>>) src(%dma_wait3A_874 : memref<128x32xf32, #tpu.memory_space<vmem>>) dst(%dma_wait3A_880 : memref<51200x32xf32, #tpu.memory_space<vmem_shared>>)
        tpu.yield
      }) : () -> ()
      %dma_start3A_756 = arith.constant 28 : i32
      %dma_start3A_757 = arith.constant 0 : i32
      %dma_start3A_758 = arith.constant 0 : i32
      %dma_start3A_759 = arith.constant 0 : i32
      %dma_start3A_760 = tpu.memref_slice %arg8[%dma_start3A_757, %dma_start3A_758, %dma_start3A_759] : memref<4x128x32xf32, #tpu.memory_space<vmem>> -> memref<1x128x32xf32, #tpu.memory_space<vmem>>
      %dma_start3A_761 = tpu.memref_squeeze %dma_start3A_760 : memref<1x128x32xf32, #tpu.memory_space<vmem>> -> memref<128x32xf32, #tpu.memory_space<vmem>>
      %dma_start3A_762 = arith.constant 0 : i32
      %dma_start3A_763 = tpu.memref_slice %arg6[%dma_start3A_756, %dma_start3A_762] : memref<32x128xi32, #tpu.memory_space<vmem>> -> memref<1x128xi32, #tpu.memory_space<vmem>>
      %dma_start3A_764 = tpu.memref_squeeze %dma_start3A_763 : memref<1x128xi32, #tpu.memory_space<vmem>> -> memref<128xi32, #tpu.memory_space<vmem>>
      %dma_start3A_765 = arith.constant 0 : i32
      %dma_start3A_766 = arith.constant 0 : i32
      %dma_start3A_767 = tpu.memref_slice %arg4[%dma_start3A_765, %dma_start3A_766] : memref<102400x32xf32, #tpu.memory_space<hbm>> -> memref<102400x32xf32, #tpu.memory_space<hbm>>
      tpu.enqueue_indirect_dma source(%dma_start3A_767 : memref<102400x32xf32, #tpu.memory_space<hbm>>) target(%dma_start3A_761 : memref<128x32xf32, #tpu.memory_space<vmem>>) offsets(%dma_start3A_764 : memref<128xi32, #tpu.memory_space<vmem>>) semaphore(%arg10 : memref<!tpu.dma_semaphore, #tpu.memory_space<semaphore_mem>>)
      %dma_start3A_768 = arith.constant 29 : i32
      %dma_start3A_769 = arith.constant 1 : i32
      %dma_start3A_770 = arith.constant 0 : i32
      %dma_start3A_771 = arith.constant 0 : i32
      %dma_start3A_772 = tpu.memref_slice %arg8[%dma_start3A_769, %dma_start3A_770, %dma_start3A_771] : memref<4x128x32xf32, #tpu.memory_space<vmem>> -> memref<1x128x32xf32, #tpu.memory_space<vmem>>
      %dma_start3A_773 = tpu.memref_squeeze %dma_start3A_772 : memref<1x128x32xf32, #tpu.memory_space<vmem>> -> memref<128x32xf32, #tpu.memory_space<vmem>>
      %dma_start3A_774 = arith.constant 0 : i32
      %dma_start3A_775 = tpu.memref_slice %arg6[%dma_start3A_768, %dma_start3A_774] : memref<32x128xi32, #tpu.memory_space<vmem>> -> memref<1x128xi32, #tpu.memory_space<vmem>>
      %dma_start3A_776 = tpu.memref_squeeze %dma_start3A_775 : memref<1x128xi32, #tpu.memory_space<vmem>> -> memref<128xi32, #tpu.memory_space<vmem>>
      %dma_start3A_777 = arith.constant 0 : i32
      %dma_start3A_778 = arith.constant 0 : i32
      %dma_start3A_779 = tpu.memref_slice %arg4[%dma_start3A_777, %dma_start3A_778] : memref<102400x32xf32, #tpu.memory_space<hbm>> -> memref<102400x32xf32, #tpu.memory_space<hbm>>
      tpu.enqueue_indirect_dma source(%dma_start3A_779 : memref<102400x32xf32, #tpu.memory_space<hbm>>) target(%dma_start3A_773 : memref<128x32xf32, #tpu.memory_space<vmem>>) offsets(%dma_start3A_776 : memref<128xi32, #tpu.memory_space<vmem>>) semaphore(%arg10 : memref<!tpu.dma_semaphore, #tpu.memory_space<semaphore_mem>>)
      %dma_start3A_780 = arith.constant 30 : i32
      %dma_start3A_781 = arith.constant 2 : i32
      %dma_start3A_782 = arith.constant 0 : i32
      %dma_start3A_783 = arith.constant 0 : i32
      %dma_start3A_784 = tpu.memref_slice %arg8[%dma_start3A_781, %dma_start3A_782, %dma_start3A_783] : memref<4x128x32xf32, #tpu.memory_space<vmem>> -> memref<1x128x32xf32, #tpu.memory_space<vmem>>
      %dma_start3A_785 = tpu.memref_squeeze %dma_start3A_784 : memref<1x128x32xf32, #tpu.memory_space<vmem>> -> memref<128x32xf32, #tpu.memory_space<vmem>>
      %dma_start3A_786 = arith.constant 0 : i32
      %dma_start3A_787 = tpu.memref_slice %arg6[%dma_start3A_780, %dma_start3A_786] : memref<32x128xi32, #tpu.memory_space<vmem>> -> memref<1x128xi32, #tpu.memory_space<vmem>>
      %dma_start3A_788 = tpu.memref_squeeze %dma_start3A_787 : memref<1x128xi32, #tpu.memory_space<vmem>> -> memref<128xi32, #tpu.memory_space<vmem>>
      %dma_start3A_789 = arith.constant 0 : i32
      %dma_start3A_790 = arith.constant 0 : i32
      %dma_start3A_791 = tpu.memref_slice %arg4[%dma_start3A_789, %dma_start3A_790] : memref<102400x32xf32, #tpu.memory_space<hbm>> -> memref<102400x32xf32, #tpu.memory_space<hbm>>
      tpu.enqueue_indirect_dma source(%dma_start3A_791 : memref<102400x32xf32, #tpu.memory_space<hbm>>) target(%dma_start3A_785 : memref<128x32xf32, #tpu.memory_space<vmem>>) offsets(%dma_start3A_788 : memref<128xi32, #tpu.memory_space<vmem>>) semaphore(%arg11 : memref<!tpu.dma_semaphore, #tpu.memory_space<semaphore_mem>>)
      %dma_start3A_792 = arith.constant 31 : i32
      %dma_start3A_793 = arith.constant 3 : i32
      %dma_start3A_794 = arith.constant 0 : i32
      %dma_start3A_795 = arith.constant 0 : i32
      %dma_start3A_796 = tpu.memref_slice %arg8[%dma_start3A_793, %dma_start3A_794, %dma_start3A_795] : memref<4x128x32xf32, #tpu.memory_space<vmem>> -> memref<1x128x32xf32, #tpu.memory_space<vmem>>
      %dma_start3A_797 = tpu.memref_squeeze %dma_start3A_796 : memref<1x128x32xf32, #tpu.memory_space<vmem>> -> memref<128x32xf32, #tpu.memory_space<vmem>>
      %dma_start3A_798 = arith.constant 0 : i32
      %dma_start3A_799 = tpu.memref_slice %arg6[%dma_start3A_792, %dma_start3A_798] : memref<32x128xi32, #tpu.memory_space<vmem>> -> memref<1x128xi32, #tpu.memory_space<vmem>>
      %dma_start3A_800 = tpu.memref_squeeze %dma_start3A_799 : memref<1x128xi32, #tpu.memory_space<vmem>> -> memref<128xi32, #tpu.memory_space<vmem>>
      %dma_start3A_801 = arith.constant 0 : i32
      %dma_start3A_802 = arith.constant 0 : i32
      %dma_start3A_803 = tpu.memref_slice %arg4[%dma_start3A_801, %dma_start3A_802] : memref<102400x32xf32, #tpu.memory_space<hbm>> -> memref<102400x32xf32, #tpu.memory_space<hbm>>
      tpu.enqueue_indirect_dma source(%dma_start3A_803 : memref<102400x32xf32, #tpu.memory_space<hbm>>) target(%dma_start3A_797 : memref<128x32xf32, #tpu.memory_space<vmem>>) offsets(%dma_start3A_800 : memref<128xi32, #tpu.memory_space<vmem>>) semaphore(%arg11 : memref<!tpu.dma_semaphore, #tpu.memory_space<semaphore_mem>>)
      %dma_wait3A_804 = arith.constant 28 : i32
      %dma_wait3A_805 = arith.constant 0 : i32
      %dma_wait3A_806 = arith.constant 0 : i32
      %dma_wait3A_807 = arith.constant 0 : i32
      %dma_wait3A_808 = tpu.memref_slice %arg8[%dma_wait3A_805, %dma_wait3A_806, %dma_wait3A_807] : memref<4x128x32xf32, #tpu.memory_space<vmem>> -> memref<1x128x32xf32, #tpu.memory_space<vmem>>
      %dma_wait3A_809 = tpu.memref_squeeze %dma_wait3A_808 : memref<1x128x32xf32, #tpu.memory_space<vmem>> -> memref<128x32xf32, #tpu.memory_space<vmem>>
      %dma_wait3A_810 = arith.constant 0 : i32
      %dma_wait3A_811 = tpu.memref_slice %arg6[%dma_wait3A_804, %dma_wait3A_810] : memref<32x128xi32, #tpu.memory_space<vmem>> -> memref<1x128xi32, #tpu.memory_space<vmem>>
      %dma_wait3A_812 = tpu.memref_squeeze %dma_wait3A_811 : memref<1x128xi32, #tpu.memory_space<vmem>> -> memref<128xi32, #tpu.memory_space<vmem>>
      %dma_wait3A_813 = arith.constant 0 : i32
      %dma_wait3A_814 = arith.constant 0 : i32
      %dma_wait3A_815 = tpu.memref_slice %arg4[%dma_wait3A_813, %dma_wait3A_814] : memref<102400x32xf32, #tpu.memory_space<hbm>> -> memref<102400x32xf32, #tpu.memory_space<hbm>>
      tpu.wait_indirect_dma semaphore(%arg10 : memref<!tpu.dma_semaphore, #tpu.memory_space<semaphore_mem>>) src(%dma_wait3A_815 : memref<102400x32xf32, #tpu.memory_space<hbm>>) dst(%dma_wait3A_809 : memref<128x32xf32, #tpu.memory_space<vmem>>)
      %dma_wait3A_816 = arith.constant 29 : i32
      %dma_wait3A_817 = arith.constant 1 : i32
      %dma_wait3A_818 = arith.constant 0 : i32
      %dma_wait3A_819 = arith.constant 0 : i32
      %dma_wait3A_820 = tpu.memref_slice %arg8[%dma_wait3A_817, %dma_wait3A_818, %dma_wait3A_819] : memref<4x128x32xf32, #tpu.memory_space<vmem>> -> memref<1x128x32xf32, #tpu.memory_space<vmem>>
      %dma_wait3A_821 = tpu.memref_squeeze %dma_wait3A_820 : memref<1x128x32xf32, #tpu.memory_space<vmem>> -> memref<128x32xf32, #tpu.memory_space<vmem>>
      %dma_wait3A_822 = arith.constant 0 : i32
      %dma_wait3A_823 = tpu.memref_slice %arg6[%dma_wait3A_816, %dma_wait3A_822] : memref<32x128xi32, #tpu.memory_space<vmem>> -> memref<1x128xi32, #tpu.memory_space<vmem>>
      %dma_wait3A_824 = tpu.memref_squeeze %dma_wait3A_823 : memref<1x128xi32, #tpu.memory_space<vmem>> -> memref<128xi32, #tpu.memory_space<vmem>>
      %dma_wait3A_825 = arith.constant 0 : i32
      %dma_wait3A_826 = arith.constant 0 : i32
      %dma_wait3A_827 = tpu.memref_slice %arg4[%dma_wait3A_825, %dma_wait3A_826] : memref<102400x32xf32, #tpu.memory_space<hbm>> -> memref<102400x32xf32, #tpu.memory_space<hbm>>
      tpu.wait_indirect_dma semaphore(%arg10 : memref<!tpu.dma_semaphore, #tpu.memory_space<semaphore_mem>>) src(%dma_wait3A_827 : memref<102400x32xf32, #tpu.memory_space<hbm>>) dst(%dma_wait3A_821 : memref<128x32xf32, #tpu.memory_space<vmem>>)
      %run_scoped3A_828 = arith.constant 0 : i32
      %run_scoped3A_829 = arith.constant 28 : i32
      "tpu.region"() ({
        %run_scoped3A_860 = tpu.sem_alloc : memref<!tpu.dma_semaphore, #tpu.memory_space<semaphore_mem>>
        %dma_start3A_861 = arith.constant 0 : i32
        %dma_start3A_862 = arith.constant 0 : i32
        %dma_start3A_863 = tpu.memref_slice %arg8[%run_scoped3A_828, %dma_start3A_861, %dma_start3A_862] : memref<4x128x32xf32, #tpu.memory_space<vmem>> -> memref<1x128x32xf32, #tpu.memory_space<vmem>>
        %dma_start3A_864 = tpu.memref_squeeze %dma_start3A_863 : memref<1x128x32xf32, #tpu.memory_space<vmem>> -> memref<128x32xf32, #tpu.memory_space<vmem>>
        %dma_start3A_865 = arith.constant 0 : i32
        %dma_start3A_866 = tpu.memref_slice %arg7[%run_scoped3A_829, %dma_start3A_865] : memref<32x128xi32, #tpu.memory_space<vmem>> -> memref<1x128xi32, #tpu.memory_space<vmem>>
        %dma_start3A_867 = tpu.memref_squeeze %dma_start3A_866 : memref<1x128xi32, #tpu.memory_space<vmem>> -> memref<128xi32, #tpu.memory_space<vmem>>
        %dma_start3A_868 = arith.constant 0 : i32
        %dma_start3A_869 = arith.constant 0 : i32
        %dma_start3A_870 = tpu.memref_slice %arg9[%dma_start3A_868, %dma_start3A_869] : memref<51200x32xf32, #tpu.memory_space<vmem_shared>> -> memref<51200x32xf32, #tpu.memory_space<vmem_shared>>
        tpu.enqueue_indirect_dma source(%dma_start3A_864 : memref<128x32xf32, #tpu.memory_space<vmem>>) target(%dma_start3A_870 : memref<51200x32xf32, #tpu.memory_space<vmem_shared>>) offsets(%dma_start3A_867 : memref<128xi32, #tpu.memory_space<vmem>>) semaphore(%run_scoped3A_860 : memref<!tpu.dma_semaphore, #tpu.memory_space<semaphore_mem>>) {add = true}
        %dma_wait3A_871 = arith.constant 0 : i32
        %dma_wait3A_872 = arith.constant 0 : i32
        %dma_wait3A_873 = tpu.memref_slice %arg8[%run_scoped3A_828, %dma_wait3A_871, %dma_wait3A_872] : memref<4x128x32xf32, #tpu.memory_space<vmem>> -> memref<1x128x32xf32, #tpu.memory_space<vmem>>
        %dma_wait3A_874 = tpu.memref_squeeze %dma_wait3A_873 : memref<1x128x32xf32, #tpu.memory_space<vmem>> -> memref<128x32xf32, #tpu.memory_space<vmem>>
        %dma_wait3A_875 = arith.constant 0 : i32
        %dma_wait3A_876 = tpu.memref_slice %arg7[%run_scoped3A_829, %dma_wait3A_875] : memref<32x128xi32, #tpu.memory_space<vmem>> -> memref<1x128xi32, #tpu.memory_space<vmem>>
        %dma_wait3A_877 = tpu.memref_squeeze %dma_wait3A_876 : memref<1x128xi32, #tpu.memory_space<vmem>> -> memref<128xi32, #tpu.memory_space<vmem>>
        %dma_wait3A_878 = arith.constant 0 : i32
        %dma_wait3A_879 = arith.constant 0 : i32
        %dma_wait3A_880 = tpu.memref_slice %arg9[%dma_wait3A_878, %dma_wait3A_879] : memref<51200x32xf32, #tpu.memory_space<vmem_shared>> -> memref<51200x32xf32, #tpu.memory_space<vmem_shared>>
        tpu.wait_indirect_dma semaphore(%run_scoped3A_860 : memref<!tpu.dma_semaphore, #tpu.memory_space<semaphore_mem>>) src(%dma_wait3A_874 : memref<128x32xf32, #tpu.memory_space<vmem>>) dst(%dma_wait3A_880 : memref<51200x32xf32, #tpu.memory_space<vmem_shared>>)
        tpu.yield
      }) : () -> ()
      %run_scoped3A_830 = arith.constant 1 : i32
      %run_scoped3A_831 = arith.constant 29 : i32
      "tpu.region"() ({
        %run_scoped3A_860 = tpu.sem_alloc : memref<!tpu.dma_semaphore, #tpu.memory_space<semaphore_mem>>
        %dma_start3A_861 = arith.constant 0 : i32
        %dma_start3A_862 = arith.constant 0 : i32
        %dma_start3A_863 = tpu.memref_slice %arg8[%run_scoped3A_830, %dma_start3A_861, %dma_start3A_862] : memref<4x128x32xf32, #tpu.memory_space<vmem>> -> memref<1x128x32xf32, #tpu.memory_space<vmem>>
        %dma_start3A_864 = tpu.memref_squeeze %dma_start3A_863 : memref<1x128x32xf32, #tpu.memory_space<vmem>> -> memref<128x32xf32, #tpu.memory_space<vmem>>
        %dma_start3A_865 = arith.constant 0 : i32
        %dma_start3A_866 = tpu.memref_slice %arg7[%run_scoped3A_831, %dma_start3A_865] : memref<32x128xi32, #tpu.memory_space<vmem>> -> memref<1x128xi32, #tpu.memory_space<vmem>>
        %dma_start3A_867 = tpu.memref_squeeze %dma_start3A_866 : memref<1x128xi32, #tpu.memory_space<vmem>> -> memref<128xi32, #tpu.memory_space<vmem>>
        %dma_start3A_868 = arith.constant 0 : i32
        %dma_start3A_869 = arith.constant 0 : i32
        %dma_start3A_870 = tpu.memref_slice %arg9[%dma_start3A_868, %dma_start3A_869] : memref<51200x32xf32, #tpu.memory_space<vmem_shared>> -> memref<51200x32xf32, #tpu.memory_space<vmem_shared>>
        tpu.enqueue_indirect_dma source(%dma_start3A_864 : memref<128x32xf32, #tpu.memory_space<vmem>>) target(%dma_start3A_870 : memref<51200x32xf32, #tpu.memory_space<vmem_shared>>) offsets(%dma_start3A_867 : memref<128xi32, #tpu.memory_space<vmem>>) semaphore(%run_scoped3A_860 : memref<!tpu.dma_semaphore, #tpu.memory_space<semaphore_mem>>) {add = true}
        %dma_wait3A_871 = arith.constant 0 : i32
        %dma_wait3A_872 = arith.constant 0 : i32
        %dma_wait3A_873 = tpu.memref_slice %arg8[%run_scoped3A_830, %dma_wait3A_871, %dma_wait3A_872] : memref<4x128x32xf32, #tpu.memory_space<vmem>> -> memref<1x128x32xf32, #tpu.memory_space<vmem>>
        %dma_wait3A_874 = tpu.memref_squeeze %dma_wait3A_873 : memref<1x128x32xf32, #tpu.memory_space<vmem>> -> memref<128x32xf32, #tpu.memory_space<vmem>>
        %dma_wait3A_875 = arith.constant 0 : i32
        %dma_wait3A_876 = tpu.memref_slice %arg7[%run_scoped3A_831, %dma_wait3A_875] : memref<32x128xi32, #tpu.memory_space<vmem>> -> memref<1x128xi32, #tpu.memory_space<vmem>>
        %dma_wait3A_877 = tpu.memref_squeeze %dma_wait3A_876 : memref<1x128xi32, #tpu.memory_space<vmem>> -> memref<128xi32, #tpu.memory_space<vmem>>
        %dma_wait3A_878 = arith.constant 0 : i32
        %dma_wait3A_879 = arith.constant 0 : i32
        %dma_wait3A_880 = tpu.memref_slice %arg9[%dma_wait3A_878, %dma_wait3A_879] : memref<51200x32xf32, #tpu.memory_space<vmem_shared>> -> memref<51200x32xf32, #tpu.memory_space<vmem_shared>>
        tpu.wait_indirect_dma semaphore(%run_scoped3A_860 : memref<!tpu.dma_semaphore, #tpu.memory_space<semaphore_mem>>) src(%dma_wait3A_874 : memref<128x32xf32, #tpu.memory_space<vmem>>) dst(%dma_wait3A_880 : memref<51200x32xf32, #tpu.memory_space<vmem_shared>>)
        tpu.yield
      }) : () -> ()
      %dma_wait3A_832 = arith.constant 30 : i32
      %dma_wait3A_833 = arith.constant 2 : i32
      %dma_wait3A_834 = arith.constant 0 : i32
      %dma_wait3A_835 = arith.constant 0 : i32
      %dma_wait3A_836 = tpu.memref_slice %arg8[%dma_wait3A_833, %dma_wait3A_834, %dma_wait3A_835] : memref<4x128x32xf32, #tpu.memory_space<vmem>> -> memref<1x128x32xf32, #tpu.memory_space<vmem>>
      %dma_wait3A_837 = tpu.memref_squeeze %dma_wait3A_836 : memref<1x128x32xf32, #tpu.memory_space<vmem>> -> memref<128x32xf32, #tpu.memory_space<vmem>>
      %dma_wait3A_838 = arith.constant 0 : i32
      %dma_wait3A_839 = tpu.memref_slice %arg6[%dma_wait3A_832, %dma_wait3A_838] : memref<32x128xi32, #tpu.memory_space<vmem>> -> memref<1x128xi32, #tpu.memory_space<vmem>>
      %dma_wait3A_840 = tpu.memref_squeeze %dma_wait3A_839 : memref<1x128xi32, #tpu.memory_space<vmem>> -> memref<128xi32, #tpu.memory_space<vmem>>
      %dma_wait3A_841 = arith.constant 0 : i32
      %dma_wait3A_842 = arith.constant 0 : i32
      %dma_wait3A_843 = tpu.memref_slice %arg4[%dma_wait3A_841, %dma_wait3A_842] : memref<102400x32xf32, #tpu.memory_space<hbm>> -> memref<102400x32xf32, #tpu.memory_space<hbm>>
      tpu.wait_indirect_dma semaphore(%arg11 : memref<!tpu.dma_semaphore, #tpu.memory_space<semaphore_mem>>) src(%dma_wait3A_843 : memref<102400x32xf32, #tpu.memory_space<hbm>>) dst(%dma_wait3A_837 : memref<128x32xf32, #tpu.memory_space<vmem>>)
      %dma_wait3A_844 = arith.constant 31 : i32
      %dma_wait3A_845 = arith.constant 3 : i32
      %dma_wait3A_846 = arith.constant 0 : i32
      %dma_wait3A_847 = arith.constant 0 : i32
      %dma_wait3A_848 = tpu.memref_slice %arg8[%dma_wait3A_845, %dma_wait3A_846, %dma_wait3A_847] : memref<4x128x32xf32, #tpu.memory_space<vmem>> -> memref<1x128x32xf32, #tpu.memory_space<vmem>>
      %dma_wait3A_849 = tpu.memref_squeeze %dma_wait3A_848 : memref<1x128x32xf32, #tpu.memory_space<vmem>> -> memref<128x32xf32, #tpu.memory_space<vmem>>
      %dma_wait3A_850 = arith.constant 0 : i32
      %dma_wait3A_851 = tpu.memref_slice %arg6[%dma_wait3A_844, %dma_wait3A_850] : memref<32x128xi32, #tpu.memory_space<vmem>> -> memref<1x128xi32, #tpu.memory_space<vmem>>
      %dma_wait3A_852 = tpu.memref_squeeze %dma_wait3A_851 : memref<1x128xi32, #tpu.memory_space<vmem>> -> memref<128xi32, #tpu.memory_space<vmem>>
      %dma_wait3A_853 = arith.constant 0 : i32
      %dma_wait3A_854 = arith.constant 0 : i32
      %dma_wait3A_855 = tpu.memref_slice %arg4[%dma_wait3A_853, %dma_wait3A_854] : memref<102400x32xf32, #tpu.memory_space<hbm>> -> memref<102400x32xf32, #tpu.memory_space<hbm>>
      tpu.wait_indirect_dma semaphore(%arg11 : memref<!tpu.dma_semaphore, #tpu.memory_space<semaphore_mem>>) src(%dma_wait3A_855 : memref<102400x32xf32, #tpu.memory_space<hbm>>) dst(%dma_wait3A_849 : memref<128x32xf32, #tpu.memory_space<vmem>>)
      %run_scoped3A_856 = arith.constant 2 : i32
      %run_scoped3A_857 = arith.constant 30 : i32
      "tpu.region"() ({
        %run_scoped3A_860 = tpu.sem_alloc : memref<!tpu.dma_semaphore, #tpu.memory_space<semaphore_mem>>
        %dma_start3A_861 = arith.constant 0 : i32
        %dma_start3A_862 = arith.constant 0 : i32
        %dma_start3A_863 = tpu.memref_slice %arg8[%run_scoped3A_856, %dma_start3A_861, %dma_start3A_862] : memref<4x128x32xf32, #tpu.memory_space<vmem>> -> memref<1x128x32xf32, #tpu.memory_space<vmem>>
        %dma_start3A_864 = tpu.memref_squeeze %dma_start3A_863 : memref<1x128x32xf32, #tpu.memory_space<vmem>> -> memref<128x32xf32, #tpu.memory_space<vmem>>
        %dma_start3A_865 = arith.constant 0 : i32
        %dma_start3A_866 = tpu.memref_slice %arg7[%run_scoped3A_857, %dma_start3A_865] : memref<32x128xi32, #tpu.memory_space<vmem>> -> memref<1x128xi32, #tpu.memory_space<vmem>>
        %dma_start3A_867 = tpu.memref_squeeze %dma_start3A_866 : memref<1x128xi32, #tpu.memory_space<vmem>> -> memref<128xi32, #tpu.memory_space<vmem>>
        %dma_start3A_868 = arith.constant 0 : i32
        %dma_start3A_869 = arith.constant 0 : i32
        %dma_start3A_870 = tpu.memref_slice %arg9[%dma_start3A_868, %dma_start3A_869] : memref<51200x32xf32, #tpu.memory_space<vmem_shared>> -> memref<51200x32xf32, #tpu.memory_space<vmem_shared>>
        tpu.enqueue_indirect_dma source(%dma_start3A_864 : memref<128x32xf32, #tpu.memory_space<vmem>>) target(%dma_start3A_870 : memref<51200x32xf32, #tpu.memory_space<vmem_shared>>) offsets(%dma_start3A_867 : memref<128xi32, #tpu.memory_space<vmem>>) semaphore(%run_scoped3A_860 : memref<!tpu.dma_semaphore, #tpu.memory_space<semaphore_mem>>) {add = true}
        %dma_wait3A_871 = arith.constant 0 : i32
        %dma_wait3A_872 = arith.constant 0 : i32
        %dma_wait3A_873 = tpu.memref_slice %arg8[%run_scoped3A_856, %dma_wait3A_871, %dma_wait3A_872] : memref<4x128x32xf32, #tpu.memory_space<vmem>> -> memref<1x128x32xf32, #tpu.memory_space<vmem>>
        %dma_wait3A_874 = tpu.memref_squeeze %dma_wait3A_873 : memref<1x128x32xf32, #tpu.memory_space<vmem>> -> memref<128x32xf32, #tpu.memory_space<vmem>>
        %dma_wait3A_875 = arith.constant 0 : i32
        %dma_wait3A_876 = tpu.memref_slice %arg7[%run_scoped3A_857, %dma_wait3A_875] : memref<32x128xi32, #tpu.memory_space<vmem>> -> memref<1x128xi32, #tpu.memory_space<vmem>>
        %dma_wait3A_877 = tpu.memref_squeeze %dma_wait3A_876 : memref<1x128xi32, #tpu.memory_space<vmem>> -> memref<128xi32, #tpu.memory_space<vmem>>
        %dma_wait3A_878 = arith.constant 0 : i32
        %dma_wait3A_879 = arith.constant 0 : i32
        %dma_wait3A_880 = tpu.memref_slice %arg9[%dma_wait3A_878, %dma_wait3A_879] : memref<51200x32xf32, #tpu.memory_space<vmem_shared>> -> memref<51200x32xf32, #tpu.memory_space<vmem_shared>>
        tpu.wait_indirect_dma semaphore(%run_scoped3A_860 : memref<!tpu.dma_semaphore, #tpu.memory_space<semaphore_mem>>) src(%dma_wait3A_874 : memref<128x32xf32, #tpu.memory_space<vmem>>) dst(%dma_wait3A_880 : memref<51200x32xf32, #tpu.memory_space<vmem_shared>>)
        tpu.yield
      }) : () -> ()
      %run_scoped3A_858 = arith.constant 3 : i32
      %run_scoped3A_859 = arith.constant 31 : i32
      "tpu.region"() ({
        %run_scoped3A_860 = tpu.sem_alloc : memref<!tpu.dma_semaphore, #tpu.memory_space<semaphore_mem>>
        %dma_start3A_861 = arith.constant 0 : i32
        %dma_start3A_862 = arith.constant 0 : i32
        %dma_start3A_863 = tpu.memref_slice %arg8[%run_scoped3A_858, %dma_start3A_861, %dma_start3A_862] : memref<4x128x32xf32, #tpu.memory_space<vmem>> -> memref<1x128x32xf32, #tpu.memory_space<vmem>>
        %dma_start3A_864 = tpu.memref_squeeze %dma_start3A_863 : memref<1x128x32xf32, #tpu.memory_space<vmem>> -> memref<128x32xf32, #tpu.memory_space<vmem>>
        %dma_start3A_865 = arith.constant 0 : i32
        %dma_start3A_866 = tpu.memref_slice %arg7[%run_scoped3A_859, %dma_start3A_865] : memref<32x128xi32, #tpu.memory_space<vmem>> -> memref<1x128xi32, #tpu.memory_space<vmem>>
        %dma_start3A_867 = tpu.memref_squeeze %dma_start3A_866 : memref<1x128xi32, #tpu.memory_space<vmem>> -> memref<128xi32, #tpu.memory_space<vmem>>
        %dma_start3A_868 = arith.constant 0 : i32
        %dma_start3A_869 = arith.constant 0 : i32
        %dma_start3A_870 = tpu.memref_slice %arg9[%dma_start3A_868, %dma_start3A_869] : memref<51200x32xf32, #tpu.memory_space<vmem_shared>> -> memref<51200x32xf32, #tpu.memory_space<vmem_shared>>
        tpu.enqueue_indirect_dma source(%dma_start3A_864 : memref<128x32xf32, #tpu.memory_space<vmem>>) target(%dma_start3A_870 : memref<51200x32xf32, #tpu.memory_space<vmem_shared>>) offsets(%dma_start3A_867 : memref<128xi32, #tpu.memory_space<vmem>>) semaphore(%run_scoped3A_860 : memref<!tpu.dma_semaphore, #tpu.memory_space<semaphore_mem>>) {add = true}
        %dma_wait3A_871 = arith.constant 0 : i32
        %dma_wait3A_872 = arith.constant 0 : i32
        %dma_wait3A_873 = tpu.memref_slice %arg8[%run_scoped3A_858, %dma_wait3A_871, %dma_wait3A_872] : memref<4x128x32xf32, #tpu.memory_space<vmem>> -> memref<1x128x32xf32, #tpu.memory_space<vmem>>
        %dma_wait3A_874 = tpu.memref_squeeze %dma_wait3A_873 : memref<1x128x32xf32, #tpu.memory_space<vmem>> -> memref<128x32xf32, #tpu.memory_space<vmem>>
        %dma_wait3A_875 = arith.constant 0 : i32
        %dma_wait3A_876 = tpu.memref_slice %arg7[%run_scoped3A_859, %dma_wait3A_875] : memref<32x128xi32, #tpu.memory_space<vmem>> -> memref<1x128xi32, #tpu.memory_space<vmem>>
        %dma_wait3A_877 = tpu.memref_squeeze %dma_wait3A_876 : memref<1x128xi32, #tpu.memory_space<vmem>> -> memref<128xi32, #tpu.memory_space<vmem>>
        %dma_wait3A_878 = arith.constant 0 : i32
        %dma_wait3A_879 = arith.constant 0 : i32
        %dma_wait3A_880 = tpu.memref_slice %arg9[%dma_wait3A_878, %dma_wait3A_879] : memref<51200x32xf32, #tpu.memory_space<vmem_shared>> -> memref<51200x32xf32, #tpu.memory_space<vmem_shared>>
        tpu.wait_indirect_dma semaphore(%run_scoped3A_860 : memref<!tpu.dma_semaphore, #tpu.memory_space<semaphore_mem>>) src(%dma_wait3A_874 : memref<128x32xf32, #tpu.memory_space<vmem>>) dst(%dma_wait3A_880 : memref<51200x32xf32, #tpu.memory_space<vmem_shared>>)
        tpu.yield
      }) : () -> ()
    }
    %scan3A_20 = arith.constant 25 : i32
    %barrier3A_21 = arith.constant 0 : index
    tpu.barrier barrier_id(%barrier3A_21)
    %mul3A_22 = arith.constant 51200 : i32
    %mul3A_23 = arith.muli %arg0, %mul3A_22 : i32
    %add3A = arith.addi %mul3A_23, %mul3A_6 : i32
    "tpu.region"() ({
      %run_scoped3A = tpu.sem_alloc : memref<!tpu.dma_semaphore, #tpu.memory_space<semaphore_mem>>
      %dma_start3A = arith.constant 0 : i32
      %dma_start3A_24 = tpu.memref_slice %arg5[%add3A, %dma_start3A] : memref<102400x32xf32, #tpu.memory_space<hbm>> -> memref<3200x32xf32, #tpu.memory_space<hbm>>
      %dma_start3A_25 = arith.constant 0 : i32
      %dma_start3A_26 = tpu.memref_slice %arg9[%mul3A_6, %dma_start3A_25] : memref<51200x32xf32, #tpu.memory_space<vmem_shared>> -> memref<3200x32xf32, #tpu.memory_space<vmem_shared>>
      tpu.enqueue_dma source(%dma_start3A_26 : memref<3200x32xf32, #tpu.memory_space<vmem_shared>>) target(%dma_start3A_24 : memref<3200x32xf32, #tpu.memory_space<hbm>>) target_semaphore(%run_scoped3A : memref<!tpu.dma_semaphore, #tpu.memory_space<semaphore_mem>>)
      %dma_wait3A = arith.constant 0 : i32
      %dma_wait3A_27 = tpu.memref_slice %arg5[%add3A, %dma_wait3A] : memref<102400x32xf32, #tpu.memory_space<hbm>> -> memref<3200x32xf32, #tpu.memory_space<hbm>>
      %dma_wait3A_28 = arith.constant 0 : i32
      %dma_wait3A_29 = tpu.memref_slice %arg9[%mul3A_6, %dma_wait3A_28] : memref<51200x32xf32, #tpu.memory_space<vmem_shared>> -> memref<3200x32xf32, #tpu.memory_space<vmem_shared>>
      tpu.wait_dma2 semaphore(%run_scoped3A : memref<!tpu.dma_semaphore, #tpu.memory_space<semaphore_mem>>) src(%dma_wait3A_29 : memref<3200x32xf32, #tpu.memory_space<vmem_shared>>) dst(%dma_wait3A_27 : memref<3200x32xf32, #tpu.memory_space<hbm>>)
      tpu.yield
    }) : () -> ()
    return
  }
}

module attributes {stable_mosaic.version = 14 : i64} {
  func.func @_mm_body(%arg0: i32, %arg1: memref<3200x16xf32, #tpu.memory_space<vmem>>, %arg2: memref<3200x16xf32, #tpu.memory_space<vmem>>, %arg3: memref<3200x16xf32, #tpu.memory_space<vmem>>, %arg4: memref<3200x2xf32, #tpu.memory_space<vmem>>, %arg5: memref<48x48xf32, #tpu.memory_space<vmem>>, %arg6: memref<2x3200x32xf32, #tpu.memory_space<vmem>>) attributes {dimension_semantics = [#tpu.dimension_semantics<arbitrary>], iteration_bounds = array<i64: 16>, scalar_prefetch = 0 : i64, scratch_operands = 0 : i64, tpu.core_type = #tpu.core_type<tc>, window_params = [{transform_indices = @transform_0, window_bounds = array<i64: 3200, 16>}, {transform_indices = @transform_1, window_bounds = array<i64: 3200, 16>}, {transform_indices = @transform_2, window_bounds = array<i64: 3200, 16>}, {transform_indices = @transform_3, window_bounds = array<i64: 3200, 2>}, {pipeline_mode = #tpu.pipeline_mode<synchronous>, transform_indices = @transform_4, window_bounds = array<i64: 48, 48>}, {transform_indices = @transform_5, window_bounds = array<i64: 2, 3200, 32>}]} {
    %get3A = arith.constant 0 : index
    %get3A_0 = arith.constant 0 : index
    %get3A_1 = vector.load %arg1[%get3A, %get3A_0] : memref<3200x16xf32, #tpu.memory_space<vmem>>, vector<3200x16xf32>
    %get3A_2 = arith.constant 0 : index
    %get3A_3 = arith.constant 0 : index
    %get3A_4 = vector.load %arg2[%get3A_2, %get3A_3] : memref<3200x16xf32, #tpu.memory_space<vmem>>, vector<3200x16xf32>
    %get3A_5 = arith.constant 0 : index
    %get3A_6 = arith.constant 0 : index
    %get3A_7 = vector.load %arg3[%get3A_5, %get3A_6] : memref<3200x16xf32, #tpu.memory_space<vmem>>, vector<3200x16xf32>
    %concatenate3A = tpu.concatenate %get3A_1, %get3A_4, %get3A_7 in 1 : vector<3200x16xf32>, vector<3200x16xf32>, vector<3200x16xf32> -> vector<3200x48xf32>
    %get3A_8 = arith.constant 0 : index
    %get3A_9 = arith.constant 0 : index
    %get3A_10 = vector.load %arg5[%get3A_8, %get3A_9] : memref<48x48xf32, #tpu.memory_space<vmem>>, vector<48x48xf32>
    %dot_general3A = arith.constant dense<0.000000e+00> : vector<3200x48xf32>
    %dot_general3A_11 = tpu.matmul %concatenate3A, %get3A_10, %dot_general3A {dimension_numbers = #tpu.dot_dimension_numbers<[1], [0], [0], [1], [0, 0, 1, 1], [], []>, transpose_lhs_hint = false} : vector<3200x48xf32>, vector<48x48xf32>, vector<3200x48xf32> -> vector<3200x48xf32>
    %get3A_12 = arith.constant 0 : index
    %get3A_13 = arith.constant 0 : index
    %get3A_14 = vector.load %arg4[%get3A_12, %get3A_13] : memref<3200x2xf32, #tpu.memory_space<vmem>>, vector<3200x1xf32>
    %get3A_15 = vector.shape_cast %get3A_14 : vector<3200x1xf32> to vector<3200xf32>
    %get3A_16 = arith.constant 0 : index
    %get3A_17 = arith.constant 1 : index
    %get3A_18 = vector.load %arg4[%get3A_16, %get3A_17] : memref<3200x2xf32, #tpu.memory_space<vmem>>, vector<3200x1xf32>
    %get3A_19 = vector.shape_cast %get3A_18 : vector<3200x1xf32> to vector<3200xf32>
    %add3A = arith.addf %get3A_15, %get3A_19 : vector<3200xf32>
    %add3A_20 = arith.constant 1.000000e+00 : f32
    %add3A_21 = vector.broadcast %add3A_20 : f32 to vector<3200xf32>
    %add3A_22 = arith.addf %add3A, %add3A_21 : vector<3200xf32>
    %rsqrt3A = math.rsqrt %add3A_22 : vector<3200xf32>
    %broadcast_in_dim3A = vector.shape_cast %rsqrt3A : vector<3200xf32> to vector<3200x1xf32>
    %mul3A = vector.broadcast %broadcast_in_dim3A : vector<3200x1xf32> to vector<3200x48xf32>
    %mul3A_23 = arith.mulf %dot_general3A_11, %mul3A : vector<3200x48xf32>
    %broadcast_in_dim3A_24 = arith.constant 0.000000e+00 : f32
    %broadcast_in_dim3A_25 = vector.broadcast %broadcast_in_dim3A_24 : f32 to vector<3200x8xf32>
    %slice3A = vector.extract_strided_slice %mul3A_23 {offsets = [0, 0], sizes = [3200, 24], strides = [1, 1]} : vector<3200x48xf32> to vector<3200x24xf32>
    %concatenate3A_26 = tpu.concatenate %slice3A, %broadcast_in_dim3A_25 in 1 : vector<3200x24xf32>, vector<3200x8xf32> -> vector<3200x32xf32>
    %swap3A = arith.constant 0 : index
    %swap3A_27 = arith.constant 0 : index
    %swap3A_28 = arith.constant 0 : index
    %swap3A_29 = vector.load %arg6[%swap3A, %swap3A_27, %swap3A_28] : memref<2x3200x32xf32, #tpu.memory_space<vmem>>, vector<1x3200x32xf32>
    %swap3A_30 = vector.shape_cast %swap3A_29 : vector<1x3200x32xf32> to vector<3200x32xf32>
    %swap3A_31 = vector.shape_cast %concatenate3A_26 : vector<3200x32xf32> to vector<1x3200x32xf32>
    tpu.vector_store %arg6[%swap3A, %swap3A_27, %swap3A_28], %swap3A_31 {strides = array<i32>} : memref<2x3200x32xf32, #tpu.memory_space<vmem>>, vector<1x3200x32xf32>,
    %slice3A_32 = vector.extract_strided_slice %mul3A_23 {offsets = [0, 24], sizes = [3200, 24], strides = [1, 1]} : vector<3200x48xf32> to vector<3200x24xf32>
    %concatenate3A_33 = tpu.concatenate %slice3A_32, %broadcast_in_dim3A_25 in 1 : vector<3200x24xf32>, vector<3200x8xf32> -> vector<3200x32xf32>
    %swap3A_34 = arith.constant 1 : index
    %swap3A_35 = arith.constant 0 : index
    %swap3A_36 = arith.constant 0 : index
    %swap3A_37 = vector.load %arg6[%swap3A_34, %swap3A_35, %swap3A_36] : memref<2x3200x32xf32, #tpu.memory_space<vmem>>, vector<1x3200x32xf32>
    %swap3A_38 = vector.shape_cast %swap3A_37 : vector<1x3200x32xf32> to vector<3200x32xf32>
    %swap3A_39 = vector.shape_cast %concatenate3A_33 : vector<3200x32xf32> to vector<1x3200x32xf32>
    tpu.vector_store %arg6[%swap3A_34, %swap3A_35, %swap3A_36], %swap3A_39 {strides = array<i32>} : memref<2x3200x32xf32, #tpu.memory_space<vmem>>, vector<1x3200x32xf32>,
    return
  }
  func.func @transform_0(%arg0: i32) -> (i32, i32) {
    %c0_i32 = arith.constant 0 : i32
    %c0_i32_0 = arith.constant 0 : i32
    return %arg0, %c0_i32 : i32, i32
  }
  func.func @transform_1(%arg0: i32) -> (i32, i32) {
    %c0_i32 = arith.constant 0 : i32
    %c0_i32_0 = arith.constant 0 : i32
    return %arg0, %c0_i32 : i32, i32
  }
  func.func @transform_2(%arg0: i32) -> (i32, i32) {
    %c0_i32 = arith.constant 0 : i32
    %c0_i32_0 = arith.constant 0 : i32
    return %arg0, %c0_i32 : i32, i32
  }
  func.func @transform_3(%arg0: i32) -> (i32, i32) {
    %c0_i32 = arith.constant 0 : i32
    %c0_i32_0 = arith.constant 0 : i32
    return %arg0, %c0_i32 : i32, i32
  }
  func.func @transform_4(%arg0: i32) -> (i32, i32) {
    %c0_i32 = arith.constant 0 : i32
    %c0_i32_0 = arith.constant 0 : i32
    %c0_i32_1 = arith.constant 0 : i32
    return %c0_i32, %c0_i32_0 : i32, i32
  }
  func.func @transform_5(%arg0: i32) -> (i32, i32, i32) {
    %c0_i32 = arith.constant 0 : i32
    %c0_i32_0 = arith.constant 0 : i32
    %c0_i32_1 = arith.constant 0 : i32
    return %c0_i32, %arg0, %c0_i32_0 : i32, i32, i32
  }
}

module attributes {stable_mosaic.version = 14 : i64} {
  func.func @_fin_body(%arg0: i32, %arg1: memref<2x3200x32xf32, #tpu.memory_space<vmem>>, %arg2: memref<2x3200x32xf32, #tpu.memory_space<vmem>>, %arg3: memref<3200x2xf32, #tpu.memory_space<vmem>>, %arg4: memref<1x48xf32, #tpu.memory_space<vmem>>, %arg5: memref<3200x48xf32, #tpu.memory_space<vmem>>) attributes {dimension_semantics = [#tpu.dimension_semantics<arbitrary>], iteration_bounds = array<i64: 16>, scalar_prefetch = 0 : i64, scratch_operands = 0 : i64, tpu.core_type = #tpu.core_type<tc>, window_params = [{transform_indices = @transform_0, window_bounds = array<i64: 2, 3200, 32>}, {transform_indices = @transform_1, window_bounds = array<i64: 2, 3200, 32>}, {transform_indices = @transform_2, window_bounds = array<i64: 3200, 2>}, {pipeline_mode = #tpu.pipeline_mode<synchronous>, transform_indices = @transform_3, window_bounds = array<i64: 1, 48>}, {transform_indices = @transform_4, window_bounds = array<i64: 3200, 48>}]} {
    %get3A = arith.constant 0 : index
    %get3A_0 = arith.constant 0 : index
    %get3A_1 = vector.load %arg3[%get3A, %get3A_0] : memref<3200x2xf32, #tpu.memory_space<vmem>>, vector<3200x1xf32>
    %get3A_2 = vector.shape_cast %get3A_1 : vector<3200x1xf32> to vector<3200xf32>
    %get3A_3 = arith.constant 0 : index
    %get3A_4 = arith.constant 1 : index
    %get3A_5 = vector.load %arg3[%get3A_3, %get3A_4] : memref<3200x2xf32, #tpu.memory_space<vmem>>, vector<3200x1xf32>
    %get3A_6 = vector.shape_cast %get3A_5 : vector<3200x1xf32> to vector<3200xf32>
    %add3A = arith.addf %get3A_2, %get3A_6 : vector<3200xf32>
    %add3A_7 = arith.constant 1.000000e+00 : f32
    %add3A_8 = vector.broadcast %add3A_7 : f32 to vector<3200xf32>
    %add3A_9 = arith.addf %add3A, %add3A_8 : vector<3200xf32>
    %rsqrt3A = math.rsqrt %add3A_9 : vector<3200xf32>
    %get3A_10 = arith.constant 0 : index
    %get3A_11 = arith.constant 0 : index
    %get3A_12 = arith.constant 0 : index
    %get3A_13 = vector.load %arg1[%get3A_10, %get3A_11, %get3A_12] : memref<2x3200x32xf32, #tpu.memory_space<vmem>>, vector<1x3200x24xf32>
    %get3A_14 = vector.shape_cast %get3A_13 : vector<1x3200x24xf32> to vector<3200x24xf32>
    %get3A_15 = arith.constant 0 : index
    %get3A_16 = arith.constant 0 : index
    %get3A_17 = arith.constant 0 : index
    %get3A_18 = vector.load %arg2[%get3A_15, %get3A_16, %get3A_17] : memref<2x3200x32xf32, #tpu.memory_space<vmem>>, vector<1x3200x24xf32>
    %get3A_19 = vector.shape_cast %get3A_18 : vector<1x3200x24xf32> to vector<3200x24xf32>
    %add3A_20 = arith.addf %get3A_14, %get3A_19 : vector<3200x24xf32>
    %get3A_21 = arith.constant 1 : index
    %get3A_22 = arith.constant 0 : index
    %get3A_23 = arith.constant 0 : index
    %get3A_24 = vector.load %arg1[%get3A_21, %get3A_22, %get3A_23] : memref<2x3200x32xf32, #tpu.memory_space<vmem>>, vector<1x3200x24xf32>
    %get3A_25 = vector.shape_cast %get3A_24 : vector<1x3200x24xf32> to vector<3200x24xf32>
    %get3A_26 = arith.constant 1 : index
    %get3A_27 = arith.constant 0 : index
    %get3A_28 = arith.constant 0 : index
    %get3A_29 = vector.load %arg2[%get3A_26, %get3A_27, %get3A_28] : memref<2x3200x32xf32, #tpu.memory_space<vmem>>, vector<1x3200x24xf32>
    %get3A_30 = vector.shape_cast %get3A_29 : vector<1x3200x24xf32> to vector<3200x24xf32>
    %add3A_31 = arith.addf %get3A_25, %get3A_30 : vector<3200x24xf32>
    %concatenate3A = tpu.concatenate %add3A_20, %add3A_31 in 1 : vector<3200x24xf32>, vector<3200x24xf32> -> vector<3200x48xf32>
    %broadcast_in_dim3A = vector.shape_cast %rsqrt3A : vector<3200xf32> to vector<3200x1xf32>
    %mul3A = vector.broadcast %broadcast_in_dim3A : vector<3200x1xf32> to vector<3200x48xf32>
    %mul3A_32 = arith.mulf %concatenate3A, %mul3A : vector<3200x48xf32>
    %get3A_33 = arith.constant 0 : index
    %get3A_34 = arith.constant 0 : index
    %get3A_35 = vector.load %arg4[%get3A_33, %get3A_34] : memref<1x48xf32, #tpu.memory_space<vmem>>, vector<1x48xf32>
    %get3A_36 = vector.shape_cast %get3A_35 : vector<1x48xf32> to vector<48xf32>
    %broadcast_in_dim3A_37 = vector.shape_cast %get3A_36 : vector<48xf32> to vector<1x48xf32>
    %add3A_38 = vector.broadcast %broadcast_in_dim3A_37 : vector<1x48xf32> to vector<3200x48xf32>
    %add3A_39 = arith.addf %mul3A_32, %add3A_38 : vector<3200x48xf32>
    %swap3A = arith.constant 0 : index
    %swap3A_40 = arith.constant 0 : index
    %swap3A_41 = vector.load %arg5[%swap3A, %swap3A_40] : memref<3200x48xf32, #tpu.memory_space<vmem>>, vector<3200x48xf32>
    tpu.vector_store %arg5[%swap3A, %swap3A_40], %add3A_39 {strides = array<i32>} : memref<3200x48xf32, #tpu.memory_space<vmem>>, vector<3200x48xf32>,
    return
  }
  func.func @transform_0(%arg0: i32) -> (i32, i32, i32) {
    %c0_i32 = arith.constant 0 : i32
    %c0_i32_0 = arith.constant 0 : i32
    %c0_i32_1 = arith.constant 0 : i32
    return %c0_i32, %arg0, %c0_i32_0 : i32, i32, i32
  }
  func.func @transform_1(%arg0: i32) -> (i32, i32, i32) {
    %c0_i32 = arith.constant 0 : i32
    %c0_i32_0 = arith.constant 0 : i32
    %c0_i32_1 = arith.constant 0 : i32
    return %c0_i32, %arg0, %c0_i32_0 : i32, i32, i32
  }
  func.func @transform_2(%arg0: i32) -> (i32, i32) {
    %c0_i32 = arith.constant 0 : i32
    %c0_i32_0 = arith.constant 0 : i32
    return %arg0, %c0_i32 : i32, i32
  }
  func.func @transform_3(%arg0: i32) -> (i32, i32) {
    %c0_i32 = arith.constant 0 : i32
    %c0_i32_0 = arith.constant 0 : i32
    %c0_i32_1 = arith.constant 0 : i32
    return %c0_i32, %c0_i32_0 : i32, i32
  }
  func.func @transform_4(%arg0: i32) -> (i32, i32) {
    %c0_i32 = arith.constant 0 : i32
    %c0_i32_0 = arith.constant 0 : i32
    return %arg0, %c0_i32 : i32, i32
  }
}

</mosaic_0001>

<sc_bundles>
// kernel: kernel.6.cloned.1.call-start
scs
__scs_entry_jumppad:
0x0: {  	(pc) =	sbr.rel $0x88, $3  }
0x1: {  	(tag) =	ssettag $0x0;
	lr =	simm.s32 $0x1  }
0x2: {  	[smem:$0x3F9B] =	sst lr;
	_ =	strace $0xD0000000  }
0x3: {  	_ = 	snop  }
0x4: {  	_ = 	snop  }
0x5: {  	_ = 	snop  }
0x6: {  	_ = 	snop  }
0x7: {  	_ = 	snop  }
__scs_overlays_trampoline_lowered:
0x8: {  	[smem:$0x3FAA] =	sst s0  }
0x9: {  	[smem:$0x3FAB] =	sst s1  }
0xa: {  	[smem:$0x3FAC] =	sst s2  }
0xb: {  	[smem:$0x3FAD] =	sst s3  }
0xc: {  	[smem:$0x3FAE] =	sst s4  }
0xd: {  	[smem:$0x3FAF] =	sst s5  }
0xe: {  	[smem:$0x3FB0] =	sst s6  }
0xf: {  	[smem:$0x3FB1] =	sst s7  }
0x10: {  	[smem:$0x3FB2] =	sst s8  }
0x11: {  	[smem:$0x3FB3] =	sst s9;
	s0 =	simm.s32 @!p0 $0x0  }
0x12: {  	s1 =	sld [smem:$0x3F99];
	s0 =	simm.s32 @p0 $0x1  }
0x13: {  	[smem:$0x3FB4] =	sst s0;
	s0 =	simm.s32 @!p1 $0x0  }
0x14: {  	s2 =	sld [smem:$0x3F98];
	s0 =	simm.s32 @p1 $0x1  }
0x15: {  	[smem:$0x3FB5] =	sst s0;
	s0 =	simm.s32 @!p2 $0x0  }
0x16: {  	s3 =	sld [smem:$0x3FDB];
	s0 =	simm.s32 @p2 $0x1  }
0x17: {  	s4 =	simm.s32 $0x1BF5;
	[smem:$0x3FB7] =	sst s0  }
0x18: {  	s0 =	sld [smem:$0x3F9A];
	_ =	swait.ge [sflag:s4], $0x0  }
0x19: {  	s7 =	sld [smem:$0x3F9B]  }
0x1a: {  	s8 =	sadd.s32 $0xFFFFE003, lr  }
0x1b: {  	s9 =	sadd.s32 $0xFFFFFEF7, lr;
	s5 =	simm.s32 $0xFFFFFFFF;
	p2 =	slt.u32 s8, $0xFFFFF086  }
0x1c: {  	p1 =	slt.u32 s9, $0xF7A;
	s5 =	simm.s32 @!p2 $0x0  }
0x1d: {  	s5 =	simm.s32 @p1 $0x1;
	p0 =	seq.s32 s7, s2  }
0x1e: {  	s7 =	smul.u32 @!p0 $0xF7A, s2;
	p2 =	seq.s32 @!p0 s5, $0x0  }
0x1f: {  	s9 =	smul.u32 $0xF7A, s1;
	s8 =	simm.s32 @!p0 $0x1BF5;
	p2 =	por !p2, p0  }
0x20: {  	[sflag:s8] =	ssyncset.s32 @!p0 $0xFFFFF086;
	s6 =	sadd.s32 @!p0 s3, s7;
	s7 =	simm.s32 @!p0 $0x108  }
0x21: {  	s3 =	sadd.s32 s3, s9;
	s6 =	sadd.s32 @!p0 $0x88, s6;
	s7 =	simm.s32 @p2 $0x1082  }
0x22: {  	[simem:s7], [sflag:s8] =	dma.local @!p0 [hbm:s6], $0xF7A  }
0x23: {  	s9 =	sor.u32 $0xD0000000, s2;
	s6 =	simm.s32 $0x108;
	_ =	swait.ge @!p0 [sflag:s8], $0x0  }
0x24: {  	s3 =	sadd.s32 $0x88, s3;
	s6 =	simm.s32 @!p1 $0x1082;
	[sflag:s4] =	ssyncset.s32 $0xFFFFF086  }
0x25: {  	[simem:s6], [sflag:s4] =	dma.local [hbm:s3], $0xF7A  }
0x26: {  	[smem:$0x3F9B] =	sst s1;
	(tag) =	ssettag s2;
	_ =	strace s9  }
0x27: {  	s1 =	sld [smem:$0x3FAB]  }
0x28: {  	s2 =	sld [smem:$0x3FAC]  }
0x29: {  	s4 =	sld [smem:$0x3FAE]  }
0x2a: {  	p0 =	seq.s32 s5, $0x0;
	s5 =	sld [smem:$0x3FAF]  }
0x2b: {  	s6 =	sld [smem:$0x3FB0]  }
0x2c: {  	s7 =	sld [smem:$0x3FB1]  }
0x2d: {  	s3 =	simm.s32 $0x108;
	s8 =	sld [smem:$0x3FB2]  }
0x2e: {  	s3 =	simm.s32 @!p0 $0x1082;
	s9 =	sld [smem:$0x3FB3]  }
0x2f: {  	lr =	sadd.s32 s0, s3;
	s0 =	sld [smem:$0x3FAA]  }
0x30: {  	s3 =	sld [smem:$0x3FAD]  }
0x31: {  	[smem:$0x3FB6] =	sst s10  }
0x32: {  	s10 =	sld [smem:$0x3FB4];
	_ =	sdelay $0x3  }
0x33: {  	p0 =	seq.s32 s10, $0x1;
	s10 =	sld [smem:$0x3FB6];
	_ =	sdelay $0x3  }
0x34: {  	[smem:$0x3FB6] =	sst s10  }
0x35: {  	s10 =	sld [smem:$0x3FB5];
	_ =	sdelay $0x3  }
0x36: {  	p1 =	seq.s32 s10, $0x1;
	s10 =	sld [smem:$0x3FB6];
	_ =	sdelay $0x3  }
0x37: {  	[smem:$0x3FB6] =	sst s10  }
0x38: {  	s10 =	sld [smem:$0x3FB7]  }
0x39: {  	_ = 	snop;
	(pc) =	sbr.ind lr, $3  }
0x3a: {  	_ = 	snop  }
0x3b: {  	_ = 	snop  }
0x3c: {  	p2 =	seq.s32 s10, $0x1;
	s10 =	sld [smem:$0x3FB6]  }
0x3d: {  	_ =	shalt  }
0x3e: {  	_ =	shalt  }
0x3f: {  	_ =	shalt  }
0x40: {  	_ =	shalt  }
0x41: {  	_ =	shalt  }
0x42: {  	_ =	shalt  }
0x43: {  	_ =	shalt  }
0x44: {  	_ =	shalt  }
0x45: {  	_ =	shalt  }
0x46: {  	_ =	shalt  }
0x47: {  	_ =	shalt  }
0x48: {  	_ =	shalt  }
0x49: {  	_ =	shalt  }
0x4a: {  	_ =	shalt  }
0x4b: {  	_ =	shalt  }
0x4c: {  	_ =	shalt  }
0x4d: {  	_ =	shalt  }
0x4e: {  	_ =	shalt  }
0x4f: {  	_ =	shalt  }
0x50: {  	_ =	shalt  }
0x51: {  	_ =	shalt  }
0x52: {  	_ =	shalt  }
0x53: {  	_ =	shalt  }
0x54: {  	_ =	shalt  }
0x55: {  	_ =	shalt  }
0x56: {  	_ =	shalt  }
0x57: {  	_ =	shalt  }
0x58: {  	_ =	shalt  }
0x59: {  	_ =	shalt  }
0x5a: {  	_ =	shalt  }
0x5b: {  	_ =	shalt  }
0x5c: {  	_ =	shalt  }
0x5d: {  	_ =	shalt  }
0x5e: {  	_ =	shalt  }
0x5f: {  	_ =	shalt  }
0x60: {  	_ =	shalt  }
0x61: {  	_ =	shalt  }
0x62: {  	_ =	shalt  }
0x63: {  	_ =	shalt  }
0x64: {  	_ =	shalt  }
0x65: {  	_ =	shalt  }
0x66: {  	_ =	shalt  }
0x67: {  	_ =	shalt  }
0x68: {  	_ =	shalt  }
0x69: {  	_ =	shalt  }
0x6a: {  	_ =	shalt  }
0x6b: {  	_ =	shalt  }
0x6c: {  	_ =	shalt  }
0x6d: {  	_ =	shalt  }
0x6e: {  	_ =	shalt  }
0x6f: {  	_ =	shalt  }
0x70: {  	_ =	shalt  }
0x71: {  	_ =	shalt  }
0x72: {  	_ =	shalt  }
0x73: {  	_ =	shalt  }
0x74: {  	_ =	shalt  }
0x75: {  	_ =	shalt  }
0x76: {  	_ =	shalt  }
0x77: {  	_ =	shalt  }
0x78: {  	_ =	shalt  }
0x79: {  	_ =	shalt  }
0x7a: {  	_ =	shalt  }
0x7b: {  	_ =	shalt  }
0x7c: {  	_ =	shalt  }
0x7d: {  	_ =	shalt  }
0x7e: {  	_ =	shalt  }
0x7f: {  	_ =	shalt  }
0x80: {  	_ =	shalt  }
0x81: {  	_ =	shalt  }
0x82: {  	_ =	shalt  }
0x83: {  	_ =	shalt  }
0x84: {  	_ =	shalt  }
0x85: {  	_ =	shalt  }
0x86: {  	_ =	shalt  }
0x87: {  	_ =	shalt  }
.Lfunc_end0:
.L_simem_size_0:
called_computation_lowered:
.L_overlay_start_0:
0x88: {  	s2 =	sld [smem:$0x3FD9]  }
0x89: {  	s3 =	sld [smem:$0x3FFE];
	_ =	sdelay $0x1  }
0x8a: {  	s1 =	srdreg.scid  }
0x8b: {  	s0 =	sand.u32 $0x1, s1  }
0x8c: {  	s17 =	sshll.u32 s0, $0xA;
	s2 =	sadd.s32 s3, s2  }
0x8d: {  	s2 =	sadd.s32 s2, s17  }
0x8e: {  	[smem:$0x3FC2] =	sst s2  }
0x8f: {  	_ = 	snop  }
0x90: {  	s2 =	sld [smem:$0x3FD0];
	(tm) =	ssettm $0x1  }
0x91: {  	s18 =	sld [smem:$0x3FFB];
	_ =	sdelay $0x3  }
0x92: {  	_ =	strace s18  }
0x93: {  	s3 =	sld [smem:$0x3FFC];
	_ =	sdelay $0x3  }
0x94: {  	_ =	strace s3  }
0x95: {  	s3 =	sld [smem:$0x3FFD];
	_ =	sdelay $0x3  }
0x96: {  	_ =	strace s3  }
0x97: {  	_ =	strace $0x8FFFFFFF  }
0x98: {  	s19 =	sld [smem:$0x3FDB];
	_ =	sdelay $0x1  }
0x99: {  	s4 =	simm.s32 $_scs_section_size  }
0x9a: {  	s5 =	simm.s32 $_size__tile_overlayer_lowered;
	s6 =	simm.s32 $_tile_overlayer_lowered  }
0x9b: {  	s22 =	simm.s32 $0x1BFF;
	s21 =	sshll.u32 s6, $0x1;
	s3 =	sadd.s32 s4, s19  }
0x9c: {  	s7 =	simm.s32 $0x0;
	s20 =	sshll.u32 s5, $0x1;
	s5 =	sadd.s32 s21, s3  }
0x9d: {  	[timem:s7], [sflag:s22] =	dma.local [hbm:s5], s20  }
0x9e: {  	_ =	swait.ge [sflag:s22], s20  }
0x9f: {  	s4 =	ssub.s32 $0x0, s20;
	[sflag:s22] =	ssyncset.done $0x0  }
0xa0: {  	[sflag:s22] =	ssyncadd.s32 s4;
	_ =	sdelay $0x1  }
0xa1: {  	s23 =	simm.s32 $0x1B8B  }
0xa2: {  	_ =	swait.ge [sflag:s23], $0x1  }
0xa3: {  	[sflag:s23] =	ssyncset.done $0x0  }
0xa4: {  	s25 =	simm.s32 $0x1B8E;
	s24 =	sld [smem:$0x3FFE];
	[sflag:s23] =	ssyncadd.s32 $0xFFFFFFFF  }
0xa5: {  	s26 =	simm.s32 $execute0_lowered;
	[smem:$0x3FD2] =	sst s25  }
0xa6: {  	s5 =	sshll.u32 s26, $0x1;
	_ =	strace $0x80000046;
	[dreg:$0x1] =	wrdreg $0xFFFFFFFF  }
0xa7: {  	s28 =	simm.s32 $_size_execute0_lowered;
	s3 =	sadd.s32 s3, s5;
	[dreg:$0x0] =	wrdreg $0x0  }
0xa8: {  	s5 =	sshll.u32 s28, $0x1;
	[dreg:$0x2] =	wrdreg s3  }
0xa9: {  	[dreg:$0x3] =	wrdreg s5  }
0xaa: {  	[dreg:$0x4] =	wrdreg $0xC0  }
0xab: {  	_ =	task [dreg:s7], $0x5FFFF  }
0xac: {  	[dreg:$0x1] =	wrdreg $0xFFFFFFFF  }
0xad: {  	[dreg:$0x0] =	wrdreg $0x60  }
0xae: {  	[dreg:$0x2] =	wrdreg s2  }
0xaf: {  	[dreg:$0x3] =	wrdreg s24  }
0xb0: {  	[dreg:$0x4] =	wrdreg $0x9000  }
0xb1: {  	[dreg:$0x5] =	wrdreg $0x9  }
0xb2: {  	_ =	task.clear_ibuf [dreg:s7], $0x6FFFF;
	_ =	strace $0x90000046  }
0xb3: {  	s29 =	simm.s32 $0x9;
	_ =	strace $0x80000048  }
0xb4: {  	_ =	swait.ge [sflag:s29], $0x1  }
0xb5: {  	[sflag:s29] =	ssyncadd.s32 $0xFFFFFFFF  }
0xb6: {  	_ =	strace $0x90000048  }
0xb7: {  	_ =	sfence  }
0xb8: {  	s30 =	sld [smem:$0x0];
	_ =	sdelay $0x2  }
0xb9: {  	s31 =	sshll.u32 s1, $0xD;
	s1 =	sshrl.u32 s1, $0x2  }
0xba: {  	s3 =	sand.u32 $0x4000, s31;
	s1 =	sadd.s32 s1, s30  }
0xbb: {  	s0 =	sor.u32 s3, s0;
	s1 =	sshll.u32 s1, $0x11  }
0xbc: {  	s0 =	sor.u32 s1, s0  }
0xbd: {  	s0 =	sadd.s32 $0x8F2B, s0  }
0xbe: {  	[sflag:s0] =	ssyncadd.remote.s32 $0x1  }
0xbf: {  	_ =	sfence.sel $0xFFFF  }
0xc0: {  	[dreg:$0x0] =	wrdreg $0xFFFFFFFF;
	(pc) =	sbr.abs _section_cstart, $3  }
0xc1: {  	[dreg:$0x1] =	wrdreg $0xFFFFFFFF  }
0xc2: {  	_ =	task.clear_ibuf [dreg:s7], $0x2FFFF;
	_ =	strace $0x9FFFFFFF  }
0xc3: {  	(tm) =	ssettm $0x7FFFFFFF  }
tec
execute0_lowered:
.L_overlay_start_1:
0x0: {  	(tag) =	ssettag $0x1  }
0x1: {  	s7 =	rddreg [dreg:$0x0]  }
0x2: {  	s4 =	rddreg [dreg:$0x1];
	s1 =	srdreg.scid  }
0x3: {  	s0 =	stileid.u32;
	s2 =	rddreg [dreg:$0x2]  }
0x4: {  	s3 =	simm.s32 $0x0;
	s12 =	simm.s32 $0x100;
	s13 =	simm.s32 $0x180  }
0x5: {  	s14 =	simm.s32 $0x200;
	s15 =	simm.s32 $0x280;
	s16 =	simm.s32 $0x300  }
0x6: {  	s17 =	simm.s32 $0x380;
	s18 =	simm.s32 $0x400;
	s19 =	simm.s32 $0x480  }
0x7: {  	s20 =	simm.s32 $0x500;
	s21 =	simm.s32 $0x580;
	s22 =	simm.s32 $0x600  }
0x8: {  	s23 =	simm.s32 $0x680;
	s24 =	simm.s32 $0x700;
	s25 =	simm.s32 $0x780  }
0x9: {  	s26 =	simm.s32 $0x0;
	s5 =	sand.u32 $0x1, s1;
	s6 =	smul.u32 $0xC80, s0  }
0xa: {  	s1 =	rddreg [dreg:$0x3];
	s8 =	smul.u32 $0xC800, s5;
	s5 =	ssub.s32 $0x2, s5  }
0xb: {  	[smem:$0x7FF] =	sst s3;
	s10 =	smul.u32 $0x19000, s0;
	s11 =	sshrl.u32 s5, $0x1  }
0xc: {  	_ =	strace $0x80000047;
	s9 =	sadd.s32 s6, s8;
	s11 =	ssub.s32 s5, s11  }
0xd: {  	s8 =	sadd.s32 s8, s10;
	s10 =	simm.s32 $0x80;
	s9 =	sshrl.u32 s9, $0x3  }
0xe: {  	s8 =	sshrl.u32 s8, $0x3;
	s9 =	sadd.s32 s9, s4;
	s4 =	sadd.s32 s6, s2  }
0xf: {  	s6 =	smax.u32 s11, $0x1;
	s7 =	sadd.s32 s8, s7;
	s8 =	simm.s32 $0x880  }
0x10: {  	v0 =	vimm.f32 $1.000000000e+00;
	v1 =	vimm.f32 $0.0e+00;
	s11 =	simm.s32 $0x800;
	s5 =	sadd.s32 $0xC00, s9;
	s9 =	simm.s32 $0x1  }
.LBB2_1:
0x11: {  	[tilespmem:$0x800] =	vst v0  }
0x12: {  	[tilespmem:$0x880] =	vst v1  }
0x13: {  	[tilespmem:$0x810] =	vst v0  }
0x14: {  	[tilespmem:$0x890] =	vst v1  }
0x15: {  	[tilespmem:$0x820] =	vst v0  }
0x16: {  	[tilespmem:$0x8A0] =	vst v1  }
0x17: {  	[tilespmem:$0x830] =	vst v0  }
0x18: {  	[tilespmem:$0x8B0] =	vst v1  }
0x19: {  	[tilespmem:$0x840] =	vst v0  }
0x1a: {  	[tilespmem:$0x8C0] =	vst v1  }
0x1b: {  	[tilespmem:$0x850] =	vst v0  }
0x1c: {  	[tilespmem:$0x8D0] =	vst v1  }
0x1d: {  	[tilespmem:$0x860] =	vst v0  }
0x1e: {  	[tilespmem:$0x8E0] =	vst v1  }
0x1f: {  	[tilespmem:$0x870] =	vst v0  }
0x20: {  	[tilespmem:$0x8F0] =	vst v1;
	s28 =	sadd.s32 $0x0, s4  }
0x21: {  	[spmem:s28] =	stream.linear.scatter [tilespmem:s8], [sflag:$0x1], $0x80, $0x38;
	[tilespmem:$0x1580] =	vst v63  }
0x22: {  	s28 =	simm.s32 $0x200;
	_ =	swait.ge [sflag:s9], $0x80  }
.LBB2_2:
0x23: {  	s29 =	sshra.s32 s28, $0x2;
	[sflag:s9] =	ssyncset.done $0x0;
	p0 =	sne.s32 s28, $0x3000  }
.Ltmp0:
0x24: {  	s29 =	sadd.s32 s29, s4;
	[sflag:s9] =	ssyncadd.s32 $0xFFFFFF80;
	(pc) =	sbr.rel @p0 .LBB2_2-.Ltmp0, $3  }
0x25: {  	[spmem:s29] =	stream.linear.scatter [tilespmem:s8], [sflag:$0x1], $0x80, $0x38;
	[tilespmem:$0x1580] =	vst v63  }
0x26: {  	s28 =	sadd.s32 $0x200, s28;
	_ =	sdelay $0x1  }
0x27: {  	_ =	swait.ge [sflag:s9], $0x80  }
0x28: {  	[sflag:s9] =	ssyncset.done $0x0  }
0x29: {  	[sflag:s9] =	ssyncadd.s32 $0xFFFFFF80  }
0x2a: {  	s28 =	sadd.s32 $0x0, s7;
	[bflag:$0x0] =	sbarrier.arrive $0xFFFF  }
0x2b: {  	[tilespmem:s3], [sflag:$0x1] =	stream.linear.gather [hbm4b:s28+s3], $0x800, $0x38;
	[tilespmem:$0x1580] =	vst v63  }
0x2c: {  	_ =	swait.ge [sflag:s9], $0x800  }
0x2d: {  	[sflag:s9] =	ssyncset.done $0x0  }
0x2e: {  	[sflag:s9] =	ssyncadd.s32 $0xFFFFF800  }
0x2f: {  	[spmem:s2] =	stream.indirect.scatter.add.f32 [tilespmem:s11], [sflag:$0x1], $0x1, s3, s10, $0xb8;
	[tilespmem:$0x1580] =	vst v63  }
0x30: {  	_ =	swait.ge [sflag:s9], $0x80  }
0x31: {  	[sflag:s9] =	ssyncset.done $0x0  }
0x32: {  	[sflag:s9] =	ssyncadd.s32 $0xFFFFFF80  }
0x33: {  	[spmem:s2] =	stream.indirect.scatter.add.f32 [tilespmem:s11], [sflag:$0x1], $0x1, s10, s10, $0xb8;
	[tilespmem:$0x1580] =	vst v63  }
0x34: {  	_ =	swait.ge [sflag:s9], $0x80  }
0x35: {  	[sflag:s9] =	ssyncset.done $0x0  }
0x36: {  	[sflag:s9] =	ssyncadd.s32 $0xFFFFFF80  }
0x37: {  	[spmem:s2] =	stream.indirect.scatter.add.f32 [tilespmem:s11], [sflag:$0x1], $0x1, s12, s10, $0xb8;
	[tilespmem:$0x1580] =	vst v63  }
0x38: {  	_ =	swait.ge [sflag:s9], $0x80  }
0x39: {  	[sflag:s9] =	ssyncset.done $0x0  }
0x3a: {  	[sflag:s9] =	ssyncadd.s32 $0xFFFFFF80  }
0x3b: {  	[spmem:s2] =	stream.indirect.scatter.add.f32 [tilespmem:s11], [sflag:$0x1], $0x1, s13, s10, $0xb8;
	[tilespmem:$0x1580] =	vst v63  }
0x3c: {  	_ =	swait.ge [sflag:s9], $0x80  }
0x3d: {  	[sflag:s9] =	ssyncset.done $0x0  }
0x3e: {  	[sflag:s9] =	ssyncadd.s32 $0xFFFFFF80  }
0x3f: {  	[spmem:s2] =	stream.indirect.scatter.add.f32 [tilespmem:s11], [sflag:$0x1], $0x1, s14, s10, $0xb8;
	[tilespmem:$0x1580] =	vst v63  }
0x40: {  	_ =	swait.ge [sflag:s9], $0x80  }
0x41: {  	[sflag:s9] =	ssyncset.done $0x0  }
0x42: {  	[sflag:s9] =	ssyncadd.s32 $0xFFFFFF80  }
0x43: {  	[spmem:s2] =	stream.indirect.scatter.add.f32 [tilespmem:s11], [sflag:$0x1], $0x1, s15, s10, $0xb8;
	[tilespmem:$0x1580] =	vst v63  }
0x44: {  	_ =	swait.ge [sflag:s9], $0x80  }
0x45: {  	[sflag:s9] =	ssyncset.done $0x0  }
0x46: {  	[sflag:s9] =	ssyncadd.s32 $0xFFFFFF80  }
0x47: {  	[spmem:s2] =	stream.indirect.scatter.add.f32 [tilespmem:s11], [sflag:$0x1], $0x1, s16, s10, $0xb8;
	[tilespmem:$0x1580] =	vst v63  }
0x48: {  	_ =	swait.ge [sflag:s9], $0x80  }
0x49: {  	[sflag:s9] =	ssyncset.done $0x0  }
0x4a: {  	[sflag:s9] =	ssyncadd.s32 $0xFFFFFF80  }
0x4b: {  	[spmem:s2] =	stream.indirect.scatter.add.f32 [tilespmem:s11], [sflag:$0x1], $0x1, s17, s10, $0xb8;
	[tilespmem:$0x1580] =	vst v63  }
0x4c: {  	_ =	swait.ge [sflag:s9], $0x80  }
0x4d: {  	[sflag:s9] =	ssyncset.done $0x0  }
0x4e: {  	[sflag:s9] =	ssyncadd.s32 $0xFFFFFF80  }
0x4f: {  	[spmem:s2] =	stream.indirect.scatter.add.f32 [tilespmem:s11], [sflag:$0x1], $0x1, s18, s10, $0xb8;
	[tilespmem:$0x1580] =	vst v63  }
0x50: {  	_ =	swait.ge [sflag:s9], $0x80  }
0x51: {  	[sflag:s9] =	ssyncset.done $0x0  }
0x52: {  	[sflag:s9] =	ssyncadd.s32 $0xFFFFFF80  }
0x53: {  	[spmem:s2] =	stream.indirect.scatter.add.f32 [tilespmem:s11], [sflag:$0x1], $0x1, s19, s10, $0xb8;
	[tilespmem:$0x1580] =	vst v63  }
0x54: {  	_ =	swait.ge [sflag:s9], $0x80  }
0x55: {  	[sflag:s9] =	ssyncset.done $0x0  }
0x56: {  	[sflag:s9] =	ssyncadd.s32 $0xFFFFFF80  }
0x57: {  	[spmem:s2] =	stream.indirect.scatter.add.f32 [tilespmem:s11], [sflag:$0x1], $0x1, s20, s10, $0xb8;
	[tilespmem:$0x1580] =	vst v63  }
0x58: {  	_ =	swait.ge [sflag:s9], $0x80  }
0x59: {  	[sflag:s9] =	ssyncset.done $0x0  }
0x5a: {  	[sflag:s9] =	ssyncadd.s32 $0xFFFFFF80  }
0x5b: {  	[spmem:s2] =	stream.indirect.scatter.add.f32 [tilespmem:s11], [sflag:$0x1], $0x1, s21, s10, $0xb8;
	[tilespmem:$0x1580] =	vst v63  }
0x5c: {  	_ =	swait.ge [sflag:s9], $0x80  }
0x5d: {  	[sflag:s9] =	ssyncset.done $0x0  }
0x5e: {  	[sflag:s9] =	ssyncadd.s32 $0xFFFFFF80  }
0x5f: {  	[spmem:s2] =	stream.indirect.scatter.add.f32 [tilespmem:s11], [sflag:$0x1], $0x1, s22, s10, $0xb8;
	[tilespmem:$0x1580] =	vst v63  }
0x60: {  	_ =	swait.ge [sflag:s9], $0x80  }
0x61: {  	[sflag:s9] =	ssyncset.done $0x0  }
0x62: {  	[sflag:s9] =	ssyncadd.s32 $0xFFFFFF80  }
0x63: {  	[spmem:s2] =	stream.indirect.scatter.add.f32 [tilespmem:s11], [sflag:$0x1], $0x1, s23, s10, $0xb8;
	[tilespmem:$0x1580] =	vst v63  }
0x64: {  	_ =	swait.ge [sflag:s9], $0x80  }
0x65: {  	[sflag:s9] =	ssyncset.done $0x0  }
0x66: {  	[sflag:s9] =	ssyncadd.s32 $0xFFFFFF80  }
0x67: {  	[spmem:s2] =	stream.indirect.scatter.add.f32 [tilespmem:s11], [sflag:$0x1], $0x1, s24, s10, $0xb8;
	[tilespmem:$0x1580] =	vst v63  }
0x68: {  	_ =	swait.ge [sflag:s9], $0x80  }
0x69: {  	[sflag:s9] =	ssyncset.done $0x0  }
0x6a: {  	[sflag:s9] =	ssyncadd.s32 $0xFFFFFF80  }
0x6b: {  	[spmem:s2] =	stream.indirect.scatter.add.f32 [tilespmem:s11], [sflag:$0x1], $0x1, s25, s10, $0xb8;
	[tilespmem:$0x1580] =	vst v63  }
0x6c: {  	_ =	swait.ge [sflag:s9], $0x80  }
0x6d: {  	s30 =	simm.s32 $0x200;
	s28 =	simm.s32 $0x100;
	[sflag:s9] =	ssyncset.done $0x0  }
.LBB2_4:
0x6e: {  	s31 =	sadd.s32 s28, s7  }
0x6f: {  	[sflag:s9] =	ssyncadd.s32 $0xFFFFFF80;
	s28 =	smov.u32 s30;
	s29 =	sadd.s32 $0x100, s30  }
0x70: {  	[tilespmem:s3], [sflag:$0x1] =	stream.linear.gather [hbm4b:s31+s3], $0x800, $0x38;
	[tilespmem:$0x1580] =	vst v63  }
0x71: {  	p0 =	sne.s32 s30, $0x1800;
	_ =	swait.ge [sflag:s9], $0x800  }
0x72: {  	[sflag:s9] =	ssyncset.done $0x0  }
0x73: {  	[sflag:s9] =	ssyncadd.s32 $0xFFFFF800  }
0x74: {  	[spmem:s2] =	stream.indirect.scatter.add.f32 [tilespmem:s11], [sflag:$0x1], $0x1, s3, s10, $0xb8;
	[tilespmem:$0x1580] =	vst v63  }
0x75: {  	_ =	swait.ge [sflag:s9], $0x80  }
0x76: {  	[sflag:s9] =	ssyncset.done $0x0  }
0x77: {  	[sflag:s9] =	ssyncadd.s32 $0xFFFFFF80  }
0x78: {  	[spmem:s2] =	stream.indirect.scatter.add.f32 [tilespmem:s11], [sflag:$0x1], $0x1, s10, s10, $0xb8;
	[tilespmem:$0x1580] =	vst v63  }
0x79: {  	_ =	swait.ge [sflag:s9], $0x80  }
0x7a: {  	[sflag:s9] =	ssyncset.done $0x0  }
0x7b: {  	[sflag:s9] =	ssyncadd.s32 $0xFFFFFF80  }
0x7c: {  	[spmem:s2] =	stream.indirect.scatter.add.f32 [tilespmem:s11], [sflag:$0x1], $0x1, s12, s10, $0xb8;
	[tilespmem:$0x1580] =	vst v63  }
0x7d: {  	_ =	swait.ge [sflag:s9], $0x80  }
0x7e: {  	[sflag:s9] =	ssyncset.done $0x0  }
0x7f: {  	[sflag:s9] =	ssyncadd.s32 $0xFFFFFF80  }
0x80: {  	[spmem:s2] =	stream.indirect.scatter.add.f32 [tilespmem:s11], [sflag:$0x1], $0x1, s13, s10, $0xb8;
	[tilespmem:$0x1580] =	vst v63  }
0x81: {  	_ =	swait.ge [sflag:s9], $0x80  }
0x82: {  	[sflag:s9] =	ssyncset.done $0x0  }
0x83: {  	[sflag:s9] =	ssyncadd.s32 $0xFFFFFF80  }
0x84: {  	[spmem:s2] =	stream.indirect.scatter.add.f32 [tilespmem:s11], [sflag:$0x1], $0x1, s14, s10, $0xb8;
	[tilespmem:$0x1580] =	vst v63  }
0x85: {  	_ =	swait.ge [sflag:s9], $0x80  }
0x86: {  	[sflag:s9] =	ssyncset.done $0x0  }
0x87: {  	[sflag:s9] =	ssyncadd.s32 $0xFFFFFF80  }
0x88: {  	[spmem:s2] =	stream.indirect.scatter.add.f32 [tilespmem:s11], [sflag:$0x1], $0x1, s15, s10, $0xb8;
	[tilespmem:$0x1580] =	vst v63  }
0x89: {  	_ =	swait.ge [sflag:s9], $0x80  }
0x8a: {  	[sflag:s9] =	ssyncset.done $0x0  }
0x8b: {  	[sflag:s9] =	ssyncadd.s32 $0xFFFFFF80  }
0x8c: {  	[spmem:s2] =	stream.indirect.scatter.add.f32 [tilespmem:s11], [sflag:$0x1], $0x1, s16, s10, $0xb8;
	[tilespmem:$0x1580] =	vst v63  }
0x8d: {  	_ =	swait.ge [sflag:s9], $0x80  }
0x8e: {  	[sflag:s9] =	ssyncset.done $0x0  }
0x8f: {  	[sflag:s9] =	ssyncadd.s32 $0xFFFFFF80  }
0x90: {  	[spmem:s2] =	stream.indirect.scatter.add.f32 [tilespmem:s11], [sflag:$0x1], $0x1, s17, s10, $0xb8;
	[tilespmem:$0x1580] =	vst v63  }
0x91: {  	_ =	swait.ge [sflag:s9], $0x80  }
0x92: {  	[sflag:s9] =	ssyncset.done $0x0  }
0x93: {  	[sflag:s9] =	ssyncadd.s32 $0xFFFFFF80  }
0x94: {  	[spmem:s2] =	stream.indirect.scatter.add.f32 [tilespmem:s11], [sflag:$0x1], $0x1, s18, s10, $0xb8;
	[tilespmem:$0x1580] =	vst v63  }
0x95: {  	_ =	swait.ge [sflag:s9], $0x80  }
0x96: {  	[sflag:s9] =	ssyncset.done $0x0  }
0x97: {  	[sflag:s9] =	ssyncadd.s32 $0xFFFFFF80  }
0x98: {  	[spmem:s2] =	stream.indirect.scatter.add.f32 [tilespmem:s11], [sflag:$0x1], $0x1, s19, s10, $0xb8;
	[tilespmem:$0x1580] =	vst v63  }
0x99: {  	_ =	swait.ge [sflag:s9], $0x80  }
0x9a: {  	[sflag:s9] =	ssyncset.done $0x0  }
0x9b: {  	[sflag:s9] =	ssyncadd.s32 $0xFFFFFF80  }
0x9c: {  	[spmem:s2] =	stream.indirect.scatter.add.f32 [tilespmem:s11], [sflag:$0x1], $0x1, s20, s10, $0xb8;
	[tilespmem:$0x1580] =	vst v63  }
0x9d: {  	_ =	swait.ge [sflag:s9], $0x80  }
0x9e: {  	[sflag:s9] =	ssyncset.done $0x0  }
0x9f: {  	[sflag:s9] =	ssyncadd.s32 $0xFFFFFF80  }
0xa0: {  	[spmem:s2] =	stream.indirect.scatter.add.f32 [tilespmem:s11], [sflag:$0x1], $0x1, s21, s10, $0xb8;
	[tilespmem:$0x1580] =	vst v63  }
0xa1: {  	_ =	swait.ge [sflag:s9], $0x80  }
0xa2: {  	[sflag:s9] =	ssyncset.done $0x0  }
0xa3: {  	[sflag:s9] =	ssyncadd.s32 $0xFFFFFF80  }
0xa4: {  	[spmem:s2] =	stream.indirect.scatter.add.f32 [tilespmem:s11], [sflag:$0x1], $0x1, s22, s10, $0xb8;
	[tilespmem:$0x1580] =	vst v63  }
0xa5: {  	_ =	swait.ge [sflag:s9], $0x80  }
0xa6: {  	[sflag:s9] =	ssyncset.done $0x0  }
0xa7: {  	[sflag:s9] =	ssyncadd.s32 $0xFFFFFF80  }
0xa8: {  	[spmem:s2] =	stream.indirect.scatter.add.f32 [tilespmem:s11], [sflag:$0x1], $0x1, s23, s10, $0xb8;
	[tilespmem:$0x1580] =	vst v63  }
0xa9: {  	_ =	swait.ge [sflag:s9], $0x80  }
0xaa: {  	[sflag:s9] =	ssyncset.done $0x0  }
0xab: {  	[sflag:s9] =	ssyncadd.s32 $0xFFFFFF80  }
0xac: {  	[spmem:s2] =	stream.indirect.scatter.add.f32 [tilespmem:s11], [sflag:$0x1], $0x1, s24, s10, $0xb8;
	[tilespmem:$0x1580] =	vst v63  }
0xad: {  	_ =	swait.ge [sflag:s9], $0x80  }
.Ltmp1:
0xae: {  	[sflag:s9] =	ssyncset.done $0x0;
	(pc) =	sbr.rel @p0 .LBB2_4-.Ltmp1, $4  }
0xaf: {  	[sflag:s9] =	ssyncadd.s32 $0xFFFFFF80  }
0xb0: {  	[spmem:s2] =	stream.indirect.scatter.add.f32 [tilespmem:s11], [sflag:$0x1], $0x1, s25, s10, $0xb8;
	[tilespmem:$0x1580] =	vst v63  }
0xb1: {  	_ =	swait.ge [sflag:s9], $0x80  }
0xb2: {  	s30 =	smov.u32 s29;
	[sflag:s9] =	ssyncset.done $0x0  }
0xb3: {  	s28 =	sadd.s32 s28, s7;
	[sflag:s9] =	ssyncadd.s32 $0xFFFFFF80  }
0xb4: {  	[tilespmem:s3], [sflag:$0x1] =	stream.linear.gather [hbm4b:s28+s3], $0x800, $0x38;
	[tilespmem:$0x1580] =	vst v63  }
0xb5: {  	_ =	swait.ge [sflag:s9], $0x800  }
0xb6: {  	[sflag:s9] =	ssyncset.done $0x0  }
0xb7: {  	[sflag:s9] =	ssyncadd.s32 $0xFFFFF800  }
0xb8: {  	[spmem:s2] =	stream.indirect.scatter.add.f32 [tilespmem:s11], [sflag:$0x1], $0x1, s3, s10, $0xb8;
	[tilespmem:$0x1580] =	vst v63  }
0xb9: {  	_ =	swait.ge [sflag:s9], $0x80  }
0xba: {  	[sflag:s9] =	ssyncset.done $0x0  }
0xbb: {  	[sflag:s9] =	ssyncadd.s32 $0xFFFFFF80  }
0xbc: {  	[spmem:s2] =	stream.indirect.scatter.add.f32 [tilespmem:s11], [sflag:$0x1], $0x1, s10, s10, $0xb8;
	[tilespmem:$0x1580] =	vst v63  }
0xbd: {  	_ =	swait.ge [sflag:s9], $0x80  }
0xbe: {  	[sflag:s9] =	ssyncset.done $0x0  }
0xbf: {  	[sflag:s9] =	ssyncadd.s32 $0xFFFFFF80  }
0xc0: {  	[spmem:s2] =	stream.indirect.scatter.add.f32 [tilespmem:s11], [sflag:$0x1], $0x1, s12, s10, $0xb8;
	[tilespmem:$0x1580] =	vst v63  }
0xc1: {  	_ =	swait.ge [sflag:s9], $0x80  }
0xc2: {  	[sflag:s9] =	ssyncset.done $0x0  }
0xc3: {  	[sflag:s9] =	ssyncadd.s32 $0xFFFFFF80  }
0xc4: {  	[spmem:s2] =	stream.indirect.scatter.add.f32 [tilespmem:s11], [sflag:$0x1], $0x1, s13, s10, $0xb8;
	[tilespmem:$0x1580] =	vst v63  }
0xc5: {  	_ =	swait.ge [sflag:s9], $0x80  }
0xc6: {  	[sflag:s9] =	ssyncset.done $0x0  }
0xc7: {  	[sflag:s9] =	ssyncadd.s32 $0xFFFFFF80  }
0xc8: {  	[spmem:s2] =	stream.indirect.scatter.add.f32 [tilespmem:s11], [sflag:$0x1], $0x1, s14, s10, $0xb8;
	[tilespmem:$0x1580] =	vst v63  }
0xc9: {  	_ =	swait.ge [sflag:s9], $0x80  }
0xca: {  	[sflag:s9] =	ssyncset.done $0x0  }
0xcb: {  	[sflag:s9] =	ssyncadd.s32 $0xFFFFFF80  }
0xcc: {  	[spmem:s2] =	stream.indirect.scatter.add.f32 [tilespmem:s11], [sflag:$0x1], $0x1, s15, s10, $0xb8;
	[tilespmem:$0x1580] =	vst v63  }
0xcd: {  	_ =	swait.ge [sflag:s9], $0x80  }
0xce: {  	[sflag:s9] =	ssyncset.done $0x0  }
0xcf: {  	[sflag:s9] =	ssyncadd.s32 $0xFFFFFF80  }
0xd0: {  	[spmem:s2] =	stream.indirect.scatter.add.f32 [tilespmem:s11], [sflag:$0x1], $0x1, s16, s10, $0xb8;
	[tilespmem:$0x1580] =	vst v63  }
0xd1: {  	_ =	swait.ge [sflag:s9], $0x80  }
0xd2: {  	[sflag:s9] =	ssyncset.done $0x0  }
0xd3: {  	[sflag:s9] =	ssyncadd.s32 $0xFFFFFF80  }
0xd4: {  	[spmem:s2] =	stream.indirect.scatter.add.f32 [tilespmem:s11], [sflag:$0x1], $0x1, s17, s10, $0xb8;
	[tilespmem:$0x1580] =	vst v63  }
0xd5: {  	_ =	swait.ge [sflag:s9], $0x80  }
0xd6: {  	[sflag:s9] =	ssyncset.done $0x0  }
0xd7: {  	[sflag:s9] =	ssyncadd.s32 $0xFFFFFF80  }
0xd8: {  	[spmem:s2] =	stream.indirect.scatter.add.f32 [tilespmem:s11], [sflag:$0x1], $0x1, s18, s10, $0xb8;
	[tilespmem:$0x1580] =	vst v63  }
0xd9: {  	_ =	swait.ge [sflag:s9], $0x80  }
0xda: {  	[sflag:s9] =	ssyncset.done $0x0  }
0xdb: {  	[sflag:s9] =	ssyncadd.s32 $0xFFFFFF80  }
0xdc: {  	[spmem:s2] =	stream.indirect.scatter.add.f32 [tilespmem:s11], [sflag:$0x1], $0x1, s19, s10, $0xb8;
	[tilespmem:$0x1580] =	vst v63  }
0xdd: {  	_ =	swait.ge [sflag:s9], $0x80  }
0xde: {  	[sflag:s9] =	ssyncset.done $0x0  }
0xdf: {  	[sflag:s9] =	ssyncadd.s32 $0xFFFFFF80  }
0xe0: {  	[spmem:s2] =	stream.indirect.scatter.add.f32 [tilespmem:s11], [sflag:$0x1], $0x1, s20, s10, $0xb8;
	[tilespmem:$0x1580] =	vst v63  }
0xe1: {  	_ =	swait.ge [sflag:s9], $0x80  }
0xe2: {  	[sflag:s9] =	ssyncset.done $0x0  }
0xe3: {  	[sflag:s9] =	ssyncadd.s32 $0xFFFFFF80  }
0xe4: {  	[spmem:s2] =	stream.indirect.scatter.add.f32 [tilespmem:s11], [sflag:$0x1], $0x1, s21, s10, $0xb8;
	[tilespmem:$0x1580] =	vst v63  }
0xe5: {  	_ =	swait.ge [sflag:s9], $0x80  }
0xe6: {  	[sflag:s9] =	ssyncset.done $0x0  }
0xe7: {  	[sflag:s9] =	ssyncadd.s32 $0xFFFFFF80  }
0xe8: {  	[spmem:s2] =	stream.indirect.scatter.add.f32 [tilespmem:s11], [sflag:$0x1], $0x1, s22, s10, $0xb8;
	[tilespmem:$0x1580] =	vst v63  }
0xe9: {  	_ =	swait.ge [sflag:s9], $0x80  }
0xea: {  	[sflag:s9] =	ssyncset.done $0x0  }
0xeb: {  	[sflag:s9] =	ssyncadd.s32 $0xFFFFFF80  }
0xec: {  	[spmem:s2] =	stream.indirect.scatter.add.f32 [tilespmem:s11], [sflag:$0x1], $0x1, s23, s10, $0xb8;
	[tilespmem:$0x1580] =	vst v63  }
0xed: {  	_ =	swait.ge [sflag:s9], $0x80  }
0xee: {  	[sflag:s9] =	ssyncset.done $0x0  }
0xef: {  	[sflag:s9] =	ssyncadd.s32 $0xFFFFFF80  }
0xf0: {  	[spmem:s2] =	stream.indirect.scatter.add.f32 [tilespmem:s11], [sflag:$0x1], $0x1, s24, s10, $0xb8;
	[tilespmem:$0x1580] =	vst v63  }
0xf1: {  	_ =	swait.ge [sflag:s9], $0x80  }
0xf2: {  	[sflag:s9] =	ssyncset.done $0x0  }
0xf3: {  	[sflag:s9] =	ssyncadd.s32 $0xFFFFFF80  }
0xf4: {  	[spmem:s2] =	stream.indirect.scatter.add.f32 [tilespmem:s11], [sflag:$0x1], $0x1, s25, s10, $0xb8;
	[tilespmem:$0x1580] =	vst v63  }
0xf5: {  	_ =	swait.ge [sflag:s9], $0x80  }
0xf6: {  	s31 =	sshll.u32 s0, $0x6;
	s26 =	sadd.s32 $0x1, s26;
	[sflag:s9] =	ssyncset.done $0x0  }
0xf7: {  	s29 =	sshrl.u32 s4, $0x3;
	p0 =	sne.s32 s26, s6;
	[sflag:s9] =	ssyncadd.s32 $0xFFFFFF80  }
.Ltmp2:
0xf8: {  	s28 =	sor.u32 $0x1C01, s31;
	[bflag:$0x0] =	sbarrier.arrive $0xFFFF;
	(pc) =	sbr.rel @p0 .LBB2_1-.Ltmp2, $4  }
0xf9: {  	[hbm:s5], [sflag:s28] =	dma.local [spmem:s29], $0x190  }
0xfa: {  	_ =	swait.ge [sflag:s9], $0x190  }
0xfb: {  	[sflag:s9] =	ssyncset.done $0x0  }
0xfc: {  	[sflag:s9] =	ssyncadd.s32 $0xFFFFFE70  }
0xfd: {  	_ =	sfence.sel $0x180000  }
0xfe: {  	[bflag:$0x0] =	sbarrier.arrive $0xFFFF  }
0xff: {  	p0 =	sne.s32 s0, $0x0;
	_ =	strace $0x90000047  }
0x100: {  	s0 =	sadd.s32 @!p0 $0x100000, s1;
	[bflag:$0x2] =	sbarrier.arrive $0xFFFF  }
0x101: {  	[sflag:s0] =	ssyncadd.tile.s32 @!p0 $0x1;
	_ =	shalt  }
.Lfunc_end2:
_tile_overlayer_lowered:
.L_overlay_start_2:
0x102: {  	(tag) =	ssettag $0x2  }
0x103: {  	s0 =	rddreg [dreg:$0x0];
	s2 =	stileid.u32  }
0x104: {  	s1 =	rddreg [dreg:$0x1];
	p0 =	sne.s32 s2, $0x0  }
0x105: {  	s3 =	rddreg [dreg:$0x2];
	[bflag:$0x3] =	sbarrier.arrive $0xFFFF;
	s2 =	simm.s32 @!p0 $0x1C01  }
0x106: {  	[timem:s3], [sflag:s2] =	dma.local @!p0 [hbm:s0], s1  }
0x107: {  	s0 =	simm.s32 @!p0 $0x1  }
0x108: {  	_ =	swait.ge @!p0 [sflag:s0], s1  }
0x109: {  	s1 =	ssub.s32 @!p0 $0x0, s1;
	[sflag:s0] =	ssyncset.done @!p0 $0x0  }
0x10a: {  	[sflag:s0] =	ssyncadd.s32 @!p0 s1  }
0x10b: {  	[bflag:$0x3] =	sbarrier.arrive $0xFFFF  }
0x10c: {  	_ =	shalt  }

// kernel: kernel.9.cloned.1.call-start
scs
__scs_entry_jumppad:
0x0: {  	(pc) =	sbr.rel $0x88, $3  }
0x1: {  	(tag) =	ssettag $0x0;
	lr =	simm.s32 $0x1  }
0x2: {  	[smem:$0x3F9B] =	sst lr;
	_ =	strace $0xD0000000  }
0x3: {  	_ = 	snop  }
0x4: {  	_ = 	snop  }
0x5: {  	_ = 	snop  }
0x6: {  	_ = 	snop  }
0x7: {  	_ = 	snop  }
__scs_overlays_trampoline_lowered:
0x8: {  	[smem:$0x3FAA] =	sst s0  }
0x9: {  	[smem:$0x3FAB] =	sst s1  }
0xa: {  	[smem:$0x3FAC] =	sst s2  }
0xb: {  	[smem:$0x3FAD] =	sst s3  }
0xc: {  	[smem:$0x3FAE] =	sst s4  }
0xd: {  	[smem:$0x3FAF] =	sst s5  }
0xe: {  	[smem:$0x3FB0] =	sst s6  }
0xf: {  	[smem:$0x3FB1] =	sst s7  }
0x10: {  	[smem:$0x3FB2] =	sst s8  }
0x11: {  	[smem:$0x3FB3] =	sst s9;
	s0 =	simm.s32 @!p0 $0x0  }
0x12: {  	s1 =	sld [smem:$0x3F99];
	s0 =	simm.s32 @p0 $0x1  }
0x13: {  	[smem:$0x3FB4] =	sst s0;
	s0 =	simm.s32 @!p1 $0x0  }
0x14: {  	s2 =	sld [smem:$0x3F98];
	s0 =	simm.s32 @p1 $0x1  }
0x15: {  	[smem:$0x3FB5] =	sst s0;
	s0 =	simm.s32 @!p2 $0x0  }
0x16: {  	s3 =	sld [smem:$0x3FDB];
	s0 =	simm.s32 @p2 $0x1  }
0x17: {  	s4 =	simm.s32 $0x1BF5;
	[smem:$0x3FB7] =	sst s0  }
0x18: {  	s0 =	sld [smem:$0x3F9A];
	_ =	swait.ge [sflag:s4], $0x0  }
0x19: {  	s7 =	sld [smem:$0x3F9B]  }
0x1a: {  	s8 =	sadd.s32 $0xFFFFE003, lr  }
0x1b: {  	s9 =	sadd.s32 $0xFFFFFEF7, lr;
	s5 =	simm.s32 $0xFFFFFFFF;
	p2 =	slt.u32 s8, $0xFFFFF086  }
0x1c: {  	p1 =	slt.u32 s9, $0xF7A;
	s5 =	simm.s32 @!p2 $0x0  }
0x1d: {  	s5 =	simm.s32 @p1 $0x1;
	p0 =	seq.s32 s7, s2  }
0x1e: {  	s7 =	smul.u32 @!p0 $0xF7A, s2;
	p2 =	seq.s32 @!p0 s5, $0x0  }
0x1f: {  	s9 =	smul.u32 $0xF7A, s1;
	s8 =	simm.s32 @!p0 $0x1BF5;
	p2 =	por !p2, p0  }
0x20: {  	[sflag:s8] =	ssyncset.s32 @!p0 $0xFFFFF086;
	s6 =	sadd.s32 @!p0 s3, s7;
	s7 =	simm.s32 @!p0 $0x108  }
0x21: {  	s3 =	sadd.s32 s3, s9;
	s6 =	sadd.s32 @!p0 $0x88, s6;
	s7 =	simm.s32 @p2 $0x1082  }
0x22: {  	[simem:s7], [sflag:s8] =	dma.local @!p0 [hbm:s6], $0xF7A  }
0x23: {  	s9 =	sor.u32 $0xD0000000, s2;
	s6 =	simm.s32 $0x108;
	_ =	swait.ge @!p0 [sflag:s8], $0x0  }
0x24: {  	s3 =	sadd.s32 $0x88, s3;
	s6 =	simm.s32 @!p1 $0x1082;
	[sflag:s4] =	ssyncset.s32 $0xFFFFF086  }
0x25: {  	[simem:s6], [sflag:s4] =	dma.local [hbm:s3], $0xF7A  }
0x26: {  	[smem:$0x3F9B] =	sst s1;
	(tag) =	ssettag s2;
	_ =	strace s9  }
0x27: {  	s1 =	sld [smem:$0x3FAB]  }
0x28: {  	s2 =	sld [smem:$0x3FAC]  }
0x29: {  	s4 =	sld [smem:$0x3FAE]  }
0x2a: {  	p0 =	seq.s32 s5, $0x0;
	s5 =	sld [smem:$0x3FAF]  }
0x2b: {  	s6 =	sld [smem:$0x3FB0]  }
0x2c: {  	s7 =	sld [smem:$0x3FB1]  }
0x2d: {  	s3 =	simm.s32 $0x108;
	s8 =	sld [smem:$0x3FB2]  }
0x2e: {  	s3 =	simm.s32 @!p0 $0x1082;
	s9 =	sld [smem:$0x3FB3]  }
0x2f: {  	lr =	sadd.s32 s0, s3;
	s0 =	sld [smem:$0x3FAA]  }
0x30: {  	s3 =	sld [smem:$0x3FAD]  }
0x31: {  	[smem:$0x3FB6] =	sst s10  }
0x32: {  	s10 =	sld [smem:$0x3FB4];
	_ =	sdelay $0x3  }
0x33: {  	p0 =	seq.s32 s10, $0x1;
	s10 =	sld [smem:$0x3FB6];
	_ =	sdelay $0x3  }
0x34: {  	[smem:$0x3FB6] =	sst s10  }
0x35: {  	s10 =	sld [smem:$0x3FB5];
	_ =	sdelay $0x3  }
0x36: {  	p1 =	seq.s32 s10, $0x1;
	s10 =	sld [smem:$0x3FB6];
	_ =	sdelay $0x3  }
0x37: {  	[smem:$0x3FB6] =	sst s10  }
0x38: {  	s10 =	sld [smem:$0x3FB7]  }
0x39: {  	_ = 	snop;
	(pc) =	sbr.ind lr, $3  }
0x3a: {  	_ = 	snop  }
0x3b: {  	_ = 	snop  }
0x3c: {  	p2 =	seq.s32 s10, $0x1;
	s10 =	sld [smem:$0x3FB6]  }
0x3d: {  	_ =	shalt  }
0x3e: {  	_ =	shalt  }
0x3f: {  	_ =	shalt  }
0x40: {  	_ =	shalt  }
0x41: {  	_ =	shalt  }
0x42: {  	_ =	shalt  }
0x43: {  	_ =	shalt  }
0x44: {  	_ =	shalt  }
0x45: {  	_ =	shalt  }
0x46: {  	_ =	shalt  }
0x47: {  	_ =	shalt  }
0x48: {  	_ =	shalt  }
0x49: {  	_ =	shalt  }
0x4a: {  	_ =	shalt  }
0x4b: {  	_ =	shalt  }
0x4c: {  	_ =	shalt  }
0x4d: {  	_ =	shalt  }
0x4e: {  	_ =	shalt  }
0x4f: {  	_ =	shalt  }
0x50: {  	_ =	shalt  }
0x51: {  	_ =	shalt  }
0x52: {  	_ =	shalt  }
0x53: {  	_ =	shalt  }
0x54: {  	_ =	shalt  }
0x55: {  	_ =	shalt  }
0x56: {  	_ =	shalt  }
0x57: {  	_ =	shalt  }
0x58: {  	_ =	shalt  }
0x59: {  	_ =	shalt  }
0x5a: {  	_ =	shalt  }
0x5b: {  	_ =	shalt  }
0x5c: {  	_ =	shalt  }
0x5d: {  	_ =	shalt  }
0x5e: {  	_ =	shalt  }
0x5f: {  	_ =	shalt  }
0x60: {  	_ =	shalt  }
0x61: {  	_ =	shalt  }
0x62: {  	_ =	shalt  }
0x63: {  	_ =	shalt  }
0x64: {  	_ =	shalt  }
0x65: {  	_ =	shalt  }
0x66: {  	_ =	shalt  }
0x67: {  	_ =	shalt  }
0x68: {  	_ =	shalt  }
0x69: {  	_ =	shalt  }
0x6a: {  	_ =	shalt  }
0x6b: {  	_ =	shalt  }
0x6c: {  	_ =	shalt  }
0x6d: {  	_ =	shalt  }
0x6e: {  	_ =	shalt  }
0x6f: {  	_ =	shalt  }
0x70: {  	_ =	shalt  }
0x71: {  	_ =	shalt  }
0x72: {  	_ =	shalt  }
0x73: {  	_ =	shalt  }
0x74: {  	_ =	shalt  }
0x75: {  	_ =	shalt  }
0x76: {  	_ =	shalt  }
0x77: {  	_ =	shalt  }
0x78: {  	_ =	shalt  }
0x79: {  	_ =	shalt  }
0x7a: {  	_ =	shalt  }
0x7b: {  	_ =	shalt  }
0x7c: {  	_ =	shalt  }
0x7d: {  	_ =	shalt  }
0x7e: {  	_ =	shalt  }
0x7f: {  	_ =	shalt  }
0x80: {  	_ =	shalt  }
0x81: {  	_ =	shalt  }
0x82: {  	_ =	shalt  }
0x83: {  	_ =	shalt  }
0x84: {  	_ =	shalt  }
0x85: {  	_ =	shalt  }
0x86: {  	_ =	shalt  }
0x87: {  	_ =	shalt  }
.Lfunc_end0:
.L_simem_size_0:
called_computation.1_lowered:
.L_overlay_start_0:
0x88: {  	s2 =	sld [smem:$0x3FD9]  }
0x89: {  	s3 =	sld [smem:$0x3FFE];
	_ =	sdelay $0x1  }
0x8a: {  	s1 =	srdreg.scid  }
0x8b: {  	s0 =	sand.u32 $0x1, s1  }
0x8c: {  	s17 =	sshll.u32 s0, $0xA;
	s2 =	sadd.s32 s3, s2  }
0x8d: {  	s2 =	sadd.s32 s2, s17  }
0x8e: {  	[smem:$0x3FC2] =	sst s2  }
0x8f: {  	_ = 	snop  }
0x90: {  	s2 =	sld [smem:$0x3FD0];
	(tm) =	ssettm $0x1  }
0x91: {  	s18 =	sld [smem:$0x3FFB];
	_ =	sdelay $0x3  }
0x92: {  	_ =	strace s18  }
0x93: {  	s3 =	sld [smem:$0x3FFC];
	_ =	sdelay $0x3  }
0x94: {  	_ =	strace s3  }
0x95: {  	s3 =	sld [smem:$0x3FFD];
	_ =	sdelay $0x3  }
0x96: {  	_ =	strace s3  }
0x97: {  	_ =	strace $0x8FFFFFFF  }
0x98: {  	s19 =	sld [smem:$0x3FDB];
	_ =	sdelay $0x1  }
0x99: {  	s4 =	simm.s32 $_scs_section_size  }
0x9a: {  	s5 =	simm.s32 $_size__tile_overlayer_lowered;
	s6 =	simm.s32 $_tile_overlayer_lowered  }
0x9b: {  	s22 =	simm.s32 $0x1BFF;
	s21 =	sshll.u32 s6, $0x1;
	s3 =	sadd.s32 s4, s19  }
0x9c: {  	s7 =	simm.s32 $0x0;
	s20 =	sshll.u32 s5, $0x1;
	s5 =	sadd.s32 s21, s3  }
0x9d: {  	[timem:s7], [sflag:s22] =	dma.local [hbm:s5], s20  }
0x9e: {  	_ =	swait.ge [sflag:s22], s20  }
0x9f: {  	s4 =	ssub.s32 $0x0, s20;
	[sflag:s22] =	ssyncset.done $0x0  }
0xa0: {  	[sflag:s22] =	ssyncadd.s32 s4;
	_ =	sdelay $0x1  }
0xa1: {  	s23 =	simm.s32 $0x1B8B  }
0xa2: {  	_ =	swait.ge [sflag:s23], $0x1  }
0xa3: {  	[sflag:s23] =	ssyncset.done $0x0  }
0xa4: {  	s25 =	simm.s32 $0x1B8E;
	s24 =	sld [smem:$0x3FFE];
	[sflag:s23] =	ssyncadd.s32 $0xFFFFFFFF  }
0xa5: {  	s26 =	simm.s32 $execute0_lowered;
	[smem:$0x3FD2] =	sst s25  }
0xa6: {  	s5 =	sshll.u32 s26, $0x1;
	_ =	strace $0x80000049;
	[dreg:$0x1] =	wrdreg $0xFFFFFFFF  }
0xa7: {  	s28 =	simm.s32 $_size_execute0_lowered;
	s3 =	sadd.s32 s3, s5;
	[dreg:$0x0] =	wrdreg $0x0  }
0xa8: {  	s5 =	sshll.u32 s28, $0x1;
	[dreg:$0x2] =	wrdreg s3  }
0xa9: {  	[dreg:$0x3] =	wrdreg s5  }
0xaa: {  	[dreg:$0x4] =	wrdreg $0xC0  }
0xab: {  	_ =	task [dreg:s7], $0x5FFFF  }
0xac: {  	[dreg:$0x1] =	wrdreg $0xFFFFFFFF  }
0xad: {  	[dreg:$0x0] =	wrdreg $0x60  }
0xae: {  	[dreg:$0x2] =	wrdreg s24  }
0xaf: {  	[dreg:$0x3] =	wrdreg s2  }
0xb0: {  	[dreg:$0x4] =	wrdreg $0x60000  }
0xb1: {  	[dreg:$0x5] =	wrdreg $0x9  }
0xb2: {  	_ =	task.clear_ibuf [dreg:s7], $0x6FFFF;
	_ =	strace $0x90000049  }
0xb3: {  	s29 =	simm.s32 $0x9;
	_ =	strace $0x8000004B  }
0xb4: {  	_ =	swait.ge [sflag:s29], $0x1  }
0xb5: {  	[sflag:s29] =	ssyncadd.s32 $0xFFFFFFFF  }
0xb6: {  	_ =	strace $0x9000004B  }
0xb7: {  	_ =	sfence  }
0xb8: {  	s30 =	sld [smem:$0x0];
	_ =	sdelay $0x2  }
0xb9: {  	s31 =	sshll.u32 s1, $0xD;
	s1 =	sshrl.u32 s1, $0x2  }
0xba: {  	s3 =	sand.u32 $0x4000, s31;
	s1 =	sadd.s32 s1, s30  }
0xbb: {  	s0 =	sor.u32 s3, s0;
	s1 =	sshll.u32 s1, $0x11  }
0xbc: {  	s0 =	sor.u32 s1, s0  }
0xbd: {  	s0 =	sadd.s32 $0x8F2B, s0  }
0xbe: {  	[sflag:s0] =	ssyncadd.remote.s32 $0x1  }
0xbf: {  	_ =	sfence.sel $0xFFFF  }
0xc0: {  	[dreg:$0x0] =	wrdreg $0xFFFFFFFF;
	(pc) =	sbr.abs _section_cstart, $3  }
0xc1: {  	[dreg:$0x1] =	wrdreg $0xFFFFFFFF  }
0xc2: {  	_ =	task.clear_ibuf [dreg:s7], $0x2FFFF;
	_ =	strace $0x9FFFFFFF  }
0xc3: {  	(tm) =	ssettm $0x7FFFFFFF  }
tec
execute0_lowered:
.L_overlay_start_1:
0x0: {  	(tag) =	ssettag $0x1  }
0x1: {  	s0 =	rddreg [dreg:$0x0]  }
0x2: {  	s4 =	rddreg [dreg:$0x1]  }
0x3: {  	s2 =	rddreg [dreg:$0x2];
	s3 =	simm.s32 $0x0  }
0x4: {  	s18 =	simm.s32 $0x100;
	[smem:$0x7FF] =	sst s3  }
0x5: {  	s19 =	simm.s32 $0x180;
	_ =	strace $0x8000004A;
	[dreg:$0x6] =	wrdreg s18  }
0x6: {  	s20 =	simm.s32 $0x1080;
	[dreg:$0x7] =	wrdreg s19  }
0x7: {  	s21 =	simm.s32 $0x1100;
	[dreg:$0x8] =	wrdreg s20  }
0x8: {  	s22 =	simm.s32 $0x1180;
	[dreg:$0x9] =	wrdreg s21  }
0x9: {  	s23 =	simm.s32 $0x200;
	[dreg:$0xa] =	wrdreg s22  }
0xa: {  	s24 =	simm.s32 $0x280;
	[dreg:$0xb] =	wrdreg s23  }
0xb: {  	s25 =	simm.s32 $0x300;
	[dreg:$0xc] =	wrdreg s24  }
0xc: {  	s26 =	simm.s32 $0x380;
	[dreg:$0xd] =	wrdreg s25  }
0xd: {  	s7 =	simm.s32 $0x1280;
	[dreg:$0xe] =	wrdreg s26  }
0xe: {  	s9 =	simm.s32 $0x1300;
	[dreg:$0x10] =	wrdreg s7  }
0xf: {  	s10 =	simm.s32 $0x1380;
	[dreg:$0x11] =	wrdreg s9  }
0x10: {  	s11 =	simm.s32 $0x400;
	[dreg:$0x12] =	wrdreg s10  }
0x11: {  	s12 =	simm.s32 $0x480;
	[dreg:$0x13] =	wrdreg s11  }
0x12: {  	s13 =	simm.s32 $0x500;
	[dreg:$0x14] =	wrdreg s12  }
0x13: {  	s14 =	simm.s32 $0x580;
	[dreg:$0x15] =	wrdreg s13  }
0x14: {  	s15 =	simm.s32 $0x1400;
	[dreg:$0x16] =	wrdreg s14  }
0x15: {  	s16 =	simm.s32 $0x1480;
	[dreg:$0x17] =	wrdreg s15  }
0x16: {  	[dreg:$0x18] =	wrdreg s16;
	s18 =	simm.s32 $0x1580  }
0x17: {  	s19 =	simm.s32 $0x600;
	[dreg:$0x1a] =	wrdreg s18  }
0x18: {  	s1 =	srdreg.scid;
	s20 =	simm.s32 $0x680;
	[dreg:$0x1b] =	wrdreg s19  }
0x19: {  	s8 =	stileid.u32;
	s21 =	simm.s32 $0x700;
	[dreg:$0x1c] =	wrdreg s20  }
0x1a: {  	s28 =	simm.s32 $0xF80;
	s22 =	simm.s32 $0x780;
	[dreg:$0x1d] =	wrdreg s21  }
0x1b: {  	s29 =	simm.s32 $0x1E00;
	s23 =	simm.s32 $0x1600;
	[dreg:$0x1e] =	wrdreg s22  }
0x1c: {  	s30 =	simm.s32 $0x1E80;
	s7 =	simm.s32 $0x1680;
	[dreg:$0x1f] =	wrdreg s23  }
0x1d: {  	s31 =	simm.s32 $0x1F00;
	s25 =	simm.s32 $0x1700;
	[smem:$0x7E8] =	sst s7  }
0x1e: {  	s1 =	sand.u32 $0x1, s1;
	s26 =	simm.s32 $0x1780;
	[smem:$0x7E9] =	sst s25  }
0x1f: {  	s5 =	smul.u32 $0x19000, s8;
	s10 =	simm.s32 $0x900;
	[smem:$0x7EA] =	sst s26  }
0x20: {  	s6 =	smul.u32 $0x190000, s1;
	s12 =	simm.s32 $0x980;
	[smem:$0x7ED] =	sst s10  }
0x21: {  	s24 =	smul.u32 $0x32000, s1;
	s13 =	simm.s32 $0x1800;
	[smem:$0x7EE] =	sst s12  }
0x22: {  	s1 =	ssub.s32 $0x2, s1;
	s15 =	simm.s32 $0x1880;
	[smem:$0x7EF] =	sst s13  }
0x23: {  	s11 =	smul.u32 $0x64000, s8;
	s16 =	simm.s32 $0x1900;
	[smem:$0x7F0] =	sst s15  }
0x24: {  	s7 =	simm.s32 $0x880;
	s9 =	sshrl.u32 s1, $0x1;
	[smem:$0x7F2] =	sst s16  }
0x25: {  	s18 =	simm.s32 $0xA00;
	s19 =	simm.s32 $0xA80;
	s20 =	simm.s32 $0xB00  }
0x26: {  	s10 =	simm.s32 $0x1000;
	s21 =	simm.s32 $0xB80;
	[smem:$0x7EC] =	sst s7  }
0x27: {  	s22 =	simm.s32 $0x1A00;
	s12 =	simm.s32 $0x3000;
	[smem:$0x7F5] =	sst s18  }
0x28: {  	s23 =	simm.s32 $0x1A80;
	s13 =	simm.s32 $0x4000;
	[smem:$0x7F6] =	sst s19  }
0x29: {  	s25 =	simm.s32 $0x1B80;
	s15 =	simm.s32 $0x1;
	[smem:$0x7F7] =	sst s20  }
0x2a: {  	s26 =	simm.s32 $0xC00;
	s16 =	simm.s32 $0x2;
	[smem:$0x7F8] =	sst s21  }
0x2b: {  	s6 =	sadd.s32 s5, s6;
	s5 =	smul.u32 $0x3200, s8;
	[smem:$0x7F9] =	sst s22  }
0x2c: {  	s1 =	ssub.s32 s1, s9;
	s14 =	sshrl.u32 s11, $0x2;
	[smem:$0x7FA] =	sst s23  }
0x2d: {  	s8 =	simm.s32 $0x2000;
	s9 =	simm.s32 $0x3;
	[smem:$0x7FC] =	sst s25  }
0x2e: {  	s11 =	simm.s32 $0x80;
	[smem:$0x7FD] =	sst s26;
	s18 =	simm.s32 $0xD00  }
0x2f: {  	s19 =	simm.s32 $0xD80;
	s20 =	simm.s32 $0x1C00;
	s21 =	simm.s32 $0x1C80  }
0x30: {  	s22 =	simm.s32 $0x1D00;
	s23 =	simm.s32 $0x1D80;
	s25 =	simm.s32 $0xE80  }
0x31: {  	s26 =	simm.s32 $0xF00;
	s6 =	sshrl.u32 s6, $0x3;
	s1 =	smax.u32 s1, $0x1  }
0x32: {  	s6 =	sadd.s32 s6, s0;
	s4 =	sadd.s32 s5, s4;
	[smem:$0x7F3] =	sst s1  }
0x33: {  	s5 =	sadd.s32 s5, s24;
	s24 =	simm.s32 $0x1B00;
	[dreg:$0x4] =	wrdreg s4  }
0x34: {  	s1 =	simm.s32 $0x1F80;
	s17 =	sadd.s32 $0x3E00, s6;
	[smem:$0x7FB] =	sst s24  }
0x35: {  	s6 =	simm.s32 $0x1200;
	s4 =	sadd.s32 $0x67E00, s0;
	[dreg:$0x5] =	wrdreg s17  }
0x36: {  	s0 =	sadd.s32 s5, s0;
	[dreg:$0xf] =	wrdreg s6;
	s17 =	simm.s32 $0x1500  }
0x37: {  	s5 =	sadd.s32 s14, s2;
	s6 =	simm.s32 $0x800;
	[dreg:$0x19] =	wrdreg s17  }
0x38: {  	s14 =	simm.s32 $0x5000;
	s0 =	sadd.s32 $0xCBE00, s0;
	[smem:$0x7EB] =	sst s6  }
0x39: {  	s24 =	simm.s32 $0xE00;
	[smem:$0x7F1] =	sst s0;
	s17 =	simm.s32 $0x1980  }
0x3a: {  	v0 =	vimm.f32 $0.0e+00;
	s6 =	simm.s32 $0x0;
	[smem:$0x7F4] =	sst s17;
	s17 =	simm.s32 $0xC80  }
.LBB2_1:
0x3b: {  	[smem:$0x7E7] =	sst s6;
	s0 =	simm.s32 $0x0  }
.LBB2_2:
0x3c: {  	p0 =	sne.s32 s0, $0x3F80  }
.Ltmp0:
0x3d: {  	_ = 	snop;
	(pc) =	sbr.rel @p0 .LBB2_2-.Ltmp0, $4  }
0x3e: {  	_ = 	snop  }
0x3f: {  	s6 =	sshra.s32 s0, $0x2  }
0x40: {  	[tilespmem:s6+$0x2000] =	vst v0  }
0x41: {  	s0 =	sadd.s32 $0x80, s0;
	[tilespmem:s6+$0x2010] =	vst v0  }
0x42: {  	s0 =	sadd.s32 $0x0, s5  }
0x43: {  	[spmem:s0] =	stream.linear.scatter [tilespmem:s8], [sflag:$0x3], $0x1000, $0x38;
	[tilespmem:$0x1F000] =	vst v63  }
0x44: {  	s6 =	simm.s32 $0x4000;
	_ =	swait.ge [sflag:s9], $0x1000  }
.LBB2_4:
0x45: {  	s0 =	sshra.s32 s6, $0x2;
	[sflag:s9] =	ssyncset.done $0x0;
	p0 =	sne.s32 s6, $0x60000  }
.Ltmp1:
0x46: {  	s0 =	sadd.s32 s0, s5;
	[sflag:s9] =	ssyncadd.s32 $0xFFFFF000;
	(pc) =	sbr.rel @p0 .LBB2_4-.Ltmp1, $3  }
0x47: {  	[spmem:s0] =	stream.linear.scatter [tilespmem:s8], [sflag:$0x3], $0x1000, $0x38;
	[tilespmem:$0x1F000] =	vst v63  }
0x48: {  	s6 =	sadd.s32 $0x4000, s6;
	_ =	sdelay $0x1  }
0x49: {  	_ =	swait.ge [sflag:s9], $0x1000  }
0x4a: {  	[sflag:s9] =	ssyncset.done $0x0  }
0x4b: {  	[sflag:s9] =	ssyncadd.s32 $0xFFFFF000  }
0x4c: {  	[bflag:$0x0] =	sbarrier.arrive $0xFFFF  }
0x4d: {  	s0 =	rddreg [dreg:$0x5]  }
0x4e: {  	s0 =	sadd.s32 $0x0, s0  }
0x4f: {  	[tilespmem:s3], [sflag:$0x3] =	stream.linear.gather [hbm4b:s0+s3], $0x1000, $0x38;
	[tilespmem:$0x1F000] =	vst v63  }
0x50: {  	_ =	swait.ge [sflag:s9], $0x1000  }
0x51: {  	s6 =	rddreg [dreg:$0x4];
	[sflag:s9] =	ssyncset.done $0x0  }
0x52: {  	[sflag:s9] =	ssyncadd.s32 $0xFFFFF000;
	s0 =	sadd.s32 $0x0, s6  }
0x53: {  	[tilespmem:s10], [sflag:$0x3] =	stream.linear.gather [hbm4b:s0+s3], $0x1000, $0x38;
	[tilespmem:$0x1F000] =	vst v63  }
0x54: {  	_ =	swait.ge [sflag:s9], $0x1000  }
0x55: {  	[sflag:s9] =	ssyncset.done $0x0  }
0x56: {  	[sflag:s9] =	ssyncadd.s32 $0xFFFFF000  }
0x57: {  	[tilespmem:s8], [sflag:$0x1] =	stream.indirect.gather [hbm4b:s4+s11], $0x20, s3, s11, $0xb8;
	[tilespmem:$0x1F000] =	vst v63  }
0x58: {  	_ = 	snop  }
0x59: {  	[tilespmem:s12], [sflag:$0x1] =	stream.indirect.gather [hbm4b:s4+s11], $0x20, s11, s11, $0xb8;
	[tilespmem:$0x1F000] =	vst v63  }
0x5a: {  	s7 =	rddreg [dreg:$0x6]  }
0x5b: {  	[tilespmem:s13], [sflag:$0x2] =	stream.indirect.gather [hbm4b:s4+s11], $0x20, s7, s11, $0xb8;
	[tilespmem:$0x1F000] =	vst v63  }
0x5c: {  	s6 =	rddreg [dreg:$0x7]  }
0x5d: {  	[tilespmem:s14], [sflag:$0x2] =	stream.indirect.gather [hbm4b:s4+s11], $0x20, s6, s11, $0xb8;
	[tilespmem:$0x1F000] =	vst v63  }
0x5e: {  	_ =	swait.ge [sflag:s15], $0x1000  }
0x5f: {  	[sflag:s15] =	ssyncset.done $0x0  }
0x60: {  	[sflag:s15] =	ssyncadd.s32 $0xFFFFF000  }
0x61: {  	_ =	swait.ge [sflag:s15], $0x1000  }
0x62: {  	[sflag:s15] =	ssyncset.done $0x0  }
0x63: {  	[sflag:s15] =	ssyncadd.s32 $0xFFFFF000  }
0x64: {  	[spmem:s2] =	stream.indirect.scatter.add.f32 [tilespmem:s8], [sflag:$0x3], $0x20, s10, s11, $0xb8;
	[tilespmem:$0x1F000] =	vst v63  }
0x65: {  	_ =	swait.ge [sflag:s9], $0x1000  }
0x66: {  	[sflag:s9] =	ssyncset.done $0x0  }
0x67: {  	s7 =	rddreg [dreg:$0x8];
	[sflag:s9] =	ssyncadd.s32 $0xFFFFF000  }
0x68: {  	[spmem:s2] =	stream.indirect.scatter.add.f32 [tilespmem:s12], [sflag:$0x3], $0x20, s7, s11, $0xb8;
	[tilespmem:$0x1F000] =	vst v63  }
0x69: {  	_ =	swait.ge [sflag:s9], $0x1000  }
0x6a: {  	[sflag:s9] =	ssyncset.done $0x0  }
0x6b: {  	[sflag:s9] =	ssyncadd.s32 $0xFFFFF000  }
0x6c: {  	_ =	swait.ge [sflag:s16], $0x1000  }
0x6d: {  	[sflag:s16] =	ssyncset.done $0x0  }
0x6e: {  	[sflag:s16] =	ssyncadd.s32 $0xFFFFF000  }
0x6f: {  	_ =	swait.ge [sflag:s16], $0x1000  }
0x70: {  	[sflag:s16] =	ssyncset.done $0x0  }
0x71: {  	s6 =	rddreg [dreg:$0x9];
	[sflag:s16] =	ssyncadd.s32 $0xFFFFF000  }
0x72: {  	[spmem:s2] =	stream.indirect.scatter.add.f32 [tilespmem:s13], [sflag:$0x3], $0x20, s6, s11, $0xb8;
	[tilespmem:$0x1F000] =	vst v63  }
0x73: {  	_ =	swait.ge [sflag:s9], $0x1000  }
0x74: {  	[sflag:s9] =	ssyncset.done $0x0  }
0x75: {  	s7 =	rddreg [dreg:$0xa];
	[sflag:s9] =	ssyncadd.s32 $0xFFFFF000  }
0x76: {  	[spmem:s2] =	stream.indirect.scatter.add.f32 [tilespmem:s14], [sflag:$0x3], $0x20, s7, s11, $0xb8;
	[tilespmem:$0x1F000] =	vst v63  }
0x77: {  	_ =	swait.ge [sflag:s9], $0x1000  }
0x78: {  	[sflag:s9] =	ssyncset.done $0x0  }
0x79: {  	s6 =	rddreg [dreg:$0xb];
	[sflag:s9] =	ssyncadd.s32 $0xFFFFF000  }
0x7a: {  	[tilespmem:s8], [sflag:$0x1] =	stream.indirect.gather [hbm4b:s4+s11], $0x20, s6, s11, $0xb8;
	[tilespmem:$0x1F000] =	vst v63  }
0x7b: {  	s7 =	rddreg [dreg:$0xc]  }
0x7c: {  	[tilespmem:s12], [sflag:$0x1] =	stream.indirect.gather [hbm4b:s4+s11], $0x20, s7, s11, $0xb8;
	[tilespmem:$0x1F000] =	vst v63  }
0x7d: {  	s0 =	rddreg [dreg:$0xd]  }
0x7e: {  	[tilespmem:s13], [sflag:$0x2] =	stream.indirect.gather [hbm4b:s4+s11], $0x20, s0, s11, $0xb8;
	[tilespmem:$0x1F000] =	vst v63  }
0x7f: {  	s7 =	rddreg [dreg:$0xe]  }
0x80: {  	[tilespmem:s14], [sflag:$0x2] =	stream.indirect.gather [hbm4b:s4+s11], $0x20, s7, s11, $0xb8;
	[tilespmem:$0x1F000] =	vst v63  }
0x81: {  	_ =	swait.ge [sflag:s15], $0x1000  }
0x82: {  	[sflag:s15] =	ssyncset.done $0x0  }
0x83: {  	[sflag:s15] =	ssyncadd.s32 $0xFFFFF000  }
0x84: {  	_ =	swait.ge [sflag:s15], $0x1000  }
0x85: {  	[sflag:s15] =	ssyncset.done $0x0  }
0x86: {  	s6 =	rddreg [dreg:$0xf];
	[sflag:s15] =	ssyncadd.s32 $0xFFFFF000  }
0x87: {  	[spmem:s2] =	stream.indirect.scatter.add.f32 [tilespmem:s8], [sflag:$0x3], $0x20, s6, s11, $0xb8;
	[tilespmem:$0x1F000] =	vst v63  }
0x88: {  	_ =	swait.ge [sflag:s9], $0x1000  }
0x89: {  	[sflag:s9] =	ssyncset.done $0x0  }
0x8a: {  	s7 =	rddreg [dreg:$0x10];
	[sflag:s9] =	ssyncadd.s32 $0xFFFFF000  }
0x8b: {  	[spmem:s2] =	stream.indirect.scatter.add.f32 [tilespmem:s12], [sflag:$0x3], $0x20, s7, s11, $0xb8;
	[tilespmem:$0x1F000] =	vst v63  }
0x8c: {  	_ =	swait.ge [sflag:s9], $0x1000  }
0x8d: {  	[sflag:s9] =	ssyncset.done $0x0  }
0x8e: {  	[sflag:s9] =	ssyncadd.s32 $0xFFFFF000  }
0x8f: {  	_ =	swait.ge [sflag:s16], $0x1000  }
0x90: {  	[sflag:s16] =	ssyncset.done $0x0  }
0x91: {  	[sflag:s16] =	ssyncadd.s32 $0xFFFFF000  }
0x92: {  	_ =	swait.ge [sflag:s16], $0x1000  }
0x93: {  	[sflag:s16] =	ssyncset.done $0x0  }
0x94: {  	s6 =	rddreg [dreg:$0x11];
	[sflag:s16] =	ssyncadd.s32 $0xFFFFF000  }
0x95: {  	[spmem:s2] =	stream.indirect.scatter.add.f32 [tilespmem:s13], [sflag:$0x3], $0x20, s6, s11, $0xb8;
	[tilespmem:$0x1F000] =	vst v63  }
0x96: {  	_ =	swait.ge [sflag:s9], $0x1000  }
0x97: {  	[sflag:s9] =	ssyncset.done $0x0  }
0x98: {  	s7 =	rddreg [dreg:$0x12];
	[sflag:s9] =	ssyncadd.s32 $0xFFFFF000  }
0x99: {  	[spmem:s2] =	stream.indirect.scatter.add.f32 [tilespmem:s14], [sflag:$0x3], $0x20, s7, s11, $0xb8;
	[tilespmem:$0x1F000] =	vst v63  }
0x9a: {  	_ =	swait.ge [sflag:s9], $0x1000  }
0x9b: {  	[sflag:s9] =	ssyncset.done $0x0  }
0x9c: {  	s6 =	rddreg [dreg:$0x13];
	[sflag:s9] =	ssyncadd.s32 $0xFFFFF000  }
0x9d: {  	[tilespmem:s8], [sflag:$0x1] =	stream.indirect.gather [hbm4b:s4+s11], $0x20, s6, s11, $0xb8;
	[tilespmem:$0x1F000] =	vst v63  }
0x9e: {  	s7 =	rddreg [dreg:$0x14]  }
0x9f: {  	[tilespmem:s12], [sflag:$0x1] =	stream.indirect.gather [hbm4b:s4+s11], $0x20, s7, s11, $0xb8;
	[tilespmem:$0x1F000] =	vst v63  }
0xa0: {  	s0 =	rddreg [dreg:$0x15]  }
0xa1: {  	[tilespmem:s13], [sflag:$0x2] =	stream.indirect.gather [hbm4b:s4+s11], $0x20, s0, s11, $0xb8;
	[tilespmem:$0x1F000] =	vst v63  }
0xa2: {  	s7 =	rddreg [dreg:$0x16]  }
0xa3: {  	[tilespmem:s14], [sflag:$0x2] =	stream.indirect.gather [hbm4b:s4+s11], $0x20, s7, s11, $0xb8;
	[tilespmem:$0x1F000] =	vst v63  }
0xa4: {  	_ =	swait.ge [sflag:s15], $0x1000  }
0xa5: {  	[sflag:s15] =	ssyncset.done $0x0  }
0xa6: {  	[sflag:s15] =	ssyncadd.s32 $0xFFFFF000  }
0xa7: {  	_ =	swait.ge [sflag:s15], $0x1000  }
0xa8: {  	[sflag:s15] =	ssyncset.done $0x0  }
0xa9: {  	s6 =	rddreg [dreg:$0x17];
	[sflag:s15] =	ssyncadd.s32 $0xFFFFF000  }
0xaa: {  	[spmem:s2] =	stream.indirect.scatter.add.f32 [tilespmem:s8], [sflag:$0x3], $0x20, s6, s11, $0xb8;
	[tilespmem:$0x1F000] =	vst v63  }
0xab: {  	_ =	swait.ge [sflag:s9], $0x1000  }
0xac: {  	[sflag:s9] =	ssyncset.done $0x0  }
0xad: {  	s7 =	rddreg [dreg:$0x18];
	[sflag:s9] =	ssyncadd.s32 $0xFFFFF000  }
0xae: {  	[spmem:s2] =	stream.indirect.scatter.add.f32 [tilespmem:s12], [sflag:$0x3], $0x20, s7, s11, $0xb8;
	[tilespmem:$0x1F000] =	vst v63  }
0xaf: {  	_ =	swait.ge [sflag:s9], $0x1000  }
0xb0: {  	[sflag:s9] =	ssyncset.done $0x0  }
0xb1: {  	[sflag:s9] =	ssyncadd.s32 $0xFFFFF000  }
0xb2: {  	_ =	swait.ge [sflag:s16], $0x1000  }
0xb3: {  	[sflag:s16] =	ssyncset.done $0x0  }
0xb4: {  	[sflag:s16] =	ssyncadd.s32 $0xFFFFF000  }
0xb5: {  	_ =	swait.ge [sflag:s16], $0x1000  }
0xb6: {  	[sflag:s16] =	ssyncset.done $0x0  }
0xb7: {  	s6 =	rddreg [dreg:$0x19];
	[sflag:s16] =	ssyncadd.s32 $0xFFFFF000  }
0xb8: {  	[spmem:s2] =	stream.indirect.scatter.add.f32 [tilespmem:s13], [sflag:$0x3], $0x20, s6, s11, $0xb8;
	[tilespmem:$0x1F000] =	vst v63  }
0xb9: {  	_ =	swait.ge [sflag:s9], $0x1000  }
0xba: {  	[sflag:s9] =	ssyncset.done $0x0  }
0xbb: {  	s7 =	rddreg [dreg:$0x1a];
	[sflag:s9] =	ssyncadd.s32 $0xFFFFF000  }
0xbc: {  	[spmem:s2] =	stream.indirect.scatter.add.f32 [tilespmem:s14], [sflag:$0x3], $0x20, s7, s11, $0xb8;
	[tilespmem:$0x1F000] =	vst v63  }
0xbd: {  	_ =	swait.ge [sflag:s9], $0x1000  }
0xbe: {  	[sflag:s9] =	ssyncset.done $0x0  }
0xbf: {  	s6 =	rddreg [dreg:$0x1b];
	[sflag:s9] =	ssyncadd.s32 $0xFFFFF000  }
0xc0: {  	[tilespmem:s8], [sflag:$0x1] =	stream.indirect.gather [hbm4b:s4+s11], $0x20, s6, s11, $0xb8;
	[tilespmem:$0x1F000] =	vst v63  }
0xc1: {  	s7 =	rddreg [dreg:$0x1c]  }
0xc2: {  	[tilespmem:s12], [sflag:$0x1] =	stream.indirect.gather [hbm4b:s4+s11], $0x20, s7, s11, $0xb8;
	[tilespmem:$0x1F000] =	vst v63  }
0xc3: {  	s0 =	rddreg [dreg:$0x1d]  }
0xc4: {  	[tilespmem:s13], [sflag:$0x2] =	stream.indirect.gather [hbm4b:s4+s11], $0x20, s0, s11, $0xb8;
	[tilespmem:$0x1F000] =	vst v63  }
0xc5: {  	s7 =	rddreg [dreg:$0x1e]  }
0xc6: {  	[tilespmem:s14], [sflag:$0x2] =	stream.indirect.gather [hbm4b:s4+s11], $0x20, s7, s11, $0xb8;
	[tilespmem:$0x1F000] =	vst v63  }
0xc7: {  	_ =	swait.ge [sflag:s15], $0x1000  }
0xc8: {  	[sflag:s15] =	ssyncset.done $0x0  }
0xc9: {  	[sflag:s15] =	ssyncadd.s32 $0xFFFFF000  }
0xca: {  	_ =	swait.ge [sflag:s15], $0x1000  }
0xcb: {  	[sflag:s15] =	ssyncset.done $0x0  }
0xcc: {  	s6 =	rddreg [dreg:$0x1f];
	[sflag:s15] =	ssyncadd.s32 $0xFFFFF000  }
0xcd: {  	[spmem:s2] =	stream.indirect.scatter.add.f32 [tilespmem:s8], [sflag:$0x3], $0x20, s6, s11, $0xb8;
	[tilespmem:$0x1F000] =	vst v63  }
0xce: {  	_ =	swait.ge [sflag:s9], $0x1000  }
0xcf: {  	s7 =	sld [smem:$0x7E8]  }
0xd0: {  	[sflag:s9] =	ssyncset.done $0x0  }
0xd1: {  	[sflag:s9] =	ssyncadd.s32 $0xFFFFF000  }
0xd2: {  	[spmem:s2] =	stream.indirect.scatter.add.f32 [tilespmem:s12], [sflag:$0x3], $0x20, s7, s11, $0xb8;
	[tilespmem:$0x1F000] =	vst v63  }
0xd3: {  	_ =	swait.ge [sflag:s9], $0x1000  }
0xd4: {  	[sflag:s9] =	ssyncset.done $0x0  }
0xd5: {  	[sflag:s9] =	ssyncadd.s32 $0xFFFFF000  }
0xd6: {  	_ =	swait.ge [sflag:s16], $0x1000  }
0xd7: {  	[sflag:s16] =	ssyncset.done $0x0  }
0xd8: {  	[sflag:s16] =	ssyncadd.s32 $0xFFFFF000  }
0xd9: {  	_ =	swait.ge [sflag:s16], $0x1000  }
0xda: {  	s6 =	sld [smem:$0x7E9]  }
0xdb: {  	[sflag:s16] =	ssyncset.done $0x0  }
0xdc: {  	[sflag:s16] =	ssyncadd.s32 $0xFFFFF000  }
0xdd: {  	[spmem:s2] =	stream.indirect.scatter.add.f32 [tilespmem:s13], [sflag:$0x3], $0x20, s6, s11, $0xb8;
	[tilespmem:$0x1F000] =	vst v63  }
0xde: {  	_ =	swait.ge [sflag:s9], $0x1000  }
0xdf: {  	s7 =	sld [smem:$0x7EA]  }
0xe0: {  	[sflag:s9] =	ssyncset.done $0x0  }
0xe1: {  	[sflag:s9] =	ssyncadd.s32 $0xFFFFF000  }
0xe2: {  	[spmem:s2] =	stream.indirect.scatter.add.f32 [tilespmem:s14], [sflag:$0x3], $0x20, s7, s11, $0xb8;
	[tilespmem:$0x1F000] =	vst v63  }
0xe3: {  	_ =	swait.ge [sflag:s9], $0x1000  }
0xe4: {  	s6 =	sld [smem:$0x7EB]  }
0xe5: {  	[sflag:s9] =	ssyncset.done $0x0  }
0xe6: {  	s7 =	sld [smem:$0x7EC];
	[sflag:s9] =	ssyncadd.s32 $0xFFFFF000  }
0xe7: {  	[tilespmem:s8], [sflag:$0x1] =	stream.indirect.gather [hbm4b:s4+s11], $0x20, s6, s11, $0xb8;
	[tilespmem:$0x1F000] =	vst v63  }
0xe8: {  	s0 =	sld [smem:$0x7ED]  }
0xe9: {  	[tilespmem:s12], [sflag:$0x1] =	stream.indirect.gather [hbm4b:s4+s11], $0x20, s7, s11, $0xb8;
	[tilespmem:$0x1F000] =	vst v63  }
0xea: {  	s7 =	sld [smem:$0x7EE]  }
0xeb: {  	[tilespmem:s13], [sflag:$0x2] =	stream.indirect.gather [hbm4b:s4+s11], $0x20, s0, s11, $0xb8;
	[tilespmem:$0x1F000] =	vst v63  }
0xec: {  	_ = 	snop  }
0xed: {  	[tilespmem:s14], [sflag:$0x2] =	stream.indirect.gather [hbm4b:s4+s11], $0x20, s7, s11, $0xb8;
	[tilespmem:$0x1F000] =	vst v63  }
0xee: {  	_ =	swait.ge [sflag:s15], $0x1000  }
0xef: {  	[sflag:s15] =	ssyncset.done $0x0  }
0xf0: {  	[sflag:s15] =	ssyncadd.s32 $0xFFFFF000  }
0xf1: {  	_ =	swait.ge [sflag:s15], $0x1000  }
0xf2: {  	s6 =	sld [smem:$0x7EF]  }
0xf3: {  	[sflag:s15] =	ssyncset.done $0x0  }
0xf4: {  	[sflag:s15] =	ssyncadd.s32 $0xFFFFF000  }
0xf5: {  	[spmem:s2] =	stream.indirect.scatter.add.f32 [tilespmem:s8], [sflag:$0x3], $0x20, s6, s11, $0xb8;
	[tilespmem:$0x1F000] =	vst v63  }
0xf6: {  	_ =	swait.ge [sflag:s9], $0x1000  }
0xf7: {  	s7 =	sld [smem:$0x7F0]  }
0xf8: {  	[sflag:s9] =	ssyncset.done $0x0  }
0xf9: {  	[sflag:s9] =	ssyncadd.s32 $0xFFFFF000  }
0xfa: {  	[spmem:s2] =	stream.indirect.scatter.add.f32 [tilespmem:s12], [sflag:$0x3], $0x20, s7, s11, $0xb8;
	[tilespmem:$0x1F000] =	vst v63  }
0xfb: {  	_ =	swait.ge [sflag:s9], $0x1000  }
0xfc: {  	[sflag:s9] =	ssyncset.done $0x0  }
0xfd: {  	[sflag:s9] =	ssyncadd.s32 $0xFFFFF000  }
0xfe: {  	_ =	swait.ge [sflag:s16], $0x1000  }
0xff: {  	[sflag:s16] =	ssyncset.done $0x0  }
0x100: {  	[sflag:s16] =	ssyncadd.s32 $0xFFFFF000  }
0x101: {  	_ =	swait.ge [sflag:s16], $0x1000  }
0x102: {  	s6 =	sld [smem:$0x7F2]  }
0x103: {  	[sflag:s16] =	ssyncset.done $0x0  }
0x104: {  	[sflag:s16] =	ssyncadd.s32 $0xFFFFF000  }
0x105: {  	[spmem:s2] =	stream.indirect.scatter.add.f32 [tilespmem:s13], [sflag:$0x3], $0x20, s6, s11, $0xb8;
	[tilespmem:$0x1F000] =	vst v63  }
0x106: {  	_ =	swait.ge [sflag:s9], $0x1000  }
0x107: {  	s7 =	sld [smem:$0x7F4]  }
0x108: {  	[sflag:s9] =	ssyncset.done $0x0  }
0x109: {  	[sflag:s9] =	ssyncadd.s32 $0xFFFFF000  }
0x10a: {  	[spmem:s2] =	stream.indirect.scatter.add.f32 [tilespmem:s14], [sflag:$0x3], $0x20, s7, s11, $0xb8;
	[tilespmem:$0x1F000] =	vst v63  }
0x10b: {  	_ =	swait.ge [sflag:s9], $0x1000  }
0x10c: {  	s6 =	sld [smem:$0x7F5]  }
0x10d: {  	[sflag:s9] =	ssyncset.done $0x0  }
0x10e: {  	s7 =	sld [smem:$0x7F6];
	[sflag:s9] =	ssyncadd.s32 $0xFFFFF000  }
0x10f: {  	[tilespmem:s8], [sflag:$0x1] =	stream.indirect.gather [hbm4b:s4+s11], $0x20, s6, s11, $0xb8;
	[tilespmem:$0x1F000] =	vst v63  }
0x110: {  	s0 =	sld [smem:$0x7F7]  }
0x111: {  	[tilespmem:s12], [sflag:$0x1] =	stream.indirect.gather [hbm4b:s4+s11], $0x20, s7, s11, $0xb8;
	[tilespmem:$0x1F000] =	vst v63  }
0x112: {  	s7 =	sld [smem:$0x7F8]  }
0x113: {  	[tilespmem:s13], [sflag:$0x2] =	stream.indirect.gather [hbm4b:s4+s11], $0x20, s0, s11, $0xb8;
	[tilespmem:$0x1F000] =	vst v63  }
0x114: {  	_ = 	snop  }
0x115: {  	[tilespmem:s14], [sflag:$0x2] =	stream.indirect.gather [hbm4b:s4+s11], $0x20, s7, s11, $0xb8;
	[tilespmem:$0x1F000] =	vst v63  }
0x116: {  	_ =	swait.ge [sflag:s15], $0x1000  }
0x117: {  	[sflag:s15] =	ssyncset.done $0x0  }
0x118: {  	[sflag:s15] =	ssyncadd.s32 $0xFFFFF000  }
0x119: {  	_ =	swait.ge [sflag:s15], $0x1000  }
0x11a: {  	s7 =	sld [smem:$0x7F9]  }
0x11b: {  	[sflag:s15] =	ssyncset.done $0x0  }
0x11c: {  	[sflag:s15] =	ssyncadd.s32 $0xFFFFF000  }
0x11d: {  	[spmem:s2] =	stream.indirect.scatter.add.f32 [tilespmem:s8], [sflag:$0x3], $0x20, s7, s11, $0xb8;
	[tilespmem:$0x1F000] =	vst v63  }
0x11e: {  	_ =	swait.ge [sflag:s9], $0x1000  }
0x11f: {  	s6 =	sld [smem:$0x7FA]  }
0x120: {  	[sflag:s9] =	ssyncset.done $0x0  }
0x121: {  	[sflag:s9] =	ssyncadd.s32 $0xFFFFF000  }
0x122: {  	[spmem:s2] =	stream.indirect.scatter.add.f32 [tilespmem:s12], [sflag:$0x3], $0x20, s6, s11, $0xb8;
	[tilespmem:$0x1F000] =	vst v63  }
0x123: {  	_ =	swait.ge [sflag:s9], $0x1000  }
0x124: {  	[sflag:s9] =	ssyncset.done $0x0  }
0x125: {  	[sflag:s9] =	ssyncadd.s32 $0xFFFFF000  }
0x126: {  	_ =	swait.ge [sflag:s16], $0x1000  }
0x127: {  	[sflag:s16] =	ssyncset.done $0x0  }
0x128: {  	[sflag:s16] =	ssyncadd.s32 $0xFFFFF000  }
0x129: {  	_ =	swait.ge [sflag:s16], $0x1000  }
0x12a: {  	s7 =	sld [smem:$0x7FB]  }
0x12b: {  	[sflag:s16] =	ssyncset.done $0x0  }
0x12c: {  	[sflag:s16] =	ssyncadd.s32 $0xFFFFF000  }
0x12d: {  	[spmem:s2] =	stream.indirect.scatter.add.f32 [tilespmem:s13], [sflag:$0x3], $0x20, s7, s11, $0xb8;
	[tilespmem:$0x1F000] =	vst v63  }
0x12e: {  	_ =	swait.ge [sflag:s9], $0x1000  }
0x12f: {  	s6 =	sld [smem:$0x7FC]  }
0x130: {  	[sflag:s9] =	ssyncset.done $0x0  }
0x131: {  	[sflag:s9] =	ssyncadd.s32 $0xFFFFF000  }
0x132: {  	[spmem:s2] =	stream.indirect.scatter.add.f32 [tilespmem:s14], [sflag:$0x3], $0x20, s6, s11, $0xb8;
	[tilespmem:$0x1F000] =	vst v63  }
0x133: {  	_ =	swait.ge [sflag:s9], $0x1000  }
0x134: {  	s7 =	sld [smem:$0x7FD]  }
0x135: {  	[sflag:s9] =	ssyncset.done $0x0  }
0x136: {  	[sflag:s9] =	ssyncadd.s32 $0xFFFFF000  }
0x137: {  	[tilespmem:s8], [sflag:$0x1] =	stream.indirect.gather [hbm4b:s4+s11], $0x20, s7, s11, $0xb8;
	[tilespmem:$0x1F000] =	vst v63  }
0x138: {  	_ = 	snop  }
0x139: {  	[tilespmem:s12], [sflag:$0x1] =	stream.indirect.gather [hbm4b:s4+s11], $0x20, s17, s11, $0xb8;
	[tilespmem:$0x1F000] =	vst v63  }
0x13a: {  	_ = 	snop  }
0x13b: {  	[tilespmem:s13], [sflag:$0x2] =	stream.indirect.gather [hbm4b:s4+s11], $0x20, s18, s11, $0xb8;
	[tilespmem:$0x1F000] =	vst v63  }
0x13c: {  	_ = 	snop  }
0x13d: {  	[tilespmem:s14], [sflag:$0x2] =	stream.indirect.gather [hbm4b:s4+s11], $0x20, s19, s11, $0xb8;
	[tilespmem:$0x1F000] =	vst v63  }
0x13e: {  	_ =	swait.ge [sflag:s15], $0x1000  }
0x13f: {  	[sflag:s15] =	ssyncset.done $0x0  }
0x140: {  	[sflag:s15] =	ssyncadd.s32 $0xFFFFF000  }
0x141: {  	_ =	swait.ge [sflag:s15], $0x1000  }
0x142: {  	[sflag:s15] =	ssyncset.done $0x0  }
0x143: {  	[sflag:s15] =	ssyncadd.s32 $0xFFFFF000  }
0x144: {  	[spmem:s2] =	stream.indirect.scatter.add.f32 [tilespmem:s8], [sflag:$0x3], $0x20, s20, s11, $0xb8;
	[tilespmem:$0x1F000] =	vst v63  }
0x145: {  	_ =	swait.ge [sflag:s9], $0x1000  }
0x146: {  	[sflag:s9] =	ssyncset.done $0x0  }
0x147: {  	[sflag:s9] =	ssyncadd.s32 $0xFFFFF000  }
0x148: {  	[spmem:s2] =	stream.indirect.scatter.add.f32 [tilespmem:s12], [sflag:$0x3], $0x20, s21, s11, $0xb8;
	[tilespmem:$0x1F000] =	vst v63  }
0x149: {  	_ =	swait.ge [sflag:s9], $0x1000  }
0x14a: {  	[sflag:s9] =	ssyncset.done $0x0  }
0x14b: {  	[sflag:s9] =	ssyncadd.s32 $0xFFFFF000  }
0x14c: {  	_ =	swait.ge [sflag:s16], $0x1000  }
0x14d: {  	[sflag:s16] =	ssyncset.done $0x0  }
0x14e: {  	[sflag:s16] =	ssyncadd.s32 $0xFFFFF000  }
0x14f: {  	_ =	swait.ge [sflag:s16], $0x1000  }
0x150: {  	[sflag:s16] =	ssyncset.done $0x0  }
0x151: {  	[sflag:s16] =	ssyncadd.s32 $0xFFFFF000  }
0x152: {  	[spmem:s2] =	stream.indirect.scatter.add.f32 [tilespmem:s13], [sflag:$0x3], $0x20, s22, s11, $0xb8;
	[tilespmem:$0x1F000] =	vst v63  }
0x153: {  	_ =	swait.ge [sflag:s9], $0x1000  }
0x154: {  	[sflag:s9] =	ssyncset.done $0x0  }
0x155: {  	[sflag:s9] =	ssyncadd.s32 $0xFFFFF000  }
0x156: {  	[spmem:s2] =	stream.indirect.scatter.add.f32 [tilespmem:s14], [sflag:$0x3], $0x20, s23, s11, $0xb8;
	[tilespmem:$0x1F000] =	vst v63  }
0x157: {  	_ =	swait.ge [sflag:s9], $0x1000  }
0x158: {  	[sflag:s9] =	ssyncset.done $0x0  }
0x159: {  	[sflag:s9] =	ssyncadd.s32 $0xFFFFF000  }
0x15a: {  	[tilespmem:s8], [sflag:$0x1] =	stream.indirect.gather [hbm4b:s4+s11], $0x20, s24, s11, $0xb8;
	[tilespmem:$0x1F000] =	vst v63  }
0x15b: {  	_ = 	snop  }
0x15c: {  	[tilespmem:s12], [sflag:$0x1] =	stream.indirect.gather [hbm4b:s4+s11], $0x20, s25, s11, $0xb8;
	[tilespmem:$0x1F000] =	vst v63  }
0x15d: {  	_ = 	snop  }
0x15e: {  	[tilespmem:s13], [sflag:$0x2] =	stream.indirect.gather [hbm4b:s4+s11], $0x20, s26, s11, $0xb8;
	[tilespmem:$0x1F000] =	vst v63  }
0x15f: {  	_ = 	snop  }
0x160: {  	[tilespmem:s14], [sflag:$0x2] =	stream.indirect.gather [hbm4b:s4+s11], $0x20, s28, s11, $0xb8;
	[tilespmem:$0x1F000] =	vst v63  }
0x161: {  	_ =	swait.ge [sflag:s15], $0x1000  }
0x162: {  	[sflag:s15] =	ssyncset.done $0x0  }
0x163: {  	[sflag:s15] =	ssyncadd.s32 $0xFFFFF000  }
0x164: {  	_ =	swait.ge [sflag:s15], $0x1000  }
0x165: {  	[sflag:s15] =	ssyncset.done $0x0  }
0x166: {  	[sflag:s15] =	ssyncadd.s32 $0xFFFFF000  }
0x167: {  	[spmem:s2] =	stream.indirect.scatter.add.f32 [tilespmem:s8], [sflag:$0x3], $0x20, s29, s11, $0xb8;
	[tilespmem:$0x1F000] =	vst v63  }
0x168: {  	_ =	swait.ge [sflag:s9], $0x1000  }
0x169: {  	[sflag:s9] =	ssyncset.done $0x0  }
0x16a: {  	[sflag:s9] =	ssyncadd.s32 $0xFFFFF000  }
0x16b: {  	[spmem:s2] =	stream.indirect.scatter.add.f32 [tilespmem:s12], [sflag:$0x3], $0x20, s30, s11, $0xb8;
	[tilespmem:$0x1F000] =	vst v63  }
0x16c: {  	_ =	swait.ge [sflag:s9], $0x1000  }
0x16d: {  	[sflag:s9] =	ssyncset.done $0x0  }
0x16e: {  	[sflag:s9] =	ssyncadd.s32 $0xFFFFF000  }
0x16f: {  	_ =	swait.ge [sflag:s16], $0x1000  }
0x170: {  	[sflag:s16] =	ssyncset.done $0x0  }
0x171: {  	[sflag:s16] =	ssyncadd.s32 $0xFFFFF000  }
0x172: {  	_ =	swait.ge [sflag:s16], $0x1000  }
0x173: {  	[sflag:s16] =	ssyncset.done $0x0  }
0x174: {  	[sflag:s16] =	ssyncadd.s32 $0xFFFFF000  }
0x175: {  	[spmem:s2] =	stream.indirect.scatter.add.f32 [tilespmem:s13], [sflag:$0x3], $0x20, s31, s11, $0xb8;
	[tilespmem:$0x1F000] =	vst v63  }
0x176: {  	_ =	swait.ge [sflag:s9], $0x1000  }
0x177: {  	[sflag:s9] =	ssyncset.done $0x0  }
0x178: {  	[sflag:s9] =	ssyncadd.s32 $0xFFFFF000  }
0x179: {  	[spmem:s2] =	stream.indirect.scatter.add.f32 [tilespmem:s14], [sflag:$0x3], $0x20, s1, s11, $0xb8;
	[tilespmem:$0x1F000] =	vst v63  }
0x17a: {  	s6 =	simm.s32 $0x200;
	_ =	swait.ge [sflag:s9], $0x1000  }
0x17b: {  	s7 =	simm.s32 $0x400;
	s0 =	rddreg [dreg:$0x5];
	[sflag:s9] =	ssyncset.done $0x0  }
.LBB2_6:
0x17c: {  	[sflag:s9] =	ssyncadd.s32 $0xFFFFF000;
	s0 =	sadd.s32 s6, s0  }
0x17d: {  	[tilespmem:s3], [sflag:$0x3] =	stream.linear.gather [hbm4b:s0+s3], $0x1000, $0x38;
	[tilespmem:$0x1F000] =	vst v63  }
0x17e: {  	_ =	swait.ge [sflag:s9], $0x1000  }
0x17f: {  	s0 =	rddreg [dreg:$0x4];
	[sflag:s9] =	ssyncset.done $0x0  }
0x180: {  	[sflag:s9] =	ssyncadd.s32 $0xFFFFF000;
	s0 =	sadd.s32 s6, s0  }
0x181: {  	[tilespmem:s10], [sflag:$0x3] =	stream.linear.gather [hbm4b:s0+s3], $0x1000, $0x38;
	[tilespmem:$0x1F000] =	vst v63  }
0x182: {  	_ =	swait.ge [sflag:s9], $0x1000  }
0x183: {  	[sflag:s9] =	ssyncset.done $0x0  }
0x184: {  	[sflag:s9] =	ssyncadd.s32 $0xFFFFF000  }
0x185: {  	[tilespmem:s8], [sflag:$0x1] =	stream.indirect.gather [hbm4b:s4+s11], $0x20, s3, s11, $0xb8;
	[tilespmem:$0x1F000] =	vst v63  }
0x186: {  	_ = 	snop  }
0x187: {  	[tilespmem:s12], [sflag:$0x1] =	stream.indirect.gather [hbm4b:s4+s11], $0x20, s11, s11, $0xb8;
	[tilespmem:$0x1F000] =	vst v63  }
0x188: {  	s17 =	smov.u32 s7;
	s0 =	rddreg [dreg:$0x6]  }
0x189: {  	[tilespmem:s13], [sflag:$0x2] =	stream.indirect.gather [hbm4b:s4+s11], $0x20, s0, s11, $0xb8;
	[tilespmem:$0x1F000] =	vst v63  }
0x18a: {  	s6 =	smov.u32 s17;
	s17 =	rddreg [dreg:$0x7]  }
0x18b: {  	[tilespmem:s14], [sflag:$0x2] =	stream.indirect.gather [hbm4b:s4+s11], $0x20, s17, s11, $0xb8;
	[tilespmem:$0x1F000] =	vst v63  }
0x18c: {  	_ =	swait.ge [sflag:s15], $0x1000  }
0x18d: {  	[sflag:s15] =	ssyncset.done $0x0  }
0x18e: {  	[sflag:s15] =	ssyncadd.s32 $0xFFFFF000  }
0x18f: {  	_ =	swait.ge [sflag:s15], $0x1000  }
0x190: {  	[sflag:s15] =	ssyncset.done $0x0  }
0x191: {  	[sflag:s15] =	ssyncadd.s32 $0xFFFFF000  }
0x192: {  	[spmem:s2] =	stream.indirect.scatter.add.f32 [tilespmem:s8], [sflag:$0x3], $0x20, s10, s11, $0xb8;
	[tilespmem:$0x1F000] =	vst v63  }
0x193: {  	_ =	swait.ge [sflag:s9], $0x1000  }
0x194: {  	[sflag:s9] =	ssyncset.done $0x0  }
0x195: {  	s17 =	rddreg [dreg:$0x8];
	[sflag:s9] =	ssyncadd.s32 $0xFFFFF000  }
0x196: {  	[spmem:s2] =	stream.indirect.scatter.add.f32 [tilespmem:s12], [sflag:$0x3], $0x20, s17, s11, $0xb8;
	[tilespmem:$0x1F000] =	vst v63  }
0x197: {  	_ =	swait.ge [sflag:s9], $0x1000  }
0x198: {  	[sflag:s9] =	ssyncset.done $0x0  }
0x199: {  	[sflag:s9] =	ssyncadd.s32 $0xFFFFF000  }
0x19a: {  	_ =	swait.ge [sflag:s16], $0x1000  }
0x19b: {  	[sflag:s16] =	ssyncset.done $0x0  }
0x19c: {  	[sflag:s16] =	ssyncadd.s32 $0xFFFFF000  }
0x19d: {  	_ =	swait.ge [sflag:s16], $0x1000  }
0x19e: {  	[sflag:s16] =	ssyncset.done $0x0  }
0x19f: {  	s17 =	rddreg [dreg:$0x9];
	[sflag:s16] =	ssyncadd.s32 $0xFFFFF000  }
0x1a0: {  	[spmem:s2] =	stream.indirect.scatter.add.f32 [tilespmem:s13], [sflag:$0x3], $0x20, s17, s11, $0xb8;
	[tilespmem:$0x1F000] =	vst v63  }
0x1a1: {  	_ =	swait.ge [sflag:s9], $0x1000  }
0x1a2: {  	[sflag:s9] =	ssyncset.done $0x0  }
0x1a3: {  	s17 =	rddreg [dreg:$0xa];
	[sflag:s9] =	ssyncadd.s32 $0xFFFFF000  }
0x1a4: {  	[spmem:s2] =	stream.indirect.scatter.add.f32 [tilespmem:s14], [sflag:$0x3], $0x20, s17, s11, $0xb8;
	[tilespmem:$0x1F000] =	vst v63  }
0x1a5: {  	_ =	swait.ge [sflag:s9], $0x1000  }
0x1a6: {  	[sflag:s9] =	ssyncset.done $0x0  }
0x1a7: {  	s0 =	rddreg [dreg:$0xb];
	[sflag:s9] =	ssyncadd.s32 $0xFFFFF000  }
0x1a8: {  	[tilespmem:s8], [sflag:$0x1] =	stream.indirect.gather [hbm4b:s4+s11], $0x20, s0, s11, $0xb8;
	[tilespmem:$0x1F000] =	vst v63  }
0x1a9: {  	s17 =	rddreg [dreg:$0xc]  }
0x1aa: {  	[tilespmem:s12], [sflag:$0x1] =	stream.indirect.gather [hbm4b:s4+s11], $0x20, s17, s11, $0xb8;
	[tilespmem:$0x1F000] =	vst v63  }
0x1ab: {  	s0 =	rddreg [dreg:$0xd]  }
0x1ac: {  	[tilespmem:s13], [sflag:$0x2] =	stream.indirect.gather [hbm4b:s4+s11], $0x20, s0, s11, $0xb8;
	[tilespmem:$0x1F000] =	vst v63  }
0x1ad: {  	s17 =	rddreg [dreg:$0xe]  }
0x1ae: {  	[tilespmem:s14], [sflag:$0x2] =	stream.indirect.gather [hbm4b:s4+s11], $0x20, s17, s11, $0xb8;
	[tilespmem:$0x1F000] =	vst v63  }
0x1af: {  	_ =	swait.ge [sflag:s15], $0x1000  }
0x1b0: {  	[sflag:s15] =	ssyncset.done $0x0  }
0x1b1: {  	[sflag:s15] =	ssyncadd.s32 $0xFFFFF000  }
0x1b2: {  	_ =	swait.ge [sflag:s15], $0x1000  }
0x1b3: {  	[sflag:s15] =	ssyncset.done $0x0  }
0x1b4: {  	s17 =	rddreg [dreg:$0xf];
	[sflag:s15] =	ssyncadd.s32 $0xFFFFF000  }
0x1b5: {  	[spmem:s2] =	stream.indirect.scatter.add.f32 [tilespmem:s8], [sflag:$0x3], $0x20, s17, s11, $0xb8;
	[tilespmem:$0x1F000] =	vst v63  }
0x1b6: {  	_ =	swait.ge [sflag:s9], $0x1000  }
0x1b7: {  	[sflag:s9] =	ssyncset.done $0x0  }
0x1b8: {  	s17 =	rddreg [dreg:$0x10];
	[sflag:s9] =	ssyncadd.s32 $0xFFFFF000  }
0x1b9: {  	[spmem:s2] =	stream.indirect.scatter.add.f32 [tilespmem:s12], [sflag:$0x3], $0x20, s17, s11, $0xb8;
	[tilespmem:$0x1F000] =	vst v63  }
0x1ba: {  	_ =	swait.ge [sflag:s9], $0x1000  }
0x1bb: {  	[sflag:s9] =	ssyncset.done $0x0  }
0x1bc: {  	[sflag:s9] =	ssyncadd.s32 $0xFFFFF000  }
0x1bd: {  	_ =	swait.ge [sflag:s16], $0x1000  }
0x1be: {  	[sflag:s16] =	ssyncset.done $0x0  }
0x1bf: {  	[sflag:s16] =	ssyncadd.s32 $0xFFFFF000  }
0x1c0: {  	_ =	swait.ge [sflag:s16], $0x1000  }
0x1c1: {  	[sflag:s16] =	ssyncset.done $0x0  }
0x1c2: {  	s17 =	rddreg [dreg:$0x11];
	[sflag:s16] =	ssyncadd.s32 $0xFFFFF000  }
0x1c3: {  	[spmem:s2] =	stream.indirect.scatter.add.f32 [tilespmem:s13], [sflag:$0x3], $0x20, s17, s11, $0xb8;
	[tilespmem:$0x1F000] =	vst v63  }
0x1c4: {  	_ =	swait.ge [sflag:s9], $0x1000  }
0x1c5: {  	[sflag:s9] =	ssyncset.done $0x0  }
0x1c6: {  	s17 =	rddreg [dreg:$0x12];
	[sflag:s9] =	ssyncadd.s32 $0xFFFFF000  }
0x1c7: {  	[spmem:s2] =	stream.indirect.scatter.add.f32 [tilespmem:s14], [sflag:$0x3], $0x20, s17, s11, $0xb8;
	[tilespmem:$0x1F000] =	vst v63  }
0x1c8: {  	_ =	swait.ge [sflag:s9], $0x1000  }
0x1c9: {  	[sflag:s9] =	ssyncset.done $0x0  }
0x1ca: {  	s0 =	rddreg [dreg:$0x13];
	[sflag:s9] =	ssyncadd.s32 $0xFFFFF000  }
0x1cb: {  	[tilespmem:s8], [sflag:$0x1] =	stream.indirect.gather [hbm4b:s4+s11], $0x20, s0, s11, $0xb8;
	[tilespmem:$0x1F000] =	vst v63  }
0x1cc: {  	s17 =	rddreg [dreg:$0x14]  }
0x1cd: {  	[tilespmem:s12], [sflag:$0x1] =	stream.indirect.gather [hbm4b:s4+s11], $0x20, s17, s11, $0xb8;
	[tilespmem:$0x1F000] =	vst v63  }
0x1ce: {  	s0 =	rddreg [dreg:$0x15]  }
0x1cf: {  	[tilespmem:s13], [sflag:$0x2] =	stream.indirect.gather [hbm4b:s4+s11], $0x20, s0, s11, $0xb8;
	[tilespmem:$0x1F000] =	vst v63  }
0x1d0: {  	s17 =	rddreg [dreg:$0x16]  }
0x1d1: {  	[tilespmem:s14], [sflag:$0x2] =	stream.indirect.gather [hbm4b:s4+s11], $0x20, s17, s11, $0xb8;
	[tilespmem:$0x1F000] =	vst v63  }
0x1d2: {  	_ =	swait.ge [sflag:s15], $0x1000  }
0x1d3: {  	[sflag:s15] =	ssyncset.done $0x0  }
0x1d4: {  	[sflag:s15] =	ssyncadd.s32 $0xFFFFF000  }
0x1d5: {  	_ =	swait.ge [sflag:s15], $0x1000  }
0x1d6: {  	[sflag:s15] =	ssyncset.done $0x0  }
0x1d7: {  	s17 =	rddreg [dreg:$0x17];
	[sflag:s15] =	ssyncadd.s32 $0xFFFFF000  }
0x1d8: {  	[spmem:s2] =	stream.indirect.scatter.add.f32 [tilespmem:s8], [sflag:$0x3], $0x20, s17, s11, $0xb8;
	[tilespmem:$0x1F000] =	vst v63  }
0x1d9: {  	_ =	swait.ge [sflag:s9], $0x1000  }
0x1da: {  	[sflag:s9] =	ssyncset.done $0x0  }
0x1db: {  	s17 =	rddreg [dreg:$0x18];
	[sflag:s9] =	ssyncadd.s32 $0xFFFFF000  }
0x1dc: {  	[spmem:s2] =	stream.indirect.scatter.add.f32 [tilespmem:s12], [sflag:$0x3], $0x20, s17, s11, $0xb8;
	[tilespmem:$0x1F000] =	vst v63  }
0x1dd: {  	_ =	swait.ge [sflag:s9], $0x1000  }
0x1de: {  	[sflag:s9] =	ssyncset.done $0x0  }
0x1df: {  	[sflag:s9] =	ssyncadd.s32 $0xFFFFF000  }
0x1e0: {  	_ =	swait.ge [sflag:s16], $0x1000  }
0x1e1: {  	[sflag:s16] =	ssyncset.done $0x0  }
0x1e2: {  	[sflag:s16] =	ssyncadd.s32 $0xFFFFF000  }
0x1e3: {  	_ =	swait.ge [sflag:s16], $0x1000  }
0x1e4: {  	[sflag:s16] =	ssyncset.done $0x0  }
0x1e5: {  	s17 =	rddreg [dreg:$0x19];
	[sflag:s16] =	ssyncadd.s32 $0xFFFFF000  }
0x1e6: {  	[spmem:s2] =	stream.indirect.scatter.add.f32 [tilespmem:s13], [sflag:$0x3], $0x20, s17, s11, $0xb8;
	[tilespmem:$0x1F000] =	vst v63  }
0x1e7: {  	_ =	swait.ge [sflag:s9], $0x1000  }
0x1e8: {  	[sflag:s9] =	ssyncset.done $0x0  }
0x1e9: {  	s17 =	rddreg [dreg:$0x1a];
	[sflag:s9] =	ssyncadd.s32 $0xFFFFF000  }
0x1ea: {  	[spmem:s2] =	stream.indirect.scatter.add.f32 [tilespmem:s14], [sflag:$0x3], $0x20, s17, s11, $0xb8;
	[tilespmem:$0x1F000] =	vst v63  }
0x1eb: {  	_ =	swait.ge [sflag:s9], $0x1000  }
0x1ec: {  	[sflag:s9] =	ssyncset.done $0x0  }
0x1ed: {  	s0 =	rddreg [dreg:$0x1b];
	[sflag:s9] =	ssyncadd.s32 $0xFFFFF000  }
0x1ee: {  	[tilespmem:s8], [sflag:$0x1] =	stream.indirect.gather [hbm4b:s4+s11], $0x20, s0, s11, $0xb8;
	[tilespmem:$0x1F000] =	vst v63  }
0x1ef: {  	s17 =	rddreg [dreg:$0x1c]  }
0x1f0: {  	[tilespmem:s12], [sflag:$0x1] =	stream.indirect.gather [hbm4b:s4+s11], $0x20, s17, s11, $0xb8;
	[tilespmem:$0x1F000] =	vst v63  }
0x1f1: {  	s0 =	rddreg [dreg:$0x1d]  }
0x1f2: {  	[tilespmem:s13], [sflag:$0x2] =	stream.indirect.gather [hbm4b:s4+s11], $0x20, s0, s11, $0xb8;
	[tilespmem:$0x1F000] =	vst v63  }
0x1f3: {  	s17 =	rddreg [dreg:$0x1e]  }
0x1f4: {  	[tilespmem:s14], [sflag:$0x2] =	stream.indirect.gather [hbm4b:s4+s11], $0x20, s17, s11, $0xb8;
	[tilespmem:$0x1F000] =	vst v63  }
0x1f5: {  	_ =	swait.ge [sflag:s15], $0x1000  }
0x1f6: {  	[sflag:s15] =	ssyncset.done $0x0  }
0x1f7: {  	[sflag:s15] =	ssyncadd.s32 $0xFFFFF000  }
0x1f8: {  	_ =	swait.ge [sflag:s15], $0x1000  }
0x1f9: {  	[sflag:s15] =	ssyncset.done $0x0  }
0x1fa: {  	s17 =	rddreg [dreg:$0x1f];
	[sflag:s15] =	ssyncadd.s32 $0xFFFFF000  }
0x1fb: {  	[spmem:s2] =	stream.indirect.scatter.add.f32 [tilespmem:s8], [sflag:$0x3], $0x20, s17, s11, $0xb8;
	[tilespmem:$0x1F000] =	vst v63  }
0x1fc: {  	_ =	swait.ge [sflag:s9], $0x1000  }
0x1fd: {  	s17 =	sld [smem:$0x7E8]  }
0x1fe: {  	[sflag:s9] =	ssyncset.done $0x0  }
0x1ff: {  	[sflag:s9] =	ssyncadd.s32 $0xFFFFF000  }
0x200: {  	[spmem:s2] =	stream.indirect.scatter.add.f32 [tilespmem:s12], [sflag:$0x3], $0x20, s17, s11, $0xb8;
	[tilespmem:$0x1F000] =	vst v63  }
0x201: {  	_ =	swait.ge [sflag:s9], $0x1000  }
0x202: {  	[sflag:s9] =	ssyncset.done $0x0  }
0x203: {  	[sflag:s9] =	ssyncadd.s32 $0xFFFFF000  }
0x204: {  	_ =	swait.ge [sflag:s16], $0x1000  }
0x205: {  	[sflag:s16] =	ssyncset.done $0x0  }
0x206: {  	[sflag:s16] =	ssyncadd.s32 $0xFFFFF000  }
0x207: {  	_ =	swait.ge [sflag:s16], $0x1000  }
0x208: {  	s17 =	sld [smem:$0x7E9]  }
0x209: {  	[sflag:s16] =	ssyncset.done $0x0  }
0x20a: {  	[sflag:s16] =	ssyncadd.s32 $0xFFFFF000  }
0x20b: {  	[spmem:s2] =	stream.indirect.scatter.add.f32 [tilespmem:s13], [sflag:$0x3], $0x20, s17, s11, $0xb8;
	[tilespmem:$0x1F000] =	vst v63  }
0x20c: {  	_ =	swait.ge [sflag:s9], $0x1000  }
0x20d: {  	s17 =	sld [smem:$0x7EA]  }
0x20e: {  	[sflag:s9] =	ssyncset.done $0x0  }
0x20f: {  	[sflag:s9] =	ssyncadd.s32 $0xFFFFF000  }
0x210: {  	[spmem:s2] =	stream.indirect.scatter.add.f32 [tilespmem:s14], [sflag:$0x3], $0x20, s17, s11, $0xb8;
	[tilespmem:$0x1F000] =	vst v63  }
0x211: {  	_ =	swait.ge [sflag:s9], $0x1000  }
0x212: {  	s0 =	sld [smem:$0x7EB]  }
0x213: {  	[sflag:s9] =	ssyncset.done $0x0  }
0x214: {  	s17 =	sld [smem:$0x7EC];
	[sflag:s9] =	ssyncadd.s32 $0xFFFFF000  }
0x215: {  	[tilespmem:s8], [sflag:$0x1] =	stream.indirect.gather [hbm4b:s4+s11], $0x20, s0, s11, $0xb8;
	[tilespmem:$0x1F000] =	vst v63  }
0x216: {  	s0 =	sld [smem:$0x7ED]  }
0x217: {  	[tilespmem:s12], [sflag:$0x1] =	stream.indirect.gather [hbm4b:s4+s11], $0x20, s17, s11, $0xb8;
	[tilespmem:$0x1F000] =	vst v63  }
0x218: {  	s17 =	sld [smem:$0x7EE]  }
0x219: {  	[tilespmem:s13], [sflag:$0x2] =	stream.indirect.gather [hbm4b:s4+s11], $0x20, s0, s11, $0xb8;
	[tilespmem:$0x1F000] =	vst v63  }
0x21a: {  	_ = 	snop  }
0x21b: {  	[tilespmem:s14], [sflag:$0x2] =	stream.indirect.gather [hbm4b:s4+s11], $0x20, s17, s11, $0xb8;
	[tilespmem:$0x1F000] =	vst v63  }
0x21c: {  	_ =	swait.ge [sflag:s15], $0x1000  }
0x21d: {  	[sflag:s15] =	ssyncset.done $0x0  }
0x21e: {  	[sflag:s15] =	ssyncadd.s32 $0xFFFFF000  }
0x21f: {  	_ =	swait.ge [sflag:s15], $0x1000  }
0x220: {  	s17 =	sld [smem:$0x7EF]  }
0x221: {  	[sflag:s15] =	ssyncset.done $0x0  }
0x222: {  	[sflag:s15] =	ssyncadd.s32 $0xFFFFF000  }
0x223: {  	[spmem:s2] =	stream.indirect.scatter.add.f32 [tilespmem:s8], [sflag:$0x3], $0x20, s17, s11, $0xb8;
	[tilespmem:$0x1F000] =	vst v63  }
0x224: {  	_ =	swait.ge [sflag:s9], $0x1000  }
0x225: {  	s17 =	sld [smem:$0x7F0]  }
0x226: {  	[sflag:s9] =	ssyncset.done $0x0  }
0x227: {  	[sflag:s9] =	ssyncadd.s32 $0xFFFFF000  }
0x228: {  	[spmem:s2] =	stream.indirect.scatter.add.f32 [tilespmem:s12], [sflag:$0x3], $0x20, s17, s11, $0xb8;
	[tilespmem:$0x1F000] =	vst v63  }
0x229: {  	_ =	swait.ge [sflag:s9], $0x1000  }
0x22a: {  	[sflag:s9] =	ssyncset.done $0x0  }
0x22b: {  	[sflag:s9] =	ssyncadd.s32 $0xFFFFF000  }
0x22c: {  	_ =	swait.ge [sflag:s16], $0x1000  }
0x22d: {  	[sflag:s16] =	ssyncset.done $0x0  }
0x22e: {  	[sflag:s16] =	ssyncadd.s32 $0xFFFFF000  }
0x22f: {  	_ =	swait.ge [sflag:s16], $0x1000  }
0x230: {  	s17 =	sld [smem:$0x7F2]  }
0x231: {  	[sflag:s16] =	ssyncset.done $0x0  }
0x232: {  	[sflag:s16] =	ssyncadd.s32 $0xFFFFF000  }
0x233: {  	[spmem:s2] =	stream.indirect.scatter.add.f32 [tilespmem:s13], [sflag:$0x3], $0x20, s17, s11, $0xb8;
	[tilespmem:$0x1F000] =	vst v63  }
0x234: {  	_ =	swait.ge [sflag:s9], $0x1000  }
0x235: {  	s17 =	sld [smem:$0x7F4]  }
0x236: {  	[sflag:s9] =	ssyncset.done $0x0  }
0x237: {  	[sflag:s9] =	ssyncadd.s32 $0xFFFFF000  }
0x238: {  	[spmem:s2] =	stream.indirect.scatter.add.f32 [tilespmem:s14], [sflag:$0x3], $0x20, s17, s11, $0xb8;
	[tilespmem:$0x1F000] =	vst v63  }
0x239: {  	_ =	swait.ge [sflag:s9], $0x1000  }
0x23a: {  	s0 =	sld [smem:$0x7F5]  }
0x23b: {  	[sflag:s9] =	ssyncset.done $0x0  }
0x23c: {  	s17 =	sld [smem:$0x7F6];
	[sflag:s9] =	ssyncadd.s32 $0xFFFFF000  }
0x23d: {  	[tilespmem:s8], [sflag:$0x1] =	stream.indirect.gather [hbm4b:s4+s11], $0x20, s0, s11, $0xb8;
	[tilespmem:$0x1F000] =	vst v63  }
0x23e: {  	s0 =	sld [smem:$0x7F7]  }
0x23f: {  	[tilespmem:s12], [sflag:$0x1] =	stream.indirect.gather [hbm4b:s4+s11], $0x20, s17, s11, $0xb8;
	[tilespmem:$0x1F000] =	vst v63  }
0x240: {  	s17 =	sld [smem:$0x7F8]  }
0x241: {  	[tilespmem:s13], [sflag:$0x2] =	stream.indirect.gather [hbm4b:s4+s11], $0x20, s0, s11, $0xb8;
	[tilespmem:$0x1F000] =	vst v63  }
0x242: {  	_ = 	snop  }
0x243: {  	[tilespmem:s14], [sflag:$0x2] =	stream.indirect.gather [hbm4b:s4+s11], $0x20, s17, s11, $0xb8;
	[tilespmem:$0x1F000] =	vst v63  }
0x244: {  	_ =	swait.ge [sflag:s15], $0x1000  }
0x245: {  	[sflag:s15] =	ssyncset.done $0x0  }
0x246: {  	[sflag:s15] =	ssyncadd.s32 $0xFFFFF000  }
0x247: {  	_ =	swait.ge [sflag:s15], $0x1000  }
0x248: {  	s0 =	sld [smem:$0x7F9]  }
0x249: {  	[sflag:s15] =	ssyncset.done $0x0  }
0x24a: {  	[sflag:s15] =	ssyncadd.s32 $0xFFFFF000  }
0x24b: {  	[spmem:s2] =	stream.indirect.scatter.add.f32 [tilespmem:s8], [sflag:$0x3], $0x20, s0, s11, $0xb8;
	[tilespmem:$0x1F000] =	vst v63  }
0x24c: {  	_ =	swait.ge [sflag:s9], $0x1000  }
0x24d: {  	s0 =	sld [smem:$0x7FA]  }
0x24e: {  	[sflag:s9] =	ssyncset.done $0x0  }
0x24f: {  	[sflag:s9] =	ssyncadd.s32 $0xFFFFF000  }
0x250: {  	[spmem:s2] =	stream.indirect.scatter.add.f32 [tilespmem:s12], [sflag:$0x3], $0x20, s0, s11, $0xb8;
	[tilespmem:$0x1F000] =	vst v63  }
0x251: {  	_ =	swait.ge [sflag:s9], $0x1000  }
0x252: {  	[sflag:s9] =	ssyncset.done $0x0  }
0x253: {  	[sflag:s9] =	ssyncadd.s32 $0xFFFFF000  }
0x254: {  	_ =	swait.ge [sflag:s16], $0x1000  }
0x255: {  	[sflag:s16] =	ssyncset.done $0x0  }
0x256: {  	[sflag:s16] =	ssyncadd.s32 $0xFFFFF000  }
0x257: {  	_ =	swait.ge [sflag:s16], $0x1000  }
0x258: {  	s0 =	sld [smem:$0x7FB]  }
0x259: {  	[sflag:s16] =	ssyncset.done $0x0  }
0x25a: {  	[sflag:s16] =	ssyncadd.s32 $0xFFFFF000  }
0x25b: {  	[spmem:s2] =	stream.indirect.scatter.add.f32 [tilespmem:s13], [sflag:$0x3], $0x20, s0, s11, $0xb8;
	[tilespmem:$0x1F000] =	vst v63  }
0x25c: {  	_ =	swait.ge [sflag:s9], $0x1000  }
0x25d: {  	s0 =	sld [smem:$0x7FC]  }
0x25e: {  	[sflag:s9] =	ssyncset.done $0x0  }
0x25f: {  	[sflag:s9] =	ssyncadd.s32 $0xFFFFF000  }
0x260: {  	[spmem:s2] =	stream.indirect.scatter.add.f32 [tilespmem:s14], [sflag:$0x3], $0x20, s0, s11, $0xb8;
	[tilespmem:$0x1F000] =	vst v63  }
0x261: {  	_ =	swait.ge [sflag:s9], $0x1000  }
0x262: {  	s0 =	sld [smem:$0x7FD]  }
0x263: {  	[sflag:s9] =	ssyncset.done $0x0  }
0x264: {  	[sflag:s9] =	ssyncadd.s32 $0xFFFFF000  }
0x265: {  	[tilespmem:s8], [sflag:$0x1] =	stream.indirect.gather [hbm4b:s4+s11], $0x20, s0, s11, $0xb8;
	[tilespmem:$0x1F000] =	vst v63  }
0x266: {  	s17 =	simm.s32 $0xC80  }
0x267: {  	[tilespmem:s12], [sflag:$0x1] =	stream.indirect.gather [hbm4b:s4+s11], $0x20, s17, s11, $0xb8;
	[tilespmem:$0x1F000] =	vst v63  }
0x268: {  	_ = 	snop  }
0x269: {  	[tilespmem:s13], [sflag:$0x2] =	stream.indirect.gather [hbm4b:s4+s11], $0x20, s18, s11, $0xb8;
	[tilespmem:$0x1F000] =	vst v63  }
0x26a: {  	_ = 	snop  }
0x26b: {  	[tilespmem:s14], [sflag:$0x2] =	stream.indirect.gather [hbm4b:s4+s11], $0x20, s19, s11, $0xb8;
	[tilespmem:$0x1F000] =	vst v63  }
0x26c: {  	_ =	swait.ge [sflag:s15], $0x1000  }
0x26d: {  	[sflag:s15] =	ssyncset.done $0x0  }
0x26e: {  	[sflag:s15] =	ssyncadd.s32 $0xFFFFF000  }
0x26f: {  	_ =	swait.ge [sflag:s15], $0x1000  }
0x270: {  	[sflag:s15] =	ssyncset.done $0x0  }
0x271: {  	[sflag:s15] =	ssyncadd.s32 $0xFFFFF000  }
0x272: {  	[spmem:s2] =	stream.indirect.scatter.add.f32 [tilespmem:s8], [sflag:$0x3], $0x20, s20, s11, $0xb8;
	[tilespmem:$0x1F000] =	vst v63  }
0x273: {  	_ =	swait.ge [sflag:s9], $0x1000  }
0x274: {  	[sflag:s9] =	ssyncset.done $0x0  }
0x275: {  	[sflag:s9] =	ssyncadd.s32 $0xFFFFF000  }
0x276: {  	[spmem:s2] =	stream.indirect.scatter.add.f32 [tilespmem:s12], [sflag:$0x3], $0x20, s21, s11, $0xb8;
	[tilespmem:$0x1F000] =	vst v63  }
0x277: {  	_ =	swait.ge [sflag:s9], $0x1000  }
0x278: {  	[sflag:s9] =	ssyncset.done $0x0  }
0x279: {  	[sflag:s9] =	ssyncadd.s32 $0xFFFFF000  }
0x27a: {  	_ =	swait.ge [sflag:s16], $0x1000  }
0x27b: {  	[sflag:s16] =	ssyncset.done $0x0  }
0x27c: {  	[sflag:s16] =	ssyncadd.s32 $0xFFFFF000  }
0x27d: {  	_ =	swait.ge [sflag:s16], $0x1000  }
0x27e: {  	[sflag:s16] =	ssyncset.done $0x0  }
0x27f: {  	[sflag:s16] =	ssyncadd.s32 $0xFFFFF000  }
0x280: {  	[spmem:s2] =	stream.indirect.scatter.add.f32 [tilespmem:s13], [sflag:$0x3], $0x20, s22, s11, $0xb8;
	[tilespmem:$0x1F000] =	vst v63  }
0x281: {  	_ =	swait.ge [sflag:s9], $0x1000  }
0x282: {  	[sflag:s9] =	ssyncset.done $0x0  }
0x283: {  	[sflag:s9] =	ssyncadd.s32 $0xFFFFF000  }
0x284: {  	[spmem:s2] =	stream.indirect.scatter.add.f32 [tilespmem:s14], [sflag:$0x3], $0x20, s23, s11, $0xb8;
	[tilespmem:$0x1F000] =	vst v63  }
0x285: {  	_ =	swait.ge [sflag:s9], $0x1000  }
0x286: {  	[sflag:s9] =	ssyncset.done $0x0  }
0x287: {  	[sflag:s9] =	ssyncadd.s32 $0xFFFFF000  }
0x288: {  	[tilespmem:s8], [sflag:$0x1] =	stream.indirect.gather [hbm4b:s4+s11], $0x20, s24, s11, $0xb8;
	[tilespmem:$0x1F000] =	vst v63  }
0x289: {  	_ = 	snop  }
0x28a: {  	[tilespmem:s12], [sflag:$0x1] =	stream.indirect.gather [hbm4b:s4+s11], $0x20, s25, s11, $0xb8;
	[tilespmem:$0x1F000] =	vst v63  }
0x28b: {  	_ = 	snop  }
0x28c: {  	[tilespmem:s13], [sflag:$0x2] =	stream.indirect.gather [hbm4b:s4+s11], $0x20, s26, s11, $0xb8;
	[tilespmem:$0x1F000] =	vst v63  }
0x28d: {  	_ = 	snop  }
0x28e: {  	[tilespmem:s14], [sflag:$0x2] =	stream.indirect.gather [hbm4b:s4+s11], $0x20, s28, s11, $0xb8;
	[tilespmem:$0x1F000] =	vst v63  }
0x28f: {  	_ =	swait.ge [sflag:s15], $0x1000  }
0x290: {  	[sflag:s15] =	ssyncset.done $0x0  }
0x291: {  	[sflag:s15] =	ssyncadd.s32 $0xFFFFF000  }
0x292: {  	_ =	swait.ge [sflag:s15], $0x1000  }
0x293: {  	[sflag:s15] =	ssyncset.done $0x0  }
0x294: {  	[sflag:s15] =	ssyncadd.s32 $0xFFFFF000  }
0x295: {  	[spmem:s2] =	stream.indirect.scatter.add.f32 [tilespmem:s8], [sflag:$0x3], $0x20, s29, s11, $0xb8;
	[tilespmem:$0x1F000] =	vst v63  }
0x296: {  	_ =	swait.ge [sflag:s9], $0x1000  }
0x297: {  	[sflag:s9] =	ssyncset.done $0x0  }
0x298: {  	[sflag:s9] =	ssyncadd.s32 $0xFFFFF000  }
0x299: {  	[spmem:s2] =	stream.indirect.scatter.add.f32 [tilespmem:s12], [sflag:$0x3], $0x20, s30, s11, $0xb8;
	[tilespmem:$0x1F000] =	vst v63  }
0x29a: {  	_ =	swait.ge [sflag:s9], $0x1000  }
0x29b: {  	[sflag:s9] =	ssyncset.done $0x0  }
0x29c: {  	[sflag:s9] =	ssyncadd.s32 $0xFFFFF000  }
0x29d: {  	_ =	swait.ge [sflag:s16], $0x1000  }
0x29e: {  	[sflag:s16] =	ssyncset.done $0x0  }
0x29f: {  	[sflag:s16] =	ssyncadd.s32 $0xFFFFF000  }
0x2a0: {  	_ =	swait.ge [sflag:s16], $0x1000  }
0x2a1: {  	[sflag:s16] =	ssyncset.done $0x0  }
0x2a2: {  	[sflag:s16] =	ssyncadd.s32 $0xFFFFF000  }
0x2a3: {  	[spmem:s2] =	stream.indirect.scatter.add.f32 [tilespmem:s13], [sflag:$0x3], $0x20, s31, s11, $0xb8;
	[tilespmem:$0x1F000] =	vst v63  }
0x2a4: {  	p0 =	sne.s32 s7, $0x3000;
	_ =	swait.ge [sflag:s9], $0x1000  }
.Ltmp2:
0x2a5: {  	[sflag:s9] =	ssyncset.done $0x0;
	(pc) =	sbr.rel @p0 .LBB2_6-.Ltmp2, $4  }
0x2a6: {  	[sflag:s9] =	ssyncadd.s32 $0xFFFFF000  }
0x2a7: {  	[spmem:s2] =	stream.indirect.scatter.add.f32 [tilespmem:s14], [sflag:$0x3], $0x20, s1, s11, $0xb8;
	[tilespmem:$0x1F000] =	vst v63  }
0x2a8: {  	_ =	swait.ge [sflag:s9], $0x1000  }
0x2a9: {  	s7 =	sadd.s32 $0x200, s7;
	s0 =	rddreg [dreg:$0x5];
	[sflag:s9] =	ssyncset.done $0x0  }
0x2aa: {  	[sflag:s9] =	ssyncadd.s32 $0xFFFFF000;
	s0 =	sadd.s32 s6, s0  }
0x2ab: {  	[tilespmem:s3], [sflag:$0x3] =	stream.linear.gather [hbm4b:s0+s3], $0x1000, $0x38;
	[tilespmem:$0x1F000] =	vst v63  }
0x2ac: {  	_ =	swait.ge [sflag:s9], $0x1000  }
0x2ad: {  	s7 =	rddreg [dreg:$0x4];
	[sflag:s9] =	ssyncset.done $0x0  }
0x2ae: {  	[sflag:s9] =	ssyncadd.s32 $0xFFFFF000;
	s0 =	sadd.s32 s6, s7  }
0x2af: {  	[tilespmem:s10], [sflag:$0x3] =	stream.linear.gather [hbm4b:s0+s3], $0x1000, $0x38;
	[tilespmem:$0x1F000] =	vst v63  }
0x2b0: {  	_ =	swait.ge [sflag:s9], $0x1000  }
0x2b1: {  	[sflag:s9] =	ssyncset.done $0x0  }
0x2b2: {  	[sflag:s9] =	ssyncadd.s32 $0xFFFFF000  }
0x2b3: {  	[tilespmem:s8], [sflag:$0x1] =	stream.indirect.gather [hbm4b:s4+s11], $0x20, s3, s11, $0xb8;
	[tilespmem:$0x1F000] =	vst v63  }
0x2b4: {  	_ = 	snop  }
0x2b5: {  	[tilespmem:s12], [sflag:$0x1] =	stream.indirect.gather [hbm4b:s4+s11], $0x20, s11, s11, $0xb8;
	[tilespmem:$0x1F000] =	vst v63  }
0x2b6: {  	s6 =	rddreg [dreg:$0x6]  }
0x2b7: {  	[tilespmem:s13], [sflag:$0x2] =	stream.indirect.gather [hbm4b:s4+s11], $0x20, s6, s11, $0xb8;
	[tilespmem:$0x1F000] =	vst v63  }
0x2b8: {  	s7 =	rddreg [dreg:$0x7]  }
0x2b9: {  	[tilespmem:s14], [sflag:$0x2] =	stream.indirect.gather [hbm4b:s4+s11], $0x20, s7, s11, $0xb8;
	[tilespmem:$0x1F000] =	vst v63  }
0x2ba: {  	_ =	swait.ge [sflag:s15], $0x1000  }
0x2bb: {  	[sflag:s15] =	ssyncset.done $0x0  }
0x2bc: {  	[sflag:s15] =	ssyncadd.s32 $0xFFFFF000  }
0x2bd: {  	_ =	swait.ge [sflag:s15], $0x1000  }
0x2be: {  	[sflag:s15] =	ssyncset.done $0x0  }
0x2bf: {  	[sflag:s15] =	ssyncadd.s32 $0xFFFFF000  }
0x2c0: {  	[spmem:s2] =	stream.indirect.scatter.add.f32 [tilespmem:s8], [sflag:$0x3], $0x20, s10, s11, $0xb8;
	[tilespmem:$0x1F000] =	vst v63  }
0x2c1: {  	_ =	swait.ge [sflag:s9], $0x1000  }
0x2c2: {  	[sflag:s9] =	ssyncset.done $0x0  }
0x2c3: {  	s7 =	rddreg [dreg:$0x8];
	[sflag:s9] =	ssyncadd.s32 $0xFFFFF000  }
0x2c4: {  	[spmem:s2] =	stream.indirect.scatter.add.f32 [tilespmem:s12], [sflag:$0x3], $0x20, s7, s11, $0xb8;
	[tilespmem:$0x1F000] =	vst v63  }
0x2c5: {  	_ =	swait.ge [sflag:s9], $0x1000  }
0x2c6: {  	[sflag:s9] =	ssyncset.done $0x0  }
0x2c7: {  	[sflag:s9] =	ssyncadd.s32 $0xFFFFF000  }
0x2c8: {  	_ =	swait.ge [sflag:s16], $0x1000  }
0x2c9: {  	[sflag:s16] =	ssyncset.done $0x0  }
0x2ca: {  	[sflag:s16] =	ssyncadd.s32 $0xFFFFF000  }
0x2cb: {  	_ =	swait.ge [sflag:s16], $0x1000  }
0x2cc: {  	[sflag:s16] =	ssyncset.done $0x0  }
0x2cd: {  	s6 =	rddreg [dreg:$0x9];
	[sflag:s16] =	ssyncadd.s32 $0xFFFFF000  }
0x2ce: {  	[spmem:s2] =	stream.indirect.scatter.add.f32 [tilespmem:s13], [sflag:$0x3], $0x20, s6, s11, $0xb8;
	[tilespmem:$0x1F000] =	vst v63  }
0x2cf: {  	_ =	swait.ge [sflag:s9], $0x1000  }
0x2d0: {  	[sflag:s9] =	ssyncset.done $0x0  }
0x2d1: {  	s7 =	rddreg [dreg:$0xa];
	[sflag:s9] =	ssyncadd.s32 $0xFFFFF000  }
0x2d2: {  	[spmem:s2] =	stream.indirect.scatter.add.f32 [tilespmem:s14], [sflag:$0x3], $0x20, s7, s11, $0xb8;
	[tilespmem:$0x1F000] =	vst v63  }
0x2d3: {  	_ =	swait.ge [sflag:s9], $0x1000  }
0x2d4: {  	[sflag:s9] =	ssyncset.done $0x0  }
0x2d5: {  	s6 =	rddreg [dreg:$0xb];
	[sflag:s9] =	ssyncadd.s32 $0xFFFFF000  }
0x2d6: {  	[tilespmem:s8], [sflag:$0x1] =	stream.indirect.gather [hbm4b:s4+s11], $0x20, s6, s11, $0xb8;
	[tilespmem:$0x1F000] =	vst v63  }
0x2d7: {  	s7 =	rddreg [dreg:$0xc]  }
0x2d8: {  	[tilespmem:s12], [sflag:$0x1] =	stream.indirect.gather [hbm4b:s4+s11], $0x20, s7, s11, $0xb8;
	[tilespmem:$0x1F000] =	vst v63  }
0x2d9: {  	s0 =	rddreg [dreg:$0xd]  }
0x2da: {  	[tilespmem:s13], [sflag:$0x2] =	stream.indirect.gather [hbm4b:s4+s11], $0x20, s0, s11, $0xb8;
	[tilespmem:$0x1F000] =	vst v63  }
0x2db: {  	s7 =	rddreg [dreg:$0xe]  }
0x2dc: {  	[tilespmem:s14], [sflag:$0x2] =	stream.indirect.gather [hbm4b:s4+s11], $0x20, s7, s11, $0xb8;
	[tilespmem:$0x1F000] =	vst v63  }
0x2dd: {  	_ =	swait.ge [sflag:s15], $0x1000  }
0x2de: {  	[sflag:s15] =	ssyncset.done $0x0  }
0x2df: {  	[sflag:s15] =	ssyncadd.s32 $0xFFFFF000  }
0x2e0: {  	_ =	swait.ge [sflag:s15], $0x1000  }
0x2e1: {  	[sflag:s15] =	ssyncset.done $0x0  }
0x2e2: {  	s6 =	rddreg [dreg:$0xf];
	[sflag:s15] =	ssyncadd.s32 $0xFFFFF000  }
0x2e3: {  	[spmem:s2] =	stream.indirect.scatter.add.f32 [tilespmem:s8], [sflag:$0x3], $0x20, s6, s11, $0xb8;
	[tilespmem:$0x1F000] =	vst v63  }
0x2e4: {  	_ =	swait.ge [sflag:s9], $0x1000  }
0x2e5: {  	[sflag:s9] =	ssyncset.done $0x0  }
0x2e6: {  	s7 =	rddreg [dreg:$0x10];
	[sflag:s9] =	ssyncadd.s32 $0xFFFFF000  }
0x2e7: {  	[spmem:s2] =	stream.indirect.scatter.add.f32 [tilespmem:s12], [sflag:$0x3], $0x20, s7, s11, $0xb8;
	[tilespmem:$0x1F000] =	vst v63  }
0x2e8: {  	_ =	swait.ge [sflag:s9], $0x1000  }
0x2e9: {  	[sflag:s9] =	ssyncset.done $0x0  }
0x2ea: {  	[sflag:s9] =	ssyncadd.s32 $0xFFFFF000  }
0x2eb: {  	_ =	swait.ge [sflag:s16], $0x1000  }
0x2ec: {  	[sflag:s16] =	ssyncset.done $0x0  }
0x2ed: {  	[sflag:s16] =	ssyncadd.s32 $0xFFFFF000  }
0x2ee: {  	_ =	swait.ge [sflag:s16], $0x1000  }
0x2ef: {  	[sflag:s16] =	ssyncset.done $0x0  }
0x2f0: {  	s6 =	rddreg [dreg:$0x11];
	[sflag:s16] =	ssyncadd.s32 $0xFFFFF000  }
0x2f1: {  	[spmem:s2] =	stream.indirect.scatter.add.f32 [tilespmem:s13], [sflag:$0x3], $0x20, s6, s11, $0xb8;
	[tilespmem:$0x1F000] =	vst v63  }
0x2f2: {  	_ =	swait.ge [sflag:s9], $0x1000  }
0x2f3: {  	[sflag:s9] =	ssyncset.done $0x0  }
0x2f4: {  	s7 =	rddreg [dreg:$0x12];
	[sflag:s9] =	ssyncadd.s32 $0xFFFFF000  }
0x2f5: {  	[spmem:s2] =	stream.indirect.scatter.add.f32 [tilespmem:s14], [sflag:$0x3], $0x20, s7, s11, $0xb8;
	[tilespmem:$0x1F000] =	vst v63  }
0x2f6: {  	_ =	swait.ge [sflag:s9], $0x1000  }
0x2f7: {  	[sflag:s9] =	ssyncset.done $0x0  }
0x2f8: {  	s6 =	rddreg [dreg:$0x13];
	[sflag:s9] =	ssyncadd.s32 $0xFFFFF000  }
0x2f9: {  	[tilespmem:s8], [sflag:$0x1] =	stream.indirect.gather [hbm4b:s4+s11], $0x20, s6, s11, $0xb8;
	[tilespmem:$0x1F000] =	vst v63  }
0x2fa: {  	s7 =	rddreg [dreg:$0x14]  }
0x2fb: {  	[tilespmem:s12], [sflag:$0x1] =	stream.indirect.gather [hbm4b:s4+s11], $0x20, s7, s11, $0xb8;
	[tilespmem:$0x1F000] =	vst v63  }
0x2fc: {  	s0 =	rddreg [dreg:$0x15]  }
0x2fd: {  	[tilespmem:s13], [sflag:$0x2] =	stream.indirect.gather [hbm4b:s4+s11], $0x20, s0, s11, $0xb8;
	[tilespmem:$0x1F000] =	vst v63  }
0x2fe: {  	s7 =	rddreg [dreg:$0x16]  }
0x2ff: {  	[tilespmem:s14], [sflag:$0x2] =	stream.indirect.gather [hbm4b:s4+s11], $0x20, s7, s11, $0xb8;
	[tilespmem:$0x1F000] =	vst v63  }
0x300: {  	_ =	swait.ge [sflag:s15], $0x1000  }
0x301: {  	[sflag:s15] =	ssyncset.done $0x0  }
0x302: {  	[sflag:s15] =	ssyncadd.s32 $0xFFFFF000  }
0x303: {  	_ =	swait.ge [sflag:s15], $0x1000  }
0x304: {  	[sflag:s15] =	ssyncset.done $0x0  }
0x305: {  	s6 =	rddreg [dreg:$0x17];
	[sflag:s15] =	ssyncadd.s32 $0xFFFFF000  }
0x306: {  	[spmem:s2] =	stream.indirect.scatter.add.f32 [tilespmem:s8], [sflag:$0x3], $0x20, s6, s11, $0xb8;
	[tilespmem:$0x1F000] =	vst v63  }
0x307: {  	_ =	swait.ge [sflag:s9], $0x1000  }
0x308: {  	[sflag:s9] =	ssyncset.done $0x0  }
0x309: {  	s7 =	rddreg [dreg:$0x18];
	[sflag:s9] =	ssyncadd.s32 $0xFFFFF000  }
0x30a: {  	[spmem:s2] =	stream.indirect.scatter.add.f32 [tilespmem:s12], [sflag:$0x3], $0x20, s7, s11, $0xb8;
	[tilespmem:$0x1F000] =	vst v63  }
0x30b: {  	_ =	swait.ge [sflag:s9], $0x1000  }
0x30c: {  	[sflag:s9] =	ssyncset.done $0x0  }
0x30d: {  	[sflag:s9] =	ssyncadd.s32 $0xFFFFF000  }
0x30e: {  	_ =	swait.ge [sflag:s16], $0x1000  }
0x30f: {  	[sflag:s16] =	ssyncset.done $0x0  }
0x310: {  	[sflag:s16] =	ssyncadd.s32 $0xFFFFF000  }
0x311: {  	_ =	swait.ge [sflag:s16], $0x1000  }
0x312: {  	[sflag:s16] =	ssyncset.done $0x0  }
0x313: {  	s6 =	rddreg [dreg:$0x19];
	[sflag:s16] =	ssyncadd.s32 $0xFFFFF000  }
0x314: {  	[spmem:s2] =	stream.indirect.scatter.add.f32 [tilespmem:s13], [sflag:$0x3], $0x20, s6, s11, $0xb8;
	[tilespmem:$0x1F000] =	vst v63  }
0x315: {  	_ =	swait.ge [sflag:s9], $0x1000  }
0x316: {  	[sflag:s9] =	ssyncset.done $0x0  }
0x317: {  	s7 =	rddreg [dreg:$0x1a];
	[sflag:s9] =	ssyncadd.s32 $0xFFFFF000  }
0x318: {  	[spmem:s2] =	stream.indirect.scatter.add.f32 [tilespmem:s14], [sflag:$0x3], $0x20, s7, s11, $0xb8;
	[tilespmem:$0x1F000] =	vst v63  }
0x319: {  	_ =	swait.ge [sflag:s9], $0x1000  }
0x31a: {  	[sflag:s9] =	ssyncset.done $0x0  }
0x31b: {  	s6 =	rddreg [dreg:$0x1b];
	[sflag:s9] =	ssyncadd.s32 $0xFFFFF000  }
0x31c: {  	[tilespmem:s8], [sflag:$0x1] =	stream.indirect.gather [hbm4b:s4+s11], $0x20, s6, s11, $0xb8;
	[tilespmem:$0x1F000] =	vst v63  }
0x31d: {  	s7 =	rddreg [dreg:$0x1c]  }
0x31e: {  	[tilespmem:s12], [sflag:$0x1] =	stream.indirect.gather [hbm4b:s4+s11], $0x20, s7, s11, $0xb8;
	[tilespmem:$0x1F000] =	vst v63  }
0x31f: {  	s0 =	rddreg [dreg:$0x1d]  }
0x320: {  	[tilespmem:s13], [sflag:$0x2] =	stream.indirect.gather [hbm4b:s4+s11], $0x20, s0, s11, $0xb8;
	[tilespmem:$0x1F000] =	vst v63  }
0x321: {  	s7 =	rddreg [dreg:$0x1e]  }
0x322: {  	[tilespmem:s14], [sflag:$0x2] =	stream.indirect.gather [hbm4b:s4+s11], $0x20, s7, s11, $0xb8;
	[tilespmem:$0x1F000] =	vst v63  }
0x323: {  	_ =	swait.ge [sflag:s15], $0x1000  }
0x324: {  	[sflag:s15] =	ssyncset.done $0x0  }
0x325: {  	[sflag:s15] =	ssyncadd.s32 $0xFFFFF000  }
0x326: {  	_ =	swait.ge [sflag:s15], $0x1000  }
0x327: {  	[sflag:s15] =	ssyncset.done $0x0  }
0x328: {  	s6 =	rddreg [dreg:$0x1f];
	[sflag:s15] =	ssyncadd.s32 $0xFFFFF000  }
0x329: {  	[spmem:s2] =	stream.indirect.scatter.add.f32 [tilespmem:s8], [sflag:$0x3], $0x20, s6, s11, $0xb8;
	[tilespmem:$0x1F000] =	vst v63  }
0x32a: {  	_ =	swait.ge [sflag:s9], $0x1000  }
0x32b: {  	s7 =	sld [smem:$0x7E8]  }
0x32c: {  	[sflag:s9] =	ssyncset.done $0x0  }
0x32d: {  	[sflag:s9] =	ssyncadd.s32 $0xFFFFF000  }
0x32e: {  	[spmem:s2] =	stream.indirect.scatter.add.f32 [tilespmem:s12], [sflag:$0x3], $0x20, s7, s11, $0xb8;
	[tilespmem:$0x1F000] =	vst v63  }
0x32f: {  	_ =	swait.ge [sflag:s9], $0x1000  }
0x330: {  	[sflag:s9] =	ssyncset.done $0x0  }
0x331: {  	[sflag:s9] =	ssyncadd.s32 $0xFFFFF000  }
0x332: {  	_ =	swait.ge [sflag:s16], $0x1000  }
0x333: {  	[sflag:s16] =	ssyncset.done $0x0  }
0x334: {  	[sflag:s16] =	ssyncadd.s32 $0xFFFFF000  }
0x335: {  	_ =	swait.ge [sflag:s16], $0x1000  }
0x336: {  	s6 =	sld [smem:$0x7E9]  }
0x337: {  	[sflag:s16] =	ssyncset.done $0x0  }
0x338: {  	[sflag:s16] =	ssyncadd.s32 $0xFFFFF000  }
0x339: {  	[spmem:s2] =	stream.indirect.scatter.add.f32 [tilespmem:s13], [sflag:$0x3], $0x20, s6, s11, $0xb8;
	[tilespmem:$0x1F000] =	vst v63  }
0x33a: {  	_ =	swait.ge [sflag:s9], $0x1000  }
0x33b: {  	s7 =	sld [smem:$0x7EA]  }
0x33c: {  	[sflag:s9] =	ssyncset.done $0x0  }
0x33d: {  	[sflag:s9] =	ssyncadd.s32 $0xFFFFF000  }
0x33e: {  	[spmem:s2] =	stream.indirect.scatter.add.f32 [tilespmem:s14], [sflag:$0x3], $0x20, s7, s11, $0xb8;
	[tilespmem:$0x1F000] =	vst v63  }
0x33f: {  	_ =	swait.ge [sflag:s9], $0x1000  }
0x340: {  	s6 =	sld [smem:$0x7EB]  }
0x341: {  	[sflag:s9] =	ssyncset.done $0x0  }
0x342: {  	s7 =	sld [smem:$0x7EC];
	[sflag:s9] =	ssyncadd.s32 $0xFFFFF000  }
0x343: {  	[tilespmem:s8], [sflag:$0x1] =	stream.indirect.gather [hbm4b:s4+s11], $0x20, s6, s11, $0xb8;
	[tilespmem:$0x1F000] =	vst v63  }
0x344: {  	s0 =	sld [smem:$0x7ED]  }
0x345: {  	[tilespmem:s12], [sflag:$0x1] =	stream.indirect.gather [hbm4b:s4+s11], $0x20, s7, s11, $0xb8;
	[tilespmem:$0x1F000] =	vst v63  }
0x346: {  	s7 =	sld [smem:$0x7EE]  }
0x347: {  	[tilespmem:s13], [sflag:$0x2] =	stream.indirect.gather [hbm4b:s4+s11], $0x20, s0, s11, $0xb8;
	[tilespmem:$0x1F000] =	vst v63  }
0x348: {  	_ = 	snop  }
0x349: {  	[tilespmem:s14], [sflag:$0x2] =	stream.indirect.gather [hbm4b:s4+s11], $0x20, s7, s11, $0xb8;
	[tilespmem:$0x1F000] =	vst v63  }
0x34a: {  	_ =	swait.ge [sflag:s15], $0x1000  }
0x34b: {  	[sflag:s15] =	ssyncset.done $0x0  }
0x34c: {  	[sflag:s15] =	ssyncadd.s32 $0xFFFFF000  }
0x34d: {  	_ =	swait.ge [sflag:s15], $0x1000  }
0x34e: {  	s6 =	sld [smem:$0x7EF]  }
0x34f: {  	[sflag:s15] =	ssyncset.done $0x0  }
0x350: {  	[sflag:s15] =	ssyncadd.s32 $0xFFFFF000  }
0x351: {  	[spmem:s2] =	stream.indirect.scatter.add.f32 [tilespmem:s8], [sflag:$0x3], $0x20, s6, s11, $0xb8;
	[tilespmem:$0x1F000] =	vst v63  }
0x352: {  	_ =	swait.ge [sflag:s9], $0x1000  }
0x353: {  	s7 =	sld [smem:$0x7F0]  }
0x354: {  	[sflag:s9] =	ssyncset.done $0x0  }
0x355: {  	[sflag:s9] =	ssyncadd.s32 $0xFFFFF000  }
0x356: {  	[spmem:s2] =	stream.indirect.scatter.add.f32 [tilespmem:s12], [sflag:$0x3], $0x20, s7, s11, $0xb8;
	[tilespmem:$0x1F000] =	vst v63  }
0x357: {  	_ =	swait.ge [sflag:s9], $0x1000  }
0x358: {  	[sflag:s9] =	ssyncset.done $0x0  }
0x359: {  	[sflag:s9] =	ssyncadd.s32 $0xFFFFF000  }
0x35a: {  	_ =	swait.ge [sflag:s16], $0x1000  }
0x35b: {  	[sflag:s16] =	ssyncset.done $0x0  }
0x35c: {  	[sflag:s16] =	ssyncadd.s32 $0xFFFFF000  }
0x35d: {  	_ =	swait.ge [sflag:s16], $0x1000  }
0x35e: {  	s6 =	sld [smem:$0x7F2]  }
0x35f: {  	[sflag:s16] =	ssyncset.done $0x0  }
0x360: {  	[sflag:s16] =	ssyncadd.s32 $0xFFFFF000  }
0x361: {  	[spmem:s2] =	stream.indirect.scatter.add.f32 [tilespmem:s13], [sflag:$0x3], $0x20, s6, s11, $0xb8;
	[tilespmem:$0x1F000] =	vst v63  }
0x362: {  	_ =	swait.ge [sflag:s9], $0x1000  }
0x363: {  	s7 =	sld [smem:$0x7F4]  }
0x364: {  	[sflag:s9] =	ssyncset.done $0x0  }
0x365: {  	[sflag:s9] =	ssyncadd.s32 $0xFFFFF000  }
0x366: {  	[spmem:s2] =	stream.indirect.scatter.add.f32 [tilespmem:s14], [sflag:$0x3], $0x20, s7, s11, $0xb8;
	[tilespmem:$0x1F000] =	vst v63  }
0x367: {  	_ =	swait.ge [sflag:s9], $0x1000  }
0x368: {  	s6 =	sld [smem:$0x7F5]  }
0x369: {  	[sflag:s9] =	ssyncset.done $0x0  }
0x36a: {  	s7 =	sld [smem:$0x7F6];
	[sflag:s9] =	ssyncadd.s32 $0xFFFFF000  }
0x36b: {  	[tilespmem:s8], [sflag:$0x1] =	stream.indirect.gather [hbm4b:s4+s11], $0x20, s6, s11, $0xb8;
	[tilespmem:$0x1F000] =	vst v63  }
0x36c: {  	s0 =	sld [smem:$0x7F7]  }
0x36d: {  	[tilespmem:s12], [sflag:$0x1] =	stream.indirect.gather [hbm4b:s4+s11], $0x20, s7, s11, $0xb8;
	[tilespmem:$0x1F000] =	vst v63  }
0x36e: {  	s7 =	sld [smem:$0x7F8]  }
0x36f: {  	[tilespmem:s13], [sflag:$0x2] =	stream.indirect.gather [hbm4b:s4+s11], $0x20, s0, s11, $0xb8;
	[tilespmem:$0x1F000] =	vst v63  }
0x370: {  	_ = 	snop  }
0x371: {  	[tilespmem:s14], [sflag:$0x2] =	stream.indirect.gather [hbm4b:s4+s11], $0x20, s7, s11, $0xb8;
	[tilespmem:$0x1F000] =	vst v63  }
0x372: {  	_ =	swait.ge [sflag:s15], $0x1000  }
0x373: {  	[sflag:s15] =	ssyncset.done $0x0  }
0x374: {  	[sflag:s15] =	ssyncadd.s32 $0xFFFFF000  }
0x375: {  	_ =	swait.ge [sflag:s15], $0x1000  }
0x376: {  	s6 =	sld [smem:$0x7F9]  }
0x377: {  	[sflag:s15] =	ssyncset.done $0x0  }
0x378: {  	[sflag:s15] =	ssyncadd.s32 $0xFFFFF000  }
0x379: {  	[spmem:s2] =	stream.indirect.scatter.add.f32 [tilespmem:s8], [sflag:$0x3], $0x20, s6, s11, $0xb8;
	[tilespmem:$0x1F000] =	vst v63  }
0x37a: {  	_ =	swait.ge [sflag:s9], $0x1000  }
0x37b: {  	s7 =	sld [smem:$0x7FA]  }
0x37c: {  	[sflag:s9] =	ssyncset.done $0x0  }
0x37d: {  	[sflag:s9] =	ssyncadd.s32 $0xFFFFF000  }
0x37e: {  	[spmem:s2] =	stream.indirect.scatter.add.f32 [tilespmem:s12], [sflag:$0x3], $0x20, s7, s11, $0xb8;
	[tilespmem:$0x1F000] =	vst v63  }
0x37f: {  	_ =	swait.ge [sflag:s9], $0x1000  }
0x380: {  	[sflag:s9] =	ssyncset.done $0x0  }
0x381: {  	[sflag:s9] =	ssyncadd.s32 $0xFFFFF000  }
0x382: {  	_ =	swait.ge [sflag:s16], $0x1000  }
0x383: {  	[sflag:s16] =	ssyncset.done $0x0  }
0x384: {  	[sflag:s16] =	ssyncadd.s32 $0xFFFFF000  }
0x385: {  	_ =	swait.ge [sflag:s16], $0x1000  }
0x386: {  	s6 =	sld [smem:$0x7FB]  }
0x387: {  	[sflag:s16] =	ssyncset.done $0x0  }
0x388: {  	[sflag:s16] =	ssyncadd.s32 $0xFFFFF000  }
0x389: {  	[spmem:s2] =	stream.indirect.scatter.add.f32 [tilespmem:s13], [sflag:$0x3], $0x20, s6, s11, $0xb8;
	[tilespmem:$0x1F000] =	vst v63  }
0x38a: {  	_ =	swait.ge [sflag:s9], $0x1000  }
0x38b: {  	s7 =	sld [smem:$0x7FC]  }
0x38c: {  	[sflag:s9] =	ssyncset.done $0x0  }
0x38d: {  	[sflag:s9] =	ssyncadd.s32 $0xFFFFF000  }
0x38e: {  	[spmem:s2] =	stream.indirect.scatter.add.f32 [tilespmem:s14], [sflag:$0x3], $0x20, s7, s11, $0xb8;
	[tilespmem:$0x1F000] =	vst v63  }
0x38f: {  	_ =	swait.ge [sflag:s9], $0x1000  }
0x390: {  	s6 =	sld [smem:$0x7FD]  }
0x391: {  	[sflag:s9] =	ssyncset.done $0x0  }
0x392: {  	[sflag:s9] =	ssyncadd.s32 $0xFFFFF000  }
0x393: {  	[tilespmem:s8], [sflag:$0x1] =	stream.indirect.gather [hbm4b:s4+s11], $0x20, s6, s11, $0xb8;
	[tilespmem:$0x1F000] =	vst v63  }
0x394: {  	_ = 	snop  }
0x395: {  	[tilespmem:s12], [sflag:$0x1] =	stream.indirect.gather [hbm4b:s4+s11], $0x20, s17, s11, $0xb8;
	[tilespmem:$0x1F000] =	vst v63  }
0x396: {  	_ = 	snop  }
0x397: {  	[tilespmem:s13], [sflag:$0x2] =	stream.indirect.gather [hbm4b:s4+s11], $0x20, s18, s11, $0xb8;
	[tilespmem:$0x1F000] =	vst v63  }
0x398: {  	_ = 	snop  }
0x399: {  	[tilespmem:s14], [sflag:$0x2] =	stream.indirect.gather [hbm4b:s4+s11], $0x20, s19, s11, $0xb8;
	[tilespmem:$0x1F000] =	vst v63  }
0x39a: {  	_ =	swait.ge [sflag:s15], $0x1000  }
0x39b: {  	[sflag:s15] =	ssyncset.done $0x0  }
0x39c: {  	[sflag:s15] =	ssyncadd.s32 $0xFFFFF000  }
0x39d: {  	_ =	swait.ge [sflag:s15], $0x1000  }
0x39e: {  	[sflag:s15] =	ssyncset.done $0x0  }
0x39f: {  	[sflag:s15] =	ssyncadd.s32 $0xFFFFF000  }
0x3a0: {  	[spmem:s2] =	stream.indirect.scatter.add.f32 [tilespmem:s8], [sflag:$0x3], $0x20, s20, s11, $0xb8;
	[tilespmem:$0x1F000] =	vst v63  }
0x3a1: {  	_ =	swait.ge [sflag:s9], $0x1000  }
0x3a2: {  	[sflag:s9] =	ssyncset.done $0x0  }
0x3a3: {  	[sflag:s9] =	ssyncadd.s32 $0xFFFFF000  }
0x3a4: {  	[spmem:s2] =	stream.indirect.scatter.add.f32 [tilespmem:s12], [sflag:$0x3], $0x20, s21, s11, $0xb8;
	[tilespmem:$0x1F000] =	vst v63  }
0x3a5: {  	_ =	swait.ge [sflag:s9], $0x1000  }
0x3a6: {  	[sflag:s9] =	ssyncset.done $0x0  }
0x3a7: {  	[sflag:s9] =	ssyncadd.s32 $0xFFFFF000  }
0x3a8: {  	_ =	swait.ge [sflag:s16], $0x1000  }
0x3a9: {  	[sflag:s16] =	ssyncset.done $0x0  }
0x3aa: {  	[sflag:s16] =	ssyncadd.s32 $0xFFFFF000  }
0x3ab: {  	_ =	swait.ge [sflag:s16], $0x1000  }
0x3ac: {  	[sflag:s16] =	ssyncset.done $0x0  }
0x3ad: {  	[sflag:s16] =	ssyncadd.s32 $0xFFFFF000  }
0x3ae: {  	[spmem:s2] =	stream.indirect.scatter.add.f32 [tilespmem:s13], [sflag:$0x3], $0x20, s22, s11, $0xb8;
	[tilespmem:$0x1F000] =	vst v63  }
0x3af: {  	_ =	swait.ge [sflag:s9], $0x1000  }
0x3b0: {  	[sflag:s9] =	ssyncset.done $0x0  }
0x3b1: {  	[sflag:s9] =	ssyncadd.s32 $0xFFFFF000  }
0x3b2: {  	[spmem:s2] =	stream.indirect.scatter.add.f32 [tilespmem:s14], [sflag:$0x3], $0x20, s23, s11, $0xb8;
	[tilespmem:$0x1F000] =	vst v63  }
0x3b3: {  	_ =	swait.ge [sflag:s9], $0x1000  }
0x3b4: {  	[sflag:s9] =	ssyncset.done $0x0  }
0x3b5: {  	[sflag:s9] =	ssyncadd.s32 $0xFFFFF000  }
0x3b6: {  	[tilespmem:s8], [sflag:$0x1] =	stream.indirect.gather [hbm4b:s4+s11], $0x20, s24, s11, $0xb8;
	[tilespmem:$0x1F000] =	vst v63  }
0x3b7: {  	_ = 	snop  }
0x3b8: {  	[tilespmem:s12], [sflag:$0x1] =	stream.indirect.gather [hbm4b:s4+s11], $0x20, s25, s11, $0xb8;
	[tilespmem:$0x1F000] =	vst v63  }
0x3b9: {  	_ = 	snop  }
0x3ba: {  	[tilespmem:s13], [sflag:$0x2] =	stream.indirect.gather [hbm4b:s4+s11], $0x20, s26, s11, $0xb8;
	[tilespmem:$0x1F000] =	vst v63  }
0x3bb: {  	_ = 	snop  }
0x3bc: {  	[tilespmem:s14], [sflag:$0x2] =	stream.indirect.gather [hbm4b:s4+s11], $0x20, s28, s11, $0xb8;
	[tilespmem:$0x1F000] =	vst v63  }
0x3bd: {  	_ =	swait.ge [sflag:s15], $0x1000  }
0x3be: {  	[sflag:s15] =	ssyncset.done $0x0  }
0x3bf: {  	[sflag:s15] =	ssyncadd.s32 $0xFFFFF000  }
0x3c0: {  	_ =	swait.ge [sflag:s15], $0x1000  }
0x3c1: {  	[sflag:s15] =	ssyncset.done $0x0  }
0x3c2: {  	[sflag:s15] =	ssyncadd.s32 $0xFFFFF000  }
0x3c3: {  	[spmem:s2] =	stream.indirect.scatter.add.f32 [tilespmem:s8], [sflag:$0x3], $0x20, s29, s11, $0xb8;
	[tilespmem:$0x1F000] =	vst v63  }
0x3c4: {  	_ =	swait.ge [sflag:s9], $0x1000  }
0x3c5: {  	[sflag:s9] =	ssyncset.done $0x0  }
0x3c6: {  	[sflag:s9] =	ssyncadd.s32 $0xFFFFF000  }
0x3c7: {  	[spmem:s2] =	stream.indirect.scatter.add.f32 [tilespmem:s12], [sflag:$0x3], $0x20, s30, s11, $0xb8;
	[tilespmem:$0x1F000] =	vst v63  }
0x3c8: {  	_ =	swait.ge [sflag:s9], $0x1000  }
0x3c9: {  	[sflag:s9] =	ssyncset.done $0x0  }
0x3ca: {  	[sflag:s9] =	ssyncadd.s32 $0xFFFFF000  }
0x3cb: {  	_ =	swait.ge [sflag:s16], $0x1000  }
0x3cc: {  	[sflag:s16] =	ssyncset.done $0x0  }
0x3cd: {  	[sflag:s16] =	ssyncadd.s32 $0xFFFFF000  }
0x3ce: {  	_ =	swait.ge [sflag:s16], $0x1000  }
0x3cf: {  	[sflag:s16] =	ssyncset.done $0x0  }
0x3d0: {  	[sflag:s16] =	ssyncadd.s32 $0xFFFFF000  }
0x3d1: {  	[spmem:s2] =	stream.indirect.scatter.add.f32 [tilespmem:s13], [sflag:$0x3], $0x20, s31, s11, $0xb8;
	[tilespmem:$0x1F000] =	vst v63  }
0x3d2: {  	_ =	swait.ge [sflag:s9], $0x1000  }
0x3d3: {  	[sflag:s9] =	ssyncset.done $0x0  }
0x3d4: {  	[sflag:s9] =	ssyncadd.s32 $0xFFFFF000  }
0x3d5: {  	[spmem:s2] =	stream.indirect.scatter.add.f32 [tilespmem:s14], [sflag:$0x3], $0x20, s1, s11, $0xb8;
	[tilespmem:$0x1F000] =	vst v63  }
0x3d6: {  	_ =	swait.ge [sflag:s9], $0x1000  }
0x3d7: {  	[sflag:s9] =	ssyncset.done $0x0  }
0x3d8: {  	[sflag:s9] =	ssyncadd.s32 $0xFFFFF000  }
0x3d9: {  	s7 =	stileid.u32;
	[bflag:$0x0] =	sbarrier.arrive $0xFFFF  }
0x3da: {  	s0 =	sshll.u32 s7, $0x6;
	s7 =	sld [smem:$0x7F1];
	_ =	sdelay $0x1  }
0x3db: {  	s0 =	sor.u32 $0x1C03, s0;
	s6 =	sshrl.u32 s5, $0x3  }
0x3dc: {  	[hbm:s7], [sflag:s0] =	dma.local [spmem:s6], $0x3200  }
0x3dd: {  	_ =	swait.ge [sflag:s9], $0x3200  }
0x3de: {  	s0 =	sld [smem:$0x7E7]  }
0x3df: {  	s7 =	sld [smem:$0x7F3];
	_ =	sdelay $0x1  }
0x3e0: {  	s6 =	sadd.s32 $0x1, s0  }
0x3e1: {  	p0 =	sne.s32 s6, s7  }
.Ltmp3:
0x3e2: {  	_ = 	snop;
	(pc) =	sbr.rel @p0 .LBB2_1-.Ltmp3, $3  }
0x3e3: {  	_ =	sdelay $0x1  }
0x3e4: {  	[sflag:s9] =	ssyncset.done $0x0  }
0x3e5: {  	[sflag:s9] =	ssyncadd.s32 $0xFFFFCE00  }
0x3e6: {  	_ =	sfence.sel $0x180000  }
0x3e7: {  	[bflag:$0x0] =	sbarrier.arrive $0xFFFF  }
0x3e8: {  	_ =	strace $0x9000004A  }
0x3e9: {  	s0 =	stileid.u32;
	[bflag:$0x2] =	sbarrier.arrive $0xFFFF  }
0x3ea: {  	p0 =	sne.s32 s0, $0x0;
	s0 =	rddreg [dreg:$0x3]  }
0x3eb: {  	s0 =	sadd.s32 @!p0 $0x100000, s0  }
0x3ec: {  	[sflag:s0] =	ssyncadd.tile.s32 @!p0 $0x1;
	_ =	shalt  }
.Lfunc_end2:
_tile_overlayer_lowered:
.L_overlay_start_2:
0x3ed: {  	(tag) =	ssettag $0x2  }
0x3ee: {  	s0 =	rddreg [dreg:$0x0];
	s2 =	stileid.u32  }
0x3ef: {  	s1 =	rddreg [dreg:$0x1];
	p0 =	sne.s32 s2, $0x0  }
0x3f0: {  	s3 =	rddreg [dreg:$0x2];
	[bflag:$0x3] =	sbarrier.arrive $0xFFFF;
	s2 =	simm.s32 @!p0 $0x1C03  }
0x3f1: {  	[timem:s3], [sflag:s2] =	dma.local @!p0 [hbm:s0], s1  }
0x3f2: {  	s0 =	simm.s32 @!p0 $0x3  }
0x3f3: {  	_ =	swait.ge @!p0 [sflag:s0], s1  }
0x3f4: {  	s1 =	ssub.s32 @!p0 $0x0, s1;
	[sflag:s0] =	ssyncset.done @!p0 $0x0  }
0x3f5: {  	[sflag:s0] =	ssyncadd.s32 @!p0 s1  }
0x3f6: {  	[bflag:$0x3] =	sbarrier.arrive $0xFFFF  }
0x3f7: {  	_ =	shalt  }

</sc_bundles>
